<compile_context>
chip_gen: v7x
topology: tpu7x:2x2x1
jax: 0.10.2.dev20260603
libtpu: 0.0.44.dev20260713+nightly
codegen_flags: <defaults>
</compile_context>

<pallas_src>
import functools

import jax
import jax.numpy as jnp
from jax.experimental import pallas as pl
from jax.experimental.pallas import tpu as pltpu

N = 10000
D = 128
HOP = 2
FILL = 0.5


def _conv_xla(x, row, col, w, n):
    deg = jnp.zeros((n,), dtype=w.dtype).at[row].add(w)
    deg_inv = jnp.where(deg == 0, 0.0, 1.0 / deg)
    norm = deg_inv[row] * w
    return jnp.zeros_like(x).at[row].add(norm[:, None] * x[col])


def _combine_body(ws_ref, wt_ref, xs_ref, h1s_ref, h2s_ref, xt_ref, h1t_ref, h2t_ref, o_ref):
    o_ref[:, :D] = (ws_ref[0] * xs_ref[...] + ws_ref[1] * h1s_ref[...]
                    + ws_ref[2] * h2s_ref[...])
    o_ref[:, D:] = (wt_ref[0] * xt_ref[...] + wt_ref[1] * h1t_ref[...]
                    + wt_ref[2] * h2t_ref[...])


def kernel(x_s, x_t, edge_index, edge_weight, w_s, w_t):
    row = edge_index[0]
    col = edge_index[1]
    loop_mask = row == col
    ew = jnp.where(loop_mask, 0.0, edge_weight)
    loop_w = jnp.full((N,), FILL, dtype=edge_weight.dtype)
    scatter_idx = jnp.where(loop_mask, row, N)
    loop_w = loop_w.at[scatter_idx].set(edge_weight, mode='drop')
    ar = jnp.arange(N, dtype=row.dtype)
    full_row = jnp.concatenate([row, ar])
    full_col = jnp.concatenate([col, ar])
    full_w = jnp.concatenate([ew, loop_w])

    h1s = _conv_xla(x_s, full_row, full_col, full_w, N)
    h2s = _conv_xla(h1s, full_row, full_col, full_w, N)
    h1t = _conv_xla(x_t, full_col, full_row, full_w, N)
    h2t = _conv_xla(h1t, full_col, full_row, full_w, N)

    ws = w_s[:, 0]
    wt = w_t[:, 0]
    grid = (N // 400,)
    bs = pl.BlockSpec((400, D), lambda i: (i, 0))
    out = pl.pallas_call(
        _combine_body,
        grid=grid,
        in_specs=[pl.BlockSpec(memory_space=pltpu.SMEM),
                  pl.BlockSpec(memory_space=pltpu.SMEM),
                  bs, bs, bs, bs, bs, bs],
        out_specs=pl.BlockSpec((400, 2 * D), lambda i: (i, 0)),
        out_shape=jax.ShapeDtypeStruct((N, 2 * D), jnp.float32),
    )(ws, wt, x_s, h1s, h2s, x_t, h1t, h2t)
    return out

# --- scband reference (transcript-rebuilt; emitter-appended) ---
"""Pipeline reference for scband-dimpa-25177098289189 (READ-ONLY COPY).

The authoritative reference and input builder live on the scoring server;
editing this copy changes nothing except your own understanding.
"""

import jax, jax.numpy as jnp
import numpy as np

N = 10000
D = 128
E = 320000
HOP = 2
FILL = 0.5


def _conv(x, edge_index, edge_weight, n, fill_value):
    # Faithful equivalent of conv_norm_rw (add_remaining_self_loops + row-normalize)
    # followed by propagate with flow='target_to_source', aggr='add'.
    row = edge_index[0]
    col = edge_index[1]
    loop_mask = row == col
    # existing self-loop edges are removed from the edge list (weight zeroed is equivalent)
    ew = jnp.where(loop_mask, 0.0, edge_weight)
    # self-loop weights: fill_value, overwritten by pre-existing self-loop weights
    loop_w = jnp.full((n,), fill_value, dtype=edge_weight.dtype)
    scatter_idx = jnp.where(loop_mask, row, n)  # out-of-bounds -> dropped
    loop_w = loop_w.at[scatter_idx].set(edge_weight, mode='drop')
    full_row = jnp.concatenate([row, jnp.arange(n, dtype=row.dtype)])
    full_col = jnp.concatenate([col, jnp.arange(n, dtype=col.dtype)])
    full_w = jnp.concatenate([ew, loop_w])
    # row degree and inverse (random-walk normalization)
    deg = jnp.zeros((n,), dtype=full_w.dtype).at[full_row].add(full_w)
    deg_inv = jnp.where(deg == 0, 0.0, 1.0 / deg)
    norm = deg_inv[full_row] * full_w
    # flow='target_to_source': gather x at col (x_j), scatter-add at row
    out = jnp.zeros_like(x).at[full_row].add(norm[:, None] * x[full_col])
    return out


def setup_inputs(seed: int = 0) -> dict:
    key = jax.random.key(seed)
    k1, k2, k3, k4 = jax.random.split(key, 4)
    x_s = jax.random.normal(k1, (N, D), dtype=jnp.float32)
    x_t = jax.random.normal(k2, (N, D), dtype=jnp.float32)
    edge_index = jax.random.randint(k3, (2, E), 0, N)
    edge_weight = jax.random.uniform(k4, (E,), dtype=jnp.float32)
    # learned parameters: _w_s and _w_t initialized to 1.0 as in _reset_parameters
    w_s = jnp.ones((HOP + 1, 1), dtype=jnp.float32)
    w_t = jnp.ones((HOP + 1, 1), dtype=jnp.float32)
    return {"x_s": x_s, "x_t": x_t, "edge_index": edge_index,
            "edge_weight": edge_weight, "w_s": w_s, "w_t": w_t}


def reference(x_s, x_t, edge_index, edge_weight, w_s, w_t):
    feat_s = w_s[0] * x_s
    feat_t = w_t[0] * x_t
    curr_s = x_s
    curr_t = x_t
    edge_index_t = edge_index[jnp.array([1, 0])]
    for h in range(1, HOP + 1):
        curr_s = _conv(curr_s, edge_index, edge_weight, N, FILL)
        curr_t = _conv(curr_t, edge_index_t, edge_weight, N, FILL)
        feat_s = feat_s + w_s[h] * curr_s
        feat_t = feat_t + w_t[h] * curr_t
    feat = jnp.concatenate([feat_s, feat_t], axis=1)
    return feat

if __name__ == "__main__":
    import jax
    _d = setup_inputs()
    print(jax.jit(kernel)(*tuple(_d.values())))

</pallas_src>

<mosaic_0001>
module attributes {stable_mosaic.version = 14 : i64} {
  func.func @_combine_body(%arg0: i32, %arg1: memref<3xf32, #tpu.memory_space<smem>>, %arg2: memref<3xf32, #tpu.memory_space<smem>>, %arg3: memref<400x128xf32, #tpu.memory_space<vmem>>, %arg4: memref<400x128xf32, #tpu.memory_space<vmem>>, %arg5: memref<400x128xf32, #tpu.memory_space<vmem>>, %arg6: memref<400x128xf32, #tpu.memory_space<vmem>>, %arg7: memref<400x128xf32, #tpu.memory_space<vmem>>, %arg8: memref<400x128xf32, #tpu.memory_space<vmem>>, %arg9: memref<400x256xf32, #tpu.memory_space<vmem>>) attributes {dimension_semantics = [#tpu.dimension_semantics<arbitrary>], iteration_bounds = array<i64: 25>, scalar_prefetch = 0 : i64, scratch_operands = 0 : i64, tpu.core_type = #tpu.core_type<tc>, window_params = [{transform_indices = @transform_0, window_bounds = array<i64: 3>}, {transform_indices = @transform_1, window_bounds = array<i64: 3>}, {transform_indices = @transform_2, window_bounds = array<i64: 400, 128>}, {transform_indices = @transform_3, window_bounds = array<i64: 400, 128>}, {transform_indices = @transform_4, window_bounds = array<i64: 400, 128>}, {transform_indices = @transform_5, window_bounds = array<i64: 400, 128>}, {transform_indices = @transform_6, window_bounds = array<i64: 400, 128>}, {transform_indices = @transform_7, window_bounds = array<i64: 400, 128>}, {transform_indices = @transform_8, window_bounds = array<i64: 400, 256>}]} {
    %get3A = arith.constant 0 : index
    %get3A_0 = memref.load %arg1[%get3A] : memref<3xf32, #tpu.memory_space<smem>>
    %get3A_1 = arith.constant 0 : index
    %get3A_2 = arith.constant 0 : index
    %get3A_3 = vector.load %arg3[%get3A_1, %get3A_2] : memref<400x128xf32, #tpu.memory_space<vmem>>, vector<400x128xf32>
    %mul3A = vector.broadcast %get3A_0 : f32 to vector<400x128xf32>
    %mul3A_4 = arith.mulf %mul3A, %get3A_3 : vector<400x128xf32>
    %get3A_5 = arith.constant 1 : index
    %get3A_6 = memref.load %arg1[%get3A_5] : memref<3xf32, #tpu.memory_space<smem>>
    %get3A_7 = arith.constant 0 : index
    %get3A_8 = arith.constant 0 : index
    %get3A_9 = vector.load %arg4[%get3A_7, %get3A_8] : memref<400x128xf32, #tpu.memory_space<vmem>>, vector<400x128xf32>
    %mul3A_10 = vector.broadcast %get3A_6 : f32 to vector<400x128xf32>
    %mul3A_11 = arith.mulf %mul3A_10, %get3A_9 : vector<400x128xf32>
    %add3A = arith.addf %mul3A_4, %mul3A_11 : vector<400x128xf32>
    %get3A_12 = arith.constant 2 : index
    %get3A_13 = memref.load %arg1[%get3A_12] : memref<3xf32, #tpu.memory_space<smem>>
    %get3A_14 = arith.constant 0 : index
    %get3A_15 = arith.constant 0 : index
    %get3A_16 = vector.load %arg5[%get3A_14, %get3A_15] : memref<400x128xf32, #tpu.memory_space<vmem>>, vector<400x128xf32>
    %mul3A_17 = vector.broadcast %get3A_13 : f32 to vector<400x128xf32>
    %mul3A_18 = arith.mulf %mul3A_17, %get3A_16 : vector<400x128xf32>
    %add3A_19 = arith.addf %add3A, %mul3A_18 : vector<400x128xf32>
    %swap3A = arith.constant 0 : index
    %swap3A_20 = arith.constant 0 : index
    %swap3A_21 = vector.load %arg9[%swap3A, %swap3A_20] : memref<400x256xf32, #tpu.memory_space<vmem>>, vector<400x128xf32>
    tpu.vector_store %arg9[%swap3A, %swap3A_20], %add3A_19 {strides = array<i32>} : memref<400x256xf32, #tpu.memory_space<vmem>>, vector<400x128xf32>,
    %get3A_22 = arith.constant 0 : index
    %get3A_23 = memref.load %arg2[%get3A_22] : memref<3xf32, #tpu.memory_space<smem>>
    %get3A_24 = arith.constant 0 : index
    %get3A_25 = arith.constant 0 : index
    %get3A_26 = vector.load %arg6[%get3A_24, %get3A_25] : memref<400x128xf32, #tpu.memory_space<vmem>>, vector<400x128xf32>
    %mul3A_27 = vector.broadcast %get3A_23 : f32 to vector<400x128xf32>
    %mul3A_28 = arith.mulf %mul3A_27, %get3A_26 : vector<400x128xf32>
    %get3A_29 = arith.constant 1 : index
    %get3A_30 = memref.load %arg2[%get3A_29] : memref<3xf32, #tpu.memory_space<smem>>
    %get3A_31 = arith.constant 0 : index
    %get3A_32 = arith.constant 0 : index
    %get3A_33 = vector.load %arg7[%get3A_31, %get3A_32] : memref<400x128xf32, #tpu.memory_space<vmem>>, vector<400x128xf32>
    %mul3A_34 = vector.broadcast %get3A_30 : f32 to vector<400x128xf32>
    %mul3A_35 = arith.mulf %mul3A_34, %get3A_33 : vector<400x128xf32>
    %add3A_36 = arith.addf %mul3A_28, %mul3A_35 : vector<400x128xf32>
    %get3A_37 = arith.constant 2 : index
    %get3A_38 = memref.load %arg2[%get3A_37] : memref<3xf32, #tpu.memory_space<smem>>
    %get3A_39 = arith.constant 0 : index
    %get3A_40 = arith.constant 0 : index
    %get3A_41 = vector.load %arg8[%get3A_39, %get3A_40] : memref<400x128xf32, #tpu.memory_space<vmem>>, vector<400x128xf32>
    %mul3A_42 = vector.broadcast %get3A_38 : f32 to vector<400x128xf32>
    %mul3A_43 = arith.mulf %mul3A_42, %get3A_41 : vector<400x128xf32>
    %add3A_44 = arith.addf %add3A_36, %mul3A_43 : vector<400x128xf32>
    %swap3A_45 = arith.constant 0 : index
    %swap3A_46 = arith.constant 128 : index
    %swap3A_47 = vector.load %arg9[%swap3A_45, %swap3A_46] : memref<400x256xf32, #tpu.memory_space<vmem>>, vector<400x128xf32>
    tpu.vector_store %arg9[%swap3A_45, %swap3A_46], %add3A_44 {strides = array<i32>} : memref<400x256xf32, #tpu.memory_space<vmem>>, vector<400x128xf32>,
    return
  }
  func.func @transform_0(%arg0: i32) -> i32 {
    %c0_i32 = arith.constant 0 : i32
    %c0_i32_0 = arith.constant 0 : i32
    return %c0_i32 : i32
  }
  func.func @transform_1(%arg0: i32) -> i32 {
    %c0_i32 = arith.constant 0 : i32
    %c0_i32_0 = arith.constant 0 : i32
    return %c0_i32 : i32
  }
  func.func @transform_2(%arg0: i32) -> (i32, i32) {
    %c0_i32 = arith.constant 0 : i32
    %c0_i32_0 = arith.constant 0 : i32
    return %arg0, %c0_i32 : i32, i32
  }
  func.func @transform_3(%arg0: i32) -> (i32, i32) {
    %c0_i32 = arith.constant 0 : i32
    %c0_i32_0 = arith.constant 0 : i32
    return %arg0, %c0_i32 : i32, i32
  }
  func.func @transform_4(%arg0: i32) -> (i32, i32) {
    %c0_i32 = arith.constant 0 : i32
    %c0_i32_0 = arith.constant 0 : i32
    return %arg0, %c0_i32 : i32, i32
  }
  func.func @transform_5(%arg0: i32) -> (i32, i32) {
    %c0_i32 = arith.constant 0 : i32
    %c0_i32_0 = arith.constant 0 : i32
    return %arg0, %c0_i32 : i32, i32
  }
  func.func @transform_6(%arg0: i32) -> (i32, i32) {
    %c0_i32 = arith.constant 0 : i32
    %c0_i32_0 = arith.constant 0 : i32
    return %arg0, %c0_i32 : i32, i32
  }
  func.func @transform_7(%arg0: i32) -> (i32, i32) {
    %c0_i32 = arith.constant 0 : i32
    %c0_i32_0 = arith.constant 0 : i32
    return %arg0, %c0_i32 : i32, i32
  }
  func.func @transform_8(%arg0: i32) -> (i32, i32) {
    %c0_i32 = arith.constant 0 : i32
    %c0_i32_0 = arith.constant 0 : i32
    return %arg0, %c0_i32 : i32, i32
  }
}

</mosaic_0001>

<sc_bundles>
// kernel: scatter_offload_async_start.1
scs
__scs_entry_jumppad:
0x0: {  	(pc) =	sbr.rel $0x88, $3  }
0x1: {  	(tag) =	ssettag $0x0;
	lr =	simm.s32 $0x1  }
0x2: {  	[smem:$0x3F9B] =	sst lr;
	_ =	strace $0xD0000000  }
0x3: {  	_ = 	snop  }
0x4: {  	_ = 	snop  }
0x5: {  	_ = 	snop  }
0x6: {  	_ = 	snop  }
0x7: {  	_ = 	snop  }
__scs_overlays_trampoline_lowered:
0x8: {  	[smem:$0x3FAA] =	sst s0  }
0x9: {  	[smem:$0x3FAB] =	sst s1  }
0xa: {  	[smem:$0x3FAC] =	sst s2  }
0xb: {  	[smem:$0x3FAD] =	sst s3  }
0xc: {  	[smem:$0x3FAE] =	sst s4  }
0xd: {  	[smem:$0x3FAF] =	sst s5  }
0xe: {  	[smem:$0x3FB0] =	sst s6  }
0xf: {  	[smem:$0x3FB1] =	sst s7  }
0x10: {  	[smem:$0x3FB2] =	sst s8  }
0x11: {  	[smem:$0x3FB3] =	sst s9;
	s0 =	simm.s32 @!p0 $0x0  }
0x12: {  	s1 =	sld [smem:$0x3F99];
	s0 =	simm.s32 @p0 $0x1  }
0x13: {  	[smem:$0x3FB4] =	sst s0;
	s0 =	simm.s32 @!p1 $0x0  }
0x14: {  	s2 =	sld [smem:$0x3F98];
	s0 =	simm.s32 @p1 $0x1  }
0x15: {  	[smem:$0x3FB5] =	sst s0;
	s0 =	simm.s32 @!p2 $0x0  }
0x16: {  	s3 =	sld [smem:$0x3FDB];
	s0 =	simm.s32 @p2 $0x1  }
0x17: {  	s4 =	simm.s32 $0x1BF5;
	[smem:$0x3FB7] =	sst s0  }
0x18: {  	s0 =	sld [smem:$0x3F9A];
	_ =	swait.ge [sflag:s4], $0x0  }
0x19: {  	s7 =	sld [smem:$0x3F9B]  }
0x1a: {  	s8 =	sadd.s32 $0xFFFFE003, lr  }
0x1b: {  	s9 =	sadd.s32 $0xFFFFFEF7, lr;
	s5 =	simm.s32 $0xFFFFFFFF;
	p2 =	slt.u32 s8, $0xFFFFF086  }
0x1c: {  	p1 =	slt.u32 s9, $0xF7A;
	s5 =	simm.s32 @!p2 $0x0  }
0x1d: {  	s5 =	simm.s32 @p1 $0x1;
	p0 =	seq.s32 s7, s2  }
0x1e: {  	s7 =	smul.u32 @!p0 $0xF7A, s2;
	p2 =	seq.s32 @!p0 s5, $0x0  }
0x1f: {  	s9 =	smul.u32 $0xF7A, s1;
	s8 =	simm.s32 @!p0 $0x1BF5;
	p2 =	por !p2, p0  }
0x20: {  	[sflag:s8] =	ssyncset.s32 @!p0 $0xFFFFF086;
	s6 =	sadd.s32 @!p0 s3, s7;
	s7 =	simm.s32 @!p0 $0x108  }
0x21: {  	s3 =	sadd.s32 s3, s9;
	s6 =	sadd.s32 @!p0 $0x88, s6;
	s7 =	simm.s32 @p2 $0x1082  }
0x22: {  	[simem:s7], [sflag:s8] =	dma.local @!p0 [hbm:s6], $0xF7A  }
0x23: {  	s9 =	sor.u32 $0xD0000000, s2;
	s6 =	simm.s32 $0x108;
	_ =	swait.ge @!p0 [sflag:s8], $0x0  }
0x24: {  	s3 =	sadd.s32 $0x88, s3;
	s6 =	simm.s32 @!p1 $0x1082;
	[sflag:s4] =	ssyncset.s32 $0xFFFFF086  }
0x25: {  	[simem:s6], [sflag:s4] =	dma.local [hbm:s3], $0xF7A  }
0x26: {  	[smem:$0x3F9B] =	sst s1;
	(tag) =	ssettag s2;
	_ =	strace s9  }
0x27: {  	s1 =	sld [smem:$0x3FAB]  }
0x28: {  	s2 =	sld [smem:$0x3FAC]  }
0x29: {  	s4 =	sld [smem:$0x3FAE]  }
0x2a: {  	p0 =	seq.s32 s5, $0x0;
	s5 =	sld [smem:$0x3FAF]  }
0x2b: {  	s6 =	sld [smem:$0x3FB0]  }
0x2c: {  	s7 =	sld [smem:$0x3FB1]  }
0x2d: {  	s3 =	simm.s32 $0x108;
	s8 =	sld [smem:$0x3FB2]  }
0x2e: {  	s3 =	simm.s32 @!p0 $0x1082;
	s9 =	sld [smem:$0x3FB3]  }
0x2f: {  	lr =	sadd.s32 s0, s3;
	s0 =	sld [smem:$0x3FAA]  }
0x30: {  	s3 =	sld [smem:$0x3FAD]  }
0x31: {  	[smem:$0x3FB6] =	sst s10  }
0x32: {  	s10 =	sld [smem:$0x3FB4];
	_ =	sdelay $0x3  }
0x33: {  	p0 =	seq.s32 s10, $0x1;
	s10 =	sld [smem:$0x3FB6];
	_ =	sdelay $0x3  }
0x34: {  	[smem:$0x3FB6] =	sst s10  }
0x35: {  	s10 =	sld [smem:$0x3FB5];
	_ =	sdelay $0x3  }
0x36: {  	p1 =	seq.s32 s10, $0x1;
	s10 =	sld [smem:$0x3FB6];
	_ =	sdelay $0x3  }
0x37: {  	[smem:$0x3FB6] =	sst s10  }
0x38: {  	s10 =	sld [smem:$0x3FB7]  }
0x39: {  	_ = 	snop;
	(pc) =	sbr.ind lr, $3  }
0x3a: {  	_ = 	snop  }
0x3b: {  	_ = 	snop  }
0x3c: {  	p2 =	seq.s32 s10, $0x1;
	s10 =	sld [smem:$0x3FB6]  }
0x3d: {  	_ =	shalt  }
0x3e: {  	_ =	shalt  }
0x3f: {  	_ =	shalt  }
0x40: {  	_ =	shalt  }
0x41: {  	_ =	shalt  }
0x42: {  	_ =	shalt  }
0x43: {  	_ =	shalt  }
0x44: {  	_ =	shalt  }
0x45: {  	_ =	shalt  }
0x46: {  	_ =	shalt  }
0x47: {  	_ =	shalt  }
0x48: {  	_ =	shalt  }
0x49: {  	_ =	shalt  }
0x4a: {  	_ =	shalt  }
0x4b: {  	_ =	shalt  }
0x4c: {  	_ =	shalt  }
0x4d: {  	_ =	shalt  }
0x4e: {  	_ =	shalt  }
0x4f: {  	_ =	shalt  }
0x50: {  	_ =	shalt  }
0x51: {  	_ =	shalt  }
0x52: {  	_ =	shalt  }
0x53: {  	_ =	shalt  }
0x54: {  	_ =	shalt  }
0x55: {  	_ =	shalt  }
0x56: {  	_ =	shalt  }
0x57: {  	_ =	shalt  }
0x58: {  	_ =	shalt  }
0x59: {  	_ =	shalt  }
0x5a: {  	_ =	shalt  }
0x5b: {  	_ =	shalt  }
0x5c: {  	_ =	shalt  }
0x5d: {  	_ =	shalt  }
0x5e: {  	_ =	shalt  }
0x5f: {  	_ =	shalt  }
0x60: {  	_ =	shalt  }
0x61: {  	_ =	shalt  }
0x62: {  	_ =	shalt  }
0x63: {  	_ =	shalt  }
0x64: {  	_ =	shalt  }
0x65: {  	_ =	shalt  }
0x66: {  	_ =	shalt  }
0x67: {  	_ =	shalt  }
0x68: {  	_ =	shalt  }
0x69: {  	_ =	shalt  }
0x6a: {  	_ =	shalt  }
0x6b: {  	_ =	shalt  }
0x6c: {  	_ =	shalt  }
0x6d: {  	_ =	shalt  }
0x6e: {  	_ =	shalt  }
0x6f: {  	_ =	shalt  }
0x70: {  	_ =	shalt  }
0x71: {  	_ =	shalt  }
0x72: {  	_ =	shalt  }
0x73: {  	_ =	shalt  }
0x74: {  	_ =	shalt  }
0x75: {  	_ =	shalt  }
0x76: {  	_ =	shalt  }
0x77: {  	_ =	shalt  }
0x78: {  	_ =	shalt  }
0x79: {  	_ =	shalt  }
0x7a: {  	_ =	shalt  }
0x7b: {  	_ =	shalt  }
0x7c: {  	_ =	shalt  }
0x7d: {  	_ =	shalt  }
0x7e: {  	_ =	shalt  }
0x7f: {  	_ =	shalt  }
0x80: {  	_ =	shalt  }
0x81: {  	_ =	shalt  }
0x82: {  	_ =	shalt  }
0x83: {  	_ =	shalt  }
0x84: {  	_ =	shalt  }
0x85: {  	_ =	shalt  }
0x86: {  	_ =	shalt  }
0x87: {  	_ =	shalt  }
.Lfunc_end0:
.L_simem_size_0:
called_computation.1_lowered:
.L_overlay_start_0:
0x88: {  	s0 =	sld [smem:$0x3FD9]  }
0x89: {  	s1 =	sld [smem:$0x3FFE];
	_ =	sdelay $0x3  }
0x8a: {  	s0 =	sadd.s32 s1, s0  }
0x8b: {  	[smem:$0x3FC2] =	sst s0  }
0x8c: {  	_ = 	snop  }
0x8d: {  	s14 =	sld [smem:$0x3FD0];
	(tm) =	ssettm $0x1  }
0x8e: {  	s15 =	sld [smem:$0x3FFB];
	_ =	sdelay $0x3  }
0x8f: {  	_ =	strace s15  }
0x90: {  	s0 =	sld [smem:$0x3FFC];
	_ =	sdelay $0x3  }
0x91: {  	_ =	strace s0  }
0x92: {  	s0 =	sld [smem:$0x3FFD];
	_ =	sdelay $0x3  }
0x93: {  	_ =	strace s0  }
0x94: {  	_ =	strace $0x8FFFFFFF  }
0x95: {  	s16 =	sld [smem:$0x3FDB];
	_ =	sdelay $0x1  }
0x96: {  	s2 =	simm.s32 $_scs_section_size  }
0x97: {  	s3 =	simm.s32 $_size__tile_overlayer_lowered;
	s4 =	simm.s32 $_tile_overlayer_lowered  }
0x98: {  	s5 =	simm.s32 $0x1BFF;
	s17 =	sshll.u32 s4, $0x1;
	s2 =	sadd.s32 s2, s16  }
0x99: {  	s18 =	simm.s32 $0x0;
	s3 =	sshll.u32 s3, $0x1;
	s4 =	sadd.s32 s17, s2  }
0x9a: {  	[timem:s18], [sflag:s5] =	dma.local [hbm:s4], s3  }
0x9b: {  	_ =	swait.ge [sflag:s5], s3  }
0x9c: {  	s3 =	ssub.s32 $0x0, s3;
	[sflag:s5] =	ssyncset.done $0x0  }
0x9d: {  	[sflag:s5] =	ssyncadd.s32 s3;
	_ =	sdelay $0x1  }
0x9e: {  	s19 =	simm.s32 $0x1B8B  }
0x9f: {  	_ =	swait.ge [sflag:s19], $0x1  }
0xa0: {  	[sflag:s19] =	ssyncset.done $0x0  }
0xa1: {  	s21 =	simm.s32 $0x1B8E;
	s20 =	sld [smem:$0x3FFE];
	[sflag:s19] =	ssyncadd.s32 $0xFFFFFFFF  }
0xa2: {  	s22 =	simm.s32 $execute0_lowered;
	[smem:$0x3FD2] =	sst s21  }
0xa3: {  	s4 =	sshll.u32 s22, $0x1;
	_ =	strace $0x80000052;
	[dreg:$0x1] =	wrdreg $0xFFFFFFFF  }
0xa4: {  	s23 =	simm.s32 $_size_execute0_lowered;
	s4 =	sadd.s32 s2, s4;
	[dreg:$0x0] =	wrdreg $0x0  }
0xa5: {  	s5 =	sshll.u32 s23, $0x1;
	[dreg:$0x2] =	wrdreg s4  }
0xa6: {  	[dreg:$0x3] =	wrdreg s5  }
0xa7: {  	[dreg:$0x4] =	wrdreg $0xC0  }
0xa8: {  	s24 =	simm.s32 $execute1_lowered;
	_ =	task [dreg:s18], $0x5FFFF  }
0xa9: {  	s4 =	sshll.u32 s24, $0x1;
	[dreg:$0x1] =	wrdreg $0xFFFFFFFF  }
0xaa: {  	s2 =	sadd.s32 s2, s4;
	[dreg:$0x0] =	wrdreg $0x60  }
0xab: {  	[dreg:$0x2] =	wrdreg s2  }
0xac: {  	[dreg:$0x3] =	wrdreg s14  }
0xad: {  	[dreg:$0x4] =	wrdreg s20  }
0xae: {  	[dreg:$0x5] =	wrdreg $0x9  }
0xaf: {  	_ =	task.clear_ibuf [dreg:s18], $0x6FFFF;
	_ =	strace $0x90000052  }
0xb0: {  	s25 =	simm.s32 $0x9;
	_ =	strace $0x80000054  }
0xb1: {  	_ =	swait.ge [sflag:s25], $0x1  }
0xb2: {  	[sflag:s25] =	ssyncadd.s32 $0xFFFFFFFF  }
0xb3: {  	_ =	strace $0x90000054  }
0xb4: {  	_ =	strace $0x80000055;
	[dreg:$0x1] =	wrdreg $0xFFFFFFFF  }
0xb5: {  	[dreg:$0x0] =	wrdreg $0x2030  }
0xb6: {  	[dreg:$0x2] =	wrdreg s20  }
0xb7: {  	[dreg:$0x3] =	wrdreg $0xA  }
0xb8: {  	_ =	task.clear_ibuf [dreg:s18], $0x4FFFF;
	_ =	strace $0x90000055  }
0xb9: {  	s26 =	simm.s32 $0xA;
	_ =	strace $0x80000057  }
0xba: {  	_ =	swait.ge [sflag:s26], $0x1  }
0xbb: {  	[sflag:s26] =	ssyncadd.s32 $0xFFFFFFFF  }
0xbc: {  	_ =	strace $0x90000057  }
0xbd: {  	_ =	sfence  }
0xbe: {  	s28 =	sld [smem:$0x0];
	_ =	sdelay $0x1  }
0xbf: {  	s29 =	srdreg.scid  }
0xc0: {  	s30 =	sshll.u32 s29, $0xD;
	s31 =	sshrl.u32 s29, $0x2  }
0xc1: {  	s3 =	sand.u32 $0x4000, s30;
	s2 =	sand.u32 $0x1, s29;
	s1 =	sadd.s32 s31, s28  }
0xc2: {  	s2 =	sor.u32 s3, s2;
	s1 =	sshll.u32 s1, $0x11  }
0xc3: {  	s1 =	sor.u32 s1, s2  }
0xc4: {  	s1 =	sadd.s32 $0x8F2B, s1  }
0xc5: {  	[sflag:s1] =	ssyncadd.remote.s32 $0x1  }
0xc6: {  	_ =	sfence.sel $0xFFFF  }
0xc7: {  	[dreg:$0x0] =	wrdreg $0xFFFFFFFF;
	(pc) =	sbr.abs _section_cstart, $3  }
0xc8: {  	[dreg:$0x1] =	wrdreg $0xFFFFFFFF  }
0xc9: {  	_ =	task.clear_ibuf [dreg:s18], $0x2FFFF;
	_ =	strace $0x9FFFFFFF  }
0xca: {  	(tm) =	ssettm $0x7FFFFFFF  }
0xcb: {  	_ =	shalt  }
tec
execute0_lowered:
.L_overlay_start_1:
0x0: {  	(tag) =	ssettag $0x1  }
0x1: {  	s3 =	rddreg [dreg:$0x0]  }
0x2: {  	s2 =	rddreg [dreg:$0x1]  }
0x3: {  	s4 =	rddreg [dreg:$0x2]  }
0x4: {  	s0 =	rddreg [dreg:$0x3];
	s5 =	stileid.u32;
	[bflag:$0x3] =	sbarrier.arrive $0xFFFF  }
0x5: {  	s1 =	simm.s32 $_size_execute1_lowered;
	s31 =	simm.s32 $0x2;
	p0 =	sne.s32 s5, $0x0  }
0x6: {  	s1 =	sshll.u32 s1, $0x1;
	s6 =	simm.s32 @!p0 $0x1C3F;
	s7 =	simm.s32 @!p0 $0x4060  }
0x7: {  	[timem:s7], [sflag:s6] =	dma.local @!p0 [hbm:s3], s1  }
.Ltmp0:
0x8: {  	s8 =	simm.s32 $0x0;
	s12 =	simm.s32 $0x0;
	(pc) =	sbr.rel .LBB2_1-.Ltmp0, $4  }
0x9: {  	s10 =	simm.s32 $0x0;
	s11 =	simm.s32 $0x0;
	s3 =	sshll.u32 s5, $0x7  }
0xa: {  	s5 =	simm.s32 $0x1;
	_ =	strace $0x80000053;
	s30 =	ssub.s32 $0x2700, s3  }
0xb: {  	s4 =	sadd.s32 $0x56F400, s4;
	[sflag:s5] =	ssyncpa.u1 $0x0;
	s6 =	sshrl.u32 s30, $0xB  }
0xc: {  	s9 =	smov.u32 s3;
	[sflag:s31] =	ssyncpa.u1 $0x0;
	s7 =	sadd.s32 $0x2, s6  }
.LBB2_4:
0xd: {  	_ = 	snop  }
.LBB2_7:
0xe: {  	_ =	sdelay $0x3  }
0xf: {  	[tilespmem:v0+s16+$0x0 ss:$0x1] =	vst.idx.msk @p1 $0xffff, v2  }
0x10: {  	v56 =	vld.idx.msk [tilespmem:v1+s15+$0x0 ss:$0x1], $0xffff;
	s24 =	sor.u32 $0x70, s15;
	[tilespmem:v0+s17+$0x0 ss:$0x1] =	vst.idx.msk @p1 $0xffff, v4  }
0x11: {  	s25 =	sor.u32 $0x10, s15;
	[tilespmem:v0+s18+$0x0 ss:$0x1] =	vst.idx.msk @p1 $0xffff, v3;
	v57 =	vld.idx.msk [tilespmem:v1+s24+$0x0 ss:$0x1], $0xffff  }
0x12: {  	s26 =	sor.u32 $0x20, s15;
	[tilespmem:v0+s19+$0x0 ss:$0x1] =	vst.idx.msk @p1 $0xffff, v5;
	v58 =	vld.idx.msk [tilespmem:v1+s25+$0x0 ss:$0x1], $0xffff  }
0x13: {  	s28 =	sor.u32 $0x30, s15;
	[tilespmem:v0+s20+$0x0 ss:$0x1] =	vst.idx.msk @p1 $0xffff, v6;
	v59 =	vld.idx.msk [tilespmem:v1+s26+$0x0 ss:$0x1], $0xffff  }
0x14: {  	s29 =	sor.u32 $0x40, s15;
	[tilespmem:v0+s21+$0x0 ss:$0x1] =	vst.idx.msk @p1 $0xffff, v7;
	v60 =	vld.idx.msk [tilespmem:v1+s28+$0x0 ss:$0x1], $0xffff  }
0x15: {  	s30 =	sor.u32 $0x50, s15;
	v61 =	vld.idx.msk [tilespmem:v1+s29+$0x0 ss:$0x1], $0xffff;
	[tilespmem:v0+s15+$0x0 ss:$0x1] =	vst.idx.msk $0xffff, v56  }
0x16: {  	s31 =	sor.u32 $0x60, s15;
	v62 =	vld.idx.msk [tilespmem:v1+s30+$0x0 ss:$0x1], $0xffff;
	[tilespmem:v0+s24+$0x0 ss:$0x1] =	vst.idx.msk $0xffff, v57  }
0x17: {  	v63 =	vld.idx.msk [tilespmem:v1+s31+$0x0 ss:$0x1], $0xffff;
	[tilespmem:v0+s25+$0x0 ss:$0x1] =	vst.idx.msk $0xffff, v58  }
0x18: {  	[tilespmem:v0+s26+$0x0 ss:$0x1] =	vst.idx.msk $0xffff, v59  }
0x19: {  	[tilespmem:v0+s28+$0x0 ss:$0x1] =	vst.idx.msk $0xffff, v60  }
0x1a: {  	[tilespmem:v0+s29+$0x0 ss:$0x1] =	vst.idx.msk $0xffff, v61  }
0x1b: {  	[tilespmem:v0+s30+$0x0 ss:$0x1] =	vst.idx.msk $0xffff, v62  }
0x1c: {  	[tilespmem:v0+s31+$0x0 ss:$0x1] =	vst.idx.msk $0xffff, v63  }
.LBB2_8:
0x1d: {  	s15 =	sand.u32 $0x1FFFFFF, s10  }
0x1e: {  	s16 =	smulhi.u32 $0x1A36E2F, s15;
	_ =	sdelay $0x1  }
0x1f: {  	s16 =	sshrl.u32 s16, $0x6  }
0x20: {  	s16 =	smul.u32 $0x2710, s16;
	_ =	sdelay $0x1  }
0x21: {  	s15 =	ssub.s32 s15, s16  }
0x22: {  	s15 =	sshll.u32 s15, $0x4  }
0x23: {  	s15 =	sadd.s32 s4, s15  }
0x24: {  	[hbm4b:s15+s8] =	stream.linear.scatter [tilespmem:s14], [sflag:$0x2], s13, $0x38;
	[tilespmem:$0x10000] =	vst v63  }
.LBB2_9:
0x25: {  	p1 =	slt.u32 s11, $0x2  }
0x26: {  	p2 =	sgt.s32 @!p1 s12, $0x2690  }
0x27: {  	s13 =	smov.u32 s12;
	s14 =	sshra.s32 @!p1 s12, $0x1F;
	p2 =	por !p2, p1  }
0x28: {  	s12 =	sand.u32 @!p1 s14, s12;
	s13 =	simm.s32 @p2 $0x2690  }
0x29: {  	s12 =	ssub.s32 @!p1 s13, s12  }
0x2a: {  	s12 =	sadd.s32 @!p1 $0xFFFFD970, s12  }
0x2b: {  	s13 =	sshll.u32 @!p1 s12, $0x9  }
0x2c: {  	p2 =	sgt.s32 @!p1 s12, $0x7F;
	s12 =	ssub.s32 @!p1 $0x10000, s13  }
0x2d: {  	s14 =	sadd.s32 $0x800, s9;
	p2 =	por !p2, p1;
	s12 =	sshrl.u32 @!p1 s12, $0x2  }
0x2e: {  	s12 =	simm.s32 @!p2 $0x0;
	p2 =	sgt.s32 s14, $0x270F  }
0x2f: {  	s14 =	smov.u32 @p2 s3;
	p2 =	sne.s32 s11, s7  }
.Ltmp1:
0x30: {  	_ = 	snop;
	(pc) =	sbr.rel @!p2 .LBB2_10-.Ltmp1, $4  }
0x31: {  	s13 =	simm.s32 @!p1 $0x2  }
0x32: {  	_ =	swait.ge @!p1 [sflag:s13], s12;
	s15 =	ssub.s32 @!p1 $0x0, s12  }
0x33: {  	s12 =	smov.u32 s10;
	s11 =	sadd.s32 $0x1, s11;
	[sflag:s13] =	ssyncset.done @!p1 $0x0  }
0x34: {  	s10 =	smov.u32 s9;
	s9 =	smov.u32 s14;
	[sflag:s13] =	ssyncadd.s32 @!p1 s15  }
.LBB2_1:
0x35: {  	p1 =	sgt.u32 s11, s6  }
0x36: {  	s13 =	sand.u32 @!p1 $0x1FFFFFF, s9  }
0x37: {  	p2 =	sgt.s32 @!p1 s9, $0x2690;
	s14 =	smulhi.u32 @!p1 $0x1A36E2F, s13  }
0x38: {  	s15 =	smov.u32 s9;
	s16 =	sshra.s32 @!p1 s9, $0x1F;
	p2 =	por !p2, p1  }
0x39: {  	s16 =	sand.u32 @!p1 s16, s9;
	s15 =	simm.s32 @p2 $0x2690;
	s14 =	sshrl.u32 @!p1 s14, $0x6  }
0x3a: {  	s15 =	ssub.s32 @!p1 s15, s16;
	s14 =	smul.u32 @!p1 $0x2710, s14  }
0x3b: {  	s16 =	sxor.u32 @!p1 $0xFFFFFFFF, s11;
	s15 =	sadd.s32 @!p1 $0xFFFFD970, s15  }
0x3c: {  	s16 =	sshll.u32 @!p1 s16, $0xE;
	s13 =	ssub.s32 @!p1 s13, s14;
	s14 =	sshll.u32 @!p1 s15, $0x9  }
0x3d: {  	s16 =	sand.u32 @!p1 $0x4000, s16;
	p2 =	sgt.s32 @!p1 s15, $0x7F;
	s14 =	ssub.s32 @!p1 $0x10000, s14  }
0x3e: {  	p2 =	por !p2, p1;
	s13 =	sshll.u32 @!p1 s13, $0x4;
	s14 =	sshrl.u32 @!p1 s14, $0x2  }
0x3f: {  	s15 =	simm.s32 @!p1 $0x0;
	s13 =	sadd.s32 @!p1 s2, s13;
	s14 =	simm.s32 @!p2 $0x0  }
0x40: {  	[tilespmem:s16], [sflag:$0x1] =	stream.linear.gather @!p1 [hbm4b:s13+s15], s14, $0x38;
	[tilespmem:$0x10000] =	vst v63  }
0x41: {  	p1 =	seq.s32 s11, $0x0  }
0x42: {  	p2 =	sge.u32 @!p1 s11, s7  }
0x43: {  	p1 =	por p1, p2  }
.Ltmp2:
0x44: {  	_ = 	snop;
	(pc) =	sbr.rel @p1 .LBB2_9-.Ltmp2, $1  }
0x45: {  	_ =	sdelay $0x3  }
0x46: {  	p1 =	sgt.s32 s10, $0x2690;
	s13 =	smov.u32 s10;
	s14 =	sshra.s32 s10, $0x1F  }
0x47: {  	s13 =	simm.s32 @!p1 $0x2690;
	s14 =	sand.u32 s14, s10  }
0x48: {  	s13 =	ssub.s32 s13, s14  }
0x49: {  	s13 =	sadd.s32 $0xFFFFD970, s13  }
0x4a: {  	s31 =	sshll.u32 s13, $0x9  }
0x4b: {  	s14 =	ssub.s32 $0x10000, s31  }
0x4c: {  	p1 =	sgt.s32 s13, $0x7F;
	s13 =	sshrl.u32 s14, $0x2;
	s14 =	sadd.s32 $0x80, s10  }
0x4d: {  	s13 =	simm.s32 @p1 $0x0;
	p1 =	slt.s32 s14, $0x2710  }
0x4e: {  	s14 =	simm.s32 @!p1 $0x2710  }
0x4f: {  	s16 =	ssub.s32 s14, s10  }
0x50: {  	p1 =	slt.s32 s16, $0x1  }
.Ltmp3:
0x51: {  	_ = 	snop;
	(pc) =	sbr.rel @p1 .LBB2_8-.Ltmp3, $4  }
0x52: {  	_ = 	snop  }
0x53: {  	s15 =	sshll.u32 s11, $0xE;
	_ =	swait.ge [sflag:s5], s13  }
0x54: {  	s15 =	sand.u32 $0x4000, s15;
	s17 =	ssub.s32 $0x0, s13;
	[sflag:s5] =	ssyncset.done $0x0  }
0x55: {  	s14 =	sor.u32 $0x8000, s15;
	[sflag:s5] =	ssyncadd.s32 s17  }
0x56: {  	p2 =	sne.s32 s16, $0x1  }
.Ltmp4:
0x57: {  	v1 =	vmov s15;
	v0 =	vmov s14;
	(pc) =	sbr.rel @!p2 .LBB2_4-.Ltmp4, $3  }
0x58: {  	_ =	sdelay $0x1  }
0x59: {  	s17 =	simm.s32 $0x0  }
0x5a: {  	s23 =	sadd.s32 $0xFFFFFFFF, s16;
	p1 =	por $0x0, $0x0;
	s15 =	sand.u32 $0x3F80, s17  }
0x5b: {  	_ =	sdelay $0x3  }
0x5c: {  	v6 =	vld.idx.msk [tilespmem:v1+s15+$0x0 ss:$0x1], $0xffff;
	s24 =	sor.u32 $0x70, s15  }
0x5d: {  	s16 =	sor.u32 $0x10, s15;
	v8 =	vld.idx.msk [tilespmem:v1+s24+$0x0 ss:$0x1], $0xffff  }
0x5e: {  	s17 =	sor.u32 $0x20, s15;
	p2 =	sne.s32 s23, $0x1;
	v2 =	vld.idx.msk [tilespmem:v1+s16+$0x0 ss:$0x1], $0xffff  }
.Ltmp5:
0x5f: {  	s18 =	sor.u32 $0x30, s15;
	v4 =	vld.idx.msk [tilespmem:v1+s17+$0x0 ss:$0x1], $0xffff;
	(pc) =	sbr.rel @!p2 .LBB2_7-.Ltmp5, $4  }
0x60: {  	s19 =	sor.u32 $0x40, s15;
	v3 =	vld.idx.msk [tilespmem:v1+s18+$0x0 ss:$0x1], $0xffff  }
0x61: {  	s21 =	sor.u32 $0x60, s15;
	v5 =	vld.idx.msk [tilespmem:v1+s19+$0x0 ss:$0x1], $0xffff  }
0x62: {  	s20 =	sor.u32 $0x50, s15;
	s22 =	simm.s32 $0x80;
	v7 =	vld.idx.msk [tilespmem:v1+s21+$0x0 ss:$0x1], $0xffff;
	[tilespmem:v0+s15+$0x0 ss:$0x1] =	vst.idx.msk $0xffff, v6  }
0x63: {  	s23 =	sadd.s32 $0xFFFFFFFF, s23;
	p1 =	por $0x1, $0x1;
	v6 =	vld.idx.msk [tilespmem:v1+s20+$0x0 ss:$0x1], $0xffff;
	s15 =	sand.u32 $0x3F80, s22;
	[tilespmem:v0+s24+$0x0 ss:$0x1] =	vst.idx.msk $0xffff, v8  }
.LBB2_6:
0x64: {  	p2 =	sne.s32 s23, $0x1;
	v8 =	vld.idx.msk [tilespmem:v1+s15+$0x0 ss:$0x1], $0xffff;
	s24 =	sor.u32 $0x70, s15;
	[tilespmem:v0+s16+$0x0 ss:$0x1] =	vst.idx.msk $0xffff, v2;
	s16 =	sor.u32 $0x10, s15  }
0x65: {  	s25 =	sor.u32 $0x30, s15;
	s26 =	sor.u32 $0x40, s15;
	v9 =	vld.idx.msk [tilespmem:v1+s24+$0x0 ss:$0x1], $0xffff;
	[tilespmem:v0+s17+$0x0 ss:$0x1] =	vst.idx.msk $0xffff, v4;
	s17 =	sor.u32 $0x20, s15  }
0x66: {  	s28 =	sor.u32 $0x50, s15;
	s29 =	sor.u32 $0x60, s15;
	v2 =	vld.idx.msk [tilespmem:v1+s16+$0x0 ss:$0x1], $0xffff;
	[tilespmem:v0+s18+$0x0 ss:$0x1] =	vst.idx.msk $0xffff, v3;
	s18 =	smov.u32 s25  }
.Ltmp6:
0x67: {  	v4 =	vld.idx.msk [tilespmem:v1+s17+$0x0 ss:$0x1], $0xffff;
	[tilespmem:v0+s19+$0x0 ss:$0x1] =	vst.idx.msk $0xffff, v5;
	s19 =	smov.u32 s26;
	(pc) =	sbr.rel @p2 .LBB2_6-.Ltmp6, $4  }
0x68: {  	v3 =	vld.idx.msk [tilespmem:v1+s18+$0x0 ss:$0x1], $0xffff;
	[tilespmem:v0+s20+$0x0 ss:$0x1] =	vst.idx.msk $0xffff, v6;
	s20 =	smov.u32 s28  }
0x69: {  	v5 =	vld.idx.msk [tilespmem:v1+s19+$0x0 ss:$0x1], $0xffff;
	[tilespmem:v0+s21+$0x0 ss:$0x1] =	vst.idx.msk $0xffff, v7;
	s21 =	smov.u32 s29  }
0x6a: {  	s22 =	sadd.s32 $0x80, s22;
	[tilespmem:v0+s15+$0x0 ss:$0x1] =	vst.idx.msk $0xffff, v8;
	v6 =	vld.idx.msk [tilespmem:v1+s20+$0x0 ss:$0x1], $0xffff  }
0x6b: {  	s23 =	sadd.s32 $0xFFFFFFFF, s23;
	s15 =	sand.u32 $0x3F80, s22;
	v7 =	vld.idx.msk [tilespmem:v1+s21+$0x0 ss:$0x1], $0xffff;
	[tilespmem:v0+s24+$0x0 ss:$0x1] =	vst.idx.msk $0xffff, v9  }
.Ltmp7:
0x6c: {  	_ = 	snop;
	(pc) =	sbr.rel .LBB2_7-.Ltmp7, $1  }
0x6d: {  	_ =	sdelay $0x3  }
.LBB2_10:
0x6e: {  	_ =	sfence.sel $0x180000  }
0x6f: {  	s2 =	simm.s32 $0x1;
	[bflag:$0x0] =	sbarrier.arrive $0xFFFF  }
0x70: {  	s31 =	simm.s32 $0x2;
	[sflag:s2] =	ssyncpa.u1 $0x1  }
0x71: {  	[sflag:s31] =	ssyncpa.u1 $0x1  }
0x72: {  	_ =	strace $0x90000053  }
0x73: {  	s0 =	sadd.s32 @!p0 $0x100000, s0;
	[bflag:$0x2] =	sbarrier.arrive $0xFFFF  }
0x74: {  	[sflag:s0] =	ssyncadd.tile.s32 @!p0 $0x1;
	s0 =	simm.s32 @!p0 $0x3F  }
0x75: {  	_ =	swait.ge @!p0 [sflag:s0], s1  }
0x76: {  	s1 =	ssub.s32 @!p0 $0x0, s1;
	[sflag:s0] =	ssyncset.done @!p0 $0x0  }
0x77: {  	[sflag:s0] =	ssyncadd.s32 @!p0 s1  }
0x78: {  	[bflag:$0x3] =	sbarrier.arrive $0xFFFF  }
0x79: {  	_ =	shalt  }
.Lfunc_end2:
execute1_lowered:
.L_overlay_start_2:
0x7a: {  	(tag) =	ssettag $0x2  }
0x7b: {  	s0 =	rddreg [dreg:$0x0];
	_ =	strace $0x80000056;
	s1 =	simm.s32 $0x1  }
0x7c: {  	s8 =	simm.s32 $0x108;
	v0 =	vimm.s32 $0x0;
	[sflag:s1] =	ssyncpa.u1 $0x0  }
0x7d: {  	[tilespmem:s8+$0x70] =	vst v0  }
0x7e: {  	[tilespmem:s8+$0x60] =	vst v0  }
0x7f: {  	[tilespmem:s8+$0x50] =	vst v0  }
0x80: {  	[tilespmem:s8+$0x40] =	vst v0  }
0x81: {  	[tilespmem:s8+$0x30] =	vst v0  }
0x82: {  	s2 =	simm.s32 $0x40;
	s1 =	sadd.s32 $0x56F400, s0;
	[tilespmem:s8+$0x20] =	vst v0  }
0x83: {  	s3 =	sadd.s32 $0x51E00, s0;
	s4 =	sadd.s32 $0x66200, s0;
	s5 =	sadd.s32 $0x5C000, s0;
	[tilespmem:s8+$0x10] =	vst v0  }
.LBB3_1:
0x84: {  	s2 =	sadd.s32 $0x40, s2;
	[tilespmem:s8+$0x0] =	vst v0;
	s8 =	sadd.s32 $0x80, s8  }
0x85: {  	p0 =	slt.u32 s2, $0x3C40;
	[tilespmem:s8+$0x70] =	vst v0  }
0x86: {  	[tilespmem:s8+$0x60] =	vst v0  }
.Ltmp8:
0x87: {  	[tilespmem:s8+$0x50] =	vst v0;
	(pc) =	sbr.rel @p0 .LBB3_1-.Ltmp8, $4  }
0x88: {  	[tilespmem:s8+$0x40] =	vst v0  }
0x89: {  	[tilespmem:s8+$0x30] =	vst v0  }
0x8a: {  	[tilespmem:s8+$0x20] =	vst v0  }
0x8b: {  	[tilespmem:s8+$0x10] =	vst v0  }
0x8c: {  	s13 =	stileid.u32  }
0x8d: {  	s0 =	simm.s32 $0x4FB0;
	s6 =	smul.u32 $0x50A0, s13;
	p0 =	seq.s32 s13, $0xF  }
0x8e: {  	s0 =	simm.s32 @!p0 $0x50A0  }
0x8f: {  	s0 =	sadd.s32 s6, s0  }
0x90: {  	s7 =	smin.u32 s0, $0x50910  }
0x91: {  	s0 =	ssub.s32 s7, s6  }
0x92: {  	p0 =	sgt.s32 s0, $0x0  }
0x93: {  	s0 =	simm.s32 @!p0 $0x0  }
0x94: {  	s2 =	simm.s32 $0x2;
	s9 =	simm.s32 $0x7;
	s31 =	smulhi.u32 $0x1111112, s0  }
0x95: {  	s10 =	simm.s32 $0x8;
	s19 =	simm.s32 $0x0;
	s15 =	simm.s32 $0xA  }
0x96: {  	s17 =	simm.s32 $0x0;
	s18 =	simm.s32 $0x0;
	s11 =	smul.u32 $0xF0, s31  }
.Ltmp9:
0x97: {  	[tilespmem:s8+$0x0] =	vst v0;
	v0 =	vimm.s32 $0xFFFFFFFF;
	[sflag:s2] =	ssyncpa.u1 $0x0;
	s13 =	sshll.u32 s13, $0x8;
	(pc) =	sbr.rel .LBB3_3-.Ltmp9, $4  }
0x98: {  	[tilespmem:$0xF208] =	vst v0;
	[sflag:s9] =	ssyncpa.u1 $0x0;
	p0 =	sne.s32 s0, s11;
	s0 =	simm.s32 $0x1  }
0x99: {  	[sflag:s10] =	ssyncpa.u1 $0x0;
	s10 =	simm.s32 $0x9;
	s0 =	simm.s32 @!p0 $0x0  }
0x9a: {  	s16 =	smov.u32 s6;
	[sflag:s10] =	ssyncpa.u1 $0x0;
	s12 =	sadd.s32 s0, s31  }
0x9b: {  	v0 =	vlaneseq.u32;
	s11 =	simm.s32 $0x1;
	p0 =	por $0x0, $0x0;
	s14 =	sadd.s32 $0x1, s12  }
.LBB3_18:
0x9c: {  	s0 =	sshrl.u32 s28, $0x2  }
.LBB3_20:
0x9d: {  	_ =	swait.ge [sflag:s15], s0  }
0x9e: {  	s31 =	ssub.s32 $0x0, s0;
	v1 =	vmov s21;
	vm0 =	veq.s32 v0, $0x0;
	[sflag:s15] =	ssyncset.done $0x0  }
0x9f: {  	vm15 =	veq.s32 v0, $0x2;
	v1 =	vsel vm0, s26, v1;
	[sflag:s15] =	ssyncadd.s32 s31  }
0xa0: {  	v1 =	vsel vm15, s19, v1;
	[sflag:s15] =	ssyncpa.u1 $0x1  }
0xa1: {  	[tilespmem:$0xF208] =	vst v1  }
.LBB3_21:
0xa2: {  	s0 =	sadd.s32 $0xF0, s16  }
0xa3: {  	s2 =	smov.u32 s6;
	p1 =	slt.s32 s0, s7  }
0xa4: {  	s2 =	smov.u32 @p1 s0;
	p1 =	sne.s32 s18, s14  }
.Ltmp10:
0xa5: {  	_ = 	snop;
	(pc) =	sbr.rel @!p1 .LBB3_22-.Ltmp10, $3  }
0xa6: {  	_ =	sdelay $0x1  }
0xa7: {  	s19 =	smov.u32 s17;
	s31 =	sadd.s32 $0x1, s18;
	s17 =	smov.u32 s16  }
0xa8: {  	p0 =	por !p0, !p0;
	s18 =	smov.u32 s31;
	s16 =	smov.u32 s2  }
.LBB3_3:
0xa9: {  	p1 =	sge.u32 s18, s12  }
0xaa: {  	s0 =	smulhi.u32 @!p1 $0xAAAAAAAB, s18  }
0xab: {  	s2 =	smov.u32 s16;
	p2 =	sgt.s32 @!p1 s16, $0x50820  }
0xac: {  	s20 =	sshra.s32 @!p1 s16, $0x1F;
	p2 =	por !p2, p1;
	s0 =	sshrl.u32 @!p1 s0, $0x1  }
0xad: {  	s20 =	sand.u32 @!p1 s20, s16;
	s2 =	simm.s32 @p2 $0x50820;
	s0 =	smul.u32 @!p1 $0x3, s0  }
0xae: {  	s2 =	ssub.s32 @!p1 s2, s20  }
0xaf: {  	s2 =	sadd.s32 @!p1 $0xFFFAF7E0, s2;
	s0 =	ssub.s32 @!p1 s18, s0  }
0xb0: {  	s20 =	sshll.u32 @!p1 s2, $0x2;
	p2 =	sgt.s32 @!p1 s2, $0xEF;
	s0 =	smul.u32 @!p1 $0x3C0, s0  }
0xb1: {  	s21 =	sand.u32 @!p1 $0x7, s16;
	s2 =	ssub.s32 @!p1 $0x3C0, s20;
	p2 =	por !p2, p1  }
0xb2: {  	s20 =	sshrl.u32 @!p1 s16, $0x3;
	s2 =	sshrl.u32 @!p1 s2, $0x2;
	s0 =	sshrl.u32 @!p1 s0, $0x2  }
0xb3: {  	s20 =	sadd.s32 @!p1 s5, s20;
	s2 =	simm.s32 @!p2 $0x0;
	s0 =	sadd.s32 @!p1 $0x10238, s0  }
0xb4: {  	[tilespmem:s0], [sflag:$0x8] =	stream.linear.gather @!p1 [hbm4b:s20+s21], s2, $0x38;
	[tilespmem:$0x1F6E8] =	vst v63  }
0xb5: {  	s0 =	sadd.s32 $0xFFFFFFFF, s18  }
0xb6: {  	p1 =	sge.u32 s0, s12  }
0xb7: {  	p2 =	sgt.s32 @!p1 s17, $0x50820  }
0xb8: {  	s2 =	smov.u32 s17;
	s20 =	sshra.s32 @!p1 s17, $0x1F;
	p2 =	por !p2, p1  }
0xb9: {  	s20 =	sand.u32 @!p1 s20, s17;
	s2 =	simm.s32 @p2 $0x50820  }
0xba: {  	s2 =	ssub.s32 @!p1 s2, s20  }
0xbb: {  	s2 =	sadd.s32 @!p1 $0xFFFAF7E0, s2  }
0xbc: {  	s21 =	smulhi.u32 @!p1 $0xAAAAAAAB, s0;
	s22 =	sand.u32 @!p1 $0x1, s0;
	s20 =	sshll.u32 @!p1 s2, $0x2  }
0xbd: {  	s24 =	smul.u32 @!p1 $0x3C0, s22;
	p2 =	sgt.s32 @!p1 s2, $0xEF;
	s2 =	ssub.s32 @!p1 $0x3C0, s20  }
0xbe: {  	p2 =	por !p2, p1;
	s20 =	sshrl.u32 @!p1 s21, $0x1;
	s2 =	sshrl.u32 @!p1 s2, $0x2  }
0xbf: {  	s21 =	simm.s32 @!p1 $0x8;
	s20 =	smul.u32 @!p1 $0x3, s20;
	s2 =	simm.s32 @!p2 $0x0  }
0xc0: {  	s22 =	smul.u32 @!p1 $0x1E000, s22;
	_ =	swait.ge @!p1 [sflag:s21], s2;
	s23 =	ssub.s32 @!p1 $0x0, s2  }
0xc1: {  	s0 =	ssub.s32 @!p1 s0, s20;
	s20 =	sshrl.u32 @!p1 s17, $0x3;
	[sflag:s21] =	ssyncset.done @!p1 $0x0  }
0xc2: {  	s20 =	sadd.s32 @!p1 s3, s20;
	[sflag:s21] =	ssyncadd.s32 @!p1 s23;
	s21 =	sshrl.u32 @!p1 s24, $0x2  }
0xc3: {  	s0 =	smul.u32 @!p1 $0x3C0, s0;
	s23 =	sand.u32 @!p1 $0x7, s17;
	s21 =	sor.u32 @!p1 $0x10508, s21  }
0xc4: {  	[tilespmem:s21], [sflag:$0x9] =	stream.linear.gather @!p1 [hbm4b:s20+s23], s2, $0x38;
	[tilespmem:$0x1F6E8] =	vst v63  }
0xc5: {  	s0 =	sshrl.u32 @!p1 s0, $0x2;
	s2 =	sshrl.u32 @!p1 s22, $0x2  }
0xc6: {  	s0 =	sadd.s32 @!p1 $0x10238, s0;
	s20 =	simm.s32 @!p1 $0xF0;
	s2 =	sor.u32 @!p1 $0x106E8, s2  }
0xc7: {  	[tilespmem:s2], [sflag:$0x7] =	stream.indirect.gather @!p1 [hbm4b:s4+s20], $0x80, s0, s20, $0xb8;
	[tilespmem:$0x1F6E8] =	vst v63  }
0xc8: {  	p1 =	slt.u32 s18, $0x2  }
.Ltmp11:
0xc9: {  	_ = 	snop;
	(pc) =	sbr.rel @p1 .LBB3_21-.Ltmp11, $1  }
0xca: {  	_ =	sdelay $0x3  }
0xcb: {  	p1 =	sgt.s32 s19, $0x50820;
	s0 =	smov.u32 s19;
	s2 =	sshra.s32 s19, $0x1F  }
0xcc: {  	s0 =	simm.s32 @!p1 $0x50820;
	s2 =	sand.u32 s2, s19  }
0xcd: {  	s0 =	ssub.s32 s0, s2  }
0xce: {  	s0 =	sadd.s32 $0xFFFAF7E0, s0  }
0xcf: {  	s30 =	sshll.u32 s0, $0x2  }
0xd0: {  	_ =	swait.ge [sflag:s9], $0x7800;
	s2 =	ssub.s32 $0x3C0, s30  }
0xd1: {  	[sflag:s9] =	ssyncset.done $0x0;
	p1 =	sgt.s32 s0, $0xEF;
	s0 =	sshrl.u32 s2, $0x2  }
0xd2: {  	[sflag:s9] =	ssyncadd.s32 $0xFFFF8800;
	s0 =	simm.s32 @p1 $0x0  }
0xd3: {  	_ =	swait.ge [sflag:s10], s0  }
0xd4: {  	s0 =	ssub.s32 $0x0, s0;
	[sflag:s10] =	ssyncset.done $0x0  }
0xd5: {  	[sflag:s10] =	ssyncadd.s32 s0  }
0xd6: {  	v1 =	vld [tilespmem:$0xF208];
	_ =	sdelay $0x4  }
0xd7: {  	(v2sf) =	vpush v1, $0x0  }
0xd8: {  	(v2sf) =	vpush v1, $0x1  }
0xd9: {  	(v2sf) =	vpush v1, $0x2;
	_ =	sdelay $0x3  }
0xda: {  	s0 =	sadd.s32 $0xF0, s19  }
0xdb: {  	s2 =	ssub.s32 $0x50910, s19;
	p1 =	slt.s32 s7, s0  }
0xdc: {  	s0 =	smov.u32 @p1 s7;
	p1 =	sgt.s32 s2, $0x0  }
0xdd: {  	s23 =	ssub.s32 s0, s19;
	s2 =	simm.s32 @!p1 $0x0  }
0xde: {  	p1 =	slt.s32 s2, s23  }
0xdf: {  	s23 =	smov.u32 @p1 s2  }
0xe0: {  	s22 =	simm.s32 $0x1;
	p1 =	slt.s32 s23, $0x1  }
.Ltmp12:
0xe1: {  	s22 =	simm.s32 @!p0 $0x0;
	(pc) =	sbr.rel @p1 .LBB3_8-.Ltmp12, $4  }
0xe2: {  	s31 =	smul.u32 $0x3C0, s22  }
0xe3: {  	s24 =	spop (v2sf)  }
0xe4: {  	s0 =	sshrl.u32 s31, $0x2;
	s26 =	spop (v2sf)  }
0xe5: {  	s20 =	sor.u32 $0x10508, s0;
	s19 =	spop (v2sf)  }
0xe6: {  	s0 =	smin.u32 s23, $0x10  }
0xe7: {  	v1 =	vmov s0  }
0xe8: {  	p2 =	sgt.s32 s23, $0x10;
	vm1 =	vgt.u32 v1, v0  }
.Ltmp13:
0xe9: {  	_ = 	snop;
	(pc) =	sbr.rel @!p2 .LBB3_7-.Ltmp13, $2  }
0xea: {  	_ =	sdelay $0x2  }
0xeb: {  	s25 =	simm.s32 $0x10;
	s28 =	sadd.s32 $0xFFFFFFF0, s23;
	s21 =	smov.u32 s20;
	vm0 =	vmmov vm1  }
.LBB3_6:
0xec: {  	s0 =	smin.u32 s28, $0x10;
	s25 =	sadd.s32 $0x10, s25;
	v1 =	vld.msk [tilespmem:s21+$0x0 ss:$0x1], vm1  }
0xed: {  	v2 =	vmov s0;
	p2 =	slt.s32 s25, s23  }
0xee: {  	vm1 =	vgt.u32 v2, v0  }
.Ltmp14:
0xef: {  	(pc) =	sbr.rel @p2 .LBB3_6-.Ltmp14, $3  }
0xf0: {  	_ =	sdelay $0x1  }
0xf1: {  	v1 =	vshll.u32 v1, $0x4  }
0xf2: {  	s28 =	sadd.s32 $0xFFFFFFF0, s28;
	[tilespmem:s21+$0x0] =	vst.msk vm0, v1;
	s21 =	sadd.s32 $0x10, s21;
	vm0 =	vmmov vm1  }
.LBB3_7:
0xf3: {  	_ =	sdelay $0x4  }
0xf4: {  	v1 =	vld.msk [tilespmem:s21+$0x0 ss:$0x1], vm1;
	_ =	sdelay $0x4  }
0xf5: {  	v1 =	vshll.u32 v1, $0x4  }
0xf6: {  	[tilespmem:s21+$0x0] =	vst.msk vm0, v1  }
.LBB3_8:
0xf7: {  	s0 =	sand.u32 $0x1, s18  }
0xf8: {  	s0 =	smul.u32 $0xF0, s0  }
0xf9: {  	p2 =	sne.s32 s26, $0xFFFFFFFF  }
0xfa: {  	v1 =	vld.msk @!p2 [tilespmem:s0+$0x10508], $0x1;
	_ =	sdelay $0x4  }
0xfb: {  	(v2sf) =	vpush @!p2 v1, $0x0;
	_ =	sdelay $0xc  }
.Ltmp15:
0xfc: {  	_ = 	snop;
	(pc) =	sbr.rel @p1 .LBB3_19-.Ltmp15, $4  }
0xfd: {  	_ = 	snop  }
0xfe: {  	s25 =	spop @!p2 (v2sf)  }
0xff: {  	s19 =	simm.s32 @!p2 $0x0;
	s21 =	smov.u32 s25  }
0x100: {  	[sflag:s15] =	ssyncpa.u1 $0x0;
	s25 =	smov.u32 @p2 s24;
	s21 =	smov.u32 @p2 s26  }
0x101: {  	v1 =	vld.msk [tilespmem:s20+$0x0], $0x1;
	_ =	sdelay $0x4  }
0x102: {  	(v2sf) =	vpush v1, $0x0;
	_ =	sdelay $0xe  }
0x103: {  	s0 =	smul.u32 $0x1E000, s22;
	s29 =	spop (v2sf)  }
0x104: {  	s23 =	ssub.s32 $0x0, s23;
	p1 =	seq.s32 s25, s29  }
0x105: {  	s26 =	sadd.s32 $0x1, s23;
	s0 =	sshrl.u32 s0, $0x2;
	p2 =	sgt.s32 @!p1 s25, $0x0  }
0x106: {  	s22 =	sor.u32 $0x10728, s0;
	s0 =	smov.u32 s25;
	p2 =	por !p2, p1  }
0x107: {  	s0 =	simm.s32 @p2 $0x0;
	p2 =	seq.s32 s26, $0x0  }
.Ltmp16:
0x108: {  	_ = 	snop;
	(pc) =	sbr.rel @p2 .LBB3_11-.Ltmp16, $4  }
0x109: {  	_ = 	snop  }
0x10a: {  	s24 =	simm.s32 $0x0;
	s28 =	sadd.s32 $0x1, s20;
	s0 =	smin.u32 @!p1 s0, $0x270F0  }
0x10b: {  	s30 =	simm.s32 @!p1 $0x1;
	s31 =	simm.s32 @!p1 $0x7988;
	s2 =	sand.u32 @!p1 $0x3FFF8, s0  }
0x10c: {  	s30 =	smov.u32 @p1 s24;
	s0 =	sand.u32 @!p1 $0x7, s0;
	s2 =	sadd.s32 @!p1 s1, s2  }
.LBB3_10:
0x10d: {  	s8 =	smov.u32 s30  }
0x10e: {  	[tilespmem:s31], [sflag:$0x2] =	stream.linear.gather @!p1 [hbm4b:s2+s0], $0x80, $0x38;
	[tilespmem:$0x1F6E8] =	vst v63  }
0x10f: {  	s26 =	sadd.s32 $0x1, s26;
	s0 =	smov.u32 s29;
	v1 =	vld.msk [tilespmem:s28+$0x0], $0x1  }
0x110: {  	p2 =	seq.s32 s26, $0x0;
	_ =	sdelay $0x3  }
0x111: {  	(v2sf) =	vpush v1, $0x0;
	_ =	sdelay $0xe  }
0x112: {  	s29 =	spop (v2sf)  }
0x113: {  	p1 =	seq.s32 s0, s29  }
0x114: {  	p3 =	sgt.s32 @!p1 s0, $0x0;
	s2 =	sshll.u32 @!p1 s30, $0x9;
	s30 =	sadd.s32 @!p1 $0x1, s30  }
.Ltmp17:
0x115: {  	p3 =	por !p3, p1;
	s2 =	sshra.s32 @!p1 s2, $0x2;
	(pc) =	sbr.rel @!p2 .LBB3_10-.Ltmp17, $4  }
0x116: {  	s30 =	smov.u32 @p1 s8;
	s0 =	simm.s32 @p3 $0x0;
	s31 =	sadd.s32 @!p1 $0x7988, s2  }
0x117: {  	s0 =	smin.u32 @!p1 s0, $0x270F0  }
0x118: {  	s2 =	sand.u32 @!p1 $0x3FFF8, s0;
	s0 =	sand.u32 @!p1 $0x7, s0  }
0x119: {  	s28 =	sadd.s32 $0x1, s28;
	s2 =	sadd.s32 @!p1 s1, s2  }
.LBB3_11:
0x11a: {  	[tilespmem:s31], [sflag:$0x2] =	stream.linear.gather @!p1 [hbm4b:s2+s0], $0x80, $0x38;
	[tilespmem:$0x1F6E8] =	vst v63  }
.Ltmp18:
0x11b: {  	s30 =	sshll.u32 s30, $0x7;
	(pc) =	sbr.rel .LBB3_12-.Ltmp18, $4  }
0x11c: {  	s31 =	simm.s32 $0x2;
	s0 =	sand.u32 $0x3FFFFF80, s30  }
0x11d: {  	_ =	swait.ge [sflag:s31], s0  }
0x11e: {  	s0 =	ssub.s32 $0x0, s0;
	[sflag:s31] =	ssyncset.done $0x0  }
0x11f: {  	s28 =	simm.s32 $0x0;
	[sflag:s31] =	ssyncadd.s32 s0  }
.LBB3_13:
0x120: {  	v1 =	vld [tilespmem:s22+$0xFFFFFFC0];
	_ =	sdelay $0x3  }
0x121: {  	s0 =	sshra.s32 s0, $0x2  }
0x122: {  	[tilespmem:s0+$0x108] =	vst.add.f32.msk $0xffff, v1  }
0x123: {  	v1 =	vld [tilespmem:s22+$0xFFFFFFD0];
	_ =	sdelay $0x4  }
0x124: {  	[tilespmem:s0+$0x118] =	vst.add.f32.msk $0xffff, v1  }
0x125: {  	v1 =	vld [tilespmem:s22+$0xFFFFFFE0];
	_ =	sdelay $0x4  }
0x126: {  	[tilespmem:s0+$0x128] =	vst.add.f32.msk $0xffff, v1  }
0x127: {  	v1 =	vld [tilespmem:s22+$0xFFFFFFF0];
	_ =	sdelay $0x4  }
0x128: {  	[tilespmem:s0+$0x138] =	vst.add.f32.msk $0xffff, v1  }
0x129: {  	v1 =	vld [tilespmem:s22+$0x0];
	_ =	sdelay $0x4  }
0x12a: {  	[tilespmem:s0+$0x148] =	vst.add.f32.msk $0xffff, v1  }
0x12b: {  	v1 =	vld [tilespmem:s22+$0x10];
	_ =	sdelay $0x4  }
0x12c: {  	[tilespmem:s0+$0x158] =	vst.add.f32.msk $0xffff, v1  }
0x12d: {  	v1 =	vld [tilespmem:s22+$0x20];
	_ =	sdelay $0x4  }
0x12e: {  	[tilespmem:s0+$0x168] =	vst.add.f32.msk $0xffff, v1  }
0x12f: {  	v1 =	vld [tilespmem:s22+$0x30];
	_ =	sdelay $0x4  }
0x130: {  	[tilespmem:s0+$0x178] =	vst.add.f32.msk $0xffff, v1  }
.LBB3_17:
0x131: {  	s23 =	sadd.s32 $0x1, s23  }
0x132: {  	p1 =	seq.s32 s23, $0x0  }
.Ltmp19:
0x133: {  	_ = 	snop;
	(pc) =	sbr.rel @p1 .LBB3_18-.Ltmp19, $2  }
0x134: {  	_ =	sdelay $0x2  }
0x135: {  	s20 =	sadd.s32 $0x1, s20;
	s22 =	sadd.s32 $0x80, s22;
	s25 =	smov.u32 s26  }
.LBB3_12:
0x136: {  	v1 =	vld.msk [tilespmem:s20+$0x0], $0x1;
	_ =	sdelay $0x4  }
0x137: {  	(v2sf) =	vpush v1, $0x0;
	_ =	sdelay $0xe  }
0x138: {  	s26 =	spop (v2sf)  }
0x139: {  	p1 =	sne.s32 s25, s26  }
.Ltmp20:
0x13a: {  	_ = 	snop;
	(pc) =	sbr.rel @!p1 .LBB3_13-.Ltmp20, $2  }
0x13b: {  	_ =	sdelay $0x2  }
0x13c: {  	s0 =	sshll.u32 s19, $0x9  }
0x13d: {  	p1 =	seq.s32 s25, s21  }
.Ltmp21:
0x13e: {  	_ = 	snop;
	(pc) =	sbr.rel @!p1 .LBB3_15-.Ltmp21, $1  }
0x13f: {  	_ =	sdelay $0x3  }
0x140: {  	s0 =	sshra.s32 s0, $0x2  }
.Ltmp22:
0x141: {  	s0 =	sadd.s32 $0x108, s0;
	(pc) =	sbr.rel .LBB3_16-.Ltmp22, $4  }
0x142: {  	[spmem:s13] =	stream.linear.scatter [tilespmem:s0], [sflag:$0x1], $0x80, $0x38;
	[tilespmem:$0x1F6E8] =	vst v63  }
0x143: {  	_ =	swait.ge [sflag:s11], $0x80  }
0x144: {  	[sflag:s11] =	ssyncset.done $0x0  }
0x145: {  	[sflag:s11] =	ssyncadd.s32 $0xFFFFFF80  }
.LBB3_15:
0x146: {  	s2 =	sshll.u32 s24, $0x9  }
0x147: {  	s2 =	sshra.s32 s2, $0x2  }
0x148: {  	v1 =	vld [tilespmem:s2+$0x7988];
	_ =	sdelay $0x3  }
0x149: {  	s0 =	sshra.s32 s0, $0x2  }
0x14a: {  	[tilespmem:s0+$0x108] =	vst.add.f32.msk $0xffff, v1  }
0x14b: {  	v1 =	vld [tilespmem:s2+$0x7998];
	_ =	sdelay $0x4  }
0x14c: {  	[tilespmem:s0+$0x118] =	vst.add.f32.msk $0xffff, v1  }
0x14d: {  	v1 =	vld [tilespmem:s2+$0x79A8];
	_ =	sdelay $0x4  }
0x14e: {  	[tilespmem:s0+$0x128] =	vst.add.f32.msk $0xffff, v1  }
0x14f: {  	v1 =	vld [tilespmem:s2+$0x79B8];
	_ =	sdelay $0x4  }
0x150: {  	[tilespmem:s0+$0x138] =	vst.add.f32.msk $0xffff, v1  }
0x151: {  	v1 =	vld [tilespmem:s2+$0x79C8];
	_ =	sdelay $0x4  }
0x152: {  	[tilespmem:s0+$0x148] =	vst.add.f32.msk $0xffff, v1  }
0x153: {  	v1 =	vld [tilespmem:s2+$0x79D8];
	_ =	sdelay $0x4  }
0x154: {  	[tilespmem:s0+$0x158] =	vst.add.f32.msk $0xffff, v1  }
0x155: {  	v1 =	vld [tilespmem:s2+$0x79E8];
	_ =	sdelay $0x4  }
0x156: {  	[tilespmem:s0+$0x168] =	vst.add.f32.msk $0xffff, v1  }
0x157: {  	v1 =	vld [tilespmem:s2+$0x79F8];
	_ =	sdelay $0x2  }
0x158: {  	p1 =	sgt.u32 s25, $0x270F0  }
0x159: {  	s2 =	sand.u32 @!p1 $0x3FFF8, s25  }
0x15a: {  	s8 =	sadd.s32 $0x108, s0;
	[tilespmem:s0+$0x178] =	vst.add.f32.msk $0xffff, v1;
	s0 =	sadd.s32 @!p1 s1, s2;
	s2 =	sand.u32 @!p1 $0x7, s25  }
0x15b: {  	[hbm4b:s0+s2] =	stream.linear.scatter @!p1 [tilespmem:s8], [sflag:$0xA], $0x80, $0x38;
	[tilespmem:$0x1F6E8] =	vst v63  }
0x15c: {  	s0 =	simm.s32 $0x0  }
0x15d: {  	s0 =	simm.s32 @!p1 $0x200  }
0x15e: {  	s28 =	sadd.s32 s0, s28  }
.LBB3_16:
0x15f: {  	s0 =	sadd.s32 $0x1, s19  }
0x160: {  	s2 =	smulhi.u32 $0x88888889, s0;
	_ =	sdelay $0x1  }
0x161: {  	v1 =	vld [tilespmem:s22+$0xFFFFFFC0];
	s2 =	sshrl.u32 s2, $0x7  }
0x162: {  	s2 =	smul.u32 $0xF0, s2;
	_ =	sdelay $0x1  }
0x163: {  	s19 =	ssub.s32 s0, s2  }
0x164: {  	s0 =	sshll.u32 s19, $0x7  }
0x165: {  	[tilespmem:s0+$0x108] =	vst v1  }
0x166: {  	v1 =	vld [tilespmem:s22+$0xFFFFFFD0];
	_ =	sdelay $0x4  }
0x167: {  	[tilespmem:s0+$0x118] =	vst v1  }
0x168: {  	v1 =	vld [tilespmem:s22+$0xFFFFFFE0];
	_ =	sdelay $0x4  }
0x169: {  	[tilespmem:s0+$0x128] =	vst v1  }
0x16a: {  	v1 =	vld [tilespmem:s22+$0xFFFFFFF0];
	_ =	sdelay $0x4  }
0x16b: {  	[tilespmem:s0+$0x138] =	vst v1  }
0x16c: {  	v1 =	vld [tilespmem:s22+$0x0];
	_ =	sdelay $0x4  }
0x16d: {  	[tilespmem:s0+$0x148] =	vst v1  }
0x16e: {  	v1 =	vld [tilespmem:s22+$0x10];
	_ =	sdelay $0x4  }
0x16f: {  	[tilespmem:s0+$0x158] =	vst v1  }
0x170: {  	v1 =	vld [tilespmem:s22+$0x20];
	_ =	sdelay $0x4  }
0x171: {  	[tilespmem:s0+$0x168] =	vst v1  }
0x172: {  	v1 =	vld [tilespmem:s22+$0x30]  }
.Ltmp23:
0x173: {  	_ = 	snop;
	(pc) =	sbr.rel .LBB3_17-.Ltmp23, $2  }
0x174: {  	_ =	sdelay $0x2  }
0x175: {  	s24 =	sadd.s32 $0x1, s24;
	[tilespmem:s0+$0x178] =	vst v1  }
.LBB3_19:
.Ltmp24:
0x176: {  	(pc) =	sbr.rel .LBB3_20-.Ltmp24, $4  }
0x177: {  	_ = 	snop  }
0x178: {  	s0 =	simm.s32 $0x2  }
0x179: {  	_ =	swait.ge [sflag:s0], $0x0  }
0x17a: {  	s26 =	smov.u32 s25;
	[sflag:s0] =	ssyncset.done $0x0;
	s0 =	simm.s32 $0x0  }
.LBB3_22:
0x17b: {  	_ =	sfence.sel $0x180000  }
0x17c: {  	s0 =	simm.s32 $0x7;
	[bflag:$0x0] =	sbarrier.arrive $0xFFFF  }
0x17d: {  	s25 =	simm.s32 $0x8;
	[sflag:s0] =	ssyncpa.u1 $0x1  }
0x17e: {  	s26 =	simm.s32 $0x9;
	[sflag:s25] =	ssyncpa.u1 $0x1  }
0x17f: {  	s28 =	simm.s32 $0x2;
	[sflag:s26] =	ssyncpa.u1 $0x1  }
0x180: {  	[sflag:s28] =	ssyncpa.u1 $0x1  }
0x181: {  	v0 =	vld [tilespmem:$0xF208];
	_ =	sdelay $0x4  }
0x182: {  	(v2sf) =	vpush v0, $0x0  }
0x183: {  	(v2sf) =	vpush v0, $0x1;
	_ =	sdelay $0x1  }
0x184: {  	(v2sf) =	vpush v0, $0x2;
	_ =	sdelay $0xb  }
0x185: {  	s0 =	spop (v2sf)  }
0x186: {  	s2 =	spop (v2sf)  }
0x187: {  	s3 =	smov.u32 s0;
	p0 =	sne.s32 s0, s2  }
0x188: {  	s4 =	spop (v2sf);
	s3 =	simm.s32 @!p0 $0xFFFFFFFF  }
0x189: {  	v2 =	vimm.s32 $0x1;
	v3 =	vlaneseq.u32;
	p0 =	seq.s32 s4, $0xFFFFFFFF;
	v1 =	vmov s3  }
0x18a: {  	s7 =	stileid.u32;
	v0 =	vperm.xlane v0, v2;
	p1 =	sne.s32 @!p0 s0, s2;
	v1 =	vperm.xlane v1, v3  }
0x18b: {  	vm0 =	vcmask $0x3F04;
	s6 =	simm.s32 $0xF208;
	s0 =	simm.s32 @!p0 $0x1;
	p1 =	por !p1, p0  }
0x18c: {  	s3 =	sshll.u32 s7, $0x1;
	s2 =	sshll.u32 @!p0 s4, $0x9;
	s0 =	simm.s32 @p1 $0x0;
	v0 =	vsel vm0, v1, v0  }
0x18d: {  	s5 =	sor.u32 $0x1000, s3;
	s2 =	sshra.s32 @!p0 s2, $0x2;
	s0 =	sor.u32 @!p0 s0, s3;
	[tilespmem:$0xF208] =	vst v0  }
0x18e: {  	[spmem:s5] =	stream.linear.scatter [tilespmem:s6], [sflag:$0x1], $0x2, $0x38;
	[tilespmem:$0x1F6E8] =	vst v63  }
0x18f: {  	s2 =	sadd.s32 @!p0 $0x108, s2;
	s0 =	sshll.u32 @!p0 s0, $0x7  }
0x190: {  	[spmem:s0] =	stream.linear.scatter @!p0 [tilespmem:s2], [sflag:$0x1], $0x80, $0x38;
	[tilespmem:$0x1F6E8] =	vst v63  }
0x191: {  	s0 =	simm.s32 @!p0 $0x82  }
0x192: {  	s3 =	simm.s32 $0x1;
	s0 =	simm.s32 @p0 $0x2  }
0x193: {  	_ =	swait.ge [sflag:s3], s0  }
0x194: {  	s0 =	ssub.s32 $0x0, s0;
	[sflag:s3] =	ssyncset.done $0x0  }
0x195: {  	[sflag:s3] =	ssyncadd.s32 s0  }
0x196: {  	_ =	sfence.stream.spmem  }
0x197: {  	s29 =	simm.s32 $0x3;
	[bflag:$0x0] =	sbarrier.arrive $0xFFFF  }
0x198: {  	s30 =	simm.s32 $0x4;
	[sflag:s29] =	ssyncpa.u1 $0x1  }
0x199: {  	s31 =	simm.s32 $0x3C;
	[sflag:s30] =	ssyncpa.u1 $0x1  }
0x19a: {  	p0 =	sne.s32 s7, $0x0;
	[sflag:s31] =	ssyncpa.u1 $0x1  }
0x19b: {  	_ =	sfence @p0  }
0x19c: {  	[sflag:s3] =	ssyncpa.u1 @p0 $0x1  }
0x19d: {  	_ =	strace @p0 $0x90000056  }
0x19e: {  	[bflag:$0x2] =	sbarrier.arrive @p0 $0xFFFF  }
0x19f: {  	_ =	shalt @p0  }
.LBB3_23:
0x1a0: {  	_ =	sfence.stream.spmem;
	s0 =	simm.s32 $0x5  }
0x1a1: {  	s2 =	simm.s32 $0x1000;
	s3 =	simm.s32 $0xF218;
	[sflag:s0] =	ssyncpa.u1 $0x0  }
0x1a2: {  	[tilespmem:s3], [sflag:$0x5] =	stream.linear.gather [spmem:s2], $0x20, $0x38;
	[tilespmem:$0x1F6E8] =	vst v63  }
0x1a3: {  	s30 =	simm.s32 $0xF238;
	s2 =	simm.s32 $0x0  }
0x1a4: {  	[tilespmem:s30], [sflag:$0x5] =	stream.linear.gather [spmem:s2], $0x1000, $0x38;
	[tilespmem:$0x1F6E8] =	vst v63  }
.Ltmp25:
0x1a5: {  	_ = 	snop;
	(pc) =	sbr.rel .LBB3_24-.Ltmp25, $4  }
0x1a6: {  	_ =	swait.ge [sflag:s0], $0x1020  }
0x1a7: {  	[sflag:s0] =	ssyncset.done $0x0  }
0x1a8: {  	s31 =	simm.s32 $0x6;
	[sflag:s0] =	ssyncadd.s32 $0xFFFFEFE0  }
0x1a9: {  	s3 =	simm.s32 $0x0;
	[sflag:s31] =	ssyncpa.u1 $0x0  }
.LBB3_30:
0x1aa: {  	p0 =	slt.u32 s4, $0x270F1  }
0x1ab: {  	s0 =	sand.u32 @p0 $0x3FFF8, s4  }
0x1ac: {  	s4 =	sand.u32 @p0 $0x7, s4;
	s5 =	simm.s32 @p0 $0xF188;
	s0 =	sadd.s32 @p0 s1, s0  }
0x1ad: {  	[tilespmem:s5], [sflag:$0x6] =	stream.linear.gather @p0 [hbm4b:s0+s4], $0x80, $0x38;
	[tilespmem:$0x1F6E8] =	vst v63  }
0x1ae: {  	s0 =	simm.s32 @p0 $0x6  }
0x1af: {  	_ =	swait.ge @p0 [sflag:s0], $0x80  }
0x1b0: {  	[sflag:s0] =	ssyncset.done @p0 $0x0  }
0x1b1: {  	[sflag:s0] =	ssyncadd.s32 @p0 $0xFFFFFF80  }
0x1b2: {  	v1 =	vld @p0 [tilespmem:$0xF188];
	_ =	sdelay $0x2  }
0x1b3: {  	s0 =	sshll.u32 @p0 s3, $0x9  }
0x1b4: {  	s4 =	sshrl.u32 @p0 s0, $0x2  }
0x1b5: {  	[tilespmem:s4+$0xF238] =	vst.add.f32.msk @p0 $0xffff, v1  }
0x1b6: {  	v1 =	vld @p0 [tilespmem:$0xF198];
	_ =	sdelay $0x4  }
0x1b7: {  	[tilespmem:s4+$0xF248] =	vst.add.f32.msk @p0 $0xffff, v1  }
0x1b8: {  	v1 =	vld @p0 [tilespmem:$0xF1A8];
	_ =	sdelay $0x4  }
0x1b9: {  	[tilespmem:s4+$0xF258] =	vst.add.f32.msk @p0 $0xffff, v1  }
0x1ba: {  	v1 =	vld @p0 [tilespmem:$0xF1B8];
	_ =	sdelay $0x4  }
0x1bb: {  	[tilespmem:s4+$0xF268] =	vst.add.f32.msk @p0 $0xffff, v1  }
0x1bc: {  	v1 =	vld @p0 [tilespmem:$0xF1C8];
	_ =	sdelay $0x4  }
0x1bd: {  	[tilespmem:s4+$0xF278] =	vst.add.f32.msk @p0 $0xffff, v1  }
0x1be: {  	v1 =	vld @p0 [tilespmem:$0xF1D8];
	_ =	sdelay $0x4  }
0x1bf: {  	[tilespmem:s4+$0xF288] =	vst.add.f32.msk @p0 $0xffff, v1  }
0x1c0: {  	v1 =	vld @p0 [tilespmem:$0xF1E8];
	_ =	sdelay $0x4  }
0x1c1: {  	[tilespmem:s4+$0xF298] =	vst.add.f32.msk @p0 $0xffff, v1  }
0x1c2: {  	v1 =	vld @p0 [tilespmem:$0xF1F8];
	_ =	sdelay $0x3  }
0x1c3: {  	s5 =	sshll.u32 @!p0 s3, $0x9  }
0x1c4: {  	s5 =	smov.u32 @p0 s0;
	[tilespmem:s4+$0xF2A8] =	vst.add.f32.msk @p0 $0xffff, v1  }
0x1c5: {  	s0 =	sshrl.u32 s5, $0x2;
	[tilespmem:s2+$0xF218] =	vst.msk $0x1, v0  }
0x1c6: {  	v0 =	vld [tilespmem:s0+$0xF238];
	_ =	sdelay $0x2  }
0x1c7: {  	s31 =	sshll.u32 s2, $0x9  }
0x1c8: {  	s4 =	sshra.s32 s31, $0x2  }
0x1c9: {  	[tilespmem:s4+$0xF238] =	vst v0  }
0x1ca: {  	v0 =	vld [tilespmem:s0+$0xF248];
	_ =	sdelay $0x4  }
0x1cb: {  	[tilespmem:s4+$0xF248] =	vst v0  }
0x1cc: {  	v0 =	vld [tilespmem:s0+$0xF258];
	_ =	sdelay $0x4  }
0x1cd: {  	[tilespmem:s4+$0xF258] =	vst v0  }
0x1ce: {  	v0 =	vld [tilespmem:s0+$0xF268];
	_ =	sdelay $0x4  }
0x1cf: {  	[tilespmem:s4+$0xF268] =	vst v0  }
0x1d0: {  	v0 =	vld [tilespmem:s0+$0xF278];
	_ =	sdelay $0x4  }
0x1d1: {  	[tilespmem:s4+$0xF278] =	vst v0  }
0x1d2: {  	v0 =	vld [tilespmem:s0+$0xF288];
	_ =	sdelay $0x4  }
0x1d3: {  	[tilespmem:s4+$0xF288] =	vst v0  }
0x1d4: {  	v0 =	vld [tilespmem:s0+$0xF298];
	_ =	sdelay $0x4  }
0x1d5: {  	[tilespmem:s4+$0xF298] =	vst v0  }
0x1d6: {  	v0 =	vld [tilespmem:s0+$0xF2A8];
	_ =	sdelay $0x4  }
0x1d7: {  	s2 =	sadd.s32 $0x1, s2;
	[tilespmem:s4+$0xF2A8] =	vst v0  }
.LBB3_31:
0x1d8: {  	s3 =	sadd.s32 $0x1, s3  }
0x1d9: {  	p0 =	sne.s32 s3, $0x20  }
.Ltmp26:
0x1da: {  	_ = 	snop;
	(pc) =	sbr.rel @!p0 .LBB3_32-.Ltmp26, $1  }
0x1db: {  	_ =	sdelay $0x3  }
.LBB3_24:
0x1dc: {  	v0 =	vld.msk [tilespmem:s3+$0xF218], $0x1;
	_ =	sdelay $0x4  }
0x1dd: {  	(v2sf) =	vpush v0, $0x0;
	_ =	sdelay $0xe  }
0x1de: {  	s4 =	spop (v2sf)  }
0x1df: {  	p0 =	seq.s32 s4, $0xFFFFFFFF  }
.Ltmp27:
0x1e0: {  	_ = 	snop;
	(pc) =	sbr.rel @p0 .LBB3_31-.Ltmp27, $1  }
0x1e1: {  	_ =	sdelay $0x3  }
0x1e2: {  	p0 =	slt.s32 s2, $0x1  }
.Ltmp28:
0x1e3: {  	_ = 	snop;
	(pc) =	sbr.rel @p0 .LBB3_30-.Ltmp28, $1  }
0x1e4: {  	_ =	sdelay $0x3  }
0x1e5: {  	s5 =	simm.s32 $0xF218;
	p0 =	por $0x0, $0x0  }
0x1e6: {  	v1 =	vld.msk @!p0 [tilespmem:s5+$0x0], $0x1;
	_ =	sdelay $0x4  }
0x1e7: {  	(v2sf) =	vpush @!p0 v1, $0x0;
	_ =	sdelay $0xd  }
0x1e8: {  	p2 =	sne.s32 s2, $0x1  }
.Ltmp29:
0x1e9: {  	s0 =	spop @!p0 (v2sf);
	(pc) =	sbr.rel @!p2 .LBB3_28-.Ltmp29, $4  }
0x1ea: {  	p1 =	seq.s32 @!p0 s4, s0  }
0x1eb: {  	s6 =	simm.s32 $0x0;
	p1 =	por !p1, p0  }
0x1ec: {  	s0 =	simm.s32 $0xFFFFFFFF;
	s6 =	simm.s32 @p1 $0xFFFFFFFF  }
0x1ed: {  	s7 =	simm.s32 $0x1;
	s6 =	smov.u32 @p0 s0  }
.LBB3_27:
0x1ee: {  	s0 =	smov.u32 s6;
	p0 =	sne.s32 s6, $0xFFFFFFFF  }
0x1ef: {  	s5 =	sadd.s32 $0x1, s5;
	s6 =	smov.u32 s7;
	s7 =	sadd.s32 $0x1, s7  }
0x1f0: {  	p1 =	sne.s32 s2, s7;
	v1 =	vld.msk @!p0 [tilespmem:s5+$0x0], $0x1;
	_ =	sdelay $0x4  }
0x1f1: {  	(v2sf) =	vpush @!p0 v1, $0x0;
	_ =	sdelay $0xe  }
.Ltmp30:
0x1f2: {  	s8 =	spop @!p0 (v2sf);
	(pc) =	sbr.rel @p1 .LBB3_27-.Ltmp30, $4  }
0x1f3: {  	p2 =	seq.s32 @!p0 s4, s8  }
0x1f4: {  	p2 =	por !p2, p0  }
0x1f5: {  	s6 =	simm.s32 @p2 $0xFFFFFFFF  }
0x1f6: {  	s6 =	smov.u32 @p0 s0  }
.LBB3_28:
0x1f7: {  	p0 =	seq.s32 s6, $0xFFFFFFFF  }
.Ltmp31:
0x1f8: {  	_ = 	snop;
	(pc) =	sbr.rel @p0 .LBB3_30-.Ltmp31, $1  }
0x1f9: {  	_ =	sdelay $0x3  }
0x1fa: {  	s0 =	sshll.u32 s3, $0x7  }
0x1fb: {  	s0 =	sand.u32 $0x3FFFFF80, s0  }
0x1fc: {  	v0 =	vld [tilespmem:s0+$0xF238];
	_ =	sdelay $0x2  }
0x1fd: {  	s4 =	sshll.u32 s6, $0x9  }
0x1fe: {  	s4 =	sshra.s32 s4, $0x2  }
0x1ff: {  	[tilespmem:s4+$0xF238] =	vst.add.f32.msk $0xffff, v0  }
0x200: {  	v0 =	vld [tilespmem:s0+$0xF248];
	_ =	sdelay $0x4  }
0x201: {  	[tilespmem:s4+$0xF248] =	vst.add.f32.msk $0xffff, v0  }
0x202: {  	v0 =	vld [tilespmem:s0+$0xF258];
	_ =	sdelay $0x4  }
0x203: {  	[tilespmem:s4+$0xF258] =	vst.add.f32.msk $0xffff, v0  }
0x204: {  	v0 =	vld [tilespmem:s0+$0xF268];
	_ =	sdelay $0x4  }
0x205: {  	[tilespmem:s4+$0xF268] =	vst.add.f32.msk $0xffff, v0  }
0x206: {  	v0 =	vld [tilespmem:s0+$0xF278];
	_ =	sdelay $0x4  }
0x207: {  	[tilespmem:s4+$0xF278] =	vst.add.f32.msk $0xffff, v0  }
0x208: {  	v0 =	vld [tilespmem:s0+$0xF288];
	_ =	sdelay $0x4  }
0x209: {  	[tilespmem:s4+$0xF288] =	vst.add.f32.msk $0xffff, v0  }
0x20a: {  	v0 =	vld [tilespmem:s0+$0xF298];
	_ =	sdelay $0x4  }
0x20b: {  	[tilespmem:s4+$0xF298] =	vst.add.f32.msk $0xffff, v0  }
0x20c: {  	v0 =	vld [tilespmem:s0+$0xF2A8]  }
.Ltmp32:
0x20d: {  	_ = 	snop;
	(pc) =	sbr.rel .LBB3_31-.Ltmp32, $2  }
0x20e: {  	_ =	sdelay $0x2  }
0x20f: {  	[tilespmem:s4+$0xF2A8] =	vst.add.f32.msk $0xffff, v0  }
.LBB3_32:
0x210: {  	p0 =	slt.s32 s2, $0x1  }
.Ltmp33:
0x211: {  	_ = 	snop;
	(pc) =	sbr.rel @p0 .LBB3_36-.Ltmp33, $3  }
0x212: {  	_ =	sdelay $0x1  }
0x213: {  	s0 =	simm.s32 $0x6  }
0x214: {  	s3 =	simm.s32 $0x0;
	[sflag:s0] =	ssyncpa.u1 $0x1  }
0x215: {  	s0 =	simm.s32 $0xF218  }
0x216: {  	v0 =	vld.msk [tilespmem:s0+$0x0], $0x1;
	_ =	sdelay $0x4  }
0x217: {  	(v2sf) =	vpush v0, $0x0;
	_ =	sdelay $0xd  }
0x218: {  	s2 =	sadd.s32 $0xFFFFFFFF, s2  }
0x219: {  	p1 =	sne.s32 s2, $0x0;
	s0 =	spop (v2sf)  }
.Ltmp34:
0x21a: {  	p0 =	sgt.u32 s0, $0x270F0;
	(pc) =	sbr.rel @!p1 .LBB3_35-.Ltmp34, $4  }
0x21b: {  	s4 =	simm.s32 $0xF238;
	s5 =	sand.u32 @!p0 $0x3FFF8, s0  }
0x21c: {  	s6 =	simm.s32 $0x0;
	s0 =	sand.u32 @!p0 $0x7, s0;
	s5 =	sadd.s32 @!p0 s1, s5  }
0x21d: {  	[hbm4b:s5+s0] =	stream.linear.scatter @!p0 [tilespmem:s4], [sflag:$0x5], $0x80, $0x38;
	[tilespmem:$0x1F6E8] =	vst v63  }
0x21e: {  	s6 =	simm.s32 @!p0 $0x200;
	s5 =	simm.s32 $0xF219  }
.LBB3_34:
0x21f: {  	v0 =	vld.msk [tilespmem:s5+$0x0], $0x1;
	s2 =	sadd.s32 $0xFFFFFFFF, s2;
	s3 =	sadd.s32 s3, s6  }
0x220: {  	p0 =	sne.s32 s2, $0x0;
	_ =	sdelay $0x3  }
0x221: {  	(v2sf) =	vpush v0, $0x0;
	_ =	sdelay $0xe  }
.Ltmp35:
0x222: {  	s0 =	spop (v2sf);
	(pc) =	sbr.rel @p0 .LBB3_34-.Ltmp35, $4  }
0x223: {  	s6 =	simm.s32 $0x0;
	p1 =	sgt.u32 s0, $0x270F0  }
0x224: {  	s4 =	sadd.s32 $0x80, s4;
	s6 =	simm.s32 @!p1 $0x200;
	s7 =	sand.u32 @!p1 $0x3FFF8, s0  }
0x225: {  	s5 =	sadd.s32 $0x1, s5;
	s0 =	sand.u32 @!p1 $0x7, s0;
	s7 =	sadd.s32 @!p1 s1, s7  }
0x226: {  	[hbm4b:s7+s0] =	stream.linear.scatter @!p1 [tilespmem:s4], [sflag:$0x5], $0x80, $0x38;
	[tilespmem:$0x1F6E8] =	vst v63  }
.LBB3_35:
0x227: {  	s0 =	sadd.s32 s3, s6  }
0x228: {  	s3 =	sshrl.u32 s0, $0x2  }
.LBB3_36:
0x229: {  	s0 =	simm.s32 $0x5  }
0x22a: {  	_ =	swait.ge [sflag:s0], s3  }
0x22b: {  	s1 =	ssub.s32 $0x0, s3;
	[sflag:s0] =	ssyncset.done $0x0  }
0x22c: {  	[sflag:s0] =	ssyncadd.s32 s1  }
0x22d: {  	[sflag:s0] =	ssyncpa.u1 $0x1  }
0x22e: {  	s30 =	simm.s32 $0x1;
	_ =	sfence  }
0x22f: {  	[sflag:s30] =	ssyncpa.u1 $0x1  }
0x230: {  	_ =	strace $0x90000056  }
0x231: {  	[bflag:$0x2] =	sbarrier.arrive $0xFFFF  }
0x232: {  	s31 =	rddreg [dreg:$0x1]  }
0x233: {  	s0 =	sadd.s32 $0x100000, s31  }
0x234: {  	[sflag:s0] =	ssyncadd.tile.s32 $0x1;
	_ =	shalt  }
.Lfunc_end3:
_tile_overlayer_lowered:
.L_overlay_start_3:
0x235: {  	(tag) =	ssettag $0x3  }
0x236: {  	s0 =	rddreg [dreg:$0x0];
	s2 =	stileid.u32  }
0x237: {  	s1 =	rddreg [dreg:$0x1];
	p0 =	sne.s32 s2, $0x0  }
0x238: {  	s3 =	rddreg [dreg:$0x2];
	[bflag:$0x3] =	sbarrier.arrive $0xFFFF;
	s2 =	simm.s32 @!p0 $0x1C01  }
0x239: {  	[timem:s3], [sflag:s2] =	dma.local @!p0 [hbm:s0], s1  }
0x23a: {  	s0 =	simm.s32 @!p0 $0x1  }
0x23b: {  	_ =	swait.ge @!p0 [sflag:s0], s1  }
0x23c: {  	s1 =	ssub.s32 @!p0 $0x0, s1;
	[sflag:s0] =	ssyncset.done @!p0 $0x0  }
0x23d: {  	[sflag:s0] =	ssyncadd.s32 @!p0 s1  }
0x23e: {  	[bflag:$0x3] =	sbarrier.arrive $0xFFFF  }
0x23f: {  	_ =	shalt  }

// kernel: scatter_offload_async_start.2
scs
__scs_entry_jumppad:
0x0: {  	(pc) =	sbr.rel $0x88, $3  }
0x1: {  	(tag) =	ssettag $0x0;
	lr =	simm.s32 $0x1  }
0x2: {  	[smem:$0x3F9B] =	sst lr;
	_ =	strace $0xD0000000  }
0x3: {  	_ = 	snop  }
0x4: {  	_ = 	snop  }
0x5: {  	_ = 	snop  }
0x6: {  	_ = 	snop  }
0x7: {  	_ = 	snop  }
__scs_overlays_trampoline_lowered:
0x8: {  	[smem:$0x3FAA] =	sst s0  }
0x9: {  	[smem:$0x3FAB] =	sst s1  }
0xa: {  	[smem:$0x3FAC] =	sst s2  }
0xb: {  	[smem:$0x3FAD] =	sst s3  }
0xc: {  	[smem:$0x3FAE] =	sst s4  }
0xd: {  	[smem:$0x3FAF] =	sst s5  }
0xe: {  	[smem:$0x3FB0] =	sst s6  }
0xf: {  	[smem:$0x3FB1] =	sst s7  }
0x10: {  	[smem:$0x3FB2] =	sst s8  }
0x11: {  	[smem:$0x3FB3] =	sst s9;
	s0 =	simm.s32 @!p0 $0x0  }
0x12: {  	s1 =	sld [smem:$0x3F99];
	s0 =	simm.s32 @p0 $0x1  }
0x13: {  	[smem:$0x3FB4] =	sst s0;
	s0 =	simm.s32 @!p1 $0x0  }
0x14: {  	s2 =	sld [smem:$0x3F98];
	s0 =	simm.s32 @p1 $0x1  }
0x15: {  	[smem:$0x3FB5] =	sst s0;
	s0 =	simm.s32 @!p2 $0x0  }
0x16: {  	s3 =	sld [smem:$0x3FDB];
	s0 =	simm.s32 @p2 $0x1  }
0x17: {  	s4 =	simm.s32 $0x1BF5;
	[smem:$0x3FB7] =	sst s0  }
0x18: {  	s0 =	sld [smem:$0x3F9A];
	_ =	swait.ge [sflag:s4], $0x0  }
0x19: {  	s7 =	sld [smem:$0x3F9B]  }
0x1a: {  	s8 =	sadd.s32 $0xFFFFE003, lr  }
0x1b: {  	s9 =	sadd.s32 $0xFFFFFEF7, lr;
	s5 =	simm.s32 $0xFFFFFFFF;
	p2 =	slt.u32 s8, $0xFFFFF086  }
0x1c: {  	p1 =	slt.u32 s9, $0xF7A;
	s5 =	simm.s32 @!p2 $0x0  }
0x1d: {  	s5 =	simm.s32 @p1 $0x1;
	p0 =	seq.s32 s7, s2  }
0x1e: {  	s7 =	smul.u32 @!p0 $0xF7A, s2;
	p2 =	seq.s32 @!p0 s5, $0x0  }
0x1f: {  	s9 =	smul.u32 $0xF7A, s1;
	s8 =	simm.s32 @!p0 $0x1BF5;
	p2 =	por !p2, p0  }
0x20: {  	[sflag:s8] =	ssyncset.s32 @!p0 $0xFFFFF086;
	s6 =	sadd.s32 @!p0 s3, s7;
	s7 =	simm.s32 @!p0 $0x108  }
0x21: {  	s3 =	sadd.s32 s3, s9;
	s6 =	sadd.s32 @!p0 $0x88, s6;
	s7 =	simm.s32 @p2 $0x1082  }
0x22: {  	[simem:s7], [sflag:s8] =	dma.local @!p0 [hbm:s6], $0xF7A  }
0x23: {  	s9 =	sor.u32 $0xD0000000, s2;
	s6 =	simm.s32 $0x108;
	_ =	swait.ge @!p0 [sflag:s8], $0x0  }
0x24: {  	s3 =	sadd.s32 $0x88, s3;
	s6 =	simm.s32 @!p1 $0x1082;
	[sflag:s4] =	ssyncset.s32 $0xFFFFF086  }
0x25: {  	[simem:s6], [sflag:s4] =	dma.local [hbm:s3], $0xF7A  }
0x26: {  	[smem:$0x3F9B] =	sst s1;
	(tag) =	ssettag s2;
	_ =	strace s9  }
0x27: {  	s1 =	sld [smem:$0x3FAB]  }
0x28: {  	s2 =	sld [smem:$0x3FAC]  }
0x29: {  	s4 =	sld [smem:$0x3FAE]  }
0x2a: {  	p0 =	seq.s32 s5, $0x0;
	s5 =	sld [smem:$0x3FAF]  }
0x2b: {  	s6 =	sld [smem:$0x3FB0]  }
0x2c: {  	s7 =	sld [smem:$0x3FB1]  }
0x2d: {  	s3 =	simm.s32 $0x108;
	s8 =	sld [smem:$0x3FB2]  }
0x2e: {  	s3 =	simm.s32 @!p0 $0x1082;
	s9 =	sld [smem:$0x3FB3]  }
0x2f: {  	lr =	sadd.s32 s0, s3;
	s0 =	sld [smem:$0x3FAA]  }
0x30: {  	s3 =	sld [smem:$0x3FAD]  }
0x31: {  	[smem:$0x3FB6] =	sst s10  }
0x32: {  	s10 =	sld [smem:$0x3FB4];
	_ =	sdelay $0x3  }
0x33: {  	p0 =	seq.s32 s10, $0x1;
	s10 =	sld [smem:$0x3FB6];
	_ =	sdelay $0x3  }
0x34: {  	[smem:$0x3FB6] =	sst s10  }
0x35: {  	s10 =	sld [smem:$0x3FB5];
	_ =	sdelay $0x3  }
0x36: {  	p1 =	seq.s32 s10, $0x1;
	s10 =	sld [smem:$0x3FB6];
	_ =	sdelay $0x3  }
0x37: {  	[smem:$0x3FB6] =	sst s10  }
0x38: {  	s10 =	sld [smem:$0x3FB7]  }
0x39: {  	_ = 	snop;
	(pc) =	sbr.ind lr, $3  }
0x3a: {  	_ = 	snop  }
0x3b: {  	_ = 	snop  }
0x3c: {  	p2 =	seq.s32 s10, $0x1;
	s10 =	sld [smem:$0x3FB6]  }
0x3d: {  	_ =	shalt  }
0x3e: {  	_ =	shalt  }
0x3f: {  	_ =	shalt  }
0x40: {  	_ =	shalt  }
0x41: {  	_ =	shalt  }
0x42: {  	_ =	shalt  }
0x43: {  	_ =	shalt  }
0x44: {  	_ =	shalt  }
0x45: {  	_ =	shalt  }
0x46: {  	_ =	shalt  }
0x47: {  	_ =	shalt  }
0x48: {  	_ =	shalt  }
0x49: {  	_ =	shalt  }
0x4a: {  	_ =	shalt  }
0x4b: {  	_ =	shalt  }
0x4c: {  	_ =	shalt  }
0x4d: {  	_ =	shalt  }
0x4e: {  	_ =	shalt  }
0x4f: {  	_ =	shalt  }
0x50: {  	_ =	shalt  }
0x51: {  	_ =	shalt  }
0x52: {  	_ =	shalt  }
0x53: {  	_ =	shalt  }
0x54: {  	_ =	shalt  }
0x55: {  	_ =	shalt  }
0x56: {  	_ =	shalt  }
0x57: {  	_ =	shalt  }
0x58: {  	_ =	shalt  }
0x59: {  	_ =	shalt  }
0x5a: {  	_ =	shalt  }
0x5b: {  	_ =	shalt  }
0x5c: {  	_ =	shalt  }
0x5d: {  	_ =	shalt  }
0x5e: {  	_ =	shalt  }
0x5f: {  	_ =	shalt  }
0x60: {  	_ =	shalt  }
0x61: {  	_ =	shalt  }
0x62: {  	_ =	shalt  }
0x63: {  	_ =	shalt  }
0x64: {  	_ =	shalt  }
0x65: {  	_ =	shalt  }
0x66: {  	_ =	shalt  }
0x67: {  	_ =	shalt  }
0x68: {  	_ =	shalt  }
0x69: {  	_ =	shalt  }
0x6a: {  	_ =	shalt  }
0x6b: {  	_ =	shalt  }
0x6c: {  	_ =	shalt  }
0x6d: {  	_ =	shalt  }
0x6e: {  	_ =	shalt  }
0x6f: {  	_ =	shalt  }
0x70: {  	_ =	shalt  }
0x71: {  	_ =	shalt  }
0x72: {  	_ =	shalt  }
0x73: {  	_ =	shalt  }
0x74: {  	_ =	shalt  }
0x75: {  	_ =	shalt  }
0x76: {  	_ =	shalt  }
0x77: {  	_ =	shalt  }
0x78: {  	_ =	shalt  }
0x79: {  	_ =	shalt  }
0x7a: {  	_ =	shalt  }
0x7b: {  	_ =	shalt  }
0x7c: {  	_ =	shalt  }
0x7d: {  	_ =	shalt  }
0x7e: {  	_ =	shalt  }
0x7f: {  	_ =	shalt  }
0x80: {  	_ =	shalt  }
0x81: {  	_ =	shalt  }
0x82: {  	_ =	shalt  }
0x83: {  	_ =	shalt  }
0x84: {  	_ =	shalt  }
0x85: {  	_ =	shalt  }
0x86: {  	_ =	shalt  }
0x87: {  	_ =	shalt  }
.Lfunc_end0:
.L_simem_size_0:
called_computation.2_lowered:
.L_overlay_start_0:
0x88: {  	s0 =	sld [smem:$0x3FD9]  }
0x89: {  	s1 =	sld [smem:$0x3FFE];
	_ =	sdelay $0x3  }
0x8a: {  	s0 =	sadd.s32 s1, s0  }
0x8b: {  	[smem:$0x3FC2] =	sst s0  }
0x8c: {  	_ = 	snop  }
0x8d: {  	s14 =	sld [smem:$0x3FD0];
	(tm) =	ssettm $0x1  }
0x8e: {  	s15 =	sld [smem:$0x3FFB];
	_ =	sdelay $0x3  }
0x8f: {  	_ =	strace s15  }
0x90: {  	s0 =	sld [smem:$0x3FFC];
	_ =	sdelay $0x3  }
0x91: {  	_ =	strace s0  }
0x92: {  	s0 =	sld [smem:$0x3FFD];
	_ =	sdelay $0x3  }
0x93: {  	_ =	strace s0  }
0x94: {  	_ =	strace $0x8FFFFFFF  }
0x95: {  	s16 =	sld [smem:$0x3FDB];
	_ =	sdelay $0x1  }
0x96: {  	s2 =	simm.s32 $_scs_section_size  }
0x97: {  	s3 =	simm.s32 $_size__tile_overlayer_lowered;
	s4 =	simm.s32 $_tile_overlayer_lowered  }
0x98: {  	s5 =	simm.s32 $0x1BFF;
	s17 =	sshll.u32 s4, $0x1;
	s2 =	sadd.s32 s2, s16  }
0x99: {  	s18 =	simm.s32 $0x0;
	s3 =	sshll.u32 s3, $0x1;
	s4 =	sadd.s32 s17, s2  }
0x9a: {  	[timem:s18], [sflag:s5] =	dma.local [hbm:s4], s3  }
0x9b: {  	_ =	swait.ge [sflag:s5], s3  }
0x9c: {  	s3 =	ssub.s32 $0x0, s3;
	[sflag:s5] =	ssyncset.done $0x0  }
0x9d: {  	[sflag:s5] =	ssyncadd.s32 s3;
	_ =	sdelay $0x1  }
0x9e: {  	s19 =	simm.s32 $0x1B8B  }
0x9f: {  	_ =	swait.ge [sflag:s19], $0x1  }
0xa0: {  	[sflag:s19] =	ssyncset.done $0x0  }
0xa1: {  	s21 =	simm.s32 $0x1B8E;
	s20 =	sld [smem:$0x3FFE];
	[sflag:s19] =	ssyncadd.s32 $0xFFFFFFFF  }
0xa2: {  	s22 =	simm.s32 $execute0_lowered;
	[smem:$0x3FD2] =	sst s21  }
0xa3: {  	s4 =	sshll.u32 s22, $0x1;
	_ =	strace $0x8000005E;
	[dreg:$0x1] =	wrdreg $0xFFFFFFFF  }
0xa4: {  	s23 =	simm.s32 $_size_execute0_lowered;
	s4 =	sadd.s32 s2, s4;
	[dreg:$0x0] =	wrdreg $0x0  }
0xa5: {  	s5 =	sshll.u32 s23, $0x1;
	[dreg:$0x2] =	wrdreg s4  }
0xa6: {  	[dreg:$0x3] =	wrdreg s5  }
0xa7: {  	[dreg:$0x4] =	wrdreg $0xC0  }
0xa8: {  	s24 =	simm.s32 $execute1_lowered;
	_ =	task [dreg:s18], $0x5FFFF  }
0xa9: {  	s4 =	sshll.u32 s24, $0x1;
	[dreg:$0x1] =	wrdreg $0xFFFFFFFF  }
0xaa: {  	s2 =	sadd.s32 s2, s4;
	[dreg:$0x0] =	wrdreg $0x60  }
0xab: {  	[dreg:$0x2] =	wrdreg s2  }
0xac: {  	[dreg:$0x3] =	wrdreg s14  }
0xad: {  	[dreg:$0x4] =	wrdreg s20  }
0xae: {  	[dreg:$0x5] =	wrdreg $0x9  }
0xaf: {  	_ =	task.clear_ibuf [dreg:s18], $0x6FFFF;
	_ =	strace $0x9000005E  }
0xb0: {  	s25 =	simm.s32 $0x9;
	_ =	strace $0x80000060  }
0xb1: {  	_ =	swait.ge [sflag:s25], $0x1  }
0xb2: {  	[sflag:s25] =	ssyncadd.s32 $0xFFFFFFFF  }
0xb3: {  	_ =	strace $0x90000060  }
0xb4: {  	_ =	strace $0x80000061;
	[dreg:$0x1] =	wrdreg $0xFFFFFFFF  }
0xb5: {  	[dreg:$0x0] =	wrdreg $0x2030  }
0xb6: {  	[dreg:$0x2] =	wrdreg s20  }
0xb7: {  	[dreg:$0x3] =	wrdreg $0xA  }
0xb8: {  	_ =	task.clear_ibuf [dreg:s18], $0x4FFFF;
	_ =	strace $0x90000061  }
0xb9: {  	s26 =	simm.s32 $0xA;
	_ =	strace $0x80000063  }
0xba: {  	_ =	swait.ge [sflag:s26], $0x1  }
0xbb: {  	[sflag:s26] =	ssyncadd.s32 $0xFFFFFFFF  }
0xbc: {  	_ =	strace $0x90000063  }
0xbd: {  	_ =	sfence  }
0xbe: {  	s28 =	sld [smem:$0x0];
	_ =	sdelay $0x1  }
0xbf: {  	s29 =	srdreg.scid  }
0xc0: {  	s30 =	sshll.u32 s29, $0xD;
	s31 =	sshrl.u32 s29, $0x2  }
0xc1: {  	s3 =	sand.u32 $0x4000, s30;
	s2 =	sand.u32 $0x1, s29;
	s1 =	sadd.s32 s31, s28  }
0xc2: {  	s2 =	sor.u32 s3, s2;
	s1 =	sshll.u32 s1, $0x11  }
0xc3: {  	s1 =	sor.u32 s1, s2  }
0xc4: {  	s1 =	sadd.s32 $0x8F2B, s1  }
0xc5: {  	[sflag:s1] =	ssyncadd.remote.s32 $0x1  }
0xc6: {  	_ =	sfence.sel $0xFFFF  }
0xc7: {  	[dreg:$0x0] =	wrdreg $0xFFFFFFFF;
	(pc) =	sbr.abs _section_cstart, $3  }
0xc8: {  	[dreg:$0x1] =	wrdreg $0xFFFFFFFF  }
0xc9: {  	_ =	task.clear_ibuf [dreg:s18], $0x2FFFF;
	_ =	strace $0x9FFFFFFF  }
0xca: {  	(tm) =	ssettm $0x7FFFFFFF  }
0xcb: {  	_ =	shalt  }
tec
execute0_lowered:
.L_overlay_start_1:
0x0: {  	(tag) =	ssettag $0x1  }
0x1: {  	s3 =	rddreg [dreg:$0x0]  }
0x2: {  	s2 =	rddreg [dreg:$0x1]  }
0x3: {  	s4 =	rddreg [dreg:$0x2]  }
0x4: {  	s0 =	rddreg [dreg:$0x3];
	s5 =	stileid.u32;
	[bflag:$0x3] =	sbarrier.arrive $0xFFFF  }
0x5: {  	s1 =	simm.s32 $_size_execute1_lowered;
	s31 =	simm.s32 $0x2;
	p0 =	sne.s32 s5, $0x0  }
0x6: {  	s1 =	sshll.u32 s1, $0x1;
	s6 =	simm.s32 @!p0 $0x1C3F;
	s7 =	simm.s32 @!p0 $0x4060  }
0x7: {  	[timem:s7], [sflag:s6] =	dma.local @!p0 [hbm:s3], s1  }
.Ltmp0:
0x8: {  	s8 =	simm.s32 $0x0;
	s12 =	simm.s32 $0x0;
	(pc) =	sbr.rel .LBB2_1-.Ltmp0, $4  }
0x9: {  	s10 =	simm.s32 $0x0;
	s11 =	simm.s32 $0x0;
	s3 =	sshll.u32 s5, $0x7  }
0xa: {  	s5 =	simm.s32 $0x1;
	_ =	strace $0x8000005F;
	s30 =	ssub.s32 $0x2700, s3  }
0xb: {  	s4 =	sadd.s32 $0xAC6A00, s4;
	[sflag:s5] =	ssyncpa.u1 $0x0;
	s6 =	sshrl.u32 s30, $0xB  }
0xc: {  	s9 =	smov.u32 s3;
	[sflag:s31] =	ssyncpa.u1 $0x0;
	s7 =	sadd.s32 $0x2, s6  }
.LBB2_4:
0xd: {  	_ = 	snop  }
.LBB2_7:
0xe: {  	_ =	sdelay $0x3  }
0xf: {  	[tilespmem:v0+s16+$0x0 ss:$0x1] =	vst.idx.msk @p1 $0xffff, v2  }
0x10: {  	v56 =	vld.idx.msk [tilespmem:v1+s15+$0x0 ss:$0x1], $0xffff;
	s24 =	sor.u32 $0x70, s15;
	[tilespmem:v0+s17+$0x0 ss:$0x1] =	vst.idx.msk @p1 $0xffff, v4  }
0x11: {  	s25 =	sor.u32 $0x10, s15;
	[tilespmem:v0+s18+$0x0 ss:$0x1] =	vst.idx.msk @p1 $0xffff, v3;
	v57 =	vld.idx.msk [tilespmem:v1+s24+$0x0 ss:$0x1], $0xffff  }
0x12: {  	s26 =	sor.u32 $0x20, s15;
	[tilespmem:v0+s19+$0x0 ss:$0x1] =	vst.idx.msk @p1 $0xffff, v5;
	v58 =	vld.idx.msk [tilespmem:v1+s25+$0x0 ss:$0x1], $0xffff  }
0x13: {  	s28 =	sor.u32 $0x30, s15;
	[tilespmem:v0+s20+$0x0 ss:$0x1] =	vst.idx.msk @p1 $0xffff, v6;
	v59 =	vld.idx.msk [tilespmem:v1+s26+$0x0 ss:$0x1], $0xffff  }
0x14: {  	s29 =	sor.u32 $0x40, s15;
	[tilespmem:v0+s21+$0x0 ss:$0x1] =	vst.idx.msk @p1 $0xffff, v7;
	v60 =	vld.idx.msk [tilespmem:v1+s28+$0x0 ss:$0x1], $0xffff  }
0x15: {  	s30 =	sor.u32 $0x50, s15;
	v61 =	vld.idx.msk [tilespmem:v1+s29+$0x0 ss:$0x1], $0xffff;
	[tilespmem:v0+s15+$0x0 ss:$0x1] =	vst.idx.msk $0xffff, v56  }
0x16: {  	s31 =	sor.u32 $0x60, s15;
	v62 =	vld.idx.msk [tilespmem:v1+s30+$0x0 ss:$0x1], $0xffff;
	[tilespmem:v0+s24+$0x0 ss:$0x1] =	vst.idx.msk $0xffff, v57  }
0x17: {  	v63 =	vld.idx.msk [tilespmem:v1+s31+$0x0 ss:$0x1], $0xffff;
	[tilespmem:v0+s25+$0x0 ss:$0x1] =	vst.idx.msk $0xffff, v58  }
0x18: {  	[tilespmem:v0+s26+$0x0 ss:$0x1] =	vst.idx.msk $0xffff, v59  }
0x19: {  	[tilespmem:v0+s28+$0x0 ss:$0x1] =	vst.idx.msk $0xffff, v60  }
0x1a: {  	[tilespmem:v0+s29+$0x0 ss:$0x1] =	vst.idx.msk $0xffff, v61  }
0x1b: {  	[tilespmem:v0+s30+$0x0 ss:$0x1] =	vst.idx.msk $0xffff, v62  }
0x1c: {  	[tilespmem:v0+s31+$0x0 ss:$0x1] =	vst.idx.msk $0xffff, v63  }
.LBB2_8:
0x1d: {  	s15 =	sand.u32 $0x1FFFFFF, s10  }
0x1e: {  	s16 =	smulhi.u32 $0x1A36E2F, s15;
	_ =	sdelay $0x1  }
0x1f: {  	s16 =	sshrl.u32 s16, $0x6  }
0x20: {  	s16 =	smul.u32 $0x2710, s16;
	_ =	sdelay $0x1  }
0x21: {  	s15 =	ssub.s32 s15, s16  }
0x22: {  	s15 =	sshll.u32 s15, $0x4  }
0x23: {  	s15 =	sadd.s32 s4, s15  }
0x24: {  	[hbm4b:s15+s8] =	stream.linear.scatter [tilespmem:s14], [sflag:$0x2], s13, $0x38;
	[tilespmem:$0x10000] =	vst v63  }
.LBB2_9:
0x25: {  	p1 =	slt.u32 s11, $0x2  }
0x26: {  	p2 =	sgt.s32 @!p1 s12, $0x2690  }
0x27: {  	s13 =	smov.u32 s12;
	s14 =	sshra.s32 @!p1 s12, $0x1F;
	p2 =	por !p2, p1  }
0x28: {  	s12 =	sand.u32 @!p1 s14, s12;
	s13 =	simm.s32 @p2 $0x2690  }
0x29: {  	s12 =	ssub.s32 @!p1 s13, s12  }
0x2a: {  	s12 =	sadd.s32 @!p1 $0xFFFFD970, s12  }
0x2b: {  	s13 =	sshll.u32 @!p1 s12, $0x9  }
0x2c: {  	p2 =	sgt.s32 @!p1 s12, $0x7F;
	s12 =	ssub.s32 @!p1 $0x10000, s13  }
0x2d: {  	s14 =	sadd.s32 $0x800, s9;
	p2 =	por !p2, p1;
	s12 =	sshrl.u32 @!p1 s12, $0x2  }
0x2e: {  	s12 =	simm.s32 @!p2 $0x0;
	p2 =	sgt.s32 s14, $0x270F  }
0x2f: {  	s14 =	smov.u32 @p2 s3;
	p2 =	sne.s32 s11, s7  }
.Ltmp1:
0x30: {  	_ = 	snop;
	(pc) =	sbr.rel @!p2 .LBB2_10-.Ltmp1, $4  }
0x31: {  	s13 =	simm.s32 @!p1 $0x2  }
0x32: {  	_ =	swait.ge @!p1 [sflag:s13], s12;
	s15 =	ssub.s32 @!p1 $0x0, s12  }
0x33: {  	s12 =	smov.u32 s10;
	s11 =	sadd.s32 $0x1, s11;
	[sflag:s13] =	ssyncset.done @!p1 $0x0  }
0x34: {  	s10 =	smov.u32 s9;
	s9 =	smov.u32 s14;
	[sflag:s13] =	ssyncadd.s32 @!p1 s15  }
.LBB2_1:
0x35: {  	p1 =	sgt.u32 s11, s6  }
0x36: {  	s13 =	sand.u32 @!p1 $0x1FFFFFF, s9  }
0x37: {  	p2 =	sgt.s32 @!p1 s9, $0x2690;
	s14 =	smulhi.u32 @!p1 $0x1A36E2F, s13  }
0x38: {  	s15 =	smov.u32 s9;
	s16 =	sshra.s32 @!p1 s9, $0x1F;
	p2 =	por !p2, p1  }
0x39: {  	s16 =	sand.u32 @!p1 s16, s9;
	s15 =	simm.s32 @p2 $0x2690;
	s14 =	sshrl.u32 @!p1 s14, $0x6  }
0x3a: {  	s15 =	ssub.s32 @!p1 s15, s16;
	s14 =	smul.u32 @!p1 $0x2710, s14  }
0x3b: {  	s16 =	sxor.u32 @!p1 $0xFFFFFFFF, s11;
	s15 =	sadd.s32 @!p1 $0xFFFFD970, s15  }
0x3c: {  	s16 =	sshll.u32 @!p1 s16, $0xE;
	s13 =	ssub.s32 @!p1 s13, s14;
	s14 =	sshll.u32 @!p1 s15, $0x9  }
0x3d: {  	s16 =	sand.u32 @!p1 $0x4000, s16;
	p2 =	sgt.s32 @!p1 s15, $0x7F;
	s14 =	ssub.s32 @!p1 $0x10000, s14  }
0x3e: {  	p2 =	por !p2, p1;
	s13 =	sshll.u32 @!p1 s13, $0x4;
	s14 =	sshrl.u32 @!p1 s14, $0x2  }
0x3f: {  	s15 =	simm.s32 @!p1 $0x0;
	s13 =	sadd.s32 @!p1 s2, s13;
	s14 =	simm.s32 @!p2 $0x0  }
0x40: {  	[tilespmem:s16], [sflag:$0x1] =	stream.linear.gather @!p1 [hbm4b:s13+s15], s14, $0x38;
	[tilespmem:$0x10000] =	vst v63  }
0x41: {  	p1 =	seq.s32 s11, $0x0  }
0x42: {  	p2 =	sge.u32 @!p1 s11, s7  }
0x43: {  	p1 =	por p1, p2  }
.Ltmp2:
0x44: {  	_ = 	snop;
	(pc) =	sbr.rel @p1 .LBB2_9-.Ltmp2, $1  }
0x45: {  	_ =	sdelay $0x3  }
0x46: {  	p1 =	sgt.s32 s10, $0x2690;
	s13 =	smov.u32 s10;
	s14 =	sshra.s32 s10, $0x1F  }
0x47: {  	s13 =	simm.s32 @!p1 $0x2690;
	s14 =	sand.u32 s14, s10  }
0x48: {  	s13 =	ssub.s32 s13, s14  }
0x49: {  	s13 =	sadd.s32 $0xFFFFD970, s13  }
0x4a: {  	s31 =	sshll.u32 s13, $0x9  }
0x4b: {  	s14 =	ssub.s32 $0x10000, s31  }
0x4c: {  	p1 =	sgt.s32 s13, $0x7F;
	s13 =	sshrl.u32 s14, $0x2;
	s14 =	sadd.s32 $0x80, s10  }
0x4d: {  	s13 =	simm.s32 @p1 $0x0;
	p1 =	slt.s32 s14, $0x2710  }
0x4e: {  	s14 =	simm.s32 @!p1 $0x2710  }
0x4f: {  	s16 =	ssub.s32 s14, s10  }
0x50: {  	p1 =	slt.s32 s16, $0x1  }
.Ltmp3:
0x51: {  	_ = 	snop;
	(pc) =	sbr.rel @p1 .LBB2_8-.Ltmp3, $4  }
0x52: {  	_ = 	snop  }
0x53: {  	s15 =	sshll.u32 s11, $0xE;
	_ =	swait.ge [sflag:s5], s13  }
0x54: {  	s15 =	sand.u32 $0x4000, s15;
	s17 =	ssub.s32 $0x0, s13;
	[sflag:s5] =	ssyncset.done $0x0  }
0x55: {  	s14 =	sor.u32 $0x8000, s15;
	[sflag:s5] =	ssyncadd.s32 s17  }
0x56: {  	p2 =	sne.s32 s16, $0x1  }
.Ltmp4:
0x57: {  	v1 =	vmov s15;
	v0 =	vmov s14;
	(pc) =	sbr.rel @!p2 .LBB2_4-.Ltmp4, $3  }
0x58: {  	_ =	sdelay $0x1  }
0x59: {  	s17 =	simm.s32 $0x0  }
0x5a: {  	s23 =	sadd.s32 $0xFFFFFFFF, s16;
	p1 =	por $0x0, $0x0;
	s15 =	sand.u32 $0x3F80, s17  }
0x5b: {  	_ =	sdelay $0x3  }
0x5c: {  	v6 =	vld.idx.msk [tilespmem:v1+s15+$0x0 ss:$0x1], $0xffff;
	s24 =	sor.u32 $0x70, s15  }
0x5d: {  	s16 =	sor.u32 $0x10, s15;
	v8 =	vld.idx.msk [tilespmem:v1+s24+$0x0 ss:$0x1], $0xffff  }
0x5e: {  	s17 =	sor.u32 $0x20, s15;
	p2 =	sne.s32 s23, $0x1;
	v2 =	vld.idx.msk [tilespmem:v1+s16+$0x0 ss:$0x1], $0xffff  }
.Ltmp5:
0x5f: {  	s18 =	sor.u32 $0x30, s15;
	v4 =	vld.idx.msk [tilespmem:v1+s17+$0x0 ss:$0x1], $0xffff;
	(pc) =	sbr.rel @!p2 .LBB2_7-.Ltmp5, $4  }
0x60: {  	s19 =	sor.u32 $0x40, s15;
	v3 =	vld.idx.msk [tilespmem:v1+s18+$0x0 ss:$0x1], $0xffff  }
0x61: {  	s21 =	sor.u32 $0x60, s15;
	v5 =	vld.idx.msk [tilespmem:v1+s19+$0x0 ss:$0x1], $0xffff  }
0x62: {  	s20 =	sor.u32 $0x50, s15;
	s22 =	simm.s32 $0x80;
	v7 =	vld.idx.msk [tilespmem:v1+s21+$0x0 ss:$0x1], $0xffff;
	[tilespmem:v0+s15+$0x0 ss:$0x1] =	vst.idx.msk $0xffff, v6  }
0x63: {  	s23 =	sadd.s32 $0xFFFFFFFF, s23;
	p1 =	por $0x1, $0x1;
	v6 =	vld.idx.msk [tilespmem:v1+s20+$0x0 ss:$0x1], $0xffff;
	s15 =	sand.u32 $0x3F80, s22;
	[tilespmem:v0+s24+$0x0 ss:$0x1] =	vst.idx.msk $0xffff, v8  }
.LBB2_6:
0x64: {  	p2 =	sne.s32 s23, $0x1;
	v8 =	vld.idx.msk [tilespmem:v1+s15+$0x0 ss:$0x1], $0xffff;
	s24 =	sor.u32 $0x70, s15;
	[tilespmem:v0+s16+$0x0 ss:$0x1] =	vst.idx.msk $0xffff, v2;
	s16 =	sor.u32 $0x10, s15  }
0x65: {  	s25 =	sor.u32 $0x30, s15;
	s26 =	sor.u32 $0x40, s15;
	v9 =	vld.idx.msk [tilespmem:v1+s24+$0x0 ss:$0x1], $0xffff;
	[tilespmem:v0+s17+$0x0 ss:$0x1] =	vst.idx.msk $0xffff, v4;
	s17 =	sor.u32 $0x20, s15  }
0x66: {  	s28 =	sor.u32 $0x50, s15;
	s29 =	sor.u32 $0x60, s15;
	v2 =	vld.idx.msk [tilespmem:v1+s16+$0x0 ss:$0x1], $0xffff;
	[tilespmem:v0+s18+$0x0 ss:$0x1] =	vst.idx.msk $0xffff, v3;
	s18 =	smov.u32 s25  }
.Ltmp6:
0x67: {  	v4 =	vld.idx.msk [tilespmem:v1+s17+$0x0 ss:$0x1], $0xffff;
	[tilespmem:v0+s19+$0x0 ss:$0x1] =	vst.idx.msk $0xffff, v5;
	s19 =	smov.u32 s26;
	(pc) =	sbr.rel @p2 .LBB2_6-.Ltmp6, $4  }
0x68: {  	v3 =	vld.idx.msk [tilespmem:v1+s18+$0x0 ss:$0x1], $0xffff;
	[tilespmem:v0+s20+$0x0 ss:$0x1] =	vst.idx.msk $0xffff, v6;
	s20 =	smov.u32 s28  }
0x69: {  	v5 =	vld.idx.msk [tilespmem:v1+s19+$0x0 ss:$0x1], $0xffff;
	[tilespmem:v0+s21+$0x0 ss:$0x1] =	vst.idx.msk $0xffff, v7;
	s21 =	smov.u32 s29  }
0x6a: {  	s22 =	sadd.s32 $0x80, s22;
	[tilespmem:v0+s15+$0x0 ss:$0x1] =	vst.idx.msk $0xffff, v8;
	v6 =	vld.idx.msk [tilespmem:v1+s20+$0x0 ss:$0x1], $0xffff  }
0x6b: {  	s23 =	sadd.s32 $0xFFFFFFFF, s23;
	s15 =	sand.u32 $0x3F80, s22;
	v7 =	vld.idx.msk [tilespmem:v1+s21+$0x0 ss:$0x1], $0xffff;
	[tilespmem:v0+s24+$0x0 ss:$0x1] =	vst.idx.msk $0xffff, v9  }
.Ltmp7:
0x6c: {  	_ = 	snop;
	(pc) =	sbr.rel .LBB2_7-.Ltmp7, $1  }
0x6d: {  	_ =	sdelay $0x3  }
.LBB2_10:
0x6e: {  	_ =	sfence.sel $0x180000  }
0x6f: {  	s2 =	simm.s32 $0x1;
	[bflag:$0x0] =	sbarrier.arrive $0xFFFF  }
0x70: {  	s31 =	simm.s32 $0x2;
	[sflag:s2] =	ssyncpa.u1 $0x1  }
0x71: {  	[sflag:s31] =	ssyncpa.u1 $0x1  }
0x72: {  	_ =	strace $0x9000005F  }
0x73: {  	s0 =	sadd.s32 @!p0 $0x100000, s0;
	[bflag:$0x2] =	sbarrier.arrive $0xFFFF  }
0x74: {  	[sflag:s0] =	ssyncadd.tile.s32 @!p0 $0x1;
	s0 =	simm.s32 @!p0 $0x3F  }
0x75: {  	_ =	swait.ge @!p0 [sflag:s0], s1  }
0x76: {  	s1 =	ssub.s32 @!p0 $0x0, s1;
	[sflag:s0] =	ssyncset.done @!p0 $0x0  }
0x77: {  	[sflag:s0] =	ssyncadd.s32 @!p0 s1  }
0x78: {  	[bflag:$0x3] =	sbarrier.arrive $0xFFFF  }
0x79: {  	_ =	shalt  }
.Lfunc_end2:
execute1_lowered:
.L_overlay_start_2:
0x7a: {  	(tag) =	ssettag $0x2  }
0x7b: {  	s0 =	rddreg [dreg:$0x0];
	_ =	strace $0x80000062;
	s1 =	simm.s32 $0x1  }
0x7c: {  	s8 =	simm.s32 $0x108;
	v0 =	vimm.s32 $0x0;
	[sflag:s1] =	ssyncpa.u1 $0x0  }
0x7d: {  	[tilespmem:s8+$0x70] =	vst v0  }
0x7e: {  	[tilespmem:s8+$0x60] =	vst v0  }
0x7f: {  	[tilespmem:s8+$0x50] =	vst v0  }
0x80: {  	[tilespmem:s8+$0x40] =	vst v0  }
0x81: {  	[tilespmem:s8+$0x30] =	vst v0  }
0x82: {  	s2 =	simm.s32 $0x40;
	s1 =	sadd.s32 $0xAC6A00, s0;
	[tilespmem:s8+$0x20] =	vst v0  }
0x83: {  	s3 =	sadd.s32 $0x51E00, s0;
	s4 =	sadd.s32 $0x66200, s0;
	s5 =	sadd.s32 $0x5C000, s0;
	[tilespmem:s8+$0x10] =	vst v0  }
.LBB3_1:
0x84: {  	s2 =	sadd.s32 $0x40, s2;
	[tilespmem:s8+$0x0] =	vst v0;
	s8 =	sadd.s32 $0x80, s8  }
0x85: {  	p0 =	slt.u32 s2, $0x3C40;
	[tilespmem:s8+$0x70] =	vst v0  }
0x86: {  	[tilespmem:s8+$0x60] =	vst v0  }
.Ltmp8:
0x87: {  	[tilespmem:s8+$0x50] =	vst v0;
	(pc) =	sbr.rel @p0 .LBB3_1-.Ltmp8, $4  }
0x88: {  	[tilespmem:s8+$0x40] =	vst v0  }
0x89: {  	[tilespmem:s8+$0x30] =	vst v0  }
0x8a: {  	[tilespmem:s8+$0x20] =	vst v0  }
0x8b: {  	[tilespmem:s8+$0x10] =	vst v0  }
0x8c: {  	s13 =	stileid.u32  }
0x8d: {  	s0 =	simm.s32 $0x4FB0;
	s6 =	smul.u32 $0x50A0, s13;
	p0 =	seq.s32 s13, $0xF  }
0x8e: {  	s0 =	simm.s32 @!p0 $0x50A0  }
0x8f: {  	s0 =	sadd.s32 s6, s0  }
0x90: {  	s7 =	smin.u32 s0, $0x50910  }
0x91: {  	s0 =	ssub.s32 s7, s6  }
0x92: {  	p0 =	sgt.s32 s0, $0x0  }
0x93: {  	s0 =	simm.s32 @!p0 $0x0  }
0x94: {  	s2 =	simm.s32 $0x2;
	s9 =	simm.s32 $0x7;
	s31 =	smulhi.u32 $0x1111112, s0  }
0x95: {  	s10 =	simm.s32 $0x8;
	s19 =	simm.s32 $0x0;
	s15 =	simm.s32 $0xA  }
0x96: {  	s17 =	simm.s32 $0x0;
	s18 =	simm.s32 $0x0;
	s11 =	smul.u32 $0xF0, s31  }
.Ltmp9:
0x97: {  	[tilespmem:s8+$0x0] =	vst v0;
	v0 =	vimm.s32 $0xFFFFFFFF;
	[sflag:s2] =	ssyncpa.u1 $0x0;
	s13 =	sshll.u32 s13, $0x8;
	(pc) =	sbr.rel .LBB3_3-.Ltmp9, $4  }
0x98: {  	[tilespmem:$0xF208] =	vst v0;
	[sflag:s9] =	ssyncpa.u1 $0x0;
	p0 =	sne.s32 s0, s11;
	s0 =	simm.s32 $0x1  }
0x99: {  	[sflag:s10] =	ssyncpa.u1 $0x0;
	s10 =	simm.s32 $0x9;
	s0 =	simm.s32 @!p0 $0x0  }
0x9a: {  	s16 =	smov.u32 s6;
	[sflag:s10] =	ssyncpa.u1 $0x0;
	s12 =	sadd.s32 s0, s31  }
0x9b: {  	v0 =	vlaneseq.u32;
	s11 =	simm.s32 $0x1;
	p0 =	por $0x0, $0x0;
	s14 =	sadd.s32 $0x1, s12  }
.LBB3_18:
0x9c: {  	s0 =	sshrl.u32 s28, $0x2  }
.LBB3_20:
0x9d: {  	_ =	swait.ge [sflag:s15], s0  }
0x9e: {  	s31 =	ssub.s32 $0x0, s0;
	v1 =	vmov s21;
	vm0 =	veq.s32 v0, $0x0;
	[sflag:s15] =	ssyncset.done $0x0  }
0x9f: {  	vm15 =	veq.s32 v0, $0x2;
	v1 =	vsel vm0, s26, v1;
	[sflag:s15] =	ssyncadd.s32 s31  }
0xa0: {  	v1 =	vsel vm15, s19, v1;
	[sflag:s15] =	ssyncpa.u1 $0x1  }
0xa1: {  	[tilespmem:$0xF208] =	vst v1  }
.LBB3_21:
0xa2: {  	s0 =	sadd.s32 $0xF0, s16  }
0xa3: {  	s2 =	smov.u32 s6;
	p1 =	slt.s32 s0, s7  }
0xa4: {  	s2 =	smov.u32 @p1 s0;
	p1 =	sne.s32 s18, s14  }
.Ltmp10:
0xa5: {  	_ = 	snop;
	(pc) =	sbr.rel @!p1 .LBB3_22-.Ltmp10, $3  }
0xa6: {  	_ =	sdelay $0x1  }
0xa7: {  	s19 =	smov.u32 s17;
	s31 =	sadd.s32 $0x1, s18;
	s17 =	smov.u32 s16  }
0xa8: {  	p0 =	por !p0, !p0;
	s18 =	smov.u32 s31;
	s16 =	smov.u32 s2  }
.LBB3_3:
0xa9: {  	p1 =	sge.u32 s18, s12  }
0xaa: {  	s0 =	smulhi.u32 @!p1 $0xAAAAAAAB, s18  }
0xab: {  	s2 =	smov.u32 s16;
	p2 =	sgt.s32 @!p1 s16, $0x50820  }
0xac: {  	s20 =	sshra.s32 @!p1 s16, $0x1F;
	p2 =	por !p2, p1;
	s0 =	sshrl.u32 @!p1 s0, $0x1  }
0xad: {  	s20 =	sand.u32 @!p1 s20, s16;
	s2 =	simm.s32 @p2 $0x50820;
	s0 =	smul.u32 @!p1 $0x3, s0  }
0xae: {  	s2 =	ssub.s32 @!p1 s2, s20  }
0xaf: {  	s2 =	sadd.s32 @!p1 $0xFFFAF7E0, s2;
	s0 =	ssub.s32 @!p1 s18, s0  }
0xb0: {  	s20 =	sshll.u32 @!p1 s2, $0x2;
	p2 =	sgt.s32 @!p1 s2, $0xEF;
	s0 =	smul.u32 @!p1 $0x3C0, s0  }
0xb1: {  	s21 =	sand.u32 @!p1 $0x7, s16;
	s2 =	ssub.s32 @!p1 $0x3C0, s20;
	p2 =	por !p2, p1  }
0xb2: {  	s20 =	sshrl.u32 @!p1 s16, $0x3;
	s2 =	sshrl.u32 @!p1 s2, $0x2;
	s0 =	sshrl.u32 @!p1 s0, $0x2  }
0xb3: {  	s20 =	sadd.s32 @!p1 s5, s20;
	s2 =	simm.s32 @!p2 $0x0;
	s0 =	sadd.s32 @!p1 $0x10238, s0  }
0xb4: {  	[tilespmem:s0], [sflag:$0x8] =	stream.linear.gather @!p1 [hbm4b:s20+s21], s2, $0x38;
	[tilespmem:$0x1F6E8] =	vst v63  }
0xb5: {  	s0 =	sadd.s32 $0xFFFFFFFF, s18  }
0xb6: {  	p1 =	sge.u32 s0, s12  }
0xb7: {  	p2 =	sgt.s32 @!p1 s17, $0x50820  }
0xb8: {  	s2 =	smov.u32 s17;
	s20 =	sshra.s32 @!p1 s17, $0x1F;
	p2 =	por !p2, p1  }
0xb9: {  	s20 =	sand.u32 @!p1 s20, s17;
	s2 =	simm.s32 @p2 $0x50820  }
0xba: {  	s2 =	ssub.s32 @!p1 s2, s20  }
0xbb: {  	s2 =	sadd.s32 @!p1 $0xFFFAF7E0, s2  }
0xbc: {  	s21 =	smulhi.u32 @!p1 $0xAAAAAAAB, s0;
	s22 =	sand.u32 @!p1 $0x1, s0;
	s20 =	sshll.u32 @!p1 s2, $0x2  }
0xbd: {  	s24 =	smul.u32 @!p1 $0x3C0, s22;
	p2 =	sgt.s32 @!p1 s2, $0xEF;
	s2 =	ssub.s32 @!p1 $0x3C0, s20  }
0xbe: {  	p2 =	por !p2, p1;
	s20 =	sshrl.u32 @!p1 s21, $0x1;
	s2 =	sshrl.u32 @!p1 s2, $0x2  }
0xbf: {  	s21 =	simm.s32 @!p1 $0x8;
	s20 =	smul.u32 @!p1 $0x3, s20;
	s2 =	simm.s32 @!p2 $0x0  }
0xc0: {  	s22 =	smul.u32 @!p1 $0x1E000, s22;
	_ =	swait.ge @!p1 [sflag:s21], s2;
	s23 =	ssub.s32 @!p1 $0x0, s2  }
0xc1: {  	s0 =	ssub.s32 @!p1 s0, s20;
	s20 =	sshrl.u32 @!p1 s17, $0x3;
	[sflag:s21] =	ssyncset.done @!p1 $0x0  }
0xc2: {  	s20 =	sadd.s32 @!p1 s3, s20;
	[sflag:s21] =	ssyncadd.s32 @!p1 s23;
	s21 =	sshrl.u32 @!p1 s24, $0x2  }
0xc3: {  	s0 =	smul.u32 @!p1 $0x3C0, s0;
	s23 =	sand.u32 @!p1 $0x7, s17;
	s21 =	sor.u32 @!p1 $0x10508, s21  }
0xc4: {  	[tilespmem:s21], [sflag:$0x9] =	stream.linear.gather @!p1 [hbm4b:s20+s23], s2, $0x38;
	[tilespmem:$0x1F6E8] =	vst v63  }
0xc5: {  	s0 =	sshrl.u32 @!p1 s0, $0x2;
	s2 =	sshrl.u32 @!p1 s22, $0x2  }
0xc6: {  	s0 =	sadd.s32 @!p1 $0x10238, s0;
	s20 =	simm.s32 @!p1 $0xF0;
	s2 =	sor.u32 @!p1 $0x106E8, s2  }
0xc7: {  	[tilespmem:s2], [sflag:$0x7] =	stream.indirect.gather @!p1 [hbm4b:s4+s20], $0x80, s0, s20, $0xb8;
	[tilespmem:$0x1F6E8] =	vst v63  }
0xc8: {  	p1 =	slt.u32 s18, $0x2  }
.Ltmp11:
0xc9: {  	_ = 	snop;
	(pc) =	sbr.rel @p1 .LBB3_21-.Ltmp11, $1  }
0xca: {  	_ =	sdelay $0x3  }
0xcb: {  	p1 =	sgt.s32 s19, $0x50820;
	s0 =	smov.u32 s19;
	s2 =	sshra.s32 s19, $0x1F  }
0xcc: {  	s0 =	simm.s32 @!p1 $0x50820;
	s2 =	sand.u32 s2, s19  }
0xcd: {  	s0 =	ssub.s32 s0, s2  }
0xce: {  	s0 =	sadd.s32 $0xFFFAF7E0, s0  }
0xcf: {  	s30 =	sshll.u32 s0, $0x2  }
0xd0: {  	_ =	swait.ge [sflag:s9], $0x7800;
	s2 =	ssub.s32 $0x3C0, s30  }
0xd1: {  	[sflag:s9] =	ssyncset.done $0x0;
	p1 =	sgt.s32 s0, $0xEF;
	s0 =	sshrl.u32 s2, $0x2  }
0xd2: {  	[sflag:s9] =	ssyncadd.s32 $0xFFFF8800;
	s0 =	simm.s32 @p1 $0x0  }
0xd3: {  	_ =	swait.ge [sflag:s10], s0  }
0xd4: {  	s0 =	ssub.s32 $0x0, s0;
	[sflag:s10] =	ssyncset.done $0x0  }
0xd5: {  	[sflag:s10] =	ssyncadd.s32 s0  }
0xd6: {  	v1 =	vld [tilespmem:$0xF208];
	_ =	sdelay $0x4  }
0xd7: {  	(v2sf) =	vpush v1, $0x0  }
0xd8: {  	(v2sf) =	vpush v1, $0x1  }
0xd9: {  	(v2sf) =	vpush v1, $0x2;
	_ =	sdelay $0x3  }
0xda: {  	s0 =	sadd.s32 $0xF0, s19  }
0xdb: {  	s2 =	ssub.s32 $0x50910, s19;
	p1 =	slt.s32 s7, s0  }
0xdc: {  	s0 =	smov.u32 @p1 s7;
	p1 =	sgt.s32 s2, $0x0  }
0xdd: {  	s23 =	ssub.s32 s0, s19;
	s2 =	simm.s32 @!p1 $0x0  }
0xde: {  	p1 =	slt.s32 s2, s23  }
0xdf: {  	s23 =	smov.u32 @p1 s2  }
0xe0: {  	s22 =	simm.s32 $0x1;
	p1 =	slt.s32 s23, $0x1  }
.Ltmp12:
0xe1: {  	s22 =	simm.s32 @!p0 $0x0;
	(pc) =	sbr.rel @p1 .LBB3_8-.Ltmp12, $4  }
0xe2: {  	s31 =	smul.u32 $0x3C0, s22  }
0xe3: {  	s24 =	spop (v2sf)  }
0xe4: {  	s0 =	sshrl.u32 s31, $0x2;
	s26 =	spop (v2sf)  }
0xe5: {  	s20 =	sor.u32 $0x10508, s0;
	s19 =	spop (v2sf)  }
0xe6: {  	s0 =	smin.u32 s23, $0x10  }
0xe7: {  	v1 =	vmov s0  }
0xe8: {  	p2 =	sgt.s32 s23, $0x10;
	vm1 =	vgt.u32 v1, v0  }
.Ltmp13:
0xe9: {  	_ = 	snop;
	(pc) =	sbr.rel @!p2 .LBB3_7-.Ltmp13, $2  }
0xea: {  	_ =	sdelay $0x2  }
0xeb: {  	s25 =	simm.s32 $0x10;
	s28 =	sadd.s32 $0xFFFFFFF0, s23;
	s21 =	smov.u32 s20;
	vm0 =	vmmov vm1  }
.LBB3_6:
0xec: {  	s0 =	smin.u32 s28, $0x10;
	s25 =	sadd.s32 $0x10, s25;
	v1 =	vld.msk [tilespmem:s21+$0x0 ss:$0x1], vm1  }
0xed: {  	v2 =	vmov s0;
	p2 =	slt.s32 s25, s23  }
0xee: {  	vm1 =	vgt.u32 v2, v0  }
.Ltmp14:
0xef: {  	(pc) =	sbr.rel @p2 .LBB3_6-.Ltmp14, $3  }
0xf0: {  	_ =	sdelay $0x1  }
0xf1: {  	v1 =	vshll.u32 v1, $0x4  }
0xf2: {  	s28 =	sadd.s32 $0xFFFFFFF0, s28;
	[tilespmem:s21+$0x0] =	vst.msk vm0, v1;
	s21 =	sadd.s32 $0x10, s21;
	vm0 =	vmmov vm1  }
.LBB3_7:
0xf3: {  	_ =	sdelay $0x4  }
0xf4: {  	v1 =	vld.msk [tilespmem:s21+$0x0 ss:$0x1], vm1;
	_ =	sdelay $0x4  }
0xf5: {  	v1 =	vshll.u32 v1, $0x4  }
0xf6: {  	[tilespmem:s21+$0x0] =	vst.msk vm0, v1  }
.LBB3_8:
0xf7: {  	s0 =	sand.u32 $0x1, s18  }
0xf8: {  	s0 =	smul.u32 $0xF0, s0  }
0xf9: {  	p2 =	sne.s32 s26, $0xFFFFFFFF  }
0xfa: {  	v1 =	vld.msk @!p2 [tilespmem:s0+$0x10508], $0x1;
	_ =	sdelay $0x4  }
0xfb: {  	(v2sf) =	vpush @!p2 v1, $0x0;
	_ =	sdelay $0xc  }
.Ltmp15:
0xfc: {  	_ = 	snop;
	(pc) =	sbr.rel @p1 .LBB3_19-.Ltmp15, $4  }
0xfd: {  	_ = 	snop  }
0xfe: {  	s25 =	spop @!p2 (v2sf)  }
0xff: {  	s19 =	simm.s32 @!p2 $0x0;
	s21 =	smov.u32 s25  }
0x100: {  	[sflag:s15] =	ssyncpa.u1 $0x0;
	s25 =	smov.u32 @p2 s24;
	s21 =	smov.u32 @p2 s26  }
0x101: {  	v1 =	vld.msk [tilespmem:s20+$0x0], $0x1;
	_ =	sdelay $0x4  }
0x102: {  	(v2sf) =	vpush v1, $0x0;
	_ =	sdelay $0xe  }
0x103: {  	s0 =	smul.u32 $0x1E000, s22;
	s29 =	spop (v2sf)  }
0x104: {  	s23 =	ssub.s32 $0x0, s23;
	p1 =	seq.s32 s25, s29  }
0x105: {  	s26 =	sadd.s32 $0x1, s23;
	s0 =	sshrl.u32 s0, $0x2;
	p2 =	sgt.s32 @!p1 s25, $0x0  }
0x106: {  	s22 =	sor.u32 $0x10728, s0;
	s0 =	smov.u32 s25;
	p2 =	por !p2, p1  }
0x107: {  	s0 =	simm.s32 @p2 $0x0;
	p2 =	seq.s32 s26, $0x0  }
.Ltmp16:
0x108: {  	_ = 	snop;
	(pc) =	sbr.rel @p2 .LBB3_11-.Ltmp16, $4  }
0x109: {  	_ = 	snop  }
0x10a: {  	s24 =	simm.s32 $0x0;
	s28 =	sadd.s32 $0x1, s20;
	s0 =	smin.u32 @!p1 s0, $0x270F0  }
0x10b: {  	s30 =	simm.s32 @!p1 $0x1;
	s31 =	simm.s32 @!p1 $0x7988;
	s2 =	sand.u32 @!p1 $0x3FFF8, s0  }
0x10c: {  	s30 =	smov.u32 @p1 s24;
	s0 =	sand.u32 @!p1 $0x7, s0;
	s2 =	sadd.s32 @!p1 s1, s2  }
.LBB3_10:
0x10d: {  	s8 =	smov.u32 s30  }
0x10e: {  	[tilespmem:s31], [sflag:$0x2] =	stream.linear.gather @!p1 [hbm4b:s2+s0], $0x80, $0x38;
	[tilespmem:$0x1F6E8] =	vst v63  }
0x10f: {  	s26 =	sadd.s32 $0x1, s26;
	s0 =	smov.u32 s29;
	v1 =	vld.msk [tilespmem:s28+$0x0], $0x1  }
0x110: {  	p2 =	seq.s32 s26, $0x0;
	_ =	sdelay $0x3  }
0x111: {  	(v2sf) =	vpush v1, $0x0;
	_ =	sdelay $0xe  }
0x112: {  	s29 =	spop (v2sf)  }
0x113: {  	p1 =	seq.s32 s0, s29  }
0x114: {  	p3 =	sgt.s32 @!p1 s0, $0x0;
	s2 =	sshll.u32 @!p1 s30, $0x9;
	s30 =	sadd.s32 @!p1 $0x1, s30  }
.Ltmp17:
0x115: {  	p3 =	por !p3, p1;
	s2 =	sshra.s32 @!p1 s2, $0x2;
	(pc) =	sbr.rel @!p2 .LBB3_10-.Ltmp17, $4  }
0x116: {  	s30 =	smov.u32 @p1 s8;
	s0 =	simm.s32 @p3 $0x0;
	s31 =	sadd.s32 @!p1 $0x7988, s2  }
0x117: {  	s0 =	smin.u32 @!p1 s0, $0x270F0  }
0x118: {  	s2 =	sand.u32 @!p1 $0x3FFF8, s0;
	s0 =	sand.u32 @!p1 $0x7, s0  }
0x119: {  	s28 =	sadd.s32 $0x1, s28;
	s2 =	sadd.s32 @!p1 s1, s2  }
.LBB3_11:
0x11a: {  	[tilespmem:s31], [sflag:$0x2] =	stream.linear.gather @!p1 [hbm4b:s2+s0], $0x80, $0x38;
	[tilespmem:$0x1F6E8] =	vst v63  }
.Ltmp18:
0x11b: {  	s30 =	sshll.u32 s30, $0x7;
	(pc) =	sbr.rel .LBB3_12-.Ltmp18, $4  }
0x11c: {  	s31 =	simm.s32 $0x2;
	s0 =	sand.u32 $0x3FFFFF80, s30  }
0x11d: {  	_ =	swait.ge [sflag:s31], s0  }
0x11e: {  	s0 =	ssub.s32 $0x0, s0;
	[sflag:s31] =	ssyncset.done $0x0  }
0x11f: {  	s28 =	simm.s32 $0x0;
	[sflag:s31] =	ssyncadd.s32 s0  }
.LBB3_13:
0x120: {  	v1 =	vld [tilespmem:s22+$0xFFFFFFC0];
	_ =	sdelay $0x3  }
0x121: {  	s0 =	sshra.s32 s0, $0x2  }
0x122: {  	[tilespmem:s0+$0x108] =	vst.add.f32.msk $0xffff, v1  }
0x123: {  	v1 =	vld [tilespmem:s22+$0xFFFFFFD0];
	_ =	sdelay $0x4  }
0x124: {  	[tilespmem:s0+$0x118] =	vst.add.f32.msk $0xffff, v1  }
0x125: {  	v1 =	vld [tilespmem:s22+$0xFFFFFFE0];
	_ =	sdelay $0x4  }
0x126: {  	[tilespmem:s0+$0x128] =	vst.add.f32.msk $0xffff, v1  }
0x127: {  	v1 =	vld [tilespmem:s22+$0xFFFFFFF0];
	_ =	sdelay $0x4  }
0x128: {  	[tilespmem:s0+$0x138] =	vst.add.f32.msk $0xffff, v1  }
0x129: {  	v1 =	vld [tilespmem:s22+$0x0];
	_ =	sdelay $0x4  }
0x12a: {  	[tilespmem:s0+$0x148] =	vst.add.f32.msk $0xffff, v1  }
0x12b: {  	v1 =	vld [tilespmem:s22+$0x10];
	_ =	sdelay $0x4  }
0x12c: {  	[tilespmem:s0+$0x158] =	vst.add.f32.msk $0xffff, v1  }
0x12d: {  	v1 =	vld [tilespmem:s22+$0x20];
	_ =	sdelay $0x4  }
0x12e: {  	[tilespmem:s0+$0x168] =	vst.add.f32.msk $0xffff, v1  }
0x12f: {  	v1 =	vld [tilespmem:s22+$0x30];
	_ =	sdelay $0x4  }
0x130: {  	[tilespmem:s0+$0x178] =	vst.add.f32.msk $0xffff, v1  }
.LBB3_17:
0x131: {  	s23 =	sadd.s32 $0x1, s23  }
0x132: {  	p1 =	seq.s32 s23, $0x0  }
.Ltmp19:
0x133: {  	_ = 	snop;
	(pc) =	sbr.rel @p1 .LBB3_18-.Ltmp19, $2  }
0x134: {  	_ =	sdelay $0x2  }
0x135: {  	s20 =	sadd.s32 $0x1, s20;
	s22 =	sadd.s32 $0x80, s22;
	s25 =	smov.u32 s26  }
.LBB3_12:
0x136: {  	v1 =	vld.msk [tilespmem:s20+$0x0], $0x1;
	_ =	sdelay $0x4  }
0x137: {  	(v2sf) =	vpush v1, $0x0;
	_ =	sdelay $0xe  }
0x138: {  	s26 =	spop (v2sf)  }
0x139: {  	p1 =	sne.s32 s25, s26  }
.Ltmp20:
0x13a: {  	_ = 	snop;
	(pc) =	sbr.rel @!p1 .LBB3_13-.Ltmp20, $2  }
0x13b: {  	_ =	sdelay $0x2  }
0x13c: {  	s0 =	sshll.u32 s19, $0x9  }
0x13d: {  	p1 =	seq.s32 s25, s21  }
.Ltmp21:
0x13e: {  	_ = 	snop;
	(pc) =	sbr.rel @!p1 .LBB3_15-.Ltmp21, $1  }
0x13f: {  	_ =	sdelay $0x3  }
0x140: {  	s0 =	sshra.s32 s0, $0x2  }
.Ltmp22:
0x141: {  	s0 =	sadd.s32 $0x108, s0;
	(pc) =	sbr.rel .LBB3_16-.Ltmp22, $4  }
0x142: {  	[spmem:s13] =	stream.linear.scatter [tilespmem:s0], [sflag:$0x1], $0x80, $0x38;
	[tilespmem:$0x1F6E8] =	vst v63  }
0x143: {  	_ =	swait.ge [sflag:s11], $0x80  }
0x144: {  	[sflag:s11] =	ssyncset.done $0x0  }
0x145: {  	[sflag:s11] =	ssyncadd.s32 $0xFFFFFF80  }
.LBB3_15:
0x146: {  	s2 =	sshll.u32 s24, $0x9  }
0x147: {  	s2 =	sshra.s32 s2, $0x2  }
0x148: {  	v1 =	vld [tilespmem:s2+$0x7988];
	_ =	sdelay $0x3  }
0x149: {  	s0 =	sshra.s32 s0, $0x2  }
0x14a: {  	[tilespmem:s0+$0x108] =	vst.add.f32.msk $0xffff, v1  }
0x14b: {  	v1 =	vld [tilespmem:s2+$0x7998];
	_ =	sdelay $0x4  }
0x14c: {  	[tilespmem:s0+$0x118] =	vst.add.f32.msk $0xffff, v1  }
0x14d: {  	v1 =	vld [tilespmem:s2+$0x79A8];
	_ =	sdelay $0x4  }
0x14e: {  	[tilespmem:s0+$0x128] =	vst.add.f32.msk $0xffff, v1  }
0x14f: {  	v1 =	vld [tilespmem:s2+$0x79B8];
	_ =	sdelay $0x4  }
0x150: {  	[tilespmem:s0+$0x138] =	vst.add.f32.msk $0xffff, v1  }
0x151: {  	v1 =	vld [tilespmem:s2+$0x79C8];
	_ =	sdelay $0x4  }
0x152: {  	[tilespmem:s0+$0x148] =	vst.add.f32.msk $0xffff, v1  }
0x153: {  	v1 =	vld [tilespmem:s2+$0x79D8];
	_ =	sdelay $0x4  }
0x154: {  	[tilespmem:s0+$0x158] =	vst.add.f32.msk $0xffff, v1  }
0x155: {  	v1 =	vld [tilespmem:s2+$0x79E8];
	_ =	sdelay $0x4  }
0x156: {  	[tilespmem:s0+$0x168] =	vst.add.f32.msk $0xffff, v1  }
0x157: {  	v1 =	vld [tilespmem:s2+$0x79F8];
	_ =	sdelay $0x2  }
0x158: {  	p1 =	sgt.u32 s25, $0x270F0  }
0x159: {  	s2 =	sand.u32 @!p1 $0x3FFF8, s25  }
0x15a: {  	s8 =	sadd.s32 $0x108, s0;
	[tilespmem:s0+$0x178] =	vst.add.f32.msk $0xffff, v1;
	s0 =	sadd.s32 @!p1 s1, s2;
	s2 =	sand.u32 @!p1 $0x7, s25  }
0x15b: {  	[hbm4b:s0+s2] =	stream.linear.scatter @!p1 [tilespmem:s8], [sflag:$0xA], $0x80, $0x38;
	[tilespmem:$0x1F6E8] =	vst v63  }
0x15c: {  	s0 =	simm.s32 $0x0  }
0x15d: {  	s0 =	simm.s32 @!p1 $0x200  }
0x15e: {  	s28 =	sadd.s32 s0, s28  }
.LBB3_16:
0x15f: {  	s0 =	sadd.s32 $0x1, s19  }
0x160: {  	s2 =	smulhi.u32 $0x88888889, s0;
	_ =	sdelay $0x1  }
0x161: {  	v1 =	vld [tilespmem:s22+$0xFFFFFFC0];
	s2 =	sshrl.u32 s2, $0x7  }
0x162: {  	s2 =	smul.u32 $0xF0, s2;
	_ =	sdelay $0x1  }
0x163: {  	s19 =	ssub.s32 s0, s2  }
0x164: {  	s0 =	sshll.u32 s19, $0x7  }
0x165: {  	[tilespmem:s0+$0x108] =	vst v1  }
0x166: {  	v1 =	vld [tilespmem:s22+$0xFFFFFFD0];
	_ =	sdelay $0x4  }
0x167: {  	[tilespmem:s0+$0x118] =	vst v1  }
0x168: {  	v1 =	vld [tilespmem:s22+$0xFFFFFFE0];
	_ =	sdelay $0x4  }
0x169: {  	[tilespmem:s0+$0x128] =	vst v1  }
0x16a: {  	v1 =	vld [tilespmem:s22+$0xFFFFFFF0];
	_ =	sdelay $0x4  }
0x16b: {  	[tilespmem:s0+$0x138] =	vst v1  }
0x16c: {  	v1 =	vld [tilespmem:s22+$0x0];
	_ =	sdelay $0x4  }
0x16d: {  	[tilespmem:s0+$0x148] =	vst v1  }
0x16e: {  	v1 =	vld [tilespmem:s22+$0x10];
	_ =	sdelay $0x4  }
0x16f: {  	[tilespmem:s0+$0x158] =	vst v1  }
0x170: {  	v1 =	vld [tilespmem:s22+$0x20];
	_ =	sdelay $0x4  }
0x171: {  	[tilespmem:s0+$0x168] =	vst v1  }
0x172: {  	v1 =	vld [tilespmem:s22+$0x30]  }
.Ltmp23:
0x173: {  	_ = 	snop;
	(pc) =	sbr.rel .LBB3_17-.Ltmp23, $2  }
0x174: {  	_ =	sdelay $0x2  }
0x175: {  	s24 =	sadd.s32 $0x1, s24;
	[tilespmem:s0+$0x178] =	vst v1  }
.LBB3_19:
.Ltmp24:
0x176: {  	(pc) =	sbr.rel .LBB3_20-.Ltmp24, $4  }
0x177: {  	_ = 	snop  }
0x178: {  	s0 =	simm.s32 $0x2  }
0x179: {  	_ =	swait.ge [sflag:s0], $0x0  }
0x17a: {  	s26 =	smov.u32 s25;
	[sflag:s0] =	ssyncset.done $0x0;
	s0 =	simm.s32 $0x0  }
.LBB3_22:
0x17b: {  	_ =	sfence.sel $0x180000  }
0x17c: {  	s0 =	simm.s32 $0x7;
	[bflag:$0x0] =	sbarrier.arrive $0xFFFF  }
0x17d: {  	s25 =	simm.s32 $0x8;
	[sflag:s0] =	ssyncpa.u1 $0x1  }
0x17e: {  	s26 =	simm.s32 $0x9;
	[sflag:s25] =	ssyncpa.u1 $0x1  }
0x17f: {  	s28 =	simm.s32 $0x2;
	[sflag:s26] =	ssyncpa.u1 $0x1  }
0x180: {  	[sflag:s28] =	ssyncpa.u1 $0x1  }
0x181: {  	v0 =	vld [tilespmem:$0xF208];
	_ =	sdelay $0x4  }
0x182: {  	(v2sf) =	vpush v0, $0x0  }
0x183: {  	(v2sf) =	vpush v0, $0x1;
	_ =	sdelay $0x1  }
0x184: {  	(v2sf) =	vpush v0, $0x2;
	_ =	sdelay $0xb  }
0x185: {  	s0 =	spop (v2sf)  }
0x186: {  	s2 =	spop (v2sf)  }
0x187: {  	s3 =	smov.u32 s0;
	p0 =	sne.s32 s0, s2  }
0x188: {  	s4 =	spop (v2sf);
	s3 =	simm.s32 @!p0 $0xFFFFFFFF  }
0x189: {  	v2 =	vimm.s32 $0x1;
	v3 =	vlaneseq.u32;
	p0 =	seq.s32 s4, $0xFFFFFFFF;
	v1 =	vmov s3  }
0x18a: {  	s7 =	stileid.u32;
	v0 =	vperm.xlane v0, v2;
	p1 =	sne.s32 @!p0 s0, s2;
	v1 =	vperm.xlane v1, v3  }
0x18b: {  	vm0 =	vcmask $0x3F04;
	s6 =	simm.s32 $0xF208;
	s0 =	simm.s32 @!p0 $0x1;
	p1 =	por !p1, p0  }
0x18c: {  	s3 =	sshll.u32 s7, $0x1;
	s2 =	sshll.u32 @!p0 s4, $0x9;
	s0 =	simm.s32 @p1 $0x0;
	v0 =	vsel vm0, v1, v0  }
0x18d: {  	s5 =	sor.u32 $0x1000, s3;
	s2 =	sshra.s32 @!p0 s2, $0x2;
	s0 =	sor.u32 @!p0 s0, s3;
	[tilespmem:$0xF208] =	vst v0  }
0x18e: {  	[spmem:s5] =	stream.linear.scatter [tilespmem:s6], [sflag:$0x1], $0x2, $0x38;
	[tilespmem:$0x1F6E8] =	vst v63  }
0x18f: {  	s2 =	sadd.s32 @!p0 $0x108, s2;
	s0 =	sshll.u32 @!p0 s0, $0x7  }
0x190: {  	[spmem:s0] =	stream.linear.scatter @!p0 [tilespmem:s2], [sflag:$0x1], $0x80, $0x38;
	[tilespmem:$0x1F6E8] =	vst v63  }
0x191: {  	s0 =	simm.s32 @!p0 $0x82  }
0x192: {  	s3 =	simm.s32 $0x1;
	s0 =	simm.s32 @p0 $0x2  }
0x193: {  	_ =	swait.ge [sflag:s3], s0  }
0x194: {  	s0 =	ssub.s32 $0x0, s0;
	[sflag:s3] =	ssyncset.done $0x0  }
0x195: {  	[sflag:s3] =	ssyncadd.s32 s0  }
0x196: {  	_ =	sfence.stream.spmem  }
0x197: {  	s29 =	simm.s32 $0x3;
	[bflag:$0x0] =	sbarrier.arrive $0xFFFF  }
0x198: {  	s30 =	simm.s32 $0x4;
	[sflag:s29] =	ssyncpa.u1 $0x1  }
0x199: {  	s31 =	simm.s32 $0x3C;
	[sflag:s30] =	ssyncpa.u1 $0x1  }
0x19a: {  	p0 =	sne.s32 s7, $0x0;
	[sflag:s31] =	ssyncpa.u1 $0x1  }
0x19b: {  	_ =	sfence @p0  }
0x19c: {  	[sflag:s3] =	ssyncpa.u1 @p0 $0x1  }
0x19d: {  	_ =	strace @p0 $0x90000062  }
0x19e: {  	[bflag:$0x2] =	sbarrier.arrive @p0 $0xFFFF  }
0x19f: {  	_ =	shalt @p0  }
.LBB3_23:
0x1a0: {  	_ =	sfence.stream.spmem;
	s0 =	simm.s32 $0x5  }
0x1a1: {  	s2 =	simm.s32 $0x1000;
	s3 =	simm.s32 $0xF218;
	[sflag:s0] =	ssyncpa.u1 $0x0  }
0x1a2: {  	[tilespmem:s3], [sflag:$0x5] =	stream.linear.gather [spmem:s2], $0x20, $0x38;
	[tilespmem:$0x1F6E8] =	vst v63  }
0x1a3: {  	s30 =	simm.s32 $0xF238;
	s2 =	simm.s32 $0x0  }
0x1a4: {  	[tilespmem:s30], [sflag:$0x5] =	stream.linear.gather [spmem:s2], $0x1000, $0x38;
	[tilespmem:$0x1F6E8] =	vst v63  }
.Ltmp25:
0x1a5: {  	_ = 	snop;
	(pc) =	sbr.rel .LBB3_24-.Ltmp25, $4  }
0x1a6: {  	_ =	swait.ge [sflag:s0], $0x1020  }
0x1a7: {  	[sflag:s0] =	ssyncset.done $0x0  }
0x1a8: {  	s31 =	simm.s32 $0x6;
	[sflag:s0] =	ssyncadd.s32 $0xFFFFEFE0  }
0x1a9: {  	s3 =	simm.s32 $0x0;
	[sflag:s31] =	ssyncpa.u1 $0x0  }
.LBB3_30:
0x1aa: {  	p0 =	slt.u32 s4, $0x270F1  }
0x1ab: {  	s0 =	sand.u32 @p0 $0x3FFF8, s4  }
0x1ac: {  	s4 =	sand.u32 @p0 $0x7, s4;
	s5 =	simm.s32 @p0 $0xF188;
	s0 =	sadd.s32 @p0 s1, s0  }
0x1ad: {  	[tilespmem:s5], [sflag:$0x6] =	stream.linear.gather @p0 [hbm4b:s0+s4], $0x80, $0x38;
	[tilespmem:$0x1F6E8] =	vst v63  }
0x1ae: {  	s0 =	simm.s32 @p0 $0x6  }
0x1af: {  	_ =	swait.ge @p0 [sflag:s0], $0x80  }
0x1b0: {  	[sflag:s0] =	ssyncset.done @p0 $0x0  }
0x1b1: {  	[sflag:s0] =	ssyncadd.s32 @p0 $0xFFFFFF80  }
0x1b2: {  	v1 =	vld @p0 [tilespmem:$0xF188];
	_ =	sdelay $0x2  }
0x1b3: {  	s0 =	sshll.u32 @p0 s3, $0x9  }
0x1b4: {  	s4 =	sshrl.u32 @p0 s0, $0x2  }
0x1b5: {  	[tilespmem:s4+$0xF238] =	vst.add.f32.msk @p0 $0xffff, v1  }
0x1b6: {  	v1 =	vld @p0 [tilespmem:$0xF198];
	_ =	sdelay $0x4  }
0x1b7: {  	[tilespmem:s4+$0xF248] =	vst.add.f32.msk @p0 $0xffff, v1  }
0x1b8: {  	v1 =	vld @p0 [tilespmem:$0xF1A8];
	_ =	sdelay $0x4  }
0x1b9: {  	[tilespmem:s4+$0xF258] =	vst.add.f32.msk @p0 $0xffff, v1  }
0x1ba: {  	v1 =	vld @p0 [tilespmem:$0xF1B8];
	_ =	sdelay $0x4  }
0x1bb: {  	[tilespmem:s4+$0xF268] =	vst.add.f32.msk @p0 $0xffff, v1  }
0x1bc: {  	v1 =	vld @p0 [tilespmem:$0xF1C8];
	_ =	sdelay $0x4  }
0x1bd: {  	[tilespmem:s4+$0xF278] =	vst.add.f32.msk @p0 $0xffff, v1  }
0x1be: {  	v1 =	vld @p0 [tilespmem:$0xF1D8];
	_ =	sdelay $0x4  }
0x1bf: {  	[tilespmem:s4+$0xF288] =	vst.add.f32.msk @p0 $0xffff, v1  }
0x1c0: {  	v1 =	vld @p0 [tilespmem:$0xF1E8];
	_ =	sdelay $0x4  }
0x1c1: {  	[tilespmem:s4+$0xF298] =	vst.add.f32.msk @p0 $0xffff, v1  }
0x1c2: {  	v1 =	vld @p0 [tilespmem:$0xF1F8];
	_ =	sdelay $0x3  }
0x1c3: {  	s5 =	sshll.u32 @!p0 s3, $0x9  }
0x1c4: {  	s5 =	smov.u32 @p0 s0;
	[tilespmem:s4+$0xF2A8] =	vst.add.f32.msk @p0 $0xffff, v1  }
0x1c5: {  	s0 =	sshrl.u32 s5, $0x2;
	[tilespmem:s2+$0xF218] =	vst.msk $0x1, v0  }
0x1c6: {  	v0 =	vld [tilespmem:s0+$0xF238];
	_ =	sdelay $0x2  }
0x1c7: {  	s31 =	sshll.u32 s2, $0x9  }
0x1c8: {  	s4 =	sshra.s32 s31, $0x2  }
0x1c9: {  	[tilespmem:s4+$0xF238] =	vst v0  }
0x1ca: {  	v0 =	vld [tilespmem:s0+$0xF248];
	_ =	sdelay $0x4  }
0x1cb: {  	[tilespmem:s4+$0xF248] =	vst v0  }
0x1cc: {  	v0 =	vld [tilespmem:s0+$0xF258];
	_ =	sdelay $0x4  }
0x1cd: {  	[tilespmem:s4+$0xF258] =	vst v0  }
0x1ce: {  	v0 =	vld [tilespmem:s0+$0xF268];
	_ =	sdelay $0x4  }
0x1cf: {  	[tilespmem:s4+$0xF268] =	vst v0  }
0x1d0: {  	v0 =	vld [tilespmem:s0+$0xF278];
	_ =	sdelay $0x4  }
0x1d1: {  	[tilespmem:s4+$0xF278] =	vst v0  }
0x1d2: {  	v0 =	vld [tilespmem:s0+$0xF288];
	_ =	sdelay $0x4  }
0x1d3: {  	[tilespmem:s4+$0xF288] =	vst v0  }
0x1d4: {  	v0 =	vld [tilespmem:s0+$0xF298];
	_ =	sdelay $0x4  }
0x1d5: {  	[tilespmem:s4+$0xF298] =	vst v0  }
0x1d6: {  	v0 =	vld [tilespmem:s0+$0xF2A8];
	_ =	sdelay $0x4  }
0x1d7: {  	s2 =	sadd.s32 $0x1, s2;
	[tilespmem:s4+$0xF2A8] =	vst v0  }
.LBB3_31:
0x1d8: {  	s3 =	sadd.s32 $0x1, s3  }
0x1d9: {  	p0 =	sne.s32 s3, $0x20  }
.Ltmp26:
0x1da: {  	_ = 	snop;
	(pc) =	sbr.rel @!p0 .LBB3_32-.Ltmp26, $1  }
0x1db: {  	_ =	sdelay $0x3  }
.LBB3_24:
0x1dc: {  	v0 =	vld.msk [tilespmem:s3+$0xF218], $0x1;
	_ =	sdelay $0x4  }
0x1dd: {  	(v2sf) =	vpush v0, $0x0;
	_ =	sdelay $0xe  }
0x1de: {  	s4 =	spop (v2sf)  }
0x1df: {  	p0 =	seq.s32 s4, $0xFFFFFFFF  }
.Ltmp27:
0x1e0: {  	_ = 	snop;
	(pc) =	sbr.rel @p0 .LBB3_31-.Ltmp27, $1  }
0x1e1: {  	_ =	sdelay $0x3  }
0x1e2: {  	p0 =	slt.s32 s2, $0x1  }
.Ltmp28:
0x1e3: {  	_ = 	snop;
	(pc) =	sbr.rel @p0 .LBB3_30-.Ltmp28, $1  }
0x1e4: {  	_ =	sdelay $0x3  }
0x1e5: {  	s5 =	simm.s32 $0xF218;
	p0 =	por $0x0, $0x0  }
0x1e6: {  	v1 =	vld.msk @!p0 [tilespmem:s5+$0x0], $0x1;
	_ =	sdelay $0x4  }
0x1e7: {  	(v2sf) =	vpush @!p0 v1, $0x0;
	_ =	sdelay $0xd  }
0x1e8: {  	p2 =	sne.s32 s2, $0x1  }
.Ltmp29:
0x1e9: {  	s0 =	spop @!p0 (v2sf);
	(pc) =	sbr.rel @!p2 .LBB3_28-.Ltmp29, $4  }
0x1ea: {  	p1 =	seq.s32 @!p0 s4, s0  }
0x1eb: {  	s6 =	simm.s32 $0x0;
	p1 =	por !p1, p0  }
0x1ec: {  	s0 =	simm.s32 $0xFFFFFFFF;
	s6 =	simm.s32 @p1 $0xFFFFFFFF  }
0x1ed: {  	s7 =	simm.s32 $0x1;
	s6 =	smov.u32 @p0 s0  }
.LBB3_27:
0x1ee: {  	s0 =	smov.u32 s6;
	p0 =	sne.s32 s6, $0xFFFFFFFF  }
0x1ef: {  	s5 =	sadd.s32 $0x1, s5;
	s6 =	smov.u32 s7;
	s7 =	sadd.s32 $0x1, s7  }
0x1f0: {  	p1 =	sne.s32 s2, s7;
	v1 =	vld.msk @!p0 [tilespmem:s5+$0x0], $0x1;
	_ =	sdelay $0x4  }
0x1f1: {  	(v2sf) =	vpush @!p0 v1, $0x0;
	_ =	sdelay $0xe  }
.Ltmp30:
0x1f2: {  	s8 =	spop @!p0 (v2sf);
	(pc) =	sbr.rel @p1 .LBB3_27-.Ltmp30, $4  }
0x1f3: {  	p2 =	seq.s32 @!p0 s4, s8  }
0x1f4: {  	p2 =	por !p2, p0  }
0x1f5: {  	s6 =	simm.s32 @p2 $0xFFFFFFFF  }
0x1f6: {  	s6 =	smov.u32 @p0 s0  }
.LBB3_28:
0x1f7: {  	p0 =	seq.s32 s6, $0xFFFFFFFF  }
.Ltmp31:
0x1f8: {  	_ = 	snop;
	(pc) =	sbr.rel @p0 .LBB3_30-.Ltmp31, $1  }
0x1f9: {  	_ =	sdelay $0x3  }
0x1fa: {  	s0 =	sshll.u32 s3, $0x7  }
0x1fb: {  	s0 =	sand.u32 $0x3FFFFF80, s0  }
0x1fc: {  	v0 =	vld [tilespmem:s0+$0xF238];
	_ =	sdelay $0x2  }
0x1fd: {  	s4 =	sshll.u32 s6, $0x9  }
0x1fe: {  	s4 =	sshra.s32 s4, $0x2  }
0x1ff: {  	[tilespmem:s4+$0xF238] =	vst.add.f32.msk $0xffff, v0  }
0x200: {  	v0 =	vld [tilespmem:s0+$0xF248];
	_ =	sdelay $0x4  }
0x201: {  	[tilespmem:s4+$0xF248] =	vst.add.f32.msk $0xffff, v0  }
0x202: {  	v0 =	vld [tilespmem:s0+$0xF258];
	_ =	sdelay $0x4  }
0x203: {  	[tilespmem:s4+$0xF258] =	vst.add.f32.msk $0xffff, v0  }
0x204: {  	v0 =	vld [tilespmem:s0+$0xF268];
	_ =	sdelay $0x4  }
0x205: {  	[tilespmem:s4+$0xF268] =	vst.add.f32.msk $0xffff, v0  }
0x206: {  	v0 =	vld [tilespmem:s0+$0xF278];
	_ =	sdelay $0x4  }
0x207: {  	[tilespmem:s4+$0xF278] =	vst.add.f32.msk $0xffff, v0  }
0x208: {  	v0 =	vld [tilespmem:s0+$0xF288];
	_ =	sdelay $0x4  }
0x209: {  	[tilespmem:s4+$0xF288] =	vst.add.f32.msk $0xffff, v0  }
0x20a: {  	v0 =	vld [tilespmem:s0+$0xF298];
	_ =	sdelay $0x4  }
0x20b: {  	[tilespmem:s4+$0xF298] =	vst.add.f32.msk $0xffff, v0  }
0x20c: {  	v0 =	vld [tilespmem:s0+$0xF2A8]  }
.Ltmp32:
0x20d: {  	_ = 	snop;
	(pc) =	sbr.rel .LBB3_31-.Ltmp32, $2  }
0x20e: {  	_ =	sdelay $0x2  }
0x20f: {  	[tilespmem:s4+$0xF2A8] =	vst.add.f32.msk $0xffff, v0  }
.LBB3_32:
0x210: {  	p0 =	slt.s32 s2, $0x1  }
.Ltmp33:
0x211: {  	_ = 	snop;
	(pc) =	sbr.rel @p0 .LBB3_36-.Ltmp33, $3  }
0x212: {  	_ =	sdelay $0x1  }
0x213: {  	s0 =	simm.s32 $0x6  }
0x214: {  	s3 =	simm.s32 $0x0;
	[sflag:s0] =	ssyncpa.u1 $0x1  }
0x215: {  	s0 =	simm.s32 $0xF218  }
0x216: {  	v0 =	vld.msk [tilespmem:s0+$0x0], $0x1;
	_ =	sdelay $0x4  }
0x217: {  	(v2sf) =	vpush v0, $0x0;
	_ =	sdelay $0xd  }
0x218: {  	s2 =	sadd.s32 $0xFFFFFFFF, s2  }
0x219: {  	p1 =	sne.s32 s2, $0x0;
	s0 =	spop (v2sf)  }
.Ltmp34:
0x21a: {  	p0 =	sgt.u32 s0, $0x270F0;
	(pc) =	sbr.rel @!p1 .LBB3_35-.Ltmp34, $4  }
0x21b: {  	s4 =	simm.s32 $0xF238;
	s5 =	sand.u32 @!p0 $0x3FFF8, s0  }
0x21c: {  	s6 =	simm.s32 $0x0;
	s0 =	sand.u32 @!p0 $0x7, s0;
	s5 =	sadd.s32 @!p0 s1, s5  }
0x21d: {  	[hbm4b:s5+s0] =	stream.linear.scatter @!p0 [tilespmem:s4], [sflag:$0x5], $0x80, $0x38;
	[tilespmem:$0x1F6E8] =	vst v63  }
0x21e: {  	s6 =	simm.s32 @!p0 $0x200;
	s5 =	simm.s32 $0xF219  }
.LBB3_34:
0x21f: {  	v0 =	vld.msk [tilespmem:s5+$0x0], $0x1;
	s2 =	sadd.s32 $0xFFFFFFFF, s2;
	s3 =	sadd.s32 s3, s6  }
0x220: {  	p0 =	sne.s32 s2, $0x0;
	_ =	sdelay $0x3  }
0x221: {  	(v2sf) =	vpush v0, $0x0;
	_ =	sdelay $0xe  }
.Ltmp35:
0x222: {  	s0 =	spop (v2sf);
	(pc) =	sbr.rel @p0 .LBB3_34-.Ltmp35, $4  }
0x223: {  	s6 =	simm.s32 $0x0;
	p1 =	sgt.u32 s0, $0x270F0  }
0x224: {  	s4 =	sadd.s32 $0x80, s4;
	s6 =	simm.s32 @!p1 $0x200;
	s7 =	sand.u32 @!p1 $0x3FFF8, s0  }
0x225: {  	s5 =	sadd.s32 $0x1, s5;
	s0 =	sand.u32 @!p1 $0x7, s0;
	s7 =	sadd.s32 @!p1 s1, s7  }
0x226: {  	[hbm4b:s7+s0] =	stream.linear.scatter @!p1 [tilespmem:s4], [sflag:$0x5], $0x80, $0x38;
	[tilespmem:$0x1F6E8] =	vst v63  }
.LBB3_35:
0x227: {  	s0 =	sadd.s32 s3, s6  }
0x228: {  	s3 =	sshrl.u32 s0, $0x2  }
.LBB3_36:
0x229: {  	s0 =	simm.s32 $0x5  }
0x22a: {  	_ =	swait.ge [sflag:s0], s3  }
0x22b: {  	s1 =	ssub.s32 $0x0, s3;
	[sflag:s0] =	ssyncset.done $0x0  }
0x22c: {  	[sflag:s0] =	ssyncadd.s32 s1  }
0x22d: {  	[sflag:s0] =	ssyncpa.u1 $0x1  }
0x22e: {  	s30 =	simm.s32 $0x1;
	_ =	sfence  }
0x22f: {  	[sflag:s30] =	ssyncpa.u1 $0x1  }
0x230: {  	_ =	strace $0x90000062  }
0x231: {  	[bflag:$0x2] =	sbarrier.arrive $0xFFFF  }
0x232: {  	s31 =	rddreg [dreg:$0x1]  }
0x233: {  	s0 =	sadd.s32 $0x100000, s31  }
0x234: {  	[sflag:s0] =	ssyncadd.tile.s32 $0x1;
	_ =	shalt  }
.Lfunc_end3:
_tile_overlayer_lowered:
.L_overlay_start_3:
0x235: {  	(tag) =	ssettag $0x3  }
0x236: {  	s0 =	rddreg [dreg:$0x0];
	s2 =	stileid.u32  }
0x237: {  	s1 =	rddreg [dreg:$0x1];
	p0 =	sne.s32 s2, $0x0  }
0x238: {  	s3 =	rddreg [dreg:$0x2];
	[bflag:$0x3] =	sbarrier.arrive $0xFFFF;
	s2 =	simm.s32 @!p0 $0x1C01  }
0x239: {  	[timem:s3], [sflag:s2] =	dma.local @!p0 [hbm:s0], s1  }
0x23a: {  	s0 =	simm.s32 @!p0 $0x1  }
0x23b: {  	_ =	swait.ge @!p0 [sflag:s0], s1  }
0x23c: {  	s1 =	ssub.s32 @!p0 $0x0, s1;
	[sflag:s0] =	ssyncset.done @!p0 $0x0  }
0x23d: {  	[sflag:s0] =	ssyncadd.s32 @!p0 s1  }
0x23e: {  	[bflag:$0x3] =	sbarrier.arrive $0xFFFF  }
0x23f: {  	_ =	shalt  }

// kernel: scatter_offload_async_start.3
scs
__scs_entry_jumppad:
0x0: {  	(pc) =	sbr.rel $0x88, $3  }
0x1: {  	(tag) =	ssettag $0x0;
	lr =	simm.s32 $0x1  }
0x2: {  	[smem:$0x3F9B] =	sst lr;
	_ =	strace $0xD0000000  }
0x3: {  	_ = 	snop  }
0x4: {  	_ = 	snop  }
0x5: {  	_ = 	snop  }
0x6: {  	_ = 	snop  }
0x7: {  	_ = 	snop  }
__scs_overlays_trampoline_lowered:
0x8: {  	[smem:$0x3FAA] =	sst s0  }
0x9: {  	[smem:$0x3FAB] =	sst s1  }
0xa: {  	[smem:$0x3FAC] =	sst s2  }
0xb: {  	[smem:$0x3FAD] =	sst s3  }
0xc: {  	[smem:$0x3FAE] =	sst s4  }
0xd: {  	[smem:$0x3FAF] =	sst s5  }
0xe: {  	[smem:$0x3FB0] =	sst s6  }
0xf: {  	[smem:$0x3FB1] =	sst s7  }
0x10: {  	[smem:$0x3FB2] =	sst s8  }
0x11: {  	[smem:$0x3FB3] =	sst s9;
	s0 =	simm.s32 @!p0 $0x0  }
0x12: {  	s1 =	sld [smem:$0x3F99];
	s0 =	simm.s32 @p0 $0x1  }
0x13: {  	[smem:$0x3FB4] =	sst s0;
	s0 =	simm.s32 @!p1 $0x0  }
0x14: {  	s2 =	sld [smem:$0x3F98];
	s0 =	simm.s32 @p1 $0x1  }
0x15: {  	[smem:$0x3FB5] =	sst s0;
	s0 =	simm.s32 @!p2 $0x0  }
0x16: {  	s3 =	sld [smem:$0x3FDB];
	s0 =	simm.s32 @p2 $0x1  }
0x17: {  	s4 =	simm.s32 $0x1BF5;
	[smem:$0x3FB7] =	sst s0  }
0x18: {  	s0 =	sld [smem:$0x3F9A];
	_ =	swait.ge [sflag:s4], $0x0  }
0x19: {  	s7 =	sld [smem:$0x3F9B]  }
0x1a: {  	s8 =	sadd.s32 $0xFFFFE003, lr  }
0x1b: {  	s9 =	sadd.s32 $0xFFFFFEF7, lr;
	s5 =	simm.s32 $0xFFFFFFFF;
	p2 =	slt.u32 s8, $0xFFFFF086  }
0x1c: {  	p1 =	slt.u32 s9, $0xF7A;
	s5 =	simm.s32 @!p2 $0x0  }
0x1d: {  	s5 =	simm.s32 @p1 $0x1;
	p0 =	seq.s32 s7, s2  }
0x1e: {  	s7 =	smul.u32 @!p0 $0xF7A, s2;
	p2 =	seq.s32 @!p0 s5, $0x0  }
0x1f: {  	s9 =	smul.u32 $0xF7A, s1;
	s8 =	simm.s32 @!p0 $0x1BF5;
	p2 =	por !p2, p0  }
0x20: {  	[sflag:s8] =	ssyncset.s32 @!p0 $0xFFFFF086;
	s6 =	sadd.s32 @!p0 s3, s7;
	s7 =	simm.s32 @!p0 $0x108  }
0x21: {  	s3 =	sadd.s32 s3, s9;
	s6 =	sadd.s32 @!p0 $0x88, s6;
	s7 =	simm.s32 @p2 $0x1082  }
0x22: {  	[simem:s7], [sflag:s8] =	dma.local @!p0 [hbm:s6], $0xF7A  }
0x23: {  	s9 =	sor.u32 $0xD0000000, s2;
	s6 =	simm.s32 $0x108;
	_ =	swait.ge @!p0 [sflag:s8], $0x0  }
0x24: {  	s3 =	sadd.s32 $0x88, s3;
	s6 =	simm.s32 @!p1 $0x1082;
	[sflag:s4] =	ssyncset.s32 $0xFFFFF086  }
0x25: {  	[simem:s6], [sflag:s4] =	dma.local [hbm:s3], $0xF7A  }
0x26: {  	[smem:$0x3F9B] =	sst s1;
	(tag) =	ssettag s2;
	_ =	strace s9  }
0x27: {  	s1 =	sld [smem:$0x3FAB]  }
0x28: {  	s2 =	sld [smem:$0x3FAC]  }
0x29: {  	s4 =	sld [smem:$0x3FAE]  }
0x2a: {  	p0 =	seq.s32 s5, $0x0;
	s5 =	sld [smem:$0x3FAF]  }
0x2b: {  	s6 =	sld [smem:$0x3FB0]  }
0x2c: {  	s7 =	sld [smem:$0x3FB1]  }
0x2d: {  	s3 =	simm.s32 $0x108;
	s8 =	sld [smem:$0x3FB2]  }
0x2e: {  	s3 =	simm.s32 @!p0 $0x1082;
	s9 =	sld [smem:$0x3FB3]  }
0x2f: {  	lr =	sadd.s32 s0, s3;
	s0 =	sld [smem:$0x3FAA]  }
0x30: {  	s3 =	sld [smem:$0x3FAD]  }
0x31: {  	[smem:$0x3FB6] =	sst s10  }
0x32: {  	s10 =	sld [smem:$0x3FB4];
	_ =	sdelay $0x3  }
0x33: {  	p0 =	seq.s32 s10, $0x1;
	s10 =	sld [smem:$0x3FB6];
	_ =	sdelay $0x3  }
0x34: {  	[smem:$0x3FB6] =	sst s10  }
0x35: {  	s10 =	sld [smem:$0x3FB5];
	_ =	sdelay $0x3  }
0x36: {  	p1 =	seq.s32 s10, $0x1;
	s10 =	sld [smem:$0x3FB6];
	_ =	sdelay $0x3  }
0x37: {  	[smem:$0x3FB6] =	sst s10  }
0x38: {  	s10 =	sld [smem:$0x3FB7]  }
0x39: {  	_ = 	snop;
	(pc) =	sbr.ind lr, $3  }
0x3a: {  	_ = 	snop  }
0x3b: {  	_ = 	snop  }
0x3c: {  	p2 =	seq.s32 s10, $0x1;
	s10 =	sld [smem:$0x3FB6]  }
0x3d: {  	_ =	shalt  }
0x3e: {  	_ =	shalt  }
0x3f: {  	_ =	shalt  }
0x40: {  	_ =	shalt  }
0x41: {  	_ =	shalt  }
0x42: {  	_ =	shalt  }
0x43: {  	_ =	shalt  }
0x44: {  	_ =	shalt  }
0x45: {  	_ =	shalt  }
0x46: {  	_ =	shalt  }
0x47: {  	_ =	shalt  }
0x48: {  	_ =	shalt  }
0x49: {  	_ =	shalt  }
0x4a: {  	_ =	shalt  }
0x4b: {  	_ =	shalt  }
0x4c: {  	_ =	shalt  }
0x4d: {  	_ =	shalt  }
0x4e: {  	_ =	shalt  }
0x4f: {  	_ =	shalt  }
0x50: {  	_ =	shalt  }
0x51: {  	_ =	shalt  }
0x52: {  	_ =	shalt  }
0x53: {  	_ =	shalt  }
0x54: {  	_ =	shalt  }
0x55: {  	_ =	shalt  }
0x56: {  	_ =	shalt  }
0x57: {  	_ =	shalt  }
0x58: {  	_ =	shalt  }
0x59: {  	_ =	shalt  }
0x5a: {  	_ =	shalt  }
0x5b: {  	_ =	shalt  }
0x5c: {  	_ =	shalt  }
0x5d: {  	_ =	shalt  }
0x5e: {  	_ =	shalt  }
0x5f: {  	_ =	shalt  }
0x60: {  	_ =	shalt  }
0x61: {  	_ =	shalt  }
0x62: {  	_ =	shalt  }
0x63: {  	_ =	shalt  }
0x64: {  	_ =	shalt  }
0x65: {  	_ =	shalt  }
0x66: {  	_ =	shalt  }
0x67: {  	_ =	shalt  }
0x68: {  	_ =	shalt  }
0x69: {  	_ =	shalt  }
0x6a: {  	_ =	shalt  }
0x6b: {  	_ =	shalt  }
0x6c: {  	_ =	shalt  }
0x6d: {  	_ =	shalt  }
0x6e: {  	_ =	shalt  }
0x6f: {  	_ =	shalt  }
0x70: {  	_ =	shalt  }
0x71: {  	_ =	shalt  }
0x72: {  	_ =	shalt  }
0x73: {  	_ =	shalt  }
0x74: {  	_ =	shalt  }
0x75: {  	_ =	shalt  }
0x76: {  	_ =	shalt  }
0x77: {  	_ =	shalt  }
0x78: {  	_ =	shalt  }
0x79: {  	_ =	shalt  }
0x7a: {  	_ =	shalt  }
0x7b: {  	_ =	shalt  }
0x7c: {  	_ =	shalt  }
0x7d: {  	_ =	shalt  }
0x7e: {  	_ =	shalt  }
0x7f: {  	_ =	shalt  }
0x80: {  	_ =	shalt  }
0x81: {  	_ =	shalt  }
0x82: {  	_ =	shalt  }
0x83: {  	_ =	shalt  }
0x84: {  	_ =	shalt  }
0x85: {  	_ =	shalt  }
0x86: {  	_ =	shalt  }
0x87: {  	_ =	shalt  }
.Lfunc_end0:
.L_simem_size_0:
called_computation.3_lowered:
.L_overlay_start_0:
0x88: {  	s0 =	sld [smem:$0x3FD9]  }
0x89: {  	s1 =	sld [smem:$0x3FFE];
	_ =	sdelay $0x3  }
0x8a: {  	s0 =	sadd.s32 s1, s0  }
0x8b: {  	[smem:$0x3FC2] =	sst s0  }
0x8c: {  	_ = 	snop  }
0x8d: {  	(tm) =	ssettm $0x1  }
0x8e: {  	s14 =	sld [smem:$0x3FFB];
	_ =	sdelay $0x3  }
0x8f: {  	_ =	strace s14  }
0x90: {  	s0 =	sld [smem:$0x3FFC];
	_ =	sdelay $0x3  }
0x91: {  	_ =	strace s0  }
0x92: {  	s0 =	sld [smem:$0x3FFD];
	_ =	sdelay $0x3  }
0x93: {  	_ =	strace s0  }
0x94: {  	_ =	strace $0x8FFFFFFF  }
0x95: {  	s15 =	sld [smem:$0x3FDB];
	_ =	sdelay $0x1  }
0x96: {  	s16 =	simm.s32 $_scs_section_size  }
0x97: {  	s2 =	simm.s32 $_size__tile_overlayer_lowered;
	s3 =	simm.s32 $_tile_overlayer_lowered  }
0x98: {  	s4 =	simm.s32 $0x1BFF;
	s17 =	sshll.u32 s3, $0x1;
	s1 =	sadd.s32 s16, s15  }
0x99: {  	s18 =	simm.s32 $0x0;
	s2 =	sshll.u32 s2, $0x1;
	s3 =	sadd.s32 s17, s1  }
0x9a: {  	[timem:s18], [sflag:s4] =	dma.local [hbm:s3], s2  }
0x9b: {  	_ =	swait.ge [sflag:s4], s2  }
0x9c: {  	s2 =	ssub.s32 $0x0, s2;
	[sflag:s4] =	ssyncset.done $0x0  }
0x9d: {  	[sflag:s4] =	ssyncadd.s32 s2;
	_ =	sdelay $0x1  }
0x9e: {  	s19 =	simm.s32 $0x1B8B  }
0x9f: {  	_ =	swait.ge [sflag:s19], $0x1  }
0xa0: {  	[sflag:s19] =	ssyncset.done $0x0  }
0xa1: {  	s21 =	simm.s32 $0x1B8E;
	s20 =	sld [smem:$0x3FFE];
	[sflag:s19] =	ssyncadd.s32 $0xFFFFFFFF  }
0xa2: {  	s22 =	simm.s32 $execute0_lowered;
	[smem:$0x3FD2] =	sst s21  }
0xa3: {  	s3 =	sshll.u32 s22, $0x1;
	_ =	strace $0x80000046;
	[dreg:$0x1] =	wrdreg $0xFFFFFFFF  }
0xa4: {  	s23 =	simm.s32 $_size_execute0_lowered;
	s3 =	sadd.s32 s1, s3;
	[dreg:$0x0] =	wrdreg $0x0  }
0xa5: {  	s4 =	sshll.u32 s23, $0x1;
	[dreg:$0x2] =	wrdreg s3  }
0xa6: {  	[dreg:$0x3] =	wrdreg s4  }
0xa7: {  	[dreg:$0x4] =	wrdreg $0xC0  }
0xa8: {  	s24 =	simm.s32 $execute1_lowered;
	_ =	task [dreg:s18], $0x5FFFF  }
0xa9: {  	s3 =	sshll.u32 s24, $0x1;
	[dreg:$0x1] =	wrdreg $0xFFFFFFFF  }
0xaa: {  	s1 =	sadd.s32 s1, s3;
	[dreg:$0x0] =	wrdreg $0x60  }
0xab: {  	[dreg:$0x2] =	wrdreg s1  }
0xac: {  	[dreg:$0x3] =	wrdreg s20  }
0xad: {  	[dreg:$0x4] =	wrdreg $0xB  }
0xae: {  	_ =	task.clear_ibuf [dreg:s18], $0x5FFFF;
	_ =	strace $0x90000046  }
0xaf: {  	s25 =	simm.s32 $0xB;
	_ =	strace $0x80000048  }
0xb0: {  	_ =	swait.ge [sflag:s25], $0x1  }
0xb1: {  	[sflag:s25] =	ssyncadd.s32 $0xFFFFFFFF  }
0xb2: {  	_ =	strace $0x90000048  }
0xb3: {  	_ =	strace $0x80000049;
	[dreg:$0x1] =	wrdreg $0xFFFFFFFF  }
0xb4: {  	[dreg:$0x0] =	wrdreg $0x2030  }
0xb5: {  	[dreg:$0x2] =	wrdreg s20  }
0xb6: {  	[dreg:$0x3] =	wrdreg $0xC  }
0xb7: {  	_ =	task.clear_ibuf [dreg:s18], $0x4FFFF;
	_ =	strace $0x90000049  }
0xb8: {  	s26 =	simm.s32 $0xC;
	_ =	strace $0x8000004B  }
0xb9: {  	_ =	swait.ge [sflag:s26], $0x1  }
0xba: {  	[sflag:s26] =	ssyncadd.s32 $0xFFFFFFFF  }
0xbb: {  	_ =	strace $0x9000004B  }
0xbc: {  	_ =	sfence  }
0xbd: {  	s28 =	sld [smem:$0x0];
	_ =	sdelay $0x1  }
0xbe: {  	s29 =	srdreg.scid  }
0xbf: {  	s30 =	sshll.u32 s29, $0xD;
	s31 =	sshrl.u32 s29, $0x2  }
0xc0: {  	s2 =	sand.u32 $0x1, s29;
	s3 =	sand.u32 $0x4000, s30;
	s1 =	sadd.s32 s31, s28  }
0xc1: {  	s2 =	sor.u32 s3, s2;
	s1 =	sshll.u32 s1, $0x11  }
0xc2: {  	s1 =	sor.u32 s1, s2  }
0xc3: {  	s1 =	sadd.s32 $0x8F2B, s1  }
0xc4: {  	[sflag:s1] =	ssyncadd.remote.s32 $0x1  }
0xc5: {  	_ =	sfence.sel $0xFFFF  }
0xc6: {  	[dreg:$0x0] =	wrdreg $0xFFFFFFFF;
	(pc) =	sbr.abs _section_cstart, $3  }
0xc7: {  	[dreg:$0x1] =	wrdreg $0xFFFFFFFF  }
0xc8: {  	_ =	task.clear_ibuf [dreg:s18], $0x2FFFF;
	_ =	strace $0x9FFFFFFF  }
0xc9: {  	(tm) =	ssettm $0x7FFFFFFF  }
tec
execute0_lowered:
.L_overlay_start_1:
0x0: {  	(tag) =	ssettag $0x1  }
0x1: {  	s2 =	rddreg [dreg:$0x0]  }
0x2: {  	s4 =	rddreg [dreg:$0x1]  }
0x3: {  	s0 =	rddreg [dreg:$0x2];
	s3 =	stileid.u32  }
0x4: {  	[bflag:$0x3] =	sbarrier.arrive $0xFFFF;
	s1 =	simm.s32 $_size_execute1_lowered;
	p0 =	sne.s32 s3, $0x0  }
0x5: {  	s1 =	sshll.u32 s1, $0x1;
	s5 =	simm.s32 @!p0 $0x1C3F;
	s6 =	simm.s32 @!p0 $0x4060  }
0x6: {  	[timem:s6], [sflag:s5] =	dma.local @!p0 [hbm:s2], s1  }
0x7: {  	s2 =	smul.u32 $0x280, s3  }
.Ltmp0:
0x8: {  	s31 =	simm.s32 $0x2;
	s7 =	simm.s32 $0x280;
	(pc) =	sbr.rel .LBB2_1-.Ltmp0, $4  }
0x9: {  	s8 =	simm.s32 $0x780;
	s10 =	simm.s32 $0x0;
	s9 =	simm.s32 $0x0  }
0xa: {  	s3 =	simm.s32 $0x1;
	_ =	strace $0x80000047;
	s30 =	sshrl.u32 s2, $0x3  }
0xb: {  	s6 =	simm.s32 $0x0;
	[sflag:s3] =	ssyncpa.u1 $0x0;
	s5 =	sadd.s32 s30, s4  }
0xc: {  	s4 =	sadd.s32 $0x33200, s4;
	[sflag:s31] =	ssyncpa.u1 $0x0;
	s5 =	sadd.s32 $0x32C00, s5  }
.LBB2_8:
0xd: {  	p1 =	seq.s32 s9, $0x2  }
.Ltmp1:
0xe: {  	_ = 	snop;
	(pc) =	sbr.rel @p1 .LBB2_10-.Ltmp1, $1  }
0xf: {  	_ =	sdelay $0x3  }
.LBB2_9:
0x10: {  	s9 =	sadd.s32 $0x1, s9;
	s10 =	smov.u32 s2  }
.LBB2_1:
0x11: {  	p1 =	sne.s32 s9, $0x0  }
.Ltmp2:
0x12: {  	_ = 	snop;
	(pc) =	sbr.rel @!p1 .LBB2_2-.Ltmp2, $1  }
0x13: {  	_ =	sdelay $0x3  }
0x14: {  	s11 =	sand.u32 $0x1, s9  }
0x15: {  	p1 =	seq.s32 s11, $0x0  }
.Ltmp3:
0x16: {  	_ = 	snop;
	(pc) =	sbr.rel @p1 .LBB2_8-.Ltmp3, $1  }
0x17: {  	_ =	sdelay $0x3  }
0x18: {  	_ =	swait.ge [sflag:s3], $0x280  }
0x19: {  	[sflag:s3] =	ssyncset.done $0x0  }
0x1a: {  	s11 =	simm.s32 $0x0;
	p1 =	por $0x1, $0x1;
	[sflag:s3] =	ssyncadd.s32 $0xFFFFFD80  }
.LBB2_5:
0x1b: {  	v0 =	vld [tilespmem:s11+$0x280]  }
0x1c: {  	v1 =	vld [tilespmem:s11+$0x290]  }
0x1d: {  	v2 =	vld [tilespmem:s11+$0x2A0]  }
0x1e: {  	v3 =	vld [tilespmem:s11+$0x2B0]  }
0x1f: {  	v4 =	vld [tilespmem:s11+$0x2C0]  }
0x20: {  	v53 =	vld [tilespmem:s11+$0x2D0];
	[tilespmem:s11+$0x780] =	vst v0  }
0x21: {  	v54 =	vld [tilespmem:s11+$0x2E0];
	[tilespmem:s11+$0x790] =	vst v1  }
0x22: {  	v55 =	vld [tilespmem:s11+$0x2F0];
	[tilespmem:s11+$0x7A0] =	vst v2  }
0x23: {  	v56 =	vld [tilespmem:s11+$0x300];
	[tilespmem:s11+$0x7B0] =	vst v3  }
0x24: {  	v57 =	vld [tilespmem:s11+$0x310];
	[tilespmem:s11+$0x7C0] =	vst v4  }
0x25: {  	v58 =	vld [tilespmem:s11+$0x320];
	[tilespmem:s11+$0x7D0] =	vst v53  }
0x26: {  	v59 =	vld [tilespmem:s11+$0x330];
	[tilespmem:s11+$0x7E0] =	vst v54  }
0x27: {  	v60 =	vld [tilespmem:s11+$0x340];
	[tilespmem:s11+$0x7F0] =	vst v55  }
0x28: {  	v61 =	vld [tilespmem:s11+$0x350];
	[tilespmem:s11+$0x800] =	vst v56  }
0x29: {  	v62 =	vld [tilespmem:s11+$0x360];
	[tilespmem:s11+$0x810] =	vst v57  }
0x2a: {  	v63 =	vld [tilespmem:s11+$0x370];
	p2 =	por p1, p1;
	[tilespmem:s11+$0x820] =	vst v58  }
.Ltmp4:
0x2b: {  	[tilespmem:s11+$0x830] =	vst v59;
	(pc) =	sbr.rel @p2 .LBB2_5-.Ltmp4, $4  }
0x2c: {  	[tilespmem:s11+$0x840] =	vst v60  }
0x2d: {  	[tilespmem:s11+$0x850] =	vst v61  }
0x2e: {  	s12 =	simm.s32 $0x1F0;
	s13 =	simm.s32 $0x980;
	[tilespmem:s11+$0x860] =	vst v62  }
0x2f: {  	s14 =	simm.s32 $0x480;
	p1 =	por $0x0, $0x0;
	[tilespmem:s11+$0x870] =	vst v63;
	s11 =	simm.s32 $0x100  }
.LBB2_6:
0x30: {  	s12 =	sadd.s32 $0x10, s12  }
0x31: {  	v0 =	vld [tilespmem:s14+$0x0];
	p1 =	slt.u32 s12, $0x270  }
.Ltmp5:
0x32: {  	_ = 	snop;
	(pc) =	sbr.rel @p1 .LBB2_6-.Ltmp5, $2  }
0x33: {  	_ =	sdelay $0x2  }
0x34: {  	s14 =	sadd.s32 $0x10, s14;
	[tilespmem:s13+$0x0] =	vst v0;
	s13 =	sadd.s32 $0x10, s13  }
.Ltmp6:
0x35: {  	(pc) =	sbr.rel .LBB2_8-.Ltmp6, $4  }
0x36: {  	_ = 	snop  }
0x37: {  	s10 =	sshrl.u32 s10, $0x3  }
0x38: {  	s10 =	sadd.s32 s4, s10  }
0x39: {  	[hbm4b:s10+s6] =	stream.linear.scatter [tilespmem:s8], [sflag:$0x2], $0x280, $0x38;
	[tilespmem:$0xA00] =	vst v63  }
.LBB2_2:
.Ltmp7:
0x3a: {  	(pc) =	sbr.rel .LBB2_9-.Ltmp7, $2  }
0x3b: {  	_ =	sdelay $0x2  }
0x3c: {  	[tilespmem:s7], [sflag:$0x1] =	stream.linear.gather [hbm4b:s5+s6], $0x280, $0x38;
	[tilespmem:$0xA00] =	vst v63  }
.LBB2_10:
0x3d: {  	s2 =	simm.s32 $0x2  }
0x3e: {  	_ =	swait.ge [sflag:s2], $0x280  }
0x3f: {  	[sflag:s2] =	ssyncset.done $0x0  }
0x40: {  	[sflag:s2] =	ssyncadd.s32 $0xFFFFFD80  }
0x41: {  	_ =	sfence.sel $0x180000  }
0x42: {  	s3 =	simm.s32 $0x1;
	[bflag:$0x0] =	sbarrier.arrive $0xFFFF  }
0x43: {  	[sflag:s3] =	ssyncpa.u1 $0x1  }
0x44: {  	[sflag:s2] =	ssyncpa.u1 $0x1  }
0x45: {  	_ =	strace $0x90000047  }
0x46: {  	s0 =	sadd.s32 @!p0 $0x100000, s0;
	[bflag:$0x2] =	sbarrier.arrive $0xFFFF  }
0x47: {  	[sflag:s0] =	ssyncadd.tile.s32 @!p0 $0x1;
	s0 =	simm.s32 @!p0 $0x3F  }
0x48: {  	_ =	swait.ge @!p0 [sflag:s0], s1  }
0x49: {  	s1 =	ssub.s32 @!p0 $0x0, s1;
	[sflag:s0] =	ssyncset.done @!p0 $0x0  }
0x4a: {  	[sflag:s0] =	ssyncadd.s32 @!p0 s1  }
0x4b: {  	[bflag:$0x3] =	sbarrier.arrive $0xFFFF  }
0x4c: {  	_ =	shalt  }
.Lfunc_end2:
execute1_lowered:
.L_overlay_start_2:
0x4d: {  	(tag) =	ssettag $0x2  }
0x4e: {  	s0 =	rddreg [dreg:$0x0]  }
0x4f: {  	s6 =	stileid.u32;
	_ =	strace $0x8000004A;
	s2 =	simm.s32 $0x1  }
0x50: {  	v1 =	vimm.s32 $0xFFFFFFFF;
	s1 =	smul.u32 $0x3, s6;
	[sflag:s2] =	ssyncpa.u1 $0x0  }
0x51: {  	s3 =	smin.u32 s6, $0x7;
	[tilespmem:$0x10] =	vst v1  }
0x52: {  	v0 =	vimm.f32 $0.0e+00;
	[tilespmem:$0x20] =	vst v1;
	s1 =	sadd.s32 s3, s1  }
0x53: {  	p0 =	slt.u32 s6, $0x7;
	[tilespmem:$0x30] =	vst v0;
	s3 =	smul.u32 $0x1770, s1;
	s1 =	simm.s32 $0x5DC0  }
0x54: {  	[tilespmem:$0x40] =	vst v0;
	s1 =	simm.s32 @!p0 $0x4650  }
0x55: {  	[tilespmem:$0x50] =	vst v0;
	s1 =	sadd.s32 s1, s3  }
0x56: {  	[tilespmem:$0x60] =	vst v1;
	s4 =	smin.u32 s1, $0x50910  }
0x57: {  	s7 =	simm.s32 $0x2;
	[tilespmem:$0x70] =	vst v1;
	s9 =	ssub.s32 s4, s3  }
0x58: {  	s8 =	simm.s32 $0x8;
	s31 =	simm.s32 $0x9;
	[tilespmem:$0x80] =	vst v1;
	p0 =	sgt.s32 s9, $0x0  }
0x59: {  	s16 =	simm.s32 $0x0;
	s17 =	simm.s32 $0xF0;
	v1 =	vimm.s32 $0x0;
	[tilespmem:$0xB0] =	vst v0;
	s9 =	simm.s32 @!p0 $0x0  }
0x5a: {  	s18 =	simm.s32 $0xFFFFFFFF;
	s19 =	simm.s32 $0xFFFFD220;
	[tilespmem:$0x90] =	vst v1;
	s5 =	smulhi.u32 $0x57619F1, s9  }
0x5b: {  	s20 =	simm.s32 $0xFFFFFFFE;
	[tilespmem:$0xA0] =	vst v1;
	[sflag:s7] =	ssyncpa.u1 $0x0;
	s7 =	simm.s32 $0x7  }
0x5c: {  	s21 =	simm.s32 $0xF;
	[sflag:s7] =	ssyncpa.u1 $0x0;
	s10 =	sshrl.u32 s5, $0x7  }
0x5d: {  	s25 =	simm.s32 $0x0;
	[sflag:s8] =	ssyncpa.u1 $0x0;
	s11 =	smul.u32 $0x1770, s10  }
0x5e: {  	s24 =	simm.s32 $0x0;
	s14 =	sshllo.u32 s6, $0x1;
	[sflag:s31] =	ssyncpa.u1 $0x0  }
.Ltmp8:
0x5f: {  	s1 =	sadd.s32 $0x33200, s0;
	p0 =	sne.s32 s9, s11;
	(pc) =	sbr.rel .LBB3_1-.Ltmp8, $4  }
0x60: {  	s5 =	sadd.s32 $0x1E800, s0;
	s0 =	sadd.s32 $0x28A00, s0;
	s2 =	simm.s32 @!p0 $0x0  }
0x61: {  	s23 =	smov.u32 s3;
	[dreg:$0x2] =	wrdreg s0;
	s9 =	sadd.s32 s2, s10  }
0x62: {  	vm0 =	vmmov $0xffff;
	v2 =	vlaneseq.u32;
	p0 =	por $0x0, $0x0;
	s10 =	sshll.u32 s6, $0x1;
	s11 =	sadd.s32 $0x1, s9  }
0x63: {  	vm1 =	vmxor vm1, vm1;
	vm2 =	vmmov $0x1;
	vm3 =	vcmask $0x3F3C;
	s12 =	sadd.s32 $0x2, s9;
	s13 =	sor.u32 $0x81, s10;
	s15 =	sor.u32 $0x80, s10  }
.LBB3_9:
0x64: {  	p1 =	slt.u32 s24, $0x3  }
0x65: {  	s0 =	simm.s32 @!p1 $0x2  }
0x66: {  	_ =	swait.ge @!p1 [sflag:s0], $0x1770  }
0x67: {  	[sflag:s0] =	ssyncset.done @!p1 $0x0  }
0x68: {  	[sflag:s0] =	ssyncadd.s32 @!p1 $0xFFFFE890;
	s0 =	simm.s32 @!p1 $0x9  }
0x69: {  	_ =	swait.ge @!p1 [sflag:s0], $0x10  }
0x6a: {  	[sflag:s0] =	ssyncset.done @!p1 $0x0  }
0x6b: {  	[sflag:s0] =	ssyncadd.s32 @!p1 $0xFFFFFFF0;
	p1 =	sne.s32 s24, s12  }
.Ltmp9:
0x6c: {  	s2 =	sadd.s32 $0x1770, s23;
	(pc) =	sbr.rel @!p1 .LBB3_10-.Ltmp9, $4  }
0x6d: {  	s6 =	smov.u32 s3;
	s31 =	sadd.s32 $0x1, s24;
	s17 =	sadd.s32 $0x1770, s17  }
0x6e: {  	s18 =	sadd.s32 $0x1, s18;
	s25 =	smov.u32 s23;
	p2 =	slt.s32 s2, s4  }
0x6f: {  	p0 =	por !p0, !p0;
	s19 =	sadd.s32 $0x1770, s19;
	s6 =	smov.u32 @p2 s2  }
0x70: {  	s20 =	sadd.s32 $0x1, s20;
	s23 =	smov.u32 s6;
	s24 =	smov.u32 s31  }
.LBB3_1:
0x71: {  	p1 =	sge.u32 s24, s9  }
0x72: {  	s0 =	smulhi.u32 @!p1 $0xAAAAAAAB, s24;
	_ =	sdelay $0x1  }
0x73: {  	s0 =	sshrl.u32 @!p1 s0, $0x1  }
0x74: {  	s0 =	smul.u32 @!p1 $0x3, s0;
	_ =	sdelay $0x1  }
0x75: {  	s0 =	ssub.s32 @!p1 s24, s0  }
0x76: {  	s0 =	smul.u32 @!p1 $0x5DC0, s0;
	_ =	sdelay $0x1  }
0x77: {  	s2 =	sshrl.u32 @!p1 s23, $0x3;
	s0 =	sshrl.u32 @!p1 s0, $0x2  }
0x78: {  	s22 =	sand.u32 @!p1 $0x7, s23;
	s2 =	sadd.s32 @!p1 s5, s2;
	s0 =	sadd.s32 @!p1 $0x100, s0  }
0x79: {  	[tilespmem:s0], [sflag:$0x7] =	stream.linear.gather @!p1 [hbm4b:s2+s22], $0x1770, $0x38;
	[tilespmem:$0xD410] =	vst v63  }
0x7a: {  	s0 =	sadd.s32 $0xFFFFFFFF, s24  }
0x7b: {  	p1 =	sge.u32 s0, s9  }
.Ltmp10:
0x7c: {  	_ = 	snop;
	(pc) =	sbr.rel @p1 .LBB3_5-.Ltmp10, $1  }
0x7d: {  	_ =	sdelay $0x3  }
0x7e: {  	s2 =	smulhi.u32 $0xAAAAAAAB, s0;
	_ =	sdelay $0x1  }
0x7f: {  	s2 =	sshrl.u32 s2, $0x1  }
0x80: {  	s2 =	smul.u32 $0x3, s2;
	_ =	sdelay $0x1  }
0x81: {  	s2 =	ssub.s32 s0, s2  }
0x82: {  	s2 =	smul.u32 $0x5DC0, s2  }
0x83: {  	_ =	swait.ge [sflag:s7], $0x1770  }
0x84: {  	[sflag:s7] =	ssyncset.done $0x0;
	s2 =	sshrl.u32 s2, $0x2  }
0x85: {  	[sflag:s7] =	ssyncadd.s32 $0xFFFFE890;
	(ifvalue) =	ssetifvalue $0xFFFFFFFF;
	v3 =	vld.msk [tilespmem:s2+$0x100 ss:$0x1], $0xffff;
	_ =	sdelay $0x2  }
0x86: {  	s30 =	smulhi.u32 $0xAAAAAAAB, s18;
	p1 =	sne.s32 s24, $0x1  }
0x87: {  	v4 =	vimm.s32 @!p1 $0x0  }
0x88: {  	s2 =	sshrl.u32 s30, $0x1;
	v4 =	vperm.xlane @!p1 v3, v4  }
0x89: {  	s22 =	sshll.u32 s24, $0x4;
	s2 =	smul.u32 $0xFFFEE6C0, s2;
	vm4 =	vlt.u32 v3, $0x2800  }
0x8a: {  	s22 =	sand.u32 $0x10, s22;
	v3 =	vnsel vm4, $0xFFFFFFFE, v3;
	vm4 =	vlt.u32 @!p1 v4, $0x2800  }
0x8b: {  	s2 =	sshra.s32 s2, $0x2;
	[tilespmem:s22+$0x60] =	vst v3;
	v3 =	vnsel @!p1 vm4, $0xFFFFFFFE, v4  }
0x8c: {  	s28 =	sadd.s32 s2, s17;
	[tilespmem:$0x80] =	vst @!p1 v3  }
0x8d: {  	v3 =	vld.msk [tilespmem:s28+$0x0 ss:$0x1], $0xffff;
	_ =	sdelay $0x4  }
0x8e: {  	(xrf1) =	vunique.msk.u32 $0xffff, v3;
	_ =	sdelay $0xd  }
0x8f: {  	v4 =	vimm.s32 $0xFFFFFFFF;
	v5, _, _ =	vpop (xrf1)  }
0x90: {  	vm5 =	vne.s32 v3, v4;
	vm4 =	veq.s32 v5, v2  }
0x91: {  	vm6 =	vlt.u32 v3, $0x2800;
	vm4 =	vmand vm5, vm4  }
0x92: {  	vm4 =	vmand vm6, vm4  }
0x93: {  	v4 =	vnsel vm4, $0xFFFFFFFF, v3  }
0x94: {  	s31 =	sand.u32 $0x1, s0  }
0x95: {  	s0 =	simm.s32 $0x1770;
	p1 =	seq.s32 s31, $0x1  }
0x96: {  	s0 =	simm.s32 @!p1 $0x0  }
0x97: {  	s26 =	sadd.s32 $0x5EB0, s0;
	(ifvalue) =	ssetifvalue $0xFFFFFFFF  }
0x98: {  	v3 =	vperm.xlane v3, v1;
	[tilespmem:s26], [sflag:$0x8] =	stream.indirect_vreg.gather [hbm4b:s1+s16], $0x1, v4, vm0, $0x4038;
	v4 =	vnsel vm6, $0xFFFFFFFE, v4;
	[tilespmem:$0xD410] =	vst v63  }
0x99: {  	s2 =	simm.s32 $0x0;
	s22 =	sadd.s32 $0xFFFFFFF0, s28;
	[tilespmem:s28+$0x0] =	vst v4  }
.LBB3_3:
0x9a: {  	v4 =	vld.msk [tilespmem:s22+$0x0 ss:$0x1], $0xffff;
	s2 =	sadd.s32 $0x10, s2;
	v5 =	vmov v3;
	s28 =	smov.u32 s22  }
0x9b: {  	p1 =	slt.u32 s2, $0x1760;
	_ =	sdelay $0x4  }
0x9c: {  	v3 =	vperm.xlane v4, v1;
	(xrf1) =	vunique.msk.u32 $0xffff, v4;
	_ =	sdelay $0xd  }
0x9d: {  	v6, _, _ =	vpop (xrf1)  }
0x9e: {  	vm5 =	vne.s32 v4, v5;
	vm4 =	veq.s32 v6, v2  }
0x9f: {  	vm6 =	vlt.u32 v4, $0x2800;
	vm4 =	vmand vm5, vm4  }
0xa0: {  	vm4 =	vmand vm6, vm4  }
0xa1: {  	v4 =	vnsel vm4, $0xFFFFFFFF, v4  }
.Ltmp11:
0xa2: {  	v5 =	vnsel vm6, $0xFFFFFFFE, v4;
	(pc) =	sbr.rel @p1 .LBB3_3-.Ltmp11, $3  }
0xa3: {  	_ =	sdelay $0x1  }
0xa4: {  	s22 =	sadd.s32 $0xFFFFFFF0, s22;
	s26 =	sadd.s32 $0xFFFFFFF0, s26;
	(ifvalue) =	ssetifvalue $0xFFFFFFFF  }
0xa5: {  	[tilespmem:s26], [sflag:$0x8] =	stream.indirect_vreg.gather [hbm4b:s1+s16], $0x1, v4, vm0, $0x4038;
	[tilespmem:s28+$0x0] =	vst v5  }
0xa6: {  	s2 =	sshrl.u32 s25, $0x3;
	s6 =	rddreg [dreg:$0x2]  }
0xa7: {  	s0 =	sadd.s32 $0x7630, s0;
	s2 =	sadd.s32 s6, s2  }
0xa8: {  	[tilespmem:s0], [sflag:$0x8] =	stream.linear.gather [hbm:s2], $0x1770, $0x38;
	[tilespmem:$0xD410] =	vst v63  }
.LBB3_5:
0xa9: {  	p1 =	slt.u32 s24, $0x2  }
0xaa: {  	p2 =	sge.u32 @!p1 s24, s12  }
0xab: {  	p1 =	por p1, p2  }
.Ltmp12:
0xac: {  	_ = 	snop;
	(pc) =	sbr.rel @p1 .LBB3_9-.Ltmp12, $1  }
0xad: {  	_ =	sdelay $0x3  }
0xae: {  	s0 =	sadd.s32 $0xFFFFFFFE, s24  }
0xaf: {  	s2 =	smulhi.u32 $0xAAAAAAAB, s0;
	_ =	sdelay $0x1  }
0xb0: {  	s2 =	sshrl.u32 s2, $0x1  }
0xb1: {  	s2 =	smul.u32 $0x3, s2;
	_ =	sdelay $0x1  }
0xb2: {  	s0 =	ssub.s32 s0, s2  }
0xb3: {  	_ =	swait.ge [sflag:s8], $0x2EE0;
	s0 =	smul.u32 $0x1770, s0  }
0xb4: {  	p1 =	sne.s32 s24, s11;
	[sflag:s8] =	ssyncset.done $0x0  }
0xb5: {  	[sflag:s8] =	ssyncadd.s32 $0xFFFFD120;
	s2 =	sadd.s32 @!p1 $0x186F, s0  }
0xb6: {  	[spmem:s13] =	stream.linear.scatter @!p1 [tilespmem:s2], [sflag:$0x1], $0x1, $0x38;
	[tilespmem:$0xD410] =	vst v63  }
0xb7: {  	s2 =	simm.s32 @!p1 $0x1  }
0xb8: {  	_ =	swait.ge @!p1 [sflag:s2], $0x1  }
0xb9: {  	s22 =	sshll.u32 s24, $0x4;
	[sflag:s2] =	ssyncset.done @!p1 $0x0  }
0xba: {  	s25 =	sand.u32 $0x10, s22;
	[sflag:s2] =	ssyncadd.s32 @!p1 $0xFFFFFFFF  }
0xbb: {  	s2 =	sxor.u32 $0x10, s25;
	v4 =	vld [tilespmem:s25+$0x10]  }
0xbc: {  	v5 =	vld [tilespmem:s2+$0x60]  }
0xbd: {  	v3 =	vld [tilespmem:$0x80];
	_ =	sdelay $0x2  }
0xbe: {  	(v2sf) =	vpush v4, $0x0  }
0xbf: {  	(v2sf) =	vpush v5, $0x0  }
0xc0: {  	(v2sf) =	vpush v3, $0x0;
	_ =	sdelay $0xc  }
0xc1: {  	s6 =	spop (v2sf)  }
0xc2: {  	s28 =	spop (v2sf)  }
0xc3: {  	s26 =	spop (v2sf)  }
0xc4: {  	p2 =	seq.s32 s6, s28;
	p3 =	seq.s32 s26, s6  }
0xc5: {  	p3 =	por p2, p3  }
0xc6: {  	s6 =	sand.u32 $0x1, s24;
	v4 =	vpsel p3, $0xFFFFFFFF, v4  }
0xc7: {  	s28 =	smul.u32 $0x1770, s6;
	[tilespmem:s25+$0x10] =	vst.msk $0x1, v4  }
0xc8: {  	v4 =	vld [tilespmem:$0x30]  }
0xc9: {  	v5 =	vld [tilespmem:s28+$0x7630]  }
0xca: {  	v6 =	vld [tilespmem:s25+$0x40];
	_ =	sdelay $0x3  }
0xcb: {  	vm4 =	vmmov vm1;
	v5 =	vadd.f32 v5, v4  }
0xcc: {  	vm5 =	vmmov vm2;
	vm4 =	vmmov @p2 vm2;
	v4 =	vadd.f32 v6, v4  }
0xcd: {  	s22 =	sshll.u32 s6, $0x4;
	vm5 =	vmmov @p3 vm1;
	[tilespmem:s28+$0x7630] =	vst.msk vm4, v5  }
0xce: {  	[tilespmem:s22+$0xD3F0] =	vst.msk vm5, v4  }
0xcf: {  	v4 =	vld [tilespmem:s28+$0x5EB0];
	_ =	sdelay $0x3  }
0xd0: {  	v5 =	vimm.f32 $0.0e+00  }
0xd1: {  	v4 =	vshift.insert v4, v5, s21  }
0xd2: {  	s29 =	sor.u32 $0x40, s2  }
0xd3: {  	[tilespmem:s29+$0x0] =	vst.msk $0x1, v4  }
0xd4: {  	[tilespmem:s28+$0x5EBF] =	vst.msk $0x1, v5  }
0xd5: {  	v4 =	vld [tilespmem:s0+$0x1860];
	_ =	sdelay $0x1  }
0xd6: {  	s29 =	smulhi.u32 $0xAAAAAAAB, s20;
	s0 =	simm.s32 $0x1  }
0xd7: {  	s0 =	simm.s32 @!p0 $0x0  }
0xd8: {  	s29 =	sshrl.u32 s29, $0x1;
	s0 =	smul.u32 $0x5DC0, s0  }
0xd9: {  	s29 =	smul.u32 $0xFFFEE6C0, s29;
	v4 =	vshift.insert v4, v1, s21  }
0xda: {  	s0 =	sshrl.u32 s0, $0x2  }
0xdb: {  	s29 =	sshra.s32 s29, $0x2;
	s30 =	sadd.s32 $0x7630, s0;
	[tilespmem:s2+$0x10] =	vst.msk $0x1, v4  }
0xdc: {  	s6 =	sadd.s32 s29, s19;
	v6 =	vld [tilespmem:s30+$0x0]  }
0xdd: {  	v7 =	vld [tilespmem:s6+$0x0];
	_ =	sdelay $0x3  }
0xde: {  	v5 =	vadd.f32 v6, v5  }
0xdf: {  	vm4 =	vne.s32 v7, $0xFFFFFFFF  }
0xe0: {  	(xrf2) =	vadd.seg.scan.f32 vm4, v5;
	_ =	sdelay $0x3  }
0xe1: {  	s31 =	sadd.s32 $0x4750, s0;
	v5 =	vperm.xlane v4, v1  }
0xe2: {  	v6 =	vld [tilespmem:s31+$0x0]  }
0xe3: {  	vm5 =	veq.s32 v7, v3;
	vm6 =	veq.s32 v7, v5  }
0xe4: {  	vm7 =	vgt.u32 v7, $0xFFFFFFFD;
	vm6 =	vmor vm6, vm5  }
0xe5: {  	vm6 =	vmor vm6, vm7  }
0xe6: {  	v9 =	vld [tilespmem:$0xA0];
	v7 =	vsel vm6, $0xFFFFFFFF, v7  }
0xe7: {  	v10 =	vld [tilespmem:$0x90];
	v6 =	vsel vm5, $0x0, v6;
	v8, _, _ =	vpop (xrf2)  }
0xe8: {  	v6 =	vadd.f32 v8, v6  }
0xe9: {  	s0 =	sadd.s32 $0xA510, s0  }
0xea: {  	vm4 =	vmand vm4, vm3;
	[tilespmem:s0+$0x0] =	vst v6;
	(ifvalue) =	ssetifvalue $0xFFFFFFFF  }
0xeb: {  	vm6 =	veq.s32 v9, $0x1;
	[hbm4b:s1+s16] =	stream.indirect_vreg.scatter [tilespmem:s0], [sflag:$0x2], $0x1, v7, vm0, $0x4038;
	v7 =	vsel vm4, $0x0, v8;
	[tilespmem:$0xD410] =	vst v63  }
0xec: {  	s29 =	sadd.s32 $0xD3F0, s22;
	s22 =	sadd.s32 $0x10, s6;
	s2 =	simm.s32 $0x0;
	vm4 =	vmor vm6, vm5;
	v6 =	vsel vm5, v8, v10;
	v7 =	vshift.insert v7, v0, s21  }
.LBB3_7:
0xed: {  	v8 =	vld [tilespmem:s22+$0x0];
	s30 =	sadd.s32 $0x10, s30  }
0xee: {  	s31 =	sadd.s32 $0x10, s31;
	v9 =	vld [tilespmem:s30+$0x0]  }
0xef: {  	s2 =	sadd.s32 $0x10, s2;
	v10 =	vld [tilespmem:s31+$0x0]  }
0xf0: {  	p2 =	slt.u32 s2, $0x1760;
	_ =	sdelay $0x2  }
0xf1: {  	v7 =	vadd.f32 v9, v7  }
0xf2: {  	vm5 =	vne.s32 v8, $0xFFFFFFFF  }
0xf3: {  	vm6 =	vmand vm5, vm3;
	(xrf2) =	vadd.seg.scan.f32 vm5, v7;
	_ =	sdelay $0x5  }
0xf4: {  	vm7 =	veq.s32 v8, v5;
	vm5 =	veq.s32 v8, v3  }
0xf5: {  	vm8 =	vgt.u32 v8, $0xFFFFFFFD;
	vm4 =	vmor vm4, vm5;
	vm7 =	vmor vm7, vm5  }
0xf6: {  	vm7 =	vmor vm7, vm8  }
0xf7: {  	v8 =	vsel vm7, $0xFFFFFFFF, v8  }
.Ltmp13:
0xf8: {  	v7 =	vsel vm5, $0x0, v10;
	v9, _, _ =	vpop (xrf2);
	(pc) =	sbr.rel @p2 .LBB3_7-.Ltmp13, $4  }
0xf9: {  	v6 =	vsel vm5, v9, v6;
	v10 =	vadd.f32 v9, v7;
	v7 =	vsel vm6, $0x0, v9  }
0xfa: {  	s0 =	sadd.s32 $0x10, s0;
	v7 =	vshift.insert v7, v0, s21  }
0xfb: {  	s22 =	sadd.s32 $0x10, s22;
	[tilespmem:s0+$0x0] =	vst v10;
	(ifvalue) =	ssetifvalue $0xFFFFFFFF  }
0xfc: {  	[hbm4b:s1+s16] =	stream.indirect_vreg.scatter [tilespmem:s0], [sflag:$0x2], $0x1, v8, vm0, $0x4038;
	[tilespmem:$0xD410] =	vst v63  }
0xfd: {  	v3 =	vld [tilespmem:s28+$0xBC70];
	_ =	sdelay $0x4  }
0xfe: {  	v3 =	vshift.insert v3, v0, s21  }
0xff: {  	s0 =	simm.s32 $0x30  }
0x100: {  	[tilespmem:s0+$0x0] =	vst.msk $0x1, v3  }
0x101: {  	v3 =	vsel vm4, $0x1, v1;
	[tilespmem:$0x90] =	vst v6  }
0x102: {  	s0 =	sadd.s32 @!p1 $0xBC7F, s28;
	[tilespmem:$0xA0] =	vst v3  }
0x103: {  	[spmem:s14] =	stream.linear.scatter @!p1 [tilespmem:s0], [sflag:$0x1], $0x1, $0x38;
	[tilespmem:$0xD410] =	vst v63  }
0x104: {  	s0 =	simm.s32 @!p1 $0x1  }
0x105: {  	v3 =	vmctz.xlane @!p1 vm4;
	_ =	swait.ge @!p1 [sflag:s0], $0x1  }
0x106: {  	(v2sf) =	vpush @!p1 v4, $0x0  }
0x107: {  	(v2sf) =	vpush @!p1 v3, $0x0;
	_ =	sdelay $0xd  }
0x108: {  	s2 =	spop @!p1 (v2sf)  }
0x109: {  	s6 =	spop @!p1 (v2sf)  }
0x10a: {  	p2 =	sne.s32 @!p1 s26, s2;
	p3 =	slt.s32 @!p1 s6, $0xF  }
0x10b: {  	[sflag:s0] =	ssyncset.done @!p1 $0x0;
	p2 =	por p2, p1;
	p3 =	por !p3, p1  }
0x10c: {  	[sflag:s0] =	ssyncadd.s32 @!p1 $0xFFFFFFFF;
	v3 =	vimm.s32 @!p2 $0xFFFFFFFF;
	s6 =	simm.s32 @p3 $0xF  }
0x10d: {  	[tilespmem:$0x80] =	vst @!p2 v3;
	s2 =	sadd.s32 @!p1 $0x90, s6  }
0x10e: {  	[spmem:s10] =	stream.linear.scatter @!p1 [tilespmem:s2], [sflag:$0x1], $0x1, $0x38;
	[tilespmem:$0xD410] =	vst v63  }
0x10f: {  	_ =	swait.ge @!p1 [sflag:s0], $0x1  }
0x110: {  	[sflag:s0] =	ssyncset.done @!p1 $0x0  }
0x111: {  	s2 =	simm.s32 @!p1 $0x80;
	[sflag:s0] =	ssyncadd.s32 @!p1 $0xFFFFFFFF  }
0x112: {  	[spmem:s15] =	stream.linear.scatter @!p1 [tilespmem:s2], [sflag:$0x1], $0x1, $0x38;
	[tilespmem:$0xD410] =	vst v63  }
0x113: {  	_ =	swait.ge @!p1 [sflag:s0], $0x1  }
0x114: {  	[sflag:s0] =	ssyncset.done @!p1 $0x0  }
0x115: {  	[sflag:s0] =	ssyncadd.s32 @!p1 $0xFFFFFFFF;
	(ifvalue) =	ssetifvalue $0xFFFFFFFF;
	v3 =	vld [tilespmem:s25+$0x10];
	_ =	sdelay $0x3  }
.Ltmp14:
0x116: {  	_ = 	snop;
	(pc) =	sbr.rel .LBB3_9-.Ltmp14, $3  }
0x117: {  	_ =	sdelay $0x1  }
0x118: {  	(ifvalue) =	ssetifvalue $0xFFFFFFFF  }
0x119: {  	[hbm4b:s1+s16] =	stream.indirect_vreg.scatter [tilespmem:s29], [sflag:$0x9], $0x1, v3, vm0, $0x4038;
	[tilespmem:$0xD410] =	vst v63  }
.LBB3_10:
0x11a: {  	_ =	sfence.sel $0x180000  }
0x11b: {  	s0 =	simm.s32 $0x7;
	[bflag:$0x0] =	sbarrier.arrive $0xFFFF  }
0x11c: {  	s26 =	simm.s32 $0x8;
	[sflag:s0] =	ssyncpa.u1 $0x1  }
0x11d: {  	s28 =	simm.s32 $0x9;
	[sflag:s26] =	ssyncpa.u1 $0x1  }
0x11e: {  	[sflag:s28] =	ssyncpa.u1 $0x1  }
0x11f: {  	_ =	sfence.stream.spmem  }
0x120: {  	s29 =	simm.s32 $0x3;
	[bflag:$0x0] =	sbarrier.arrive $0xFFFF  }
0x121: {  	s30 =	simm.s32 $0x4;
	[sflag:s29] =	ssyncpa.u1 $0x1  }
0x122: {  	s31 =	simm.s32 $0x3C;
	s2 =	stileid.u32;
	[sflag:s30] =	ssyncpa.u1 $0x1  }
0x123: {  	p0 =	sne.s32 s2, $0x0;
	[sflag:s31] =	ssyncpa.u1 $0x1  }
0x124: {  	s0 =	simm.s32 @p0 $0x1;
	_ =	sfence @p0  }
0x125: {  	[sflag:s0] =	ssyncpa.u1 @p0 $0x1;
	s0 =	simm.s32 @p0 $0x2  }
0x126: {  	[sflag:s0] =	ssyncpa.u1 @p0 $0x1  }
0x127: {  	_ =	strace @p0 $0x9000004A  }
0x128: {  	[bflag:$0x2] =	sbarrier.arrive @p0 $0xFFFF  }
0x129: {  	_ =	shalt @p0  }
.LBB3_11:
0x12a: {  	_ =	sfence.stream.spmem;
	s0 =	simm.s32 $0x5  }
0x12b: {  	s2 =	simm.s32 $0x80;
	s3 =	simm.s32 $0xC0;
	[sflag:s0] =	ssyncpa.u1 $0x0  }
0x12c: {  	[tilespmem:s3], [sflag:$0x5] =	stream.linear.gather [spmem:s2], $0x20, $0x38;
	[tilespmem:$0xD410] =	vst v63  }
0x12d: {  	s2 =	simm.s32 $0x0;
	s3 =	simm.s32 $0xE0  }
0x12e: {  	[tilespmem:s3], [sflag:$0x5] =	stream.linear.gather [spmem:s2], $0x20, $0x38;
	[tilespmem:$0xD410] =	vst v63  }
.Ltmp15:
0x12f: {  	_ = 	snop;
	(pc) =	sbr.rel .LBB3_12-.Ltmp15, $4  }
0x130: {  	_ =	swait.ge [sflag:s0], $0x40  }
0x131: {  	[sflag:s0] =	ssyncset.done $0x0  }
0x132: {  	s31 =	simm.s32 $0x6;
	[sflag:s0] =	ssyncadd.s32 $0xFFFFFFC0  }
0x133: {  	s4 =	simm.s32 $0x0;
	[sflag:s31] =	ssyncpa.u1 $0x0  }
.LBB3_17:
0x134: {  	p0 =	sgt.u32 s5, $0x27FF  }
0x135: {  	s0 =	sshrl.u32 @!p0 s5, $0x3  }
0x136: {  	s5 =	sand.u32 @!p0 $0x7, s5;
	s6 =	simm.s32 @!p0 $0xB0;
	s0 =	sadd.s32 @!p0 s1, s0  }
0x137: {  	[tilespmem:s6], [sflag:$0x6] =	stream.linear.gather @!p0 [hbm4b:s0+s5], $0x1, $0x38;
	[tilespmem:$0xD410] =	vst v63  }
0x138: {  	s0 =	simm.s32 @!p0 $0x6  }
0x139: {  	_ =	swait.ge @!p0 [sflag:s0], $0x1  }
0x13a: {  	[sflag:s0] =	ssyncset.done @!p0 $0x0  }
0x13b: {  	[sflag:s0] =	ssyncadd.s32 @!p0 $0xFFFFFFFF  }
0x13c: {  	v2 =	vmov @!p0 s4;
	v1 =	vld.msk @!p0 [tilespmem:$0xB0], $0x1;
	_ =	sdelay $0x3  }
0x13d: {  	s0 =	simm.s32 @!p0 $0xE0  }
0x13e: {  	[tilespmem:v2+s0+$0x0], v1 =	vst.idx.ret.add.f32.msk @!p0 $0x1, v1  }
0x13f: {  	[tilespmem:s2+$0xC0] =	vst.msk $0x1, v0  }
0x140: {  	v0 =	vld.msk [tilespmem:s4+$0xE0], $0x1;
	_ =	sdelay $0x4  }
0x141: {  	[tilespmem:s2+$0xE0] =	vst.msk $0x1, v0;
	s2 =	sadd.s32 $0x1, s2  }
.LBB3_19:
0x142: {  	s4 =	sadd.s32 $0x1, s4  }
0x143: {  	p0 =	sne.s32 s4, $0x20  }
.Ltmp16:
0x144: {  	_ = 	snop;
	(pc) =	sbr.rel @!p0 .LBB3_20-.Ltmp16, $1  }
0x145: {  	_ =	sdelay $0x3  }
.LBB3_12:
0x146: {  	v0 =	vld.msk [tilespmem:s4+$0xC0], $0x1;
	_ =	sdelay $0x4  }
0x147: {  	(v2sf) =	vpush v0, $0x0;
	_ =	sdelay $0xe  }
0x148: {  	s5 =	spop (v2sf)  }
0x149: {  	p0 =	seq.s32 s5, $0xFFFFFFFF  }
.Ltmp17:
0x14a: {  	_ = 	snop;
	(pc) =	sbr.rel @p0 .LBB3_19-.Ltmp17, $1  }
0x14b: {  	_ =	sdelay $0x3  }
0x14c: {  	p0 =	slt.s32 s2, $0x1  }
.Ltmp18:
0x14d: {  	_ = 	snop;
	(pc) =	sbr.rel @p0 .LBB3_17-.Ltmp18, $1  }
0x14e: {  	_ =	sdelay $0x3  }
0x14f: {  	s0 =	simm.s32 $0xC0;
	p0 =	por $0x0, $0x0  }
0x150: {  	v1 =	vld.msk @!p0 [tilespmem:s0+$0x0], $0x1;
	_ =	sdelay $0x4  }
0x151: {  	(v2sf) =	vpush @!p0 v1, $0x0;
	_ =	sdelay $0xd  }
0x152: {  	p2 =	sne.s32 s2, $0x1  }
.Ltmp19:
0x153: {  	s6 =	spop @!p0 (v2sf);
	(pc) =	sbr.rel @!p2 .LBB3_16-.Ltmp19, $4  }
0x154: {  	p1 =	seq.s32 @!p0 s5, s6  }
0x155: {  	s6 =	simm.s32 $0x0;
	p1 =	por !p1, p0  }
0x156: {  	s8 =	simm.s32 $0xFFFFFFFF;
	s6 =	simm.s32 @p1 $0xFFFFFFFF  }
0x157: {  	s7 =	simm.s32 $0x1;
	s6 =	smov.u32 @p0 s8  }
.LBB3_15:
0x158: {  	s8 =	smov.u32 s6;
	p0 =	sne.s32 s6, $0xFFFFFFFF  }
0x159: {  	s0 =	sadd.s32 $0x1, s0;
	s6 =	smov.u32 s7;
	s7 =	sadd.s32 $0x1, s7  }
0x15a: {  	p1 =	sne.s32 s2, s7;
	v1 =	vld.msk @!p0 [tilespmem:s0+$0x0], $0x1;
	_ =	sdelay $0x4  }
0x15b: {  	(v2sf) =	vpush @!p0 v1, $0x0;
	_ =	sdelay $0xe  }
.Ltmp20:
0x15c: {  	s9 =	spop @!p0 (v2sf);
	(pc) =	sbr.rel @p1 .LBB3_15-.Ltmp20, $4  }
0x15d: {  	p2 =	seq.s32 @!p0 s5, s9  }
0x15e: {  	p2 =	por !p2, p0  }
0x15f: {  	s6 =	simm.s32 @p2 $0xFFFFFFFF  }
0x160: {  	s6 =	smov.u32 @p0 s8  }
.LBB3_16:
0x161: {  	p0 =	sne.s32 s6, $0xFFFFFFFF  }
.Ltmp21:
0x162: {  	_ = 	snop;
	(pc) =	sbr.rel @!p0 .LBB3_17-.Ltmp21, $1  }
0x163: {  	_ =	sdelay $0x3  }
0x164: {  	v0 =	vld.msk [tilespmem:s4+$0xE0], $0x1;
	v1 =	vmov s6  }
.Ltmp22:
0x165: {  	_ = 	snop;
	(pc) =	sbr.rel .LBB3_19-.Ltmp22, $2  }
0x166: {  	_ =	sdelay $0x2  }
0x167: {  	[tilespmem:v1+s3+$0x0], v0 =	vst.idx.ret.add.f32.msk $0x1, v0  }
.LBB3_20:
0x168: {  	p0 =	slt.s32 s2, $0x1  }
.Ltmp23:
0x169: {  	_ = 	snop;
	(pc) =	sbr.rel @p0 .LBB3_24-.Ltmp23, $3  }
0x16a: {  	_ =	sdelay $0x1  }
0x16b: {  	s0 =	simm.s32 $0x6  }
0x16c: {  	s3 =	simm.s32 $0x0;
	[sflag:s0] =	ssyncpa.u1 $0x1  }
0x16d: {  	s0 =	simm.s32 $0xC0  }
0x16e: {  	v0 =	vld.msk [tilespmem:s0+$0x0], $0x1;
	_ =	sdelay $0x4  }
0x16f: {  	(v2sf) =	vpush v0, $0x0;
	_ =	sdelay $0xe  }
0x170: {  	s2 =	sadd.s32 $0xFFFFFFFF, s2;
	s4 =	spop (v2sf)  }
0x171: {  	p1 =	sne.s32 s2, $0x0;
	p0 =	sgt.u32 s4, $0x27FF  }
.Ltmp24:
0x172: {  	s5 =	sshrl.u32 @!p0 s4, $0x3;
	(pc) =	sbr.rel @!p1 .LBB3_23-.Ltmp24, $4  }
0x173: {  	s0 =	simm.s32 $0xE0;
	s4 =	sand.u32 @!p0 $0x7, s4;
	s5 =	sadd.s32 @!p0 s1, s5  }
0x174: {  	[hbm4b:s5+s4] =	stream.linear.scatter @!p0 [tilespmem:s0], [sflag:$0x5], $0x1, $0x38;
	[tilespmem:$0xD410] =	vst v63  }
0x175: {  	s5 =	simm.s32 $0x0  }
0x176: {  	s4 =	simm.s32 $0xC1;
	s5 =	simm.s32 @!p0 $0x4  }
.LBB3_22:
0x177: {  	v0 =	vld.msk [tilespmem:s4+$0x0], $0x1;
	s2 =	sadd.s32 $0xFFFFFFFF, s2;
	s3 =	sadd.s32 s3, s5  }
0x178: {  	p0 =	sne.s32 s2, $0x0;
	_ =	sdelay $0x3  }
0x179: {  	(v2sf) =	vpush v0, $0x0;
	_ =	sdelay $0xe  }
.Ltmp25:
0x17a: {  	s6 =	spop (v2sf);
	(pc) =	sbr.rel @p0 .LBB3_22-.Ltmp25, $4  }
0x17b: {  	s5 =	simm.s32 $0x0;
	p1 =	sgt.u32 s6, $0x27FF  }
0x17c: {  	s0 =	sadd.s32 $0x1, s0;
	s5 =	simm.s32 @!p1 $0x4;
	s7 =	sshrl.u32 @!p1 s6, $0x3  }
0x17d: {  	s4 =	sadd.s32 $0x1, s4;
	s6 =	sand.u32 @!p1 $0x7, s6;
	s7 =	sadd.s32 @!p1 s1, s7  }
0x17e: {  	[hbm4b:s7+s6] =	stream.linear.scatter @!p1 [tilespmem:s0], [sflag:$0x5], $0x1, $0x38;
	[tilespmem:$0xD410] =	vst v63  }
.LBB3_23:
0x17f: {  	s0 =	sadd.s32 s3, s5  }
0x180: {  	s3 =	sshrl.u32 s0, $0x2  }
.LBB3_24:
0x181: {  	s0 =	simm.s32 $0x5  }
0x182: {  	_ =	swait.ge [sflag:s0], s3  }
0x183: {  	s1 =	ssub.s32 $0x0, s3;
	[sflag:s0] =	ssyncset.done $0x0  }
0x184: {  	[sflag:s0] =	ssyncadd.s32 s1  }
0x185: {  	[sflag:s0] =	ssyncpa.u1 $0x1  }
0x186: {  	s29 =	simm.s32 $0x1;
	_ =	sfence  }
0x187: {  	s30 =	simm.s32 $0x2;
	[sflag:s29] =	ssyncpa.u1 $0x1  }
0x188: {  	[sflag:s30] =	ssyncpa.u1 $0x1  }
0x189: {  	_ =	strace $0x9000004A  }
0x18a: {  	[bflag:$0x2] =	sbarrier.arrive $0xFFFF  }
0x18b: {  	s31 =	rddreg [dreg:$0x1]  }
0x18c: {  	s0 =	sadd.s32 $0x100000, s31  }
0x18d: {  	[sflag:s0] =	ssyncadd.tile.s32 $0x1;
	_ =	shalt  }
.Lfunc_end3:
_tile_overlayer_lowered:
.L_overlay_start_3:
0x18e: {  	(tag) =	ssettag $0x3  }
0x18f: {  	s0 =	rddreg [dreg:$0x0];
	s2 =	stileid.u32  }
0x190: {  	s1 =	rddreg [dreg:$0x1];
	p0 =	sne.s32 s2, $0x0  }
0x191: {  	s3 =	rddreg [dreg:$0x2];
	[bflag:$0x3] =	sbarrier.arrive $0xFFFF;
	s2 =	simm.s32 @!p0 $0x1C01  }
0x192: {  	[timem:s3], [sflag:s2] =	dma.local @!p0 [hbm:s0], s1  }
0x193: {  	s0 =	simm.s32 @!p0 $0x1  }
0x194: {  	_ =	swait.ge @!p0 [sflag:s0], s1  }
0x195: {  	s1 =	ssub.s32 @!p0 $0x0, s1;
	[sflag:s0] =	ssyncset.done @!p0 $0x0  }
0x196: {  	[sflag:s0] =	ssyncadd.s32 @!p0 s1  }
0x197: {  	[bflag:$0x3] =	sbarrier.arrive $0xFFFF  }
0x198: {  	_ =	shalt  }

// kernel: scatter_offload_async_start.4
scs
__scs_entry_jumppad:
0x0: {  	(pc) =	sbr.rel $0x88, $3  }
0x1: {  	(tag) =	ssettag $0x0;
	lr =	simm.s32 $0x1  }
0x2: {  	[smem:$0x3F9B] =	sst lr;
	_ =	strace $0xD0000000  }
0x3: {  	_ = 	snop  }
0x4: {  	_ = 	snop  }
0x5: {  	_ = 	snop  }
0x6: {  	_ = 	snop  }
0x7: {  	_ = 	snop  }
__scs_overlays_trampoline_lowered:
0x8: {  	[smem:$0x3FAA] =	sst s0  }
0x9: {  	[smem:$0x3FAB] =	sst s1  }
0xa: {  	[smem:$0x3FAC] =	sst s2  }
0xb: {  	[smem:$0x3FAD] =	sst s3  }
0xc: {  	[smem:$0x3FAE] =	sst s4  }
0xd: {  	[smem:$0x3FAF] =	sst s5  }
0xe: {  	[smem:$0x3FB0] =	sst s6  }
0xf: {  	[smem:$0x3FB1] =	sst s7  }
0x10: {  	[smem:$0x3FB2] =	sst s8  }
0x11: {  	[smem:$0x3FB3] =	sst s9;
	s0 =	simm.s32 @!p0 $0x0  }
0x12: {  	s1 =	sld [smem:$0x3F99];
	s0 =	simm.s32 @p0 $0x1  }
0x13: {  	[smem:$0x3FB4] =	sst s0;
	s0 =	simm.s32 @!p1 $0x0  }
0x14: {  	s2 =	sld [smem:$0x3F98];
	s0 =	simm.s32 @p1 $0x1  }
0x15: {  	[smem:$0x3FB5] =	sst s0;
	s0 =	simm.s32 @!p2 $0x0  }
0x16: {  	s3 =	sld [smem:$0x3FDB];
	s0 =	simm.s32 @p2 $0x1  }
0x17: {  	s4 =	simm.s32 $0x1BF5;
	[smem:$0x3FB7] =	sst s0  }
0x18: {  	s0 =	sld [smem:$0x3F9A];
	_ =	swait.ge [sflag:s4], $0x0  }
0x19: {  	s7 =	sld [smem:$0x3F9B]  }
0x1a: {  	s8 =	sadd.s32 $0xFFFFE003, lr  }
0x1b: {  	s9 =	sadd.s32 $0xFFFFFEF7, lr;
	s5 =	simm.s32 $0xFFFFFFFF;
	p2 =	slt.u32 s8, $0xFFFFF086  }
0x1c: {  	p1 =	slt.u32 s9, $0xF7A;
	s5 =	simm.s32 @!p2 $0x0  }
0x1d: {  	s5 =	simm.s32 @p1 $0x1;
	p0 =	seq.s32 s7, s2  }
0x1e: {  	s7 =	smul.u32 @!p0 $0xF7A, s2;
	p2 =	seq.s32 @!p0 s5, $0x0  }
0x1f: {  	s9 =	smul.u32 $0xF7A, s1;
	s8 =	simm.s32 @!p0 $0x1BF5;
	p2 =	por !p2, p0  }
0x20: {  	[sflag:s8] =	ssyncset.s32 @!p0 $0xFFFFF086;
	s6 =	sadd.s32 @!p0 s3, s7;
	s7 =	simm.s32 @!p0 $0x108  }
0x21: {  	s3 =	sadd.s32 s3, s9;
	s6 =	sadd.s32 @!p0 $0x88, s6;
	s7 =	simm.s32 @p2 $0x1082  }
0x22: {  	[simem:s7], [sflag:s8] =	dma.local @!p0 [hbm:s6], $0xF7A  }
0x23: {  	s9 =	sor.u32 $0xD0000000, s2;
	s6 =	simm.s32 $0x108;
	_ =	swait.ge @!p0 [sflag:s8], $0x0  }
0x24: {  	s3 =	sadd.s32 $0x88, s3;
	s6 =	simm.s32 @!p1 $0x1082;
	[sflag:s4] =	ssyncset.s32 $0xFFFFF086  }
0x25: {  	[simem:s6], [sflag:s4] =	dma.local [hbm:s3], $0xF7A  }
0x26: {  	[smem:$0x3F9B] =	sst s1;
	(tag) =	ssettag s2;
	_ =	strace s9  }
0x27: {  	s1 =	sld [smem:$0x3FAB]  }
0x28: {  	s2 =	sld [smem:$0x3FAC]  }
0x29: {  	s4 =	sld [smem:$0x3FAE]  }
0x2a: {  	p0 =	seq.s32 s5, $0x0;
	s5 =	sld [smem:$0x3FAF]  }
0x2b: {  	s6 =	sld [smem:$0x3FB0]  }
0x2c: {  	s7 =	sld [smem:$0x3FB1]  }
0x2d: {  	s3 =	simm.s32 $0x108;
	s8 =	sld [smem:$0x3FB2]  }
0x2e: {  	s3 =	simm.s32 @!p0 $0x1082;
	s9 =	sld [smem:$0x3FB3]  }
0x2f: {  	lr =	sadd.s32 s0, s3;
	s0 =	sld [smem:$0x3FAA]  }
0x30: {  	s3 =	sld [smem:$0x3FAD]  }
0x31: {  	[smem:$0x3FB6] =	sst s10  }
0x32: {  	s10 =	sld [smem:$0x3FB4];
	_ =	sdelay $0x3  }
0x33: {  	p0 =	seq.s32 s10, $0x1;
	s10 =	sld [smem:$0x3FB6];
	_ =	sdelay $0x3  }
0x34: {  	[smem:$0x3FB6] =	sst s10  }
0x35: {  	s10 =	sld [smem:$0x3FB5];
	_ =	sdelay $0x3  }
0x36: {  	p1 =	seq.s32 s10, $0x1;
	s10 =	sld [smem:$0x3FB6];
	_ =	sdelay $0x3  }
0x37: {  	[smem:$0x3FB6] =	sst s10  }
0x38: {  	s10 =	sld [smem:$0x3FB7]  }
0x39: {  	_ = 	snop;
	(pc) =	sbr.ind lr, $3  }
0x3a: {  	_ = 	snop  }
0x3b: {  	_ = 	snop  }
0x3c: {  	p2 =	seq.s32 s10, $0x1;
	s10 =	sld [smem:$0x3FB6]  }
0x3d: {  	_ =	shalt  }
0x3e: {  	_ =	shalt  }
0x3f: {  	_ =	shalt  }
0x40: {  	_ =	shalt  }
0x41: {  	_ =	shalt  }
0x42: {  	_ =	shalt  }
0x43: {  	_ =	shalt  }
0x44: {  	_ =	shalt  }
0x45: {  	_ =	shalt  }
0x46: {  	_ =	shalt  }
0x47: {  	_ =	shalt  }
0x48: {  	_ =	shalt  }
0x49: {  	_ =	shalt  }
0x4a: {  	_ =	shalt  }
0x4b: {  	_ =	shalt  }
0x4c: {  	_ =	shalt  }
0x4d: {  	_ =	shalt  }
0x4e: {  	_ =	shalt  }
0x4f: {  	_ =	shalt  }
0x50: {  	_ =	shalt  }
0x51: {  	_ =	shalt  }
0x52: {  	_ =	shalt  }
0x53: {  	_ =	shalt  }
0x54: {  	_ =	shalt  }
0x55: {  	_ =	shalt  }
0x56: {  	_ =	shalt  }
0x57: {  	_ =	shalt  }
0x58: {  	_ =	shalt  }
0x59: {  	_ =	shalt  }
0x5a: {  	_ =	shalt  }
0x5b: {  	_ =	shalt  }
0x5c: {  	_ =	shalt  }
0x5d: {  	_ =	shalt  }
0x5e: {  	_ =	shalt  }
0x5f: {  	_ =	shalt  }
0x60: {  	_ =	shalt  }
0x61: {  	_ =	shalt  }
0x62: {  	_ =	shalt  }
0x63: {  	_ =	shalt  }
0x64: {  	_ =	shalt  }
0x65: {  	_ =	shalt  }
0x66: {  	_ =	shalt  }
0x67: {  	_ =	shalt  }
0x68: {  	_ =	shalt  }
0x69: {  	_ =	shalt  }
0x6a: {  	_ =	shalt  }
0x6b: {  	_ =	shalt  }
0x6c: {  	_ =	shalt  }
0x6d: {  	_ =	shalt  }
0x6e: {  	_ =	shalt  }
0x6f: {  	_ =	shalt  }
0x70: {  	_ =	shalt  }
0x71: {  	_ =	shalt  }
0x72: {  	_ =	shalt  }
0x73: {  	_ =	shalt  }
0x74: {  	_ =	shalt  }
0x75: {  	_ =	shalt  }
0x76: {  	_ =	shalt  }
0x77: {  	_ =	shalt  }
0x78: {  	_ =	shalt  }
0x79: {  	_ =	shalt  }
0x7a: {  	_ =	shalt  }
0x7b: {  	_ =	shalt  }
0x7c: {  	_ =	shalt  }
0x7d: {  	_ =	shalt  }
0x7e: {  	_ =	shalt  }
0x7f: {  	_ =	shalt  }
0x80: {  	_ =	shalt  }
0x81: {  	_ =	shalt  }
0x82: {  	_ =	shalt  }
0x83: {  	_ =	shalt  }
0x84: {  	_ =	shalt  }
0x85: {  	_ =	shalt  }
0x86: {  	_ =	shalt  }
0x87: {  	_ =	shalt  }
.Lfunc_end0:
.L_simem_size_0:
called_computation.4_lowered:
.L_overlay_start_0:
0x88: {  	s0 =	sld [smem:$0x3FD9]  }
0x89: {  	s1 =	sld [smem:$0x3FFE];
	_ =	sdelay $0x3  }
0x8a: {  	s0 =	sadd.s32 s1, s0  }
0x8b: {  	[smem:$0x3FC2] =	sst s0  }
0x8c: {  	_ = 	snop  }
0x8d: {  	s14 =	sld [smem:$0x3FD0];
	(tm) =	ssettm $0x1  }
0x8e: {  	s15 =	sld [smem:$0x3FFB];
	_ =	sdelay $0x3  }
0x8f: {  	_ =	strace s15  }
0x90: {  	s0 =	sld [smem:$0x3FFC];
	_ =	sdelay $0x3  }
0x91: {  	_ =	strace s0  }
0x92: {  	s0 =	sld [smem:$0x3FFD];
	_ =	sdelay $0x3  }
0x93: {  	_ =	strace s0  }
0x94: {  	_ =	strace $0x8FFFFFFF  }
0x95: {  	s16 =	sld [smem:$0x3FDB];
	_ =	sdelay $0x1  }
0x96: {  	s2 =	simm.s32 $_scs_section_size  }
0x97: {  	s3 =	simm.s32 $_size__tile_overlayer_lowered;
	s4 =	simm.s32 $_tile_overlayer_lowered  }
0x98: {  	s5 =	simm.s32 $0x1BFF;
	s17 =	sshll.u32 s4, $0x1;
	s2 =	sadd.s32 s2, s16  }
0x99: {  	s18 =	simm.s32 $0x0;
	s3 =	sshll.u32 s3, $0x1;
	s4 =	sadd.s32 s17, s2  }
0x9a: {  	[timem:s18], [sflag:s5] =	dma.local [hbm:s4], s3  }
0x9b: {  	_ =	swait.ge [sflag:s5], s3  }
0x9c: {  	s3 =	ssub.s32 $0x0, s3;
	[sflag:s5] =	ssyncset.done $0x0  }
0x9d: {  	[sflag:s5] =	ssyncadd.s32 s3;
	_ =	sdelay $0x1  }
0x9e: {  	s19 =	simm.s32 $0x1B8B  }
0x9f: {  	_ =	swait.ge [sflag:s19], $0x1  }
0xa0: {  	[sflag:s19] =	ssyncset.done $0x0  }
0xa1: {  	s21 =	simm.s32 $0x1B8E;
	s20 =	sld [smem:$0x3FFE];
	[sflag:s19] =	ssyncadd.s32 $0xFFFFFFFF  }
0xa2: {  	s22 =	simm.s32 $execute0_lowered;
	[smem:$0x3FD2] =	sst s21  }
0xa3: {  	s4 =	sshll.u32 s22, $0x1;
	_ =	strace $0x80000058;
	[dreg:$0x1] =	wrdreg $0xFFFFFFFF  }
0xa4: {  	s23 =	simm.s32 $_size_execute0_lowered;
	s4 =	sadd.s32 s2, s4;
	[dreg:$0x0] =	wrdreg $0x0  }
0xa5: {  	s5 =	sshll.u32 s23, $0x1;
	[dreg:$0x2] =	wrdreg s4  }
0xa6: {  	[dreg:$0x3] =	wrdreg s5  }
0xa7: {  	[dreg:$0x4] =	wrdreg $0xC0  }
0xa8: {  	s24 =	simm.s32 $execute1_lowered;
	_ =	task [dreg:s18], $0x5FFFF  }
0xa9: {  	s4 =	sshll.u32 s24, $0x1;
	[dreg:$0x1] =	wrdreg $0xFFFFFFFF  }
0xaa: {  	s2 =	sadd.s32 s2, s4;
	[dreg:$0x0] =	wrdreg $0x60  }
0xab: {  	[dreg:$0x2] =	wrdreg s2  }
0xac: {  	[dreg:$0x3] =	wrdreg s14  }
0xad: {  	[dreg:$0x4] =	wrdreg s20  }
0xae: {  	[dreg:$0x5] =	wrdreg $0xB  }
0xaf: {  	_ =	task.clear_ibuf [dreg:s18], $0x6FFFF;
	_ =	strace $0x90000058  }
0xb0: {  	s25 =	simm.s32 $0xB;
	_ =	strace $0x8000005A  }
0xb1: {  	_ =	swait.ge [sflag:s25], $0x1  }
0xb2: {  	[sflag:s25] =	ssyncadd.s32 $0xFFFFFFFF  }
0xb3: {  	_ =	strace $0x9000005A  }
0xb4: {  	_ =	strace $0x8000005B;
	[dreg:$0x1] =	wrdreg $0xFFFFFFFF  }
0xb5: {  	[dreg:$0x0] =	wrdreg $0x2030  }
0xb6: {  	[dreg:$0x2] =	wrdreg s20  }
0xb7: {  	[dreg:$0x3] =	wrdreg $0xC  }
0xb8: {  	_ =	task.clear_ibuf [dreg:s18], $0x4FFFF;
	_ =	strace $0x9000005B  }
0xb9: {  	s26 =	simm.s32 $0xC;
	_ =	strace $0x8000005D  }
0xba: {  	_ =	swait.ge [sflag:s26], $0x1  }
0xbb: {  	[sflag:s26] =	ssyncadd.s32 $0xFFFFFFFF  }
0xbc: {  	_ =	strace $0x9000005D  }
0xbd: {  	_ =	sfence  }
0xbe: {  	s28 =	sld [smem:$0x0];
	_ =	sdelay $0x1  }
0xbf: {  	s29 =	srdreg.scid  }
0xc0: {  	s30 =	sshll.u32 s29, $0xD;
	s31 =	sshrl.u32 s29, $0x2  }
0xc1: {  	s3 =	sand.u32 $0x4000, s30;
	s2 =	sand.u32 $0x1, s29;
	s1 =	sadd.s32 s31, s28  }
0xc2: {  	s2 =	sor.u32 s3, s2;
	s1 =	sshll.u32 s1, $0x11  }
0xc3: {  	s1 =	sor.u32 s1, s2  }
0xc4: {  	s1 =	sadd.s32 $0x8F2B, s1  }
0xc5: {  	[sflag:s1] =	ssyncadd.remote.s32 $0x1  }
0xc6: {  	_ =	sfence.sel $0xFFFF  }
0xc7: {  	[dreg:$0x0] =	wrdreg $0xFFFFFFFF;
	(pc) =	sbr.abs _section_cstart, $3  }
0xc8: {  	[dreg:$0x1] =	wrdreg $0xFFFFFFFF  }
0xc9: {  	_ =	task.clear_ibuf [dreg:s18], $0x2FFFF;
	_ =	strace $0x9FFFFFFF  }
0xca: {  	(tm) =	ssettm $0x7FFFFFFF  }
0xcb: {  	_ =	shalt  }
tec
execute0_lowered:
.L_overlay_start_1:
0x0: {  	(tag) =	ssettag $0x1  }
0x1: {  	s3 =	rddreg [dreg:$0x0]  }
0x2: {  	s2 =	rddreg [dreg:$0x1]  }
0x3: {  	s4 =	rddreg [dreg:$0x2]  }
0x4: {  	s0 =	rddreg [dreg:$0x3];
	s5 =	stileid.u32;
	[bflag:$0x3] =	sbarrier.arrive $0xFFFF  }
0x5: {  	s1 =	simm.s32 $_size_execute1_lowered;
	s31 =	simm.s32 $0x2;
	p0 =	sne.s32 s5, $0x0  }
0x6: {  	s1 =	sshll.u32 s1, $0x1;
	s6 =	simm.s32 @!p0 $0x1C3F;
	s7 =	simm.s32 @!p0 $0x4060  }
0x7: {  	[timem:s7], [sflag:s6] =	dma.local @!p0 [hbm:s3], s1  }
.Ltmp0:
0x8: {  	s8 =	simm.s32 $0x0;
	s12 =	simm.s32 $0x0;
	(pc) =	sbr.rel .LBB2_1-.Ltmp0, $4  }
0x9: {  	s10 =	simm.s32 $0x0;
	s11 =	simm.s32 $0x0;
	s3 =	sshll.u32 s5, $0x7  }
0xa: {  	s5 =	simm.s32 $0x1;
	_ =	strace $0x80000059;
	s30 =	ssub.s32 $0x2700, s3  }
0xb: {  	s4 =	sadd.s32 $0xA9F800, s4;
	[sflag:s5] =	ssyncpa.u1 $0x0;
	s6 =	sshrl.u32 s30, $0xB  }
0xc: {  	s9 =	smov.u32 s3;
	[sflag:s31] =	ssyncpa.u1 $0x0;
	s7 =	sadd.s32 $0x2, s6  }
.LBB2_4:
0xd: {  	_ = 	snop  }
.LBB2_7:
0xe: {  	_ =	sdelay $0x3  }
0xf: {  	[tilespmem:v0+s16+$0x0 ss:$0x1] =	vst.idx.msk @p1 $0xffff, v2  }
0x10: {  	v56 =	vld.idx.msk [tilespmem:v1+s15+$0x0 ss:$0x1], $0xffff;
	s24 =	sor.u32 $0x70, s15;
	[tilespmem:v0+s17+$0x0 ss:$0x1] =	vst.idx.msk @p1 $0xffff, v4  }
0x11: {  	s25 =	sor.u32 $0x10, s15;
	[tilespmem:v0+s18+$0x0 ss:$0x1] =	vst.idx.msk @p1 $0xffff, v3;
	v57 =	vld.idx.msk [tilespmem:v1+s24+$0x0 ss:$0x1], $0xffff  }
0x12: {  	s26 =	sor.u32 $0x20, s15;
	[tilespmem:v0+s19+$0x0 ss:$0x1] =	vst.idx.msk @p1 $0xffff, v5;
	v58 =	vld.idx.msk [tilespmem:v1+s25+$0x0 ss:$0x1], $0xffff  }
0x13: {  	s28 =	sor.u32 $0x30, s15;
	[tilespmem:v0+s20+$0x0 ss:$0x1] =	vst.idx.msk @p1 $0xffff, v6;
	v59 =	vld.idx.msk [tilespmem:v1+s26+$0x0 ss:$0x1], $0xffff  }
0x14: {  	s29 =	sor.u32 $0x40, s15;
	[tilespmem:v0+s21+$0x0 ss:$0x1] =	vst.idx.msk @p1 $0xffff, v7;
	v60 =	vld.idx.msk [tilespmem:v1+s28+$0x0 ss:$0x1], $0xffff  }
0x15: {  	s30 =	sor.u32 $0x50, s15;
	v61 =	vld.idx.msk [tilespmem:v1+s29+$0x0 ss:$0x1], $0xffff;
	[tilespmem:v0+s15+$0x0 ss:$0x1] =	vst.idx.msk $0xffff, v56  }
0x16: {  	s31 =	sor.u32 $0x60, s15;
	v62 =	vld.idx.msk [tilespmem:v1+s30+$0x0 ss:$0x1], $0xffff;
	[tilespmem:v0+s24+$0x0 ss:$0x1] =	vst.idx.msk $0xffff, v57  }
0x17: {  	v63 =	vld.idx.msk [tilespmem:v1+s31+$0x0 ss:$0x1], $0xffff;
	[tilespmem:v0+s25+$0x0 ss:$0x1] =	vst.idx.msk $0xffff, v58  }
0x18: {  	[tilespmem:v0+s26+$0x0 ss:$0x1] =	vst.idx.msk $0xffff, v59  }
0x19: {  	[tilespmem:v0+s28+$0x0 ss:$0x1] =	vst.idx.msk $0xffff, v60  }
0x1a: {  	[tilespmem:v0+s29+$0x0 ss:$0x1] =	vst.idx.msk $0xffff, v61  }
0x1b: {  	[tilespmem:v0+s30+$0x0 ss:$0x1] =	vst.idx.msk $0xffff, v62  }
0x1c: {  	[tilespmem:v0+s31+$0x0 ss:$0x1] =	vst.idx.msk $0xffff, v63  }
.LBB2_8:
0x1d: {  	s15 =	sand.u32 $0x1FFFFFF, s10  }
0x1e: {  	s16 =	smulhi.u32 $0x1A36E2F, s15;
	_ =	sdelay $0x1  }
0x1f: {  	s16 =	sshrl.u32 s16, $0x6  }
0x20: {  	s16 =	smul.u32 $0x2710, s16;
	_ =	sdelay $0x1  }
0x21: {  	s15 =	ssub.s32 s15, s16  }
0x22: {  	s15 =	sshll.u32 s15, $0x4  }
0x23: {  	s15 =	sadd.s32 s4, s15  }
0x24: {  	[hbm4b:s15+s8] =	stream.linear.scatter [tilespmem:s14], [sflag:$0x2], s13, $0x38;
	[tilespmem:$0x10000] =	vst v63  }
.LBB2_9:
0x25: {  	p1 =	slt.u32 s11, $0x2  }
0x26: {  	p2 =	sgt.s32 @!p1 s12, $0x2690  }
0x27: {  	s13 =	smov.u32 s12;
	s14 =	sshra.s32 @!p1 s12, $0x1F;
	p2 =	por !p2, p1  }
0x28: {  	s12 =	sand.u32 @!p1 s14, s12;
	s13 =	simm.s32 @p2 $0x2690  }
0x29: {  	s12 =	ssub.s32 @!p1 s13, s12  }
0x2a: {  	s12 =	sadd.s32 @!p1 $0xFFFFD970, s12  }
0x2b: {  	s13 =	sshll.u32 @!p1 s12, $0x9  }
0x2c: {  	p2 =	sgt.s32 @!p1 s12, $0x7F;
	s12 =	ssub.s32 @!p1 $0x10000, s13  }
0x2d: {  	s14 =	sadd.s32 $0x800, s9;
	p2 =	por !p2, p1;
	s12 =	sshrl.u32 @!p1 s12, $0x2  }
0x2e: {  	s12 =	simm.s32 @!p2 $0x0;
	p2 =	sgt.s32 s14, $0x270F  }
0x2f: {  	s14 =	smov.u32 @p2 s3;
	p2 =	sne.s32 s11, s7  }
.Ltmp1:
0x30: {  	_ = 	snop;
	(pc) =	sbr.rel @!p2 .LBB2_10-.Ltmp1, $4  }
0x31: {  	s13 =	simm.s32 @!p1 $0x2  }
0x32: {  	_ =	swait.ge @!p1 [sflag:s13], s12;
	s15 =	ssub.s32 @!p1 $0x0, s12  }
0x33: {  	s12 =	smov.u32 s10;
	s11 =	sadd.s32 $0x1, s11;
	[sflag:s13] =	ssyncset.done @!p1 $0x0  }
0x34: {  	s10 =	smov.u32 s9;
	s9 =	smov.u32 s14;
	[sflag:s13] =	ssyncadd.s32 @!p1 s15  }
.LBB2_1:
0x35: {  	p1 =	sgt.u32 s11, s6  }
0x36: {  	s13 =	sand.u32 @!p1 $0x1FFFFFF, s9  }
0x37: {  	p2 =	sgt.s32 @!p1 s9, $0x2690;
	s14 =	smulhi.u32 @!p1 $0x1A36E2F, s13  }
0x38: {  	s15 =	smov.u32 s9;
	s16 =	sshra.s32 @!p1 s9, $0x1F;
	p2 =	por !p2, p1  }
0x39: {  	s16 =	sand.u32 @!p1 s16, s9;
	s15 =	simm.s32 @p2 $0x2690;
	s14 =	sshrl.u32 @!p1 s14, $0x6  }
0x3a: {  	s15 =	ssub.s32 @!p1 s15, s16;
	s14 =	smul.u32 @!p1 $0x2710, s14  }
0x3b: {  	s16 =	sxor.u32 @!p1 $0xFFFFFFFF, s11;
	s15 =	sadd.s32 @!p1 $0xFFFFD970, s15  }
0x3c: {  	s16 =	sshll.u32 @!p1 s16, $0xE;
	s13 =	ssub.s32 @!p1 s13, s14;
	s14 =	sshll.u32 @!p1 s15, $0x9  }
0x3d: {  	s16 =	sand.u32 @!p1 $0x4000, s16;
	p2 =	sgt.s32 @!p1 s15, $0x7F;
	s14 =	ssub.s32 @!p1 $0x10000, s14  }
0x3e: {  	p2 =	por !p2, p1;
	s13 =	sshll.u32 @!p1 s13, $0x4;
	s14 =	sshrl.u32 @!p1 s14, $0x2  }
0x3f: {  	s15 =	simm.s32 @!p1 $0x0;
	s13 =	sadd.s32 @!p1 s2, s13;
	s14 =	simm.s32 @!p2 $0x0  }
0x40: {  	[tilespmem:s16], [sflag:$0x1] =	stream.linear.gather @!p1 [hbm4b:s13+s15], s14, $0x38;
	[tilespmem:$0x10000] =	vst v63  }
0x41: {  	p1 =	seq.s32 s11, $0x0  }
0x42: {  	p2 =	sge.u32 @!p1 s11, s7  }
0x43: {  	p1 =	por p1, p2  }
.Ltmp2:
0x44: {  	_ = 	snop;
	(pc) =	sbr.rel @p1 .LBB2_9-.Ltmp2, $1  }
0x45: {  	_ =	sdelay $0x3  }
0x46: {  	p1 =	sgt.s32 s10, $0x2690;
	s13 =	smov.u32 s10;
	s14 =	sshra.s32 s10, $0x1F  }
0x47: {  	s13 =	simm.s32 @!p1 $0x2690;
	s14 =	sand.u32 s14, s10  }
0x48: {  	s13 =	ssub.s32 s13, s14  }
0x49: {  	s13 =	sadd.s32 $0xFFFFD970, s13  }
0x4a: {  	s31 =	sshll.u32 s13, $0x9  }
0x4b: {  	s14 =	ssub.s32 $0x10000, s31  }
0x4c: {  	p1 =	sgt.s32 s13, $0x7F;
	s13 =	sshrl.u32 s14, $0x2;
	s14 =	sadd.s32 $0x80, s10  }
0x4d: {  	s13 =	simm.s32 @p1 $0x0;
	p1 =	slt.s32 s14, $0x2710  }
0x4e: {  	s14 =	simm.s32 @!p1 $0x2710  }
0x4f: {  	s16 =	ssub.s32 s14, s10  }
0x50: {  	p1 =	slt.s32 s16, $0x1  }
.Ltmp3:
0x51: {  	_ = 	snop;
	(pc) =	sbr.rel @p1 .LBB2_8-.Ltmp3, $4  }
0x52: {  	_ = 	snop  }
0x53: {  	s15 =	sshll.u32 s11, $0xE;
	_ =	swait.ge [sflag:s5], s13  }
0x54: {  	s15 =	sand.u32 $0x4000, s15;
	s17 =	ssub.s32 $0x0, s13;
	[sflag:s5] =	ssyncset.done $0x0  }
0x55: {  	s14 =	sor.u32 $0x8000, s15;
	[sflag:s5] =	ssyncadd.s32 s17  }
0x56: {  	p2 =	sne.s32 s16, $0x1  }
.Ltmp4:
0x57: {  	v1 =	vmov s15;
	v0 =	vmov s14;
	(pc) =	sbr.rel @!p2 .LBB2_4-.Ltmp4, $3  }
0x58: {  	_ =	sdelay $0x1  }
0x59: {  	s17 =	simm.s32 $0x0  }
0x5a: {  	s23 =	sadd.s32 $0xFFFFFFFF, s16;
	p1 =	por $0x0, $0x0;
	s15 =	sand.u32 $0x3F80, s17  }
0x5b: {  	_ =	sdelay $0x3  }
0x5c: {  	v6 =	vld.idx.msk [tilespmem:v1+s15+$0x0 ss:$0x1], $0xffff;
	s24 =	sor.u32 $0x70, s15  }
0x5d: {  	s16 =	sor.u32 $0x10, s15;
	v8 =	vld.idx.msk [tilespmem:v1+s24+$0x0 ss:$0x1], $0xffff  }
0x5e: {  	s17 =	sor.u32 $0x20, s15;
	p2 =	sne.s32 s23, $0x1;
	v2 =	vld.idx.msk [tilespmem:v1+s16+$0x0 ss:$0x1], $0xffff  }
.Ltmp5:
0x5f: {  	s18 =	sor.u32 $0x30, s15;
	v4 =	vld.idx.msk [tilespmem:v1+s17+$0x0 ss:$0x1], $0xffff;
	(pc) =	sbr.rel @!p2 .LBB2_7-.Ltmp5, $4  }
0x60: {  	s19 =	sor.u32 $0x40, s15;
	v3 =	vld.idx.msk [tilespmem:v1+s18+$0x0 ss:$0x1], $0xffff  }
0x61: {  	s21 =	sor.u32 $0x60, s15;
	v5 =	vld.idx.msk [tilespmem:v1+s19+$0x0 ss:$0x1], $0xffff  }
0x62: {  	s20 =	sor.u32 $0x50, s15;
	s22 =	simm.s32 $0x80;
	v7 =	vld.idx.msk [tilespmem:v1+s21+$0x0 ss:$0x1], $0xffff;
	[tilespmem:v0+s15+$0x0 ss:$0x1] =	vst.idx.msk $0xffff, v6  }
0x63: {  	s23 =	sadd.s32 $0xFFFFFFFF, s23;
	p1 =	por $0x1, $0x1;
	v6 =	vld.idx.msk [tilespmem:v1+s20+$0x0 ss:$0x1], $0xffff;
	s15 =	sand.u32 $0x3F80, s22;
	[tilespmem:v0+s24+$0x0 ss:$0x1] =	vst.idx.msk $0xffff, v8  }
.LBB2_6:
0x64: {  	p2 =	sne.s32 s23, $0x1;
	v8 =	vld.idx.msk [tilespmem:v1+s15+$0x0 ss:$0x1], $0xffff;
	s24 =	sor.u32 $0x70, s15;
	[tilespmem:v0+s16+$0x0 ss:$0x1] =	vst.idx.msk $0xffff, v2;
	s16 =	sor.u32 $0x10, s15  }
0x65: {  	s25 =	sor.u32 $0x30, s15;
	s26 =	sor.u32 $0x40, s15;
	v9 =	vld.idx.msk [tilespmem:v1+s24+$0x0 ss:$0x1], $0xffff;
	[tilespmem:v0+s17+$0x0 ss:$0x1] =	vst.idx.msk $0xffff, v4;
	s17 =	sor.u32 $0x20, s15  }
0x66: {  	s28 =	sor.u32 $0x50, s15;
	s29 =	sor.u32 $0x60, s15;
	v2 =	vld.idx.msk [tilespmem:v1+s16+$0x0 ss:$0x1], $0xffff;
	[tilespmem:v0+s18+$0x0 ss:$0x1] =	vst.idx.msk $0xffff, v3;
	s18 =	smov.u32 s25  }
.Ltmp6:
0x67: {  	v4 =	vld.idx.msk [tilespmem:v1+s17+$0x0 ss:$0x1], $0xffff;
	[tilespmem:v0+s19+$0x0 ss:$0x1] =	vst.idx.msk $0xffff, v5;
	s19 =	smov.u32 s26;
	(pc) =	sbr.rel @p2 .LBB2_6-.Ltmp6, $4  }
0x68: {  	v3 =	vld.idx.msk [tilespmem:v1+s18+$0x0 ss:$0x1], $0xffff;
	[tilespmem:v0+s20+$0x0 ss:$0x1] =	vst.idx.msk $0xffff, v6;
	s20 =	smov.u32 s28  }
0x69: {  	v5 =	vld.idx.msk [tilespmem:v1+s19+$0x0 ss:$0x1], $0xffff;
	[tilespmem:v0+s21+$0x0 ss:$0x1] =	vst.idx.msk $0xffff, v7;
	s21 =	smov.u32 s29  }
0x6a: {  	s22 =	sadd.s32 $0x80, s22;
	[tilespmem:v0+s15+$0x0 ss:$0x1] =	vst.idx.msk $0xffff, v8;
	v6 =	vld.idx.msk [tilespmem:v1+s20+$0x0 ss:$0x1], $0xffff  }
0x6b: {  	s23 =	sadd.s32 $0xFFFFFFFF, s23;
	s15 =	sand.u32 $0x3F80, s22;
	v7 =	vld.idx.msk [tilespmem:v1+s21+$0x0 ss:$0x1], $0xffff;
	[tilespmem:v0+s24+$0x0 ss:$0x1] =	vst.idx.msk $0xffff, v9  }
.Ltmp7:
0x6c: {  	_ = 	snop;
	(pc) =	sbr.rel .LBB2_7-.Ltmp7, $1  }
0x6d: {  	_ =	sdelay $0x3  }
.LBB2_10:
0x6e: {  	_ =	sfence.sel $0x180000  }
0x6f: {  	s2 =	simm.s32 $0x1;
	[bflag:$0x0] =	sbarrier.arrive $0xFFFF  }
0x70: {  	s31 =	simm.s32 $0x2;
	[sflag:s2] =	ssyncpa.u1 $0x1  }
0x71: {  	[sflag:s31] =	ssyncpa.u1 $0x1  }
0x72: {  	_ =	strace $0x90000059  }
0x73: {  	s0 =	sadd.s32 @!p0 $0x100000, s0;
	[bflag:$0x2] =	sbarrier.arrive $0xFFFF  }
0x74: {  	[sflag:s0] =	ssyncadd.tile.s32 @!p0 $0x1;
	s0 =	simm.s32 @!p0 $0x3F  }
0x75: {  	_ =	swait.ge @!p0 [sflag:s0], s1  }
0x76: {  	s1 =	ssub.s32 @!p0 $0x0, s1;
	[sflag:s0] =	ssyncset.done @!p0 $0x0  }
0x77: {  	[sflag:s0] =	ssyncadd.s32 @!p0 s1  }
0x78: {  	[bflag:$0x3] =	sbarrier.arrive $0xFFFF  }
0x79: {  	_ =	shalt  }
.Lfunc_end2:
execute1_lowered:
.L_overlay_start_2:
0x7a: {  	(tag) =	ssettag $0x2  }
0x7b: {  	s0 =	rddreg [dreg:$0x0];
	_ =	strace $0x8000005C;
	s1 =	simm.s32 $0x1  }
0x7c: {  	s8 =	simm.s32 $0x108;
	v0 =	vimm.s32 $0x0;
	[sflag:s1] =	ssyncpa.u1 $0x0  }
0x7d: {  	[tilespmem:s8+$0x70] =	vst v0  }
0x7e: {  	[tilespmem:s8+$0x60] =	vst v0  }
0x7f: {  	[tilespmem:s8+$0x50] =	vst v0  }
0x80: {  	[tilespmem:s8+$0x40] =	vst v0  }
0x81: {  	[tilespmem:s8+$0x30] =	vst v0  }
0x82: {  	s2 =	simm.s32 $0x40;
	s1 =	sadd.s32 $0xA9F800, s0;
	[tilespmem:s8+$0x20] =	vst v0  }
0x83: {  	s3 =	sadd.s32 $0x47C00, s0;
	s4 =	sadd.s32 $0x596600, s0;
	s5 =	sadd.s32 $0x1E800, s0;
	[tilespmem:s8+$0x10] =	vst v0  }
.LBB3_1:
0x84: {  	s2 =	sadd.s32 $0x40, s2;
	[tilespmem:s8+$0x0] =	vst v0;
	s8 =	sadd.s32 $0x80, s8  }
0x85: {  	p0 =	slt.u32 s2, $0x3C40;
	[tilespmem:s8+$0x70] =	vst v0  }
0x86: {  	[tilespmem:s8+$0x60] =	vst v0  }
.Ltmp8:
0x87: {  	[tilespmem:s8+$0x50] =	vst v0;
	(pc) =	sbr.rel @p0 .LBB3_1-.Ltmp8, $4  }
0x88: {  	[tilespmem:s8+$0x40] =	vst v0  }
0x89: {  	[tilespmem:s8+$0x30] =	vst v0  }
0x8a: {  	[tilespmem:s8+$0x20] =	vst v0  }
0x8b: {  	[tilespmem:s8+$0x10] =	vst v0  }
0x8c: {  	s13 =	stileid.u32  }
0x8d: {  	s0 =	simm.s32 $0x4FB0;
	s6 =	smul.u32 $0x50A0, s13;
	p0 =	seq.s32 s13, $0xF  }
0x8e: {  	s0 =	simm.s32 @!p0 $0x50A0  }
0x8f: {  	s0 =	sadd.s32 s6, s0  }
0x90: {  	s7 =	smin.u32 s0, $0x50910  }
0x91: {  	s0 =	ssub.s32 s7, s6  }
0x92: {  	p0 =	sgt.s32 s0, $0x0  }
0x93: {  	s0 =	simm.s32 @!p0 $0x0  }
0x94: {  	s2 =	simm.s32 $0x2;
	s9 =	simm.s32 $0x7;
	s31 =	smulhi.u32 $0x1111112, s0  }
0x95: {  	s10 =	simm.s32 $0x8;
	s19 =	simm.s32 $0x0;
	s15 =	simm.s32 $0xA  }
0x96: {  	s17 =	simm.s32 $0x0;
	s18 =	simm.s32 $0x0;
	s11 =	smul.u32 $0xF0, s31  }
.Ltmp9:
0x97: {  	[tilespmem:s8+$0x0] =	vst v0;
	v0 =	vimm.s32 $0xFFFFFFFF;
	[sflag:s2] =	ssyncpa.u1 $0x0;
	s13 =	sshll.u32 s13, $0x8;
	(pc) =	sbr.rel .LBB3_3-.Ltmp9, $4  }
0x98: {  	[tilespmem:$0xF208] =	vst v0;
	[sflag:s9] =	ssyncpa.u1 $0x0;
	p0 =	sne.s32 s0, s11;
	s0 =	simm.s32 $0x1  }
0x99: {  	[sflag:s10] =	ssyncpa.u1 $0x0;
	s10 =	simm.s32 $0x9;
	s0 =	simm.s32 @!p0 $0x0  }
0x9a: {  	s16 =	smov.u32 s6;
	[sflag:s10] =	ssyncpa.u1 $0x0;
	s12 =	sadd.s32 s0, s31  }
0x9b: {  	v0 =	vlaneseq.u32;
	s11 =	simm.s32 $0x1;
	p0 =	por $0x0, $0x0;
	s14 =	sadd.s32 $0x1, s12  }
.LBB3_18:
0x9c: {  	s0 =	sshrl.u32 s28, $0x2  }
.LBB3_20:
0x9d: {  	_ =	swait.ge [sflag:s15], s0  }
0x9e: {  	s31 =	ssub.s32 $0x0, s0;
	v1 =	vmov s21;
	vm0 =	veq.s32 v0, $0x0;
	[sflag:s15] =	ssyncset.done $0x0  }
0x9f: {  	vm15 =	veq.s32 v0, $0x2;
	v1 =	vsel vm0, s26, v1;
	[sflag:s15] =	ssyncadd.s32 s31  }
0xa0: {  	v1 =	vsel vm15, s19, v1;
	[sflag:s15] =	ssyncpa.u1 $0x1  }
0xa1: {  	[tilespmem:$0xF208] =	vst v1  }
.LBB3_21:
0xa2: {  	s0 =	sadd.s32 $0xF0, s16  }
0xa3: {  	s2 =	smov.u32 s6;
	p1 =	slt.s32 s0, s7  }
0xa4: {  	s2 =	smov.u32 @p1 s0;
	p1 =	sne.s32 s18, s14  }
.Ltmp10:
0xa5: {  	_ = 	snop;
	(pc) =	sbr.rel @!p1 .LBB3_22-.Ltmp10, $3  }
0xa6: {  	_ =	sdelay $0x1  }
0xa7: {  	s19 =	smov.u32 s17;
	s31 =	sadd.s32 $0x1, s18;
	s17 =	smov.u32 s16  }
0xa8: {  	p0 =	por !p0, !p0;
	s18 =	smov.u32 s31;
	s16 =	smov.u32 s2  }
.LBB3_3:
0xa9: {  	p1 =	sge.u32 s18, s12  }
0xaa: {  	s0 =	smulhi.u32 @!p1 $0xAAAAAAAB, s18  }
0xab: {  	s2 =	smov.u32 s16;
	p2 =	sgt.s32 @!p1 s16, $0x50820  }
0xac: {  	s20 =	sshra.s32 @!p1 s16, $0x1F;
	p2 =	por !p2, p1;
	s0 =	sshrl.u32 @!p1 s0, $0x1  }
0xad: {  	s20 =	sand.u32 @!p1 s20, s16;
	s2 =	simm.s32 @p2 $0x50820;
	s0 =	smul.u32 @!p1 $0x3, s0  }
0xae: {  	s2 =	ssub.s32 @!p1 s2, s20  }
0xaf: {  	s2 =	sadd.s32 @!p1 $0xFFFAF7E0, s2;
	s0 =	ssub.s32 @!p1 s18, s0  }
0xb0: {  	s20 =	sshll.u32 @!p1 s2, $0x2;
	p2 =	sgt.s32 @!p1 s2, $0xEF;
	s0 =	smul.u32 @!p1 $0x3C0, s0  }
0xb1: {  	s21 =	sand.u32 @!p1 $0x7, s16;
	s2 =	ssub.s32 @!p1 $0x3C0, s20;
	p2 =	por !p2, p1  }
0xb2: {  	s20 =	sshrl.u32 @!p1 s16, $0x3;
	s2 =	sshrl.u32 @!p1 s2, $0x2;
	s0 =	sshrl.u32 @!p1 s0, $0x2  }
0xb3: {  	s20 =	sadd.s32 @!p1 s5, s20;
	s2 =	simm.s32 @!p2 $0x0;
	s0 =	sadd.s32 @!p1 $0x10238, s0  }
0xb4: {  	[tilespmem:s0], [sflag:$0x8] =	stream.linear.gather @!p1 [hbm4b:s20+s21], s2, $0x38;
	[tilespmem:$0x1F6E8] =	vst v63  }
0xb5: {  	s0 =	sadd.s32 $0xFFFFFFFF, s18  }
0xb6: {  	p1 =	sge.u32 s0, s12  }
0xb7: {  	p2 =	sgt.s32 @!p1 s17, $0x50820  }
0xb8: {  	s2 =	smov.u32 s17;
	s20 =	sshra.s32 @!p1 s17, $0x1F;
	p2 =	por !p2, p1  }
0xb9: {  	s20 =	sand.u32 @!p1 s20, s17;
	s2 =	simm.s32 @p2 $0x50820  }
0xba: {  	s2 =	ssub.s32 @!p1 s2, s20  }
0xbb: {  	s2 =	sadd.s32 @!p1 $0xFFFAF7E0, s2  }
0xbc: {  	s21 =	smulhi.u32 @!p1 $0xAAAAAAAB, s0;
	s22 =	sand.u32 @!p1 $0x1, s0;
	s20 =	sshll.u32 @!p1 s2, $0x2  }
0xbd: {  	s24 =	smul.u32 @!p1 $0x3C0, s22;
	p2 =	sgt.s32 @!p1 s2, $0xEF;
	s2 =	ssub.s32 @!p1 $0x3C0, s20  }
0xbe: {  	p2 =	por !p2, p1;
	s20 =	sshrl.u32 @!p1 s21, $0x1;
	s2 =	sshrl.u32 @!p1 s2, $0x2  }
0xbf: {  	s21 =	simm.s32 @!p1 $0x8;
	s20 =	smul.u32 @!p1 $0x3, s20;
	s2 =	simm.s32 @!p2 $0x0  }
0xc0: {  	s22 =	smul.u32 @!p1 $0x1E000, s22;
	_ =	swait.ge @!p1 [sflag:s21], s2;
	s23 =	ssub.s32 @!p1 $0x0, s2  }
0xc1: {  	s0 =	ssub.s32 @!p1 s0, s20;
	s20 =	sshrl.u32 @!p1 s17, $0x3;
	[sflag:s21] =	ssyncset.done @!p1 $0x0  }
0xc2: {  	s20 =	sadd.s32 @!p1 s3, s20;
	[sflag:s21] =	ssyncadd.s32 @!p1 s23;
	s21 =	sshrl.u32 @!p1 s24, $0x2  }
0xc3: {  	s0 =	smul.u32 @!p1 $0x3C0, s0;
	s23 =	sand.u32 @!p1 $0x7, s17;
	s21 =	sor.u32 @!p1 $0x10508, s21  }
0xc4: {  	[tilespmem:s21], [sflag:$0x9] =	stream.linear.gather @!p1 [hbm4b:s20+s23], s2, $0x38;
	[tilespmem:$0x1F6E8] =	vst v63  }
0xc5: {  	s0 =	sshrl.u32 @!p1 s0, $0x2;
	s2 =	sshrl.u32 @!p1 s22, $0x2  }
0xc6: {  	s0 =	sadd.s32 @!p1 $0x10238, s0;
	s20 =	simm.s32 @!p1 $0xF0;
	s2 =	sor.u32 @!p1 $0x106E8, s2  }
0xc7: {  	[tilespmem:s2], [sflag:$0x7] =	stream.indirect.gather @!p1 [hbm4b:s4+s20], $0x80, s0, s20, $0xb8;
	[tilespmem:$0x1F6E8] =	vst v63  }
0xc8: {  	p1 =	slt.u32 s18, $0x2  }
.Ltmp11:
0xc9: {  	_ = 	snop;
	(pc) =	sbr.rel @p1 .LBB3_21-.Ltmp11, $1  }
0xca: {  	_ =	sdelay $0x3  }
0xcb: {  	p1 =	sgt.s32 s19, $0x50820;
	s0 =	smov.u32 s19;
	s2 =	sshra.s32 s19, $0x1F  }
0xcc: {  	s0 =	simm.s32 @!p1 $0x50820;
	s2 =	sand.u32 s2, s19  }
0xcd: {  	s0 =	ssub.s32 s0, s2  }
0xce: {  	s0 =	sadd.s32 $0xFFFAF7E0, s0  }
0xcf: {  	s30 =	sshll.u32 s0, $0x2  }
0xd0: {  	_ =	swait.ge [sflag:s9], $0x7800;
	s2 =	ssub.s32 $0x3C0, s30  }
0xd1: {  	[sflag:s9] =	ssyncset.done $0x0;
	p1 =	sgt.s32 s0, $0xEF;
	s0 =	sshrl.u32 s2, $0x2  }
0xd2: {  	[sflag:s9] =	ssyncadd.s32 $0xFFFF8800;
	s0 =	simm.s32 @p1 $0x0  }
0xd3: {  	_ =	swait.ge [sflag:s10], s0  }
0xd4: {  	s0 =	ssub.s32 $0x0, s0;
	[sflag:s10] =	ssyncset.done $0x0  }
0xd5: {  	[sflag:s10] =	ssyncadd.s32 s0  }
0xd6: {  	v1 =	vld [tilespmem:$0xF208];
	_ =	sdelay $0x4  }
0xd7: {  	(v2sf) =	vpush v1, $0x0  }
0xd8: {  	(v2sf) =	vpush v1, $0x1  }
0xd9: {  	(v2sf) =	vpush v1, $0x2;
	_ =	sdelay $0x3  }
0xda: {  	s0 =	sadd.s32 $0xF0, s19  }
0xdb: {  	s2 =	ssub.s32 $0x50910, s19;
	p1 =	slt.s32 s7, s0  }
0xdc: {  	s0 =	smov.u32 @p1 s7;
	p1 =	sgt.s32 s2, $0x0  }
0xdd: {  	s23 =	ssub.s32 s0, s19;
	s2 =	simm.s32 @!p1 $0x0  }
0xde: {  	p1 =	slt.s32 s2, s23  }
0xdf: {  	s23 =	smov.u32 @p1 s2  }
0xe0: {  	s22 =	simm.s32 $0x1;
	p1 =	slt.s32 s23, $0x1  }
.Ltmp12:
0xe1: {  	s22 =	simm.s32 @!p0 $0x0;
	(pc) =	sbr.rel @p1 .LBB3_8-.Ltmp12, $4  }
0xe2: {  	s31 =	smul.u32 $0x3C0, s22  }
0xe3: {  	s24 =	spop (v2sf)  }
0xe4: {  	s0 =	sshrl.u32 s31, $0x2;
	s26 =	spop (v2sf)  }
0xe5: {  	s20 =	sor.u32 $0x10508, s0;
	s19 =	spop (v2sf)  }
0xe6: {  	s0 =	smin.u32 s23, $0x10  }
0xe7: {  	v1 =	vmov s0  }
0xe8: {  	p2 =	sgt.s32 s23, $0x10;
	vm1 =	vgt.u32 v1, v0  }
.Ltmp13:
0xe9: {  	_ = 	snop;
	(pc) =	sbr.rel @!p2 .LBB3_7-.Ltmp13, $2  }
0xea: {  	_ =	sdelay $0x2  }
0xeb: {  	s25 =	simm.s32 $0x10;
	s28 =	sadd.s32 $0xFFFFFFF0, s23;
	s21 =	smov.u32 s20;
	vm0 =	vmmov vm1  }
.LBB3_6:
0xec: {  	s0 =	smin.u32 s28, $0x10;
	s25 =	sadd.s32 $0x10, s25;
	v1 =	vld.msk [tilespmem:s21+$0x0 ss:$0x1], vm1  }
0xed: {  	v2 =	vmov s0;
	p2 =	slt.s32 s25, s23  }
0xee: {  	vm1 =	vgt.u32 v2, v0  }
.Ltmp14:
0xef: {  	(pc) =	sbr.rel @p2 .LBB3_6-.Ltmp14, $3  }
0xf0: {  	_ =	sdelay $0x1  }
0xf1: {  	v1 =	vshll.u32 v1, $0x4  }
0xf2: {  	s28 =	sadd.s32 $0xFFFFFFF0, s28;
	[tilespmem:s21+$0x0] =	vst.msk vm0, v1;
	s21 =	sadd.s32 $0x10, s21;
	vm0 =	vmmov vm1  }
.LBB3_7:
0xf3: {  	_ =	sdelay $0x4  }
0xf4: {  	v1 =	vld.msk [tilespmem:s21+$0x0 ss:$0x1], vm1;
	_ =	sdelay $0x4  }
0xf5: {  	v1 =	vshll.u32 v1, $0x4  }
0xf6: {  	[tilespmem:s21+$0x0] =	vst.msk vm0, v1  }
.LBB3_8:
0xf7: {  	s0 =	sand.u32 $0x1, s18  }
0xf8: {  	s0 =	smul.u32 $0xF0, s0  }
0xf9: {  	p2 =	sne.s32 s26, $0xFFFFFFFF  }
0xfa: {  	v1 =	vld.msk @!p2 [tilespmem:s0+$0x10508], $0x1;
	_ =	sdelay $0x4  }
0xfb: {  	(v2sf) =	vpush @!p2 v1, $0x0;
	_ =	sdelay $0xc  }
.Ltmp15:
0xfc: {  	_ = 	snop;
	(pc) =	sbr.rel @p1 .LBB3_19-.Ltmp15, $4  }
0xfd: {  	_ = 	snop  }
0xfe: {  	s25 =	spop @!p2 (v2sf)  }
0xff: {  	s19 =	simm.s32 @!p2 $0x0;
	s21 =	smov.u32 s25  }
0x100: {  	[sflag:s15] =	ssyncpa.u1 $0x0;
	s25 =	smov.u32 @p2 s24;
	s21 =	smov.u32 @p2 s26  }
0x101: {  	v1 =	vld.msk [tilespmem:s20+$0x0], $0x1;
	_ =	sdelay $0x4  }
0x102: {  	(v2sf) =	vpush v1, $0x0;
	_ =	sdelay $0xe  }
0x103: {  	s0 =	smul.u32 $0x1E000, s22;
	s29 =	spop (v2sf)  }
0x104: {  	s23 =	ssub.s32 $0x0, s23;
	p1 =	seq.s32 s25, s29  }
0x105: {  	s26 =	sadd.s32 $0x1, s23;
	s0 =	sshrl.u32 s0, $0x2;
	p2 =	sgt.s32 @!p1 s25, $0x0  }
0x106: {  	s22 =	sor.u32 $0x10728, s0;
	s0 =	smov.u32 s25;
	p2 =	por !p2, p1  }
0x107: {  	s0 =	simm.s32 @p2 $0x0;
	p2 =	seq.s32 s26, $0x0  }
.Ltmp16:
0x108: {  	_ = 	snop;
	(pc) =	sbr.rel @p2 .LBB3_11-.Ltmp16, $4  }
0x109: {  	_ = 	snop  }
0x10a: {  	s24 =	simm.s32 $0x0;
	s28 =	sadd.s32 $0x1, s20;
	s0 =	smin.u32 @!p1 s0, $0x270F0  }
0x10b: {  	s30 =	simm.s32 @!p1 $0x1;
	s31 =	simm.s32 @!p1 $0x7988;
	s2 =	sand.u32 @!p1 $0x3FFF8, s0  }
0x10c: {  	s30 =	smov.u32 @p1 s24;
	s0 =	sand.u32 @!p1 $0x7, s0;
	s2 =	sadd.s32 @!p1 s1, s2  }
.LBB3_10:
0x10d: {  	s8 =	smov.u32 s30  }
0x10e: {  	[tilespmem:s31], [sflag:$0x2] =	stream.linear.gather @!p1 [hbm4b:s2+s0], $0x80, $0x38;
	[tilespmem:$0x1F6E8] =	vst v63  }
0x10f: {  	s26 =	sadd.s32 $0x1, s26;
	s0 =	smov.u32 s29;
	v1 =	vld.msk [tilespmem:s28+$0x0], $0x1  }
0x110: {  	p2 =	seq.s32 s26, $0x0;
	_ =	sdelay $0x3  }
0x111: {  	(v2sf) =	vpush v1, $0x0;
	_ =	sdelay $0xe  }
0x112: {  	s29 =	spop (v2sf)  }
0x113: {  	p1 =	seq.s32 s0, s29  }
0x114: {  	p3 =	sgt.s32 @!p1 s0, $0x0;
	s2 =	sshll.u32 @!p1 s30, $0x9;
	s30 =	sadd.s32 @!p1 $0x1, s30  }
.Ltmp17:
0x115: {  	p3 =	por !p3, p1;
	s2 =	sshra.s32 @!p1 s2, $0x2;
	(pc) =	sbr.rel @!p2 .LBB3_10-.Ltmp17, $4  }
0x116: {  	s30 =	smov.u32 @p1 s8;
	s0 =	simm.s32 @p3 $0x0;
	s31 =	sadd.s32 @!p1 $0x7988, s2  }
0x117: {  	s0 =	smin.u32 @!p1 s0, $0x270F0  }
0x118: {  	s2 =	sand.u32 @!p1 $0x3FFF8, s0;
	s0 =	sand.u32 @!p1 $0x7, s0  }
0x119: {  	s28 =	sadd.s32 $0x1, s28;
	s2 =	sadd.s32 @!p1 s1, s2  }
.LBB3_11:
0x11a: {  	[tilespmem:s31], [sflag:$0x2] =	stream.linear.gather @!p1 [hbm4b:s2+s0], $0x80, $0x38;
	[tilespmem:$0x1F6E8] =	vst v63  }
.Ltmp18:
0x11b: {  	s30 =	sshll.u32 s30, $0x7;
	(pc) =	sbr.rel .LBB3_12-.Ltmp18, $4  }
0x11c: {  	s31 =	simm.s32 $0x2;
	s0 =	sand.u32 $0x3FFFFF80, s30  }
0x11d: {  	_ =	swait.ge [sflag:s31], s0  }
0x11e: {  	s0 =	ssub.s32 $0x0, s0;
	[sflag:s31] =	ssyncset.done $0x0  }
0x11f: {  	s28 =	simm.s32 $0x0;
	[sflag:s31] =	ssyncadd.s32 s0  }
.LBB3_13:
0x120: {  	v1 =	vld [tilespmem:s22+$0xFFFFFFC0];
	_ =	sdelay $0x3  }
0x121: {  	s0 =	sshra.s32 s0, $0x2  }
0x122: {  	[tilespmem:s0+$0x108] =	vst.add.f32.msk $0xffff, v1  }
0x123: {  	v1 =	vld [tilespmem:s22+$0xFFFFFFD0];
	_ =	sdelay $0x4  }
0x124: {  	[tilespmem:s0+$0x118] =	vst.add.f32.msk $0xffff, v1  }
0x125: {  	v1 =	vld [tilespmem:s22+$0xFFFFFFE0];
	_ =	sdelay $0x4  }
0x126: {  	[tilespmem:s0+$0x128] =	vst.add.f32.msk $0xffff, v1  }
0x127: {  	v1 =	vld [tilespmem:s22+$0xFFFFFFF0];
	_ =	sdelay $0x4  }
0x128: {  	[tilespmem:s0+$0x138] =	vst.add.f32.msk $0xffff, v1  }
0x129: {  	v1 =	vld [tilespmem:s22+$0x0];
	_ =	sdelay $0x4  }
0x12a: {  	[tilespmem:s0+$0x148] =	vst.add.f32.msk $0xffff, v1  }
0x12b: {  	v1 =	vld [tilespmem:s22+$0x10];
	_ =	sdelay $0x4  }
0x12c: {  	[tilespmem:s0+$0x158] =	vst.add.f32.msk $0xffff, v1  }
0x12d: {  	v1 =	vld [tilespmem:s22+$0x20];
	_ =	sdelay $0x4  }
0x12e: {  	[tilespmem:s0+$0x168] =	vst.add.f32.msk $0xffff, v1  }
0x12f: {  	v1 =	vld [tilespmem:s22+$0x30];
	_ =	sdelay $0x4  }
0x130: {  	[tilespmem:s0+$0x178] =	vst.add.f32.msk $0xffff, v1  }
.LBB3_17:
0x131: {  	s23 =	sadd.s32 $0x1, s23  }
0x132: {  	p1 =	seq.s32 s23, $0x0  }
.Ltmp19:
0x133: {  	_ = 	snop;
	(pc) =	sbr.rel @p1 .LBB3_18-.Ltmp19, $2  }
0x134: {  	_ =	sdelay $0x2  }
0x135: {  	s20 =	sadd.s32 $0x1, s20;
	s22 =	sadd.s32 $0x80, s22;
	s25 =	smov.u32 s26  }
.LBB3_12:
0x136: {  	v1 =	vld.msk [tilespmem:s20+$0x0], $0x1;
	_ =	sdelay $0x4  }
0x137: {  	(v2sf) =	vpush v1, $0x0;
	_ =	sdelay $0xe  }
0x138: {  	s26 =	spop (v2sf)  }
0x139: {  	p1 =	sne.s32 s25, s26  }
.Ltmp20:
0x13a: {  	_ = 	snop;
	(pc) =	sbr.rel @!p1 .LBB3_13-.Ltmp20, $2  }
0x13b: {  	_ =	sdelay $0x2  }
0x13c: {  	s0 =	sshll.u32 s19, $0x9  }
0x13d: {  	p1 =	seq.s32 s25, s21  }
.Ltmp21:
0x13e: {  	_ = 	snop;
	(pc) =	sbr.rel @!p1 .LBB3_15-.Ltmp21, $1  }
0x13f: {  	_ =	sdelay $0x3  }
0x140: {  	s0 =	sshra.s32 s0, $0x2  }
.Ltmp22:
0x141: {  	s0 =	sadd.s32 $0x108, s0;
	(pc) =	sbr.rel .LBB3_16-.Ltmp22, $4  }
0x142: {  	[spmem:s13] =	stream.linear.scatter [tilespmem:s0], [sflag:$0x1], $0x80, $0x38;
	[tilespmem:$0x1F6E8] =	vst v63  }
0x143: {  	_ =	swait.ge [sflag:s11], $0x80  }
0x144: {  	[sflag:s11] =	ssyncset.done $0x0  }
0x145: {  	[sflag:s11] =	ssyncadd.s32 $0xFFFFFF80  }
.LBB3_15:
0x146: {  	s2 =	sshll.u32 s24, $0x9  }
0x147: {  	s2 =	sshra.s32 s2, $0x2  }
0x148: {  	v1 =	vld [tilespmem:s2+$0x7988];
	_ =	sdelay $0x3  }
0x149: {  	s0 =	sshra.s32 s0, $0x2  }
0x14a: {  	[tilespmem:s0+$0x108] =	vst.add.f32.msk $0xffff, v1  }
0x14b: {  	v1 =	vld [tilespmem:s2+$0x7998];
	_ =	sdelay $0x4  }
0x14c: {  	[tilespmem:s0+$0x118] =	vst.add.f32.msk $0xffff, v1  }
0x14d: {  	v1 =	vld [tilespmem:s2+$0x79A8];
	_ =	sdelay $0x4  }
0x14e: {  	[tilespmem:s0+$0x128] =	vst.add.f32.msk $0xffff, v1  }
0x14f: {  	v1 =	vld [tilespmem:s2+$0x79B8];
	_ =	sdelay $0x4  }
0x150: {  	[tilespmem:s0+$0x138] =	vst.add.f32.msk $0xffff, v1  }
0x151: {  	v1 =	vld [tilespmem:s2+$0x79C8];
	_ =	sdelay $0x4  }
0x152: {  	[tilespmem:s0+$0x148] =	vst.add.f32.msk $0xffff, v1  }
0x153: {  	v1 =	vld [tilespmem:s2+$0x79D8];
	_ =	sdelay $0x4  }
0x154: {  	[tilespmem:s0+$0x158] =	vst.add.f32.msk $0xffff, v1  }
0x155: {  	v1 =	vld [tilespmem:s2+$0x79E8];
	_ =	sdelay $0x4  }
0x156: {  	[tilespmem:s0+$0x168] =	vst.add.f32.msk $0xffff, v1  }
0x157: {  	v1 =	vld [tilespmem:s2+$0x79F8];
	_ =	sdelay $0x2  }
0x158: {  	p1 =	sgt.u32 s25, $0x270F0  }
0x159: {  	s2 =	sand.u32 @!p1 $0x3FFF8, s25  }
0x15a: {  	s8 =	sadd.s32 $0x108, s0;
	[tilespmem:s0+$0x178] =	vst.add.f32.msk $0xffff, v1;
	s0 =	sadd.s32 @!p1 s1, s2;
	s2 =	sand.u32 @!p1 $0x7, s25  }
0x15b: {  	[hbm4b:s0+s2] =	stream.linear.scatter @!p1 [tilespmem:s8], [sflag:$0xA], $0x80, $0x38;
	[tilespmem:$0x1F6E8] =	vst v63  }
0x15c: {  	s0 =	simm.s32 $0x0  }
0x15d: {  	s0 =	simm.s32 @!p1 $0x200  }
0x15e: {  	s28 =	sadd.s32 s0, s28  }
.LBB3_16:
0x15f: {  	s0 =	sadd.s32 $0x1, s19  }
0x160: {  	s2 =	smulhi.u32 $0x88888889, s0;
	_ =	sdelay $0x1  }
0x161: {  	v1 =	vld [tilespmem:s22+$0xFFFFFFC0];
	s2 =	sshrl.u32 s2, $0x7  }
0x162: {  	s2 =	smul.u32 $0xF0, s2;
	_ =	sdelay $0x1  }
0x163: {  	s19 =	ssub.s32 s0, s2  }
0x164: {  	s0 =	sshll.u32 s19, $0x7  }
0x165: {  	[tilespmem:s0+$0x108] =	vst v1  }
0x166: {  	v1 =	vld [tilespmem:s22+$0xFFFFFFD0];
	_ =	sdelay $0x4  }
0x167: {  	[tilespmem:s0+$0x118] =	vst v1  }
0x168: {  	v1 =	vld [tilespmem:s22+$0xFFFFFFE0];
	_ =	sdelay $0x4  }
0x169: {  	[tilespmem:s0+$0x128] =	vst v1  }
0x16a: {  	v1 =	vld [tilespmem:s22+$0xFFFFFFF0];
	_ =	sdelay $0x4  }
0x16b: {  	[tilespmem:s0+$0x138] =	vst v1  }
0x16c: {  	v1 =	vld [tilespmem:s22+$0x0];
	_ =	sdelay $0x4  }
0x16d: {  	[tilespmem:s0+$0x148] =	vst v1  }
0x16e: {  	v1 =	vld [tilespmem:s22+$0x10];
	_ =	sdelay $0x4  }
0x16f: {  	[tilespmem:s0+$0x158] =	vst v1  }
0x170: {  	v1 =	vld [tilespmem:s22+$0x20];
	_ =	sdelay $0x4  }
0x171: {  	[tilespmem:s0+$0x168] =	vst v1  }
0x172: {  	v1 =	vld [tilespmem:s22+$0x30]  }
.Ltmp23:
0x173: {  	_ = 	snop;
	(pc) =	sbr.rel .LBB3_17-.Ltmp23, $2  }
0x174: {  	_ =	sdelay $0x2  }
0x175: {  	s24 =	sadd.s32 $0x1, s24;
	[tilespmem:s0+$0x178] =	vst v1  }
.LBB3_19:
.Ltmp24:
0x176: {  	(pc) =	sbr.rel .LBB3_20-.Ltmp24, $4  }
0x177: {  	_ = 	snop  }
0x178: {  	s0 =	simm.s32 $0x2  }
0x179: {  	_ =	swait.ge [sflag:s0], $0x0  }
0x17a: {  	s26 =	smov.u32 s25;
	[sflag:s0] =	ssyncset.done $0x0;
	s0 =	simm.s32 $0x0  }
.LBB3_22:
0x17b: {  	_ =	sfence.sel $0x180000  }
0x17c: {  	s0 =	simm.s32 $0x7;
	[bflag:$0x0] =	sbarrier.arrive $0xFFFF  }
0x17d: {  	s25 =	simm.s32 $0x8;
	[sflag:s0] =	ssyncpa.u1 $0x1  }
0x17e: {  	s26 =	simm.s32 $0x9;
	[sflag:s25] =	ssyncpa.u1 $0x1  }
0x17f: {  	s28 =	simm.s32 $0x2;
	[sflag:s26] =	ssyncpa.u1 $0x1  }
0x180: {  	[sflag:s28] =	ssyncpa.u1 $0x1  }
0x181: {  	v0 =	vld [tilespmem:$0xF208];
	_ =	sdelay $0x4  }
0x182: {  	(v2sf) =	vpush v0, $0x0  }
0x183: {  	(v2sf) =	vpush v0, $0x1;
	_ =	sdelay $0x1  }
0x184: {  	(v2sf) =	vpush v0, $0x2;
	_ =	sdelay $0xb  }
0x185: {  	s0 =	spop (v2sf)  }
0x186: {  	s2 =	spop (v2sf)  }
0x187: {  	s3 =	smov.u32 s0;
	p0 =	sne.s32 s0, s2  }
0x188: {  	s4 =	spop (v2sf);
	s3 =	simm.s32 @!p0 $0xFFFFFFFF  }
0x189: {  	v2 =	vimm.s32 $0x1;
	v3 =	vlaneseq.u32;
	p0 =	seq.s32 s4, $0xFFFFFFFF;
	v1 =	vmov s3  }
0x18a: {  	s7 =	stileid.u32;
	v0 =	vperm.xlane v0, v2;
	p1 =	sne.s32 @!p0 s0, s2;
	v1 =	vperm.xlane v1, v3  }
0x18b: {  	vm0 =	vcmask $0x3F04;
	s6 =	simm.s32 $0xF208;
	s0 =	simm.s32 @!p0 $0x1;
	p1 =	por !p1, p0  }
0x18c: {  	s3 =	sshll.u32 s7, $0x1;
	s2 =	sshll.u32 @!p0 s4, $0x9;
	s0 =	simm.s32 @p1 $0x0;
	v0 =	vsel vm0, v1, v0  }
0x18d: {  	s5 =	sor.u32 $0x1000, s3;
	s2 =	sshra.s32 @!p0 s2, $0x2;
	s0 =	sor.u32 @!p0 s0, s3;
	[tilespmem:$0xF208] =	vst v0  }
0x18e: {  	[spmem:s5] =	stream.linear.scatter [tilespmem:s6], [sflag:$0x1], $0x2, $0x38;
	[tilespmem:$0x1F6E8] =	vst v63  }
0x18f: {  	s2 =	sadd.s32 @!p0 $0x108, s2;
	s0 =	sshll.u32 @!p0 s0, $0x7  }
0x190: {  	[spmem:s0] =	stream.linear.scatter @!p0 [tilespmem:s2], [sflag:$0x1], $0x80, $0x38;
	[tilespmem:$0x1F6E8] =	vst v63  }
0x191: {  	s0 =	simm.s32 @!p0 $0x82  }
0x192: {  	s3 =	simm.s32 $0x1;
	s0 =	simm.s32 @p0 $0x2  }
0x193: {  	_ =	swait.ge [sflag:s3], s0  }
0x194: {  	s0 =	ssub.s32 $0x0, s0;
	[sflag:s3] =	ssyncset.done $0x0  }
0x195: {  	[sflag:s3] =	ssyncadd.s32 s0  }
0x196: {  	_ =	sfence.stream.spmem  }
0x197: {  	s29 =	simm.s32 $0x3;
	[bflag:$0x0] =	sbarrier.arrive $0xFFFF  }
0x198: {  	s30 =	simm.s32 $0x4;
	[sflag:s29] =	ssyncpa.u1 $0x1  }
0x199: {  	s31 =	simm.s32 $0x3C;
	[sflag:s30] =	ssyncpa.u1 $0x1  }
0x19a: {  	p0 =	sne.s32 s7, $0x0;
	[sflag:s31] =	ssyncpa.u1 $0x1  }
0x19b: {  	_ =	sfence @p0  }
0x19c: {  	[sflag:s3] =	ssyncpa.u1 @p0 $0x1  }
0x19d: {  	_ =	strace @p0 $0x9000005C  }
0x19e: {  	[bflag:$0x2] =	sbarrier.arrive @p0 $0xFFFF  }
0x19f: {  	_ =	shalt @p0  }
.LBB3_23:
0x1a0: {  	_ =	sfence.stream.spmem;
	s0 =	simm.s32 $0x5  }
0x1a1: {  	s2 =	simm.s32 $0x1000;
	s3 =	simm.s32 $0xF218;
	[sflag:s0] =	ssyncpa.u1 $0x0  }
0x1a2: {  	[tilespmem:s3], [sflag:$0x5] =	stream.linear.gather [spmem:s2], $0x20, $0x38;
	[tilespmem:$0x1F6E8] =	vst v63  }
0x1a3: {  	s30 =	simm.s32 $0xF238;
	s2 =	simm.s32 $0x0  }
0x1a4: {  	[tilespmem:s30], [sflag:$0x5] =	stream.linear.gather [spmem:s2], $0x1000, $0x38;
	[tilespmem:$0x1F6E8] =	vst v63  }
.Ltmp25:
0x1a5: {  	_ = 	snop;
	(pc) =	sbr.rel .LBB3_24-.Ltmp25, $4  }
0x1a6: {  	_ =	swait.ge [sflag:s0], $0x1020  }
0x1a7: {  	[sflag:s0] =	ssyncset.done $0x0  }
0x1a8: {  	s31 =	simm.s32 $0x6;
	[sflag:s0] =	ssyncadd.s32 $0xFFFFEFE0  }
0x1a9: {  	s3 =	simm.s32 $0x0;
	[sflag:s31] =	ssyncpa.u1 $0x0  }
.LBB3_30:
0x1aa: {  	p0 =	slt.u32 s4, $0x270F1  }
0x1ab: {  	s0 =	sand.u32 @p0 $0x3FFF8, s4  }
0x1ac: {  	s4 =	sand.u32 @p0 $0x7, s4;
	s5 =	simm.s32 @p0 $0xF188;
	s0 =	sadd.s32 @p0 s1, s0  }
0x1ad: {  	[tilespmem:s5], [sflag:$0x6] =	stream.linear.gather @p0 [hbm4b:s0+s4], $0x80, $0x38;
	[tilespmem:$0x1F6E8] =	vst v63  }
0x1ae: {  	s0 =	simm.s32 @p0 $0x6  }
0x1af: {  	_ =	swait.ge @p0 [sflag:s0], $0x80  }
0x1b0: {  	[sflag:s0] =	ssyncset.done @p0 $0x0  }
0x1b1: {  	[sflag:s0] =	ssyncadd.s32 @p0 $0xFFFFFF80  }
0x1b2: {  	v1 =	vld @p0 [tilespmem:$0xF188];
	_ =	sdelay $0x2  }
0x1b3: {  	s0 =	sshll.u32 @p0 s3, $0x9  }
0x1b4: {  	s4 =	sshrl.u32 @p0 s0, $0x2  }
0x1b5: {  	[tilespmem:s4+$0xF238] =	vst.add.f32.msk @p0 $0xffff, v1  }
0x1b6: {  	v1 =	vld @p0 [tilespmem:$0xF198];
	_ =	sdelay $0x4  }
0x1b7: {  	[tilespmem:s4+$0xF248] =	vst.add.f32.msk @p0 $0xffff, v1  }
0x1b8: {  	v1 =	vld @p0 [tilespmem:$0xF1A8];
	_ =	sdelay $0x4  }
0x1b9: {  	[tilespmem:s4+$0xF258] =	vst.add.f32.msk @p0 $0xffff, v1  }
0x1ba: {  	v1 =	vld @p0 [tilespmem:$0xF1B8];
	_ =	sdelay $0x4  }
0x1bb: {  	[tilespmem:s4+$0xF268] =	vst.add.f32.msk @p0 $0xffff, v1  }
0x1bc: {  	v1 =	vld @p0 [tilespmem:$0xF1C8];
	_ =	sdelay $0x4  }
0x1bd: {  	[tilespmem:s4+$0xF278] =	vst.add.f32.msk @p0 $0xffff, v1  }
0x1be: {  	v1 =	vld @p0 [tilespmem:$0xF1D8];
	_ =	sdelay $0x4  }
0x1bf: {  	[tilespmem:s4+$0xF288] =	vst.add.f32.msk @p0 $0xffff, v1  }
0x1c0: {  	v1 =	vld @p0 [tilespmem:$0xF1E8];
	_ =	sdelay $0x4  }
0x1c1: {  	[tilespmem:s4+$0xF298] =	vst.add.f32.msk @p0 $0xffff, v1  }
0x1c2: {  	v1 =	vld @p0 [tilespmem:$0xF1F8];
	_ =	sdelay $0x3  }
0x1c3: {  	s5 =	sshll.u32 @!p0 s3, $0x9  }
0x1c4: {  	s5 =	smov.u32 @p0 s0;
	[tilespmem:s4+$0xF2A8] =	vst.add.f32.msk @p0 $0xffff, v1  }
0x1c5: {  	s0 =	sshrl.u32 s5, $0x2;
	[tilespmem:s2+$0xF218] =	vst.msk $0x1, v0  }
0x1c6: {  	v0 =	vld [tilespmem:s0+$0xF238];
	_ =	sdelay $0x2  }
0x1c7: {  	s31 =	sshll.u32 s2, $0x9  }
0x1c8: {  	s4 =	sshra.s32 s31, $0x2  }
0x1c9: {  	[tilespmem:s4+$0xF238] =	vst v0  }
0x1ca: {  	v0 =	vld [tilespmem:s0+$0xF248];
	_ =	sdelay $0x4  }
0x1cb: {  	[tilespmem:s4+$0xF248] =	vst v0  }
0x1cc: {  	v0 =	vld [tilespmem:s0+$0xF258];
	_ =	sdelay $0x4  }
0x1cd: {  	[tilespmem:s4+$0xF258] =	vst v0  }
0x1ce: {  	v0 =	vld [tilespmem:s0+$0xF268];
	_ =	sdelay $0x4  }
0x1cf: {  	[tilespmem:s4+$0xF268] =	vst v0  }
0x1d0: {  	v0 =	vld [tilespmem:s0+$0xF278];
	_ =	sdelay $0x4  }
0x1d1: {  	[tilespmem:s4+$0xF278] =	vst v0  }
0x1d2: {  	v0 =	vld [tilespmem:s0+$0xF288];
	_ =	sdelay $0x4  }
0x1d3: {  	[tilespmem:s4+$0xF288] =	vst v0  }
0x1d4: {  	v0 =	vld [tilespmem:s0+$0xF298];
	_ =	sdelay $0x4  }
0x1d5: {  	[tilespmem:s4+$0xF298] =	vst v0  }
0x1d6: {  	v0 =	vld [tilespmem:s0+$0xF2A8];
	_ =	sdelay $0x4  }
0x1d7: {  	s2 =	sadd.s32 $0x1, s2;
	[tilespmem:s4+$0xF2A8] =	vst v0  }
.LBB3_31:
0x1d8: {  	s3 =	sadd.s32 $0x1, s3  }
0x1d9: {  	p0 =	sne.s32 s3, $0x20  }
.Ltmp26:
0x1da: {  	_ = 	snop;
	(pc) =	sbr.rel @!p0 .LBB3_32-.Ltmp26, $1  }
0x1db: {  	_ =	sdelay $0x3  }
.LBB3_24:
0x1dc: {  	v0 =	vld.msk [tilespmem:s3+$0xF218], $0x1;
	_ =	sdelay $0x4  }
0x1dd: {  	(v2sf) =	vpush v0, $0x0;
	_ =	sdelay $0xe  }
0x1de: {  	s4 =	spop (v2sf)  }
0x1df: {  	p0 =	seq.s32 s4, $0xFFFFFFFF  }
.Ltmp27:
0x1e0: {  	_ = 	snop;
	(pc) =	sbr.rel @p0 .LBB3_31-.Ltmp27, $1  }
0x1e1: {  	_ =	sdelay $0x3  }
0x1e2: {  	p0 =	slt.s32 s2, $0x1  }
.Ltmp28:
0x1e3: {  	_ = 	snop;
	(pc) =	sbr.rel @p0 .LBB3_30-.Ltmp28, $1  }
0x1e4: {  	_ =	sdelay $0x3  }
0x1e5: {  	s5 =	simm.s32 $0xF218;
	p0 =	por $0x0, $0x0  }
0x1e6: {  	v1 =	vld.msk @!p0 [tilespmem:s5+$0x0], $0x1;
	_ =	sdelay $0x4  }
0x1e7: {  	(v2sf) =	vpush @!p0 v1, $0x0;
	_ =	sdelay $0xd  }
0x1e8: {  	p2 =	sne.s32 s2, $0x1  }
.Ltmp29:
0x1e9: {  	s0 =	spop @!p0 (v2sf);
	(pc) =	sbr.rel @!p2 .LBB3_28-.Ltmp29, $4  }
0x1ea: {  	p1 =	seq.s32 @!p0 s4, s0  }
0x1eb: {  	s6 =	simm.s32 $0x0;
	p1 =	por !p1, p0  }
0x1ec: {  	s0 =	simm.s32 $0xFFFFFFFF;
	s6 =	simm.s32 @p1 $0xFFFFFFFF  }
0x1ed: {  	s7 =	simm.s32 $0x1;
	s6 =	smov.u32 @p0 s0  }
.LBB3_27:
0x1ee: {  	s0 =	smov.u32 s6;
	p0 =	sne.s32 s6, $0xFFFFFFFF  }
0x1ef: {  	s5 =	sadd.s32 $0x1, s5;
	s6 =	smov.u32 s7;
	s7 =	sadd.s32 $0x1, s7  }
0x1f0: {  	p1 =	sne.s32 s2, s7;
	v1 =	vld.msk @!p0 [tilespmem:s5+$0x0], $0x1;
	_ =	sdelay $0x4  }
0x1f1: {  	(v2sf) =	vpush @!p0 v1, $0x0;
	_ =	sdelay $0xe  }
.Ltmp30:
0x1f2: {  	s8 =	spop @!p0 (v2sf);
	(pc) =	sbr.rel @p1 .LBB3_27-.Ltmp30, $4  }
0x1f3: {  	p2 =	seq.s32 @!p0 s4, s8  }
0x1f4: {  	p2 =	por !p2, p0  }
0x1f5: {  	s6 =	simm.s32 @p2 $0xFFFFFFFF  }
0x1f6: {  	s6 =	smov.u32 @p0 s0  }
.LBB3_28:
0x1f7: {  	p0 =	seq.s32 s6, $0xFFFFFFFF  }
.Ltmp31:
0x1f8: {  	_ = 	snop;
	(pc) =	sbr.rel @p0 .LBB3_30-.Ltmp31, $1  }
0x1f9: {  	_ =	sdelay $0x3  }
0x1fa: {  	s0 =	sshll.u32 s3, $0x7  }
0x1fb: {  	s0 =	sand.u32 $0x3FFFFF80, s0  }
0x1fc: {  	v0 =	vld [tilespmem:s0+$0xF238];
	_ =	sdelay $0x2  }
0x1fd: {  	s4 =	sshll.u32 s6, $0x9  }
0x1fe: {  	s4 =	sshra.s32 s4, $0x2  }
0x1ff: {  	[tilespmem:s4+$0xF238] =	vst.add.f32.msk $0xffff, v0  }
0x200: {  	v0 =	vld [tilespmem:s0+$0xF248];
	_ =	sdelay $0x4  }
0x201: {  	[tilespmem:s4+$0xF248] =	vst.add.f32.msk $0xffff, v0  }
0x202: {  	v0 =	vld [tilespmem:s0+$0xF258];
	_ =	sdelay $0x4  }
0x203: {  	[tilespmem:s4+$0xF258] =	vst.add.f32.msk $0xffff, v0  }
0x204: {  	v0 =	vld [tilespmem:s0+$0xF268];
	_ =	sdelay $0x4  }
0x205: {  	[tilespmem:s4+$0xF268] =	vst.add.f32.msk $0xffff, v0  }
0x206: {  	v0 =	vld [tilespmem:s0+$0xF278];
	_ =	sdelay $0x4  }
0x207: {  	[tilespmem:s4+$0xF278] =	vst.add.f32.msk $0xffff, v0  }
0x208: {  	v0 =	vld [tilespmem:s0+$0xF288];
	_ =	sdelay $0x4  }
0x209: {  	[tilespmem:s4+$0xF288] =	vst.add.f32.msk $0xffff, v0  }
0x20a: {  	v0 =	vld [tilespmem:s0+$0xF298];
	_ =	sdelay $0x4  }
0x20b: {  	[tilespmem:s4+$0xF298] =	vst.add.f32.msk $0xffff, v0  }
0x20c: {  	v0 =	vld [tilespmem:s0+$0xF2A8]  }
.Ltmp32:
0x20d: {  	_ = 	snop;
	(pc) =	sbr.rel .LBB3_31-.Ltmp32, $2  }
0x20e: {  	_ =	sdelay $0x2  }
0x20f: {  	[tilespmem:s4+$0xF2A8] =	vst.add.f32.msk $0xffff, v0  }
.LBB3_32:
0x210: {  	p0 =	slt.s32 s2, $0x1  }
.Ltmp33:
0x211: {  	_ = 	snop;
	(pc) =	sbr.rel @p0 .LBB3_36-.Ltmp33, $3  }
0x212: {  	_ =	sdelay $0x1  }
0x213: {  	s0 =	simm.s32 $0x6  }
0x214: {  	s3 =	simm.s32 $0x0;
	[sflag:s0] =	ssyncpa.u1 $0x1  }
0x215: {  	s0 =	simm.s32 $0xF218  }
0x216: {  	v0 =	vld.msk [tilespmem:s0+$0x0], $0x1;
	_ =	sdelay $0x4  }
0x217: {  	(v2sf) =	vpush v0, $0x0;
	_ =	sdelay $0xd  }
0x218: {  	s2 =	sadd.s32 $0xFFFFFFFF, s2  }
0x219: {  	p1 =	sne.s32 s2, $0x0;
	s0 =	spop (v2sf)  }
.Ltmp34:
0x21a: {  	p0 =	sgt.u32 s0, $0x270F0;
	(pc) =	sbr.rel @!p1 .LBB3_35-.Ltmp34, $4  }
0x21b: {  	s4 =	simm.s32 $0xF238;
	s5 =	sand.u32 @!p0 $0x3FFF8, s0  }
0x21c: {  	s6 =	simm.s32 $0x0;
	s0 =	sand.u32 @!p0 $0x7, s0;
	s5 =	sadd.s32 @!p0 s1, s5  }
0x21d: {  	[hbm4b:s5+s0] =	stream.linear.scatter @!p0 [tilespmem:s4], [sflag:$0x5], $0x80, $0x38;
	[tilespmem:$0x1F6E8] =	vst v63  }
0x21e: {  	s6 =	simm.s32 @!p0 $0x200;
	s5 =	simm.s32 $0xF219  }
.LBB3_34:
0x21f: {  	v0 =	vld.msk [tilespmem:s5+$0x0], $0x1;
	s2 =	sadd.s32 $0xFFFFFFFF, s2;
	s3 =	sadd.s32 s3, s6  }
0x220: {  	p0 =	sne.s32 s2, $0x0;
	_ =	sdelay $0x3  }
0x221: {  	(v2sf) =	vpush v0, $0x0;
	_ =	sdelay $0xe  }
.Ltmp35:
0x222: {  	s0 =	spop (v2sf);
	(pc) =	sbr.rel @p0 .LBB3_34-.Ltmp35, $4  }
0x223: {  	s6 =	simm.s32 $0x0;
	p1 =	sgt.u32 s0, $0x270F0  }
0x224: {  	s4 =	sadd.s32 $0x80, s4;
	s6 =	simm.s32 @!p1 $0x200;
	s7 =	sand.u32 @!p1 $0x3FFF8, s0  }
0x225: {  	s5 =	sadd.s32 $0x1, s5;
	s0 =	sand.u32 @!p1 $0x7, s0;
	s7 =	sadd.s32 @!p1 s1, s7  }
0x226: {  	[hbm4b:s7+s0] =	stream.linear.scatter @!p1 [tilespmem:s4], [sflag:$0x5], $0x80, $0x38;
	[tilespmem:$0x1F6E8] =	vst v63  }
.LBB3_35:
0x227: {  	s0 =	sadd.s32 s3, s6  }
0x228: {  	s3 =	sshrl.u32 s0, $0x2  }
.LBB3_36:
0x229: {  	s0 =	simm.s32 $0x5  }
0x22a: {  	_ =	swait.ge [sflag:s0], s3  }
0x22b: {  	s1 =	ssub.s32 $0x0, s3;
	[sflag:s0] =	ssyncset.done $0x0  }
0x22c: {  	[sflag:s0] =	ssyncadd.s32 s1  }
0x22d: {  	[sflag:s0] =	ssyncpa.u1 $0x1  }
0x22e: {  	s30 =	simm.s32 $0x1;
	_ =	sfence  }
0x22f: {  	[sflag:s30] =	ssyncpa.u1 $0x1  }
0x230: {  	_ =	strace $0x9000005C  }
0x231: {  	[bflag:$0x2] =	sbarrier.arrive $0xFFFF  }
0x232: {  	s31 =	rddreg [dreg:$0x1]  }
0x233: {  	s0 =	sadd.s32 $0x100000, s31  }
0x234: {  	[sflag:s0] =	ssyncadd.tile.s32 $0x1;
	_ =	shalt  }
.Lfunc_end3:
_tile_overlayer_lowered:
.L_overlay_start_3:
0x235: {  	(tag) =	ssettag $0x3  }
0x236: {  	s0 =	rddreg [dreg:$0x0];
	s2 =	stileid.u32  }
0x237: {  	s1 =	rddreg [dreg:$0x1];
	p0 =	sne.s32 s2, $0x0  }
0x238: {  	s3 =	rddreg [dreg:$0x2];
	[bflag:$0x3] =	sbarrier.arrive $0xFFFF;
	s2 =	simm.s32 @!p0 $0x1C01  }
0x239: {  	[timem:s3], [sflag:s2] =	dma.local @!p0 [hbm:s0], s1  }
0x23a: {  	s0 =	simm.s32 @!p0 $0x1  }
0x23b: {  	_ =	swait.ge @!p0 [sflag:s0], s1  }
0x23c: {  	s1 =	ssub.s32 @!p0 $0x0, s1;
	[sflag:s0] =	ssyncset.done @!p0 $0x0  }
0x23d: {  	[sflag:s0] =	ssyncadd.s32 @!p0 s1  }
0x23e: {  	[bflag:$0x3] =	sbarrier.arrive $0xFFFF  }
0x23f: {  	_ =	shalt  }

// kernel: scatter_offload_async_start.5
scs
__scs_entry_jumppad:
0x0: {  	(pc) =	sbr.rel $0x88, $3  }
0x1: {  	(tag) =	ssettag $0x0;
	lr =	simm.s32 $0x1  }
0x2: {  	[smem:$0x3F9B] =	sst lr;
	_ =	strace $0xD0000000  }
0x3: {  	_ = 	snop  }
0x4: {  	_ = 	snop  }
0x5: {  	_ = 	snop  }
0x6: {  	_ = 	snop  }
0x7: {  	_ = 	snop  }
__scs_overlays_trampoline_lowered:
0x8: {  	[smem:$0x3FAA] =	sst s0  }
0x9: {  	[smem:$0x3FAB] =	sst s1  }
0xa: {  	[smem:$0x3FAC] =	sst s2  }
0xb: {  	[smem:$0x3FAD] =	sst s3  }
0xc: {  	[smem:$0x3FAE] =	sst s4  }
0xd: {  	[smem:$0x3FAF] =	sst s5  }
0xe: {  	[smem:$0x3FB0] =	sst s6  }
0xf: {  	[smem:$0x3FB1] =	sst s7  }
0x10: {  	[smem:$0x3FB2] =	sst s8  }
0x11: {  	[smem:$0x3FB3] =	sst s9;
	s0 =	simm.s32 @!p0 $0x0  }
0x12: {  	s1 =	sld [smem:$0x3F99];
	s0 =	simm.s32 @p0 $0x1  }
0x13: {  	[smem:$0x3FB4] =	sst s0;
	s0 =	simm.s32 @!p1 $0x0  }
0x14: {  	s2 =	sld [smem:$0x3F98];
	s0 =	simm.s32 @p1 $0x1  }
0x15: {  	[smem:$0x3FB5] =	sst s0;
	s0 =	simm.s32 @!p2 $0x0  }
0x16: {  	s3 =	sld [smem:$0x3FDB];
	s0 =	simm.s32 @p2 $0x1  }
0x17: {  	s4 =	simm.s32 $0x1BF5;
	[smem:$0x3FB7] =	sst s0  }
0x18: {  	s0 =	sld [smem:$0x3F9A];
	_ =	swait.ge [sflag:s4], $0x0  }
0x19: {  	s7 =	sld [smem:$0x3F9B]  }
0x1a: {  	s8 =	sadd.s32 $0xFFFFE003, lr  }
0x1b: {  	s9 =	sadd.s32 $0xFFFFFEF7, lr;
	s5 =	simm.s32 $0xFFFFFFFF;
	p2 =	slt.u32 s8, $0xFFFFF086  }
0x1c: {  	p1 =	slt.u32 s9, $0xF7A;
	s5 =	simm.s32 @!p2 $0x0  }
0x1d: {  	s5 =	simm.s32 @p1 $0x1;
	p0 =	seq.s32 s7, s2  }
0x1e: {  	s7 =	smul.u32 @!p0 $0xF7A, s2;
	p2 =	seq.s32 @!p0 s5, $0x0  }
0x1f: {  	s9 =	smul.u32 $0xF7A, s1;
	s8 =	simm.s32 @!p0 $0x1BF5;
	p2 =	por !p2, p0  }
0x20: {  	[sflag:s8] =	ssyncset.s32 @!p0 $0xFFFFF086;
	s6 =	sadd.s32 @!p0 s3, s7;
	s7 =	simm.s32 @!p0 $0x108  }
0x21: {  	s3 =	sadd.s32 s3, s9;
	s6 =	sadd.s32 @!p0 $0x88, s6;
	s7 =	simm.s32 @p2 $0x1082  }
0x22: {  	[simem:s7], [sflag:s8] =	dma.local @!p0 [hbm:s6], $0xF7A  }
0x23: {  	s9 =	sor.u32 $0xD0000000, s2;
	s6 =	simm.s32 $0x108;
	_ =	swait.ge @!p0 [sflag:s8], $0x0  }
0x24: {  	s3 =	sadd.s32 $0x88, s3;
	s6 =	simm.s32 @!p1 $0x1082;
	[sflag:s4] =	ssyncset.s32 $0xFFFFF086  }
0x25: {  	[simem:s6], [sflag:s4] =	dma.local [hbm:s3], $0xF7A  }
0x26: {  	[smem:$0x3F9B] =	sst s1;
	(tag) =	ssettag s2;
	_ =	strace s9  }
0x27: {  	s1 =	sld [smem:$0x3FAB]  }
0x28: {  	s2 =	sld [smem:$0x3FAC]  }
0x29: {  	s4 =	sld [smem:$0x3FAE]  }
0x2a: {  	p0 =	seq.s32 s5, $0x0;
	s5 =	sld [smem:$0x3FAF]  }
0x2b: {  	s6 =	sld [smem:$0x3FB0]  }
0x2c: {  	s7 =	sld [smem:$0x3FB1]  }
0x2d: {  	s3 =	simm.s32 $0x108;
	s8 =	sld [smem:$0x3FB2]  }
0x2e: {  	s3 =	simm.s32 @!p0 $0x1082;
	s9 =	sld [smem:$0x3FB3]  }
0x2f: {  	lr =	sadd.s32 s0, s3;
	s0 =	sld [smem:$0x3FAA]  }
0x30: {  	s3 =	sld [smem:$0x3FAD]  }
0x31: {  	[smem:$0x3FB6] =	sst s10  }
0x32: {  	s10 =	sld [smem:$0x3FB4];
	_ =	sdelay $0x3  }
0x33: {  	p0 =	seq.s32 s10, $0x1;
	s10 =	sld [smem:$0x3FB6];
	_ =	sdelay $0x3  }
0x34: {  	[smem:$0x3FB6] =	sst s10  }
0x35: {  	s10 =	sld [smem:$0x3FB5];
	_ =	sdelay $0x3  }
0x36: {  	p1 =	seq.s32 s10, $0x1;
	s10 =	sld [smem:$0x3FB6];
	_ =	sdelay $0x3  }
0x37: {  	[smem:$0x3FB6] =	sst s10  }
0x38: {  	s10 =	sld [smem:$0x3FB7]  }
0x39: {  	_ = 	snop;
	(pc) =	sbr.ind lr, $3  }
0x3a: {  	_ = 	snop  }
0x3b: {  	_ = 	snop  }
0x3c: {  	p2 =	seq.s32 s10, $0x1;
	s10 =	sld [smem:$0x3FB6]  }
0x3d: {  	_ =	shalt  }
0x3e: {  	_ =	shalt  }
0x3f: {  	_ =	shalt  }
0x40: {  	_ =	shalt  }
0x41: {  	_ =	shalt  }
0x42: {  	_ =	shalt  }
0x43: {  	_ =	shalt  }
0x44: {  	_ =	shalt  }
0x45: {  	_ =	shalt  }
0x46: {  	_ =	shalt  }
0x47: {  	_ =	shalt  }
0x48: {  	_ =	shalt  }
0x49: {  	_ =	shalt  }
0x4a: {  	_ =	shalt  }
0x4b: {  	_ =	shalt  }
0x4c: {  	_ =	shalt  }
0x4d: {  	_ =	shalt  }
0x4e: {  	_ =	shalt  }
0x4f: {  	_ =	shalt  }
0x50: {  	_ =	shalt  }
0x51: {  	_ =	shalt  }
0x52: {  	_ =	shalt  }
0x53: {  	_ =	shalt  }
0x54: {  	_ =	shalt  }
0x55: {  	_ =	shalt  }
0x56: {  	_ =	shalt  }
0x57: {  	_ =	shalt  }
0x58: {  	_ =	shalt  }
0x59: {  	_ =	shalt  }
0x5a: {  	_ =	shalt  }
0x5b: {  	_ =	shalt  }
0x5c: {  	_ =	shalt  }
0x5d: {  	_ =	shalt  }
0x5e: {  	_ =	shalt  }
0x5f: {  	_ =	shalt  }
0x60: {  	_ =	shalt  }
0x61: {  	_ =	shalt  }
0x62: {  	_ =	shalt  }
0x63: {  	_ =	shalt  }
0x64: {  	_ =	shalt  }
0x65: {  	_ =	shalt  }
0x66: {  	_ =	shalt  }
0x67: {  	_ =	shalt  }
0x68: {  	_ =	shalt  }
0x69: {  	_ =	shalt  }
0x6a: {  	_ =	shalt  }
0x6b: {  	_ =	shalt  }
0x6c: {  	_ =	shalt  }
0x6d: {  	_ =	shalt  }
0x6e: {  	_ =	shalt  }
0x6f: {  	_ =	shalt  }
0x70: {  	_ =	shalt  }
0x71: {  	_ =	shalt  }
0x72: {  	_ =	shalt  }
0x73: {  	_ =	shalt  }
0x74: {  	_ =	shalt  }
0x75: {  	_ =	shalt  }
0x76: {  	_ =	shalt  }
0x77: {  	_ =	shalt  }
0x78: {  	_ =	shalt  }
0x79: {  	_ =	shalt  }
0x7a: {  	_ =	shalt  }
0x7b: {  	_ =	shalt  }
0x7c: {  	_ =	shalt  }
0x7d: {  	_ =	shalt  }
0x7e: {  	_ =	shalt  }
0x7f: {  	_ =	shalt  }
0x80: {  	_ =	shalt  }
0x81: {  	_ =	shalt  }
0x82: {  	_ =	shalt  }
0x83: {  	_ =	shalt  }
0x84: {  	_ =	shalt  }
0x85: {  	_ =	shalt  }
0x86: {  	_ =	shalt  }
0x87: {  	_ =	shalt  }
.Lfunc_end0:
.L_simem_size_0:
called_computation.5_lowered:
.L_overlay_start_0:
0x88: {  	s0 =	sld [smem:$0x3FD9]  }
0x89: {  	s1 =	sld [smem:$0x3FFE];
	_ =	sdelay $0x3  }
0x8a: {  	s0 =	sadd.s32 s1, s0  }
0x8b: {  	[smem:$0x3FC2] =	sst s0  }
0x8c: {  	_ = 	snop  }
0x8d: {  	s14 =	sld [smem:$0x3FD0];
	(tm) =	ssettm $0x1  }
0x8e: {  	s15 =	sld [smem:$0x3FFB];
	_ =	sdelay $0x3  }
0x8f: {  	_ =	strace s15  }
0x90: {  	s0 =	sld [smem:$0x3FFC];
	_ =	sdelay $0x3  }
0x91: {  	_ =	strace s0  }
0x92: {  	s0 =	sld [smem:$0x3FFD];
	_ =	sdelay $0x3  }
0x93: {  	_ =	strace s0  }
0x94: {  	_ =	strace $0x8FFFFFFF  }
0x95: {  	s16 =	sld [smem:$0x3FDB];
	_ =	sdelay $0x1  }
0x96: {  	s2 =	simm.s32 $_scs_section_size  }
0x97: {  	s3 =	simm.s32 $_size__tile_overlayer_lowered;
	s4 =	simm.s32 $_tile_overlayer_lowered  }
0x98: {  	s5 =	simm.s32 $0x1BFF;
	s17 =	sshll.u32 s4, $0x1;
	s2 =	sadd.s32 s2, s16  }
0x99: {  	s18 =	simm.s32 $0x0;
	s3 =	sshll.u32 s3, $0x1;
	s4 =	sadd.s32 s17, s2  }
0x9a: {  	[timem:s18], [sflag:s5] =	dma.local [hbm:s4], s3  }
0x9b: {  	_ =	swait.ge [sflag:s5], s3  }
0x9c: {  	s3 =	ssub.s32 $0x0, s3;
	[sflag:s5] =	ssyncset.done $0x0  }
0x9d: {  	[sflag:s5] =	ssyncadd.s32 s3;
	_ =	sdelay $0x1  }
0x9e: {  	s19 =	simm.s32 $0x1B8B  }
0x9f: {  	_ =	swait.ge [sflag:s19], $0x1  }
0xa0: {  	[sflag:s19] =	ssyncset.done $0x0  }
0xa1: {  	s21 =	simm.s32 $0x1B8E;
	s20 =	sld [smem:$0x3FFE];
	[sflag:s19] =	ssyncadd.s32 $0xFFFFFFFF  }
0xa2: {  	s22 =	simm.s32 $execute0_lowered;
	[smem:$0x3FD2] =	sst s21  }
0xa3: {  	s4 =	sshll.u32 s22, $0x1;
	_ =	strace $0x80000064;
	[dreg:$0x1] =	wrdreg $0xFFFFFFFF  }
0xa4: {  	s23 =	simm.s32 $_size_execute0_lowered;
	s4 =	sadd.s32 s2, s4;
	[dreg:$0x0] =	wrdreg $0x0  }
0xa5: {  	s5 =	sshll.u32 s23, $0x1;
	[dreg:$0x2] =	wrdreg s4  }
0xa6: {  	[dreg:$0x3] =	wrdreg s5  }
0xa7: {  	[dreg:$0x4] =	wrdreg $0xC0  }
0xa8: {  	s24 =	simm.s32 $execute1_lowered;
	_ =	task [dreg:s18], $0x5FFFF  }
0xa9: {  	s4 =	sshll.u32 s24, $0x1;
	[dreg:$0x1] =	wrdreg $0xFFFFFFFF  }
0xaa: {  	s2 =	sadd.s32 s2, s4;
	[dreg:$0x0] =	wrdreg $0x60  }
0xab: {  	[dreg:$0x2] =	wrdreg s2  }
0xac: {  	[dreg:$0x3] =	wrdreg s14  }
0xad: {  	[dreg:$0x4] =	wrdreg s20  }
0xae: {  	[dreg:$0x5] =	wrdreg $0xB  }
0xaf: {  	_ =	task.clear_ibuf [dreg:s18], $0x6FFFF;
	_ =	strace $0x90000064  }
0xb0: {  	s25 =	simm.s32 $0xB;
	_ =	strace $0x80000066  }
0xb1: {  	_ =	swait.ge [sflag:s25], $0x1  }
0xb2: {  	[sflag:s25] =	ssyncadd.s32 $0xFFFFFFFF  }
0xb3: {  	_ =	strace $0x90000066  }
0xb4: {  	_ =	strace $0x80000067;
	[dreg:$0x1] =	wrdreg $0xFFFFFFFF  }
0xb5: {  	[dreg:$0x0] =	wrdreg $0x2030  }
0xb6: {  	[dreg:$0x2] =	wrdreg s20  }
0xb7: {  	[dreg:$0x3] =	wrdreg $0xC  }
0xb8: {  	_ =	task.clear_ibuf [dreg:s18], $0x4FFFF;
	_ =	strace $0x90000067  }
0xb9: {  	s26 =	simm.s32 $0xC;
	_ =	strace $0x80000069  }
0xba: {  	_ =	swait.ge [sflag:s26], $0x1  }
0xbb: {  	[sflag:s26] =	ssyncadd.s32 $0xFFFFFFFF  }
0xbc: {  	_ =	strace $0x90000069  }
0xbd: {  	_ =	sfence  }
0xbe: {  	s28 =	sld [smem:$0x0];
	_ =	sdelay $0x1  }
0xbf: {  	s29 =	srdreg.scid  }
0xc0: {  	s30 =	sshll.u32 s29, $0xD;
	s31 =	sshrl.u32 s29, $0x2  }
0xc1: {  	s3 =	sand.u32 $0x4000, s30;
	s2 =	sand.u32 $0x1, s29;
	s1 =	sadd.s32 s31, s28  }
0xc2: {  	s2 =	sor.u32 s3, s2;
	s1 =	sshll.u32 s1, $0x11  }
0xc3: {  	s1 =	sor.u32 s1, s2  }
0xc4: {  	s1 =	sadd.s32 $0x8F2B, s1  }
0xc5: {  	[sflag:s1] =	ssyncadd.remote.s32 $0x1  }
0xc6: {  	_ =	sfence.sel $0xFFFF  }
0xc7: {  	[dreg:$0x0] =	wrdreg $0xFFFFFFFF;
	(pc) =	sbr.abs _section_cstart, $3  }
0xc8: {  	[dreg:$0x1] =	wrdreg $0xFFFFFFFF  }
0xc9: {  	_ =	task.clear_ibuf [dreg:s18], $0x2FFFF;
	_ =	strace $0x9FFFFFFF  }
0xca: {  	(tm) =	ssettm $0x7FFFFFFF  }
0xcb: {  	_ =	shalt  }
tec
execute0_lowered:
.L_overlay_start_1:
0x0: {  	(tag) =	ssettag $0x1  }
0x1: {  	s3 =	rddreg [dreg:$0x0]  }
0x2: {  	s2 =	rddreg [dreg:$0x1]  }
0x3: {  	s4 =	rddreg [dreg:$0x2]  }
0x4: {  	s0 =	rddreg [dreg:$0x3];
	s5 =	stileid.u32;
	[bflag:$0x3] =	sbarrier.arrive $0xFFFF  }
0x5: {  	s1 =	simm.s32 $_size_execute1_lowered;
	s31 =	simm.s32 $0x2;
	p0 =	sne.s32 s5, $0x0  }
0x6: {  	s1 =	sshll.u32 s1, $0x1;
	s6 =	simm.s32 @!p0 $0x1C3F;
	s7 =	simm.s32 @!p0 $0x4060  }
0x7: {  	[timem:s7], [sflag:s6] =	dma.local @!p0 [hbm:s3], s1  }
.Ltmp0:
0x8: {  	s8 =	simm.s32 $0x0;
	s12 =	simm.s32 $0x0;
	(pc) =	sbr.rel .LBB2_1-.Ltmp0, $4  }
0x9: {  	s10 =	simm.s32 $0x0;
	s11 =	simm.s32 $0x0;
	s3 =	sshll.u32 s5, $0x7  }
0xa: {  	s5 =	simm.s32 $0x1;
	_ =	strace $0x80000065;
	s30 =	ssub.s32 $0x2700, s3  }
0xb: {  	s4 =	sadd.s32 $0xAEDC00, s4;
	[sflag:s5] =	ssyncpa.u1 $0x0;
	s6 =	sshrl.u32 s30, $0xB  }
0xc: {  	s9 =	smov.u32 s3;
	[sflag:s31] =	ssyncpa.u1 $0x0;
	s7 =	sadd.s32 $0x2, s6  }
.LBB2_4:
0xd: {  	_ = 	snop  }
.LBB2_7:
0xe: {  	_ =	sdelay $0x3  }
0xf: {  	[tilespmem:v0+s16+$0x0 ss:$0x1] =	vst.idx.msk @p1 $0xffff, v2  }
0x10: {  	v56 =	vld.idx.msk [tilespmem:v1+s15+$0x0 ss:$0x1], $0xffff;
	s24 =	sor.u32 $0x70, s15;
	[tilespmem:v0+s17+$0x0 ss:$0x1] =	vst.idx.msk @p1 $0xffff, v4  }
0x11: {  	s25 =	sor.u32 $0x10, s15;
	[tilespmem:v0+s18+$0x0 ss:$0x1] =	vst.idx.msk @p1 $0xffff, v3;
	v57 =	vld.idx.msk [tilespmem:v1+s24+$0x0 ss:$0x1], $0xffff  }
0x12: {  	s26 =	sor.u32 $0x20, s15;
	[tilespmem:v0+s19+$0x0 ss:$0x1] =	vst.idx.msk @p1 $0xffff, v5;
	v58 =	vld.idx.msk [tilespmem:v1+s25+$0x0 ss:$0x1], $0xffff  }
0x13: {  	s28 =	sor.u32 $0x30, s15;
	[tilespmem:v0+s20+$0x0 ss:$0x1] =	vst.idx.msk @p1 $0xffff, v6;
	v59 =	vld.idx.msk [tilespmem:v1+s26+$0x0 ss:$0x1], $0xffff  }
0x14: {  	s29 =	sor.u32 $0x40, s15;
	[tilespmem:v0+s21+$0x0 ss:$0x1] =	vst.idx.msk @p1 $0xffff, v7;
	v60 =	vld.idx.msk [tilespmem:v1+s28+$0x0 ss:$0x1], $0xffff  }
0x15: {  	s30 =	sor.u32 $0x50, s15;
	v61 =	vld.idx.msk [tilespmem:v1+s29+$0x0 ss:$0x1], $0xffff;
	[tilespmem:v0+s15+$0x0 ss:$0x1] =	vst.idx.msk $0xffff, v56  }
0x16: {  	s31 =	sor.u32 $0x60, s15;
	v62 =	vld.idx.msk [tilespmem:v1+s30+$0x0 ss:$0x1], $0xffff;
	[tilespmem:v0+s24+$0x0 ss:$0x1] =	vst.idx.msk $0xffff, v57  }
0x17: {  	v63 =	vld.idx.msk [tilespmem:v1+s31+$0x0 ss:$0x1], $0xffff;
	[tilespmem:v0+s25+$0x0 ss:$0x1] =	vst.idx.msk $0xffff, v58  }
0x18: {  	[tilespmem:v0+s26+$0x0 ss:$0x1] =	vst.idx.msk $0xffff, v59  }
0x19: {  	[tilespmem:v0+s28+$0x0 ss:$0x1] =	vst.idx.msk $0xffff, v60  }
0x1a: {  	[tilespmem:v0+s29+$0x0 ss:$0x1] =	vst.idx.msk $0xffff, v61  }
0x1b: {  	[tilespmem:v0+s30+$0x0 ss:$0x1] =	vst.idx.msk $0xffff, v62  }
0x1c: {  	[tilespmem:v0+s31+$0x0 ss:$0x1] =	vst.idx.msk $0xffff, v63  }
.LBB2_8:
0x1d: {  	s15 =	sand.u32 $0x1FFFFFF, s10  }
0x1e: {  	s16 =	smulhi.u32 $0x1A36E2F, s15;
	_ =	sdelay $0x1  }
0x1f: {  	s16 =	sshrl.u32 s16, $0x6  }
0x20: {  	s16 =	smul.u32 $0x2710, s16;
	_ =	sdelay $0x1  }
0x21: {  	s15 =	ssub.s32 s15, s16  }
0x22: {  	s15 =	sshll.u32 s15, $0x4  }
0x23: {  	s15 =	sadd.s32 s4, s15  }
0x24: {  	[hbm4b:s15+s8] =	stream.linear.scatter [tilespmem:s14], [sflag:$0x2], s13, $0x38;
	[tilespmem:$0x10000] =	vst v63  }
.LBB2_9:
0x25: {  	p1 =	slt.u32 s11, $0x2  }
0x26: {  	p2 =	sgt.s32 @!p1 s12, $0x2690  }
0x27: {  	s13 =	smov.u32 s12;
	s14 =	sshra.s32 @!p1 s12, $0x1F;
	p2 =	por !p2, p1  }
0x28: {  	s12 =	sand.u32 @!p1 s14, s12;
	s13 =	simm.s32 @p2 $0x2690  }
0x29: {  	s12 =	ssub.s32 @!p1 s13, s12  }
0x2a: {  	s12 =	sadd.s32 @!p1 $0xFFFFD970, s12  }
0x2b: {  	s13 =	sshll.u32 @!p1 s12, $0x9  }
0x2c: {  	p2 =	sgt.s32 @!p1 s12, $0x7F;
	s12 =	ssub.s32 @!p1 $0x10000, s13  }
0x2d: {  	s14 =	sadd.s32 $0x800, s9;
	p2 =	por !p2, p1;
	s12 =	sshrl.u32 @!p1 s12, $0x2  }
0x2e: {  	s12 =	simm.s32 @!p2 $0x0;
	p2 =	sgt.s32 s14, $0x270F  }
0x2f: {  	s14 =	smov.u32 @p2 s3;
	p2 =	sne.s32 s11, s7  }
.Ltmp1:
0x30: {  	_ = 	snop;
	(pc) =	sbr.rel @!p2 .LBB2_10-.Ltmp1, $4  }
0x31: {  	s13 =	simm.s32 @!p1 $0x2  }
0x32: {  	_ =	swait.ge @!p1 [sflag:s13], s12;
	s15 =	ssub.s32 @!p1 $0x0, s12  }
0x33: {  	s12 =	smov.u32 s10;
	s11 =	sadd.s32 $0x1, s11;
	[sflag:s13] =	ssyncset.done @!p1 $0x0  }
0x34: {  	s10 =	smov.u32 s9;
	s9 =	smov.u32 s14;
	[sflag:s13] =	ssyncadd.s32 @!p1 s15  }
.LBB2_1:
0x35: {  	p1 =	sgt.u32 s11, s6  }
0x36: {  	s13 =	sand.u32 @!p1 $0x1FFFFFF, s9  }
0x37: {  	p2 =	sgt.s32 @!p1 s9, $0x2690;
	s14 =	smulhi.u32 @!p1 $0x1A36E2F, s13  }
0x38: {  	s15 =	smov.u32 s9;
	s16 =	sshra.s32 @!p1 s9, $0x1F;
	p2 =	por !p2, p1  }
0x39: {  	s16 =	sand.u32 @!p1 s16, s9;
	s15 =	simm.s32 @p2 $0x2690;
	s14 =	sshrl.u32 @!p1 s14, $0x6  }
0x3a: {  	s15 =	ssub.s32 @!p1 s15, s16;
	s14 =	smul.u32 @!p1 $0x2710, s14  }
0x3b: {  	s16 =	sxor.u32 @!p1 $0xFFFFFFFF, s11;
	s15 =	sadd.s32 @!p1 $0xFFFFD970, s15  }
0x3c: {  	s16 =	sshll.u32 @!p1 s16, $0xE;
	s13 =	ssub.s32 @!p1 s13, s14;
	s14 =	sshll.u32 @!p1 s15, $0x9  }
0x3d: {  	s16 =	sand.u32 @!p1 $0x4000, s16;
	p2 =	sgt.s32 @!p1 s15, $0x7F;
	s14 =	ssub.s32 @!p1 $0x10000, s14  }
0x3e: {  	p2 =	por !p2, p1;
	s13 =	sshll.u32 @!p1 s13, $0x4;
	s14 =	sshrl.u32 @!p1 s14, $0x2  }
0x3f: {  	s15 =	simm.s32 @!p1 $0x0;
	s13 =	sadd.s32 @!p1 s2, s13;
	s14 =	simm.s32 @!p2 $0x0  }
0x40: {  	[tilespmem:s16], [sflag:$0x1] =	stream.linear.gather @!p1 [hbm4b:s13+s15], s14, $0x38;
	[tilespmem:$0x10000] =	vst v63  }
0x41: {  	p1 =	seq.s32 s11, $0x0  }
0x42: {  	p2 =	sge.u32 @!p1 s11, s7  }
0x43: {  	p1 =	por p1, p2  }
.Ltmp2:
0x44: {  	_ = 	snop;
	(pc) =	sbr.rel @p1 .LBB2_9-.Ltmp2, $1  }
0x45: {  	_ =	sdelay $0x3  }
0x46: {  	p1 =	sgt.s32 s10, $0x2690;
	s13 =	smov.u32 s10;
	s14 =	sshra.s32 s10, $0x1F  }
0x47: {  	s13 =	simm.s32 @!p1 $0x2690;
	s14 =	sand.u32 s14, s10  }
0x48: {  	s13 =	ssub.s32 s13, s14  }
0x49: {  	s13 =	sadd.s32 $0xFFFFD970, s13  }
0x4a: {  	s31 =	sshll.u32 s13, $0x9  }
0x4b: {  	s14 =	ssub.s32 $0x10000, s31  }
0x4c: {  	p1 =	sgt.s32 s13, $0x7F;
	s13 =	sshrl.u32 s14, $0x2;
	s14 =	sadd.s32 $0x80, s10  }
0x4d: {  	s13 =	simm.s32 @p1 $0x0;
	p1 =	slt.s32 s14, $0x2710  }
0x4e: {  	s14 =	simm.s32 @!p1 $0x2710  }
0x4f: {  	s16 =	ssub.s32 s14, s10  }
0x50: {  	p1 =	slt.s32 s16, $0x1  }
.Ltmp3:
0x51: {  	_ = 	snop;
	(pc) =	sbr.rel @p1 .LBB2_8-.Ltmp3, $4  }
0x52: {  	_ = 	snop  }
0x53: {  	s15 =	sshll.u32 s11, $0xE;
	_ =	swait.ge [sflag:s5], s13  }
0x54: {  	s15 =	sand.u32 $0x4000, s15;
	s17 =	ssub.s32 $0x0, s13;
	[sflag:s5] =	ssyncset.done $0x0  }
0x55: {  	s14 =	sor.u32 $0x8000, s15;
	[sflag:s5] =	ssyncadd.s32 s17  }
0x56: {  	p2 =	sne.s32 s16, $0x1  }
.Ltmp4:
0x57: {  	v1 =	vmov s15;
	v0 =	vmov s14;
	(pc) =	sbr.rel @!p2 .LBB2_4-.Ltmp4, $3  }
0x58: {  	_ =	sdelay $0x1  }
0x59: {  	s17 =	simm.s32 $0x0  }
0x5a: {  	s23 =	sadd.s32 $0xFFFFFFFF, s16;
	p1 =	por $0x0, $0x0;
	s15 =	sand.u32 $0x3F80, s17  }
0x5b: {  	_ =	sdelay $0x3  }
0x5c: {  	v6 =	vld.idx.msk [tilespmem:v1+s15+$0x0 ss:$0x1], $0xffff;
	s24 =	sor.u32 $0x70, s15  }
0x5d: {  	s16 =	sor.u32 $0x10, s15;
	v8 =	vld.idx.msk [tilespmem:v1+s24+$0x0 ss:$0x1], $0xffff  }
0x5e: {  	s17 =	sor.u32 $0x20, s15;
	p2 =	sne.s32 s23, $0x1;
	v2 =	vld.idx.msk [tilespmem:v1+s16+$0x0 ss:$0x1], $0xffff  }
.Ltmp5:
0x5f: {  	s18 =	sor.u32 $0x30, s15;
	v4 =	vld.idx.msk [tilespmem:v1+s17+$0x0 ss:$0x1], $0xffff;
	(pc) =	sbr.rel @!p2 .LBB2_7-.Ltmp5, $4  }
0x60: {  	s19 =	sor.u32 $0x40, s15;
	v3 =	vld.idx.msk [tilespmem:v1+s18+$0x0 ss:$0x1], $0xffff  }
0x61: {  	s21 =	sor.u32 $0x60, s15;
	v5 =	vld.idx.msk [tilespmem:v1+s19+$0x0 ss:$0x1], $0xffff  }
0x62: {  	s20 =	sor.u32 $0x50, s15;
	s22 =	simm.s32 $0x80;
	v7 =	vld.idx.msk [tilespmem:v1+s21+$0x0 ss:$0x1], $0xffff;
	[tilespmem:v0+s15+$0x0 ss:$0x1] =	vst.idx.msk $0xffff, v6  }
0x63: {  	s23 =	sadd.s32 $0xFFFFFFFF, s23;
	p1 =	por $0x1, $0x1;
	v6 =	vld.idx.msk [tilespmem:v1+s20+$0x0 ss:$0x1], $0xffff;
	s15 =	sand.u32 $0x3F80, s22;
	[tilespmem:v0+s24+$0x0 ss:$0x1] =	vst.idx.msk $0xffff, v8  }
.LBB2_6:
0x64: {  	p2 =	sne.s32 s23, $0x1;
	v8 =	vld.idx.msk [tilespmem:v1+s15+$0x0 ss:$0x1], $0xffff;
	s24 =	sor.u32 $0x70, s15;
	[tilespmem:v0+s16+$0x0 ss:$0x1] =	vst.idx.msk $0xffff, v2;
	s16 =	sor.u32 $0x10, s15  }
0x65: {  	s25 =	sor.u32 $0x30, s15;
	s26 =	sor.u32 $0x40, s15;
	v9 =	vld.idx.msk [tilespmem:v1+s24+$0x0 ss:$0x1], $0xffff;
	[tilespmem:v0+s17+$0x0 ss:$0x1] =	vst.idx.msk $0xffff, v4;
	s17 =	sor.u32 $0x20, s15  }
0x66: {  	s28 =	sor.u32 $0x50, s15;
	s29 =	sor.u32 $0x60, s15;
	v2 =	vld.idx.msk [tilespmem:v1+s16+$0x0 ss:$0x1], $0xffff;
	[tilespmem:v0+s18+$0x0 ss:$0x1] =	vst.idx.msk $0xffff, v3;
	s18 =	smov.u32 s25  }
.Ltmp6:
0x67: {  	v4 =	vld.idx.msk [tilespmem:v1+s17+$0x0 ss:$0x1], $0xffff;
	[tilespmem:v0+s19+$0x0 ss:$0x1] =	vst.idx.msk $0xffff, v5;
	s19 =	smov.u32 s26;
	(pc) =	sbr.rel @p2 .LBB2_6-.Ltmp6, $4  }
0x68: {  	v3 =	vld.idx.msk [tilespmem:v1+s18+$0x0 ss:$0x1], $0xffff;
	[tilespmem:v0+s20+$0x0 ss:$0x1] =	vst.idx.msk $0xffff, v6;
	s20 =	smov.u32 s28  }
0x69: {  	v5 =	vld.idx.msk [tilespmem:v1+s19+$0x0 ss:$0x1], $0xffff;
	[tilespmem:v0+s21+$0x0 ss:$0x1] =	vst.idx.msk $0xffff, v7;
	s21 =	smov.u32 s29  }
0x6a: {  	s22 =	sadd.s32 $0x80, s22;
	[tilespmem:v0+s15+$0x0 ss:$0x1] =	vst.idx.msk $0xffff, v8;
	v6 =	vld.idx.msk [tilespmem:v1+s20+$0x0 ss:$0x1], $0xffff  }
0x6b: {  	s23 =	sadd.s32 $0xFFFFFFFF, s23;
	s15 =	sand.u32 $0x3F80, s22;
	v7 =	vld.idx.msk [tilespmem:v1+s21+$0x0 ss:$0x1], $0xffff;
	[tilespmem:v0+s24+$0x0 ss:$0x1] =	vst.idx.msk $0xffff, v9  }
.Ltmp7:
0x6c: {  	_ = 	snop;
	(pc) =	sbr.rel .LBB2_7-.Ltmp7, $1  }
0x6d: {  	_ =	sdelay $0x3  }
.LBB2_10:
0x6e: {  	_ =	sfence.sel $0x180000  }
0x6f: {  	s2 =	simm.s32 $0x1;
	[bflag:$0x0] =	sbarrier.arrive $0xFFFF  }
0x70: {  	s31 =	simm.s32 $0x2;
	[sflag:s2] =	ssyncpa.u1 $0x1  }
0x71: {  	[sflag:s31] =	ssyncpa.u1 $0x1  }
0x72: {  	_ =	strace $0x90000065  }
0x73: {  	s0 =	sadd.s32 @!p0 $0x100000, s0;
	[bflag:$0x2] =	sbarrier.arrive $0xFFFF  }
0x74: {  	[sflag:s0] =	ssyncadd.tile.s32 @!p0 $0x1;
	s0 =	simm.s32 @!p0 $0x3F  }
0x75: {  	_ =	swait.ge @!p0 [sflag:s0], s1  }
0x76: {  	s1 =	ssub.s32 @!p0 $0x0, s1;
	[sflag:s0] =	ssyncset.done @!p0 $0x0  }
0x77: {  	[sflag:s0] =	ssyncadd.s32 @!p0 s1  }
0x78: {  	[bflag:$0x3] =	sbarrier.arrive $0xFFFF  }
0x79: {  	_ =	shalt  }
.Lfunc_end2:
execute1_lowered:
.L_overlay_start_2:
0x7a: {  	(tag) =	ssettag $0x2  }
0x7b: {  	s0 =	rddreg [dreg:$0x0];
	_ =	strace $0x80000068;
	s1 =	simm.s32 $0x1  }
0x7c: {  	s8 =	simm.s32 $0x108;
	v0 =	vimm.s32 $0x0;
	[sflag:s1] =	ssyncpa.u1 $0x0  }
0x7d: {  	[tilespmem:s8+$0x70] =	vst v0  }
0x7e: {  	[tilespmem:s8+$0x60] =	vst v0  }
0x7f: {  	[tilespmem:s8+$0x50] =	vst v0  }
0x80: {  	[tilespmem:s8+$0x40] =	vst v0  }
0x81: {  	[tilespmem:s8+$0x30] =	vst v0  }
0x82: {  	s2 =	simm.s32 $0x40;
	s1 =	sadd.s32 $0xAEDC00, s0;
	[tilespmem:s8+$0x20] =	vst v0  }
0x83: {  	s3 =	sadd.s32 $0x47C00, s0;
	s4 =	sadd.s32 $0x596600, s0;
	s5 =	sadd.s32 $0x1E800, s0;
	[tilespmem:s8+$0x10] =	vst v0  }
.LBB3_1:
0x84: {  	s2 =	sadd.s32 $0x40, s2;
	[tilespmem:s8+$0x0] =	vst v0;
	s8 =	sadd.s32 $0x80, s8  }
0x85: {  	p0 =	slt.u32 s2, $0x3C40;
	[tilespmem:s8+$0x70] =	vst v0  }
0x86: {  	[tilespmem:s8+$0x60] =	vst v0  }
.Ltmp8:
0x87: {  	[tilespmem:s8+$0x50] =	vst v0;
	(pc) =	sbr.rel @p0 .LBB3_1-.Ltmp8, $4  }
0x88: {  	[tilespmem:s8+$0x40] =	vst v0  }
0x89: {  	[tilespmem:s8+$0x30] =	vst v0  }
0x8a: {  	[tilespmem:s8+$0x20] =	vst v0  }
0x8b: {  	[tilespmem:s8+$0x10] =	vst v0  }
0x8c: {  	s13 =	stileid.u32  }
0x8d: {  	s0 =	simm.s32 $0x4FB0;
	s6 =	smul.u32 $0x50A0, s13;
	p0 =	seq.s32 s13, $0xF  }
0x8e: {  	s0 =	simm.s32 @!p0 $0x50A0  }
0x8f: {  	s0 =	sadd.s32 s6, s0  }
0x90: {  	s7 =	smin.u32 s0, $0x50910  }
0x91: {  	s0 =	ssub.s32 s7, s6  }
0x92: {  	p0 =	sgt.s32 s0, $0x0  }
0x93: {  	s0 =	simm.s32 @!p0 $0x0  }
0x94: {  	s2 =	simm.s32 $0x2;
	s9 =	simm.s32 $0x7;
	s31 =	smulhi.u32 $0x1111112, s0  }
0x95: {  	s10 =	simm.s32 $0x8;
	s19 =	simm.s32 $0x0;
	s15 =	simm.s32 $0xA  }
0x96: {  	s17 =	simm.s32 $0x0;
	s18 =	simm.s32 $0x0;
	s11 =	smul.u32 $0xF0, s31  }
.Ltmp9:
0x97: {  	[tilespmem:s8+$0x0] =	vst v0;
	v0 =	vimm.s32 $0xFFFFFFFF;
	[sflag:s2] =	ssyncpa.u1 $0x0;
	s13 =	sshll.u32 s13, $0x8;
	(pc) =	sbr.rel .LBB3_3-.Ltmp9, $4  }
0x98: {  	[tilespmem:$0xF208] =	vst v0;
	[sflag:s9] =	ssyncpa.u1 $0x0;
	p0 =	sne.s32 s0, s11;
	s0 =	simm.s32 $0x1  }
0x99: {  	[sflag:s10] =	ssyncpa.u1 $0x0;
	s10 =	simm.s32 $0x9;
	s0 =	simm.s32 @!p0 $0x0  }
0x9a: {  	s16 =	smov.u32 s6;
	[sflag:s10] =	ssyncpa.u1 $0x0;
	s12 =	sadd.s32 s0, s31  }
0x9b: {  	v0 =	vlaneseq.u32;
	s11 =	simm.s32 $0x1;
	p0 =	por $0x0, $0x0;
	s14 =	sadd.s32 $0x1, s12  }
.LBB3_18:
0x9c: {  	s0 =	sshrl.u32 s28, $0x2  }
.LBB3_20:
0x9d: {  	_ =	swait.ge [sflag:s15], s0  }
0x9e: {  	s31 =	ssub.s32 $0x0, s0;
	v1 =	vmov s21;
	vm0 =	veq.s32 v0, $0x0;
	[sflag:s15] =	ssyncset.done $0x0  }
0x9f: {  	vm15 =	veq.s32 v0, $0x2;
	v1 =	vsel vm0, s26, v1;
	[sflag:s15] =	ssyncadd.s32 s31  }
0xa0: {  	v1 =	vsel vm15, s19, v1;
	[sflag:s15] =	ssyncpa.u1 $0x1  }
0xa1: {  	[tilespmem:$0xF208] =	vst v1  }
.LBB3_21:
0xa2: {  	s0 =	sadd.s32 $0xF0, s16  }
0xa3: {  	s2 =	smov.u32 s6;
	p1 =	slt.s32 s0, s7  }
0xa4: {  	s2 =	smov.u32 @p1 s0;
	p1 =	sne.s32 s18, s14  }
.Ltmp10:
0xa5: {  	_ = 	snop;
	(pc) =	sbr.rel @!p1 .LBB3_22-.Ltmp10, $3  }
0xa6: {  	_ =	sdelay $0x1  }
0xa7: {  	s19 =	smov.u32 s17;
	s31 =	sadd.s32 $0x1, s18;
	s17 =	smov.u32 s16  }
0xa8: {  	p0 =	por !p0, !p0;
	s18 =	smov.u32 s31;
	s16 =	smov.u32 s2  }
.LBB3_3:
0xa9: {  	p1 =	sge.u32 s18, s12  }
0xaa: {  	s0 =	smulhi.u32 @!p1 $0xAAAAAAAB, s18  }
0xab: {  	s2 =	smov.u32 s16;
	p2 =	sgt.s32 @!p1 s16, $0x50820  }
0xac: {  	s20 =	sshra.s32 @!p1 s16, $0x1F;
	p2 =	por !p2, p1;
	s0 =	sshrl.u32 @!p1 s0, $0x1  }
0xad: {  	s20 =	sand.u32 @!p1 s20, s16;
	s2 =	simm.s32 @p2 $0x50820;
	s0 =	smul.u32 @!p1 $0x3, s0  }
0xae: {  	s2 =	ssub.s32 @!p1 s2, s20  }
0xaf: {  	s2 =	sadd.s32 @!p1 $0xFFFAF7E0, s2;
	s0 =	ssub.s32 @!p1 s18, s0  }
0xb0: {  	s20 =	sshll.u32 @!p1 s2, $0x2;
	p2 =	sgt.s32 @!p1 s2, $0xEF;
	s0 =	smul.u32 @!p1 $0x3C0, s0  }
0xb1: {  	s21 =	sand.u32 @!p1 $0x7, s16;
	s2 =	ssub.s32 @!p1 $0x3C0, s20;
	p2 =	por !p2, p1  }
0xb2: {  	s20 =	sshrl.u32 @!p1 s16, $0x3;
	s2 =	sshrl.u32 @!p1 s2, $0x2;
	s0 =	sshrl.u32 @!p1 s0, $0x2  }
0xb3: {  	s20 =	sadd.s32 @!p1 s5, s20;
	s2 =	simm.s32 @!p2 $0x0;
	s0 =	sadd.s32 @!p1 $0x10238, s0  }
0xb4: {  	[tilespmem:s0], [sflag:$0x8] =	stream.linear.gather @!p1 [hbm4b:s20+s21], s2, $0x38;
	[tilespmem:$0x1F6E8] =	vst v63  }
0xb5: {  	s0 =	sadd.s32 $0xFFFFFFFF, s18  }
0xb6: {  	p1 =	sge.u32 s0, s12  }
0xb7: {  	p2 =	sgt.s32 @!p1 s17, $0x50820  }
0xb8: {  	s2 =	smov.u32 s17;
	s20 =	sshra.s32 @!p1 s17, $0x1F;
	p2 =	por !p2, p1  }
0xb9: {  	s20 =	sand.u32 @!p1 s20, s17;
	s2 =	simm.s32 @p2 $0x50820  }
0xba: {  	s2 =	ssub.s32 @!p1 s2, s20  }
0xbb: {  	s2 =	sadd.s32 @!p1 $0xFFFAF7E0, s2  }
0xbc: {  	s21 =	smulhi.u32 @!p1 $0xAAAAAAAB, s0;
	s22 =	sand.u32 @!p1 $0x1, s0;
	s20 =	sshll.u32 @!p1 s2, $0x2  }
0xbd: {  	s24 =	smul.u32 @!p1 $0x3C0, s22;
	p2 =	sgt.s32 @!p1 s2, $0xEF;
	s2 =	ssub.s32 @!p1 $0x3C0, s20  }
0xbe: {  	p2 =	por !p2, p1;
	s20 =	sshrl.u32 @!p1 s21, $0x1;
	s2 =	sshrl.u32 @!p1 s2, $0x2  }
0xbf: {  	s21 =	simm.s32 @!p1 $0x8;
	s20 =	smul.u32 @!p1 $0x3, s20;
	s2 =	simm.s32 @!p2 $0x0  }
0xc0: {  	s22 =	smul.u32 @!p1 $0x1E000, s22;
	_ =	swait.ge @!p1 [sflag:s21], s2;
	s23 =	ssub.s32 @!p1 $0x0, s2  }
0xc1: {  	s0 =	ssub.s32 @!p1 s0, s20;
	s20 =	sshrl.u32 @!p1 s17, $0x3;
	[sflag:s21] =	ssyncset.done @!p1 $0x0  }
0xc2: {  	s20 =	sadd.s32 @!p1 s3, s20;
	[sflag:s21] =	ssyncadd.s32 @!p1 s23;
	s21 =	sshrl.u32 @!p1 s24, $0x2  }
0xc3: {  	s0 =	smul.u32 @!p1 $0x3C0, s0;
	s23 =	sand.u32 @!p1 $0x7, s17;
	s21 =	sor.u32 @!p1 $0x10508, s21  }
0xc4: {  	[tilespmem:s21], [sflag:$0x9] =	stream.linear.gather @!p1 [hbm4b:s20+s23], s2, $0x38;
	[tilespmem:$0x1F6E8] =	vst v63  }
0xc5: {  	s0 =	sshrl.u32 @!p1 s0, $0x2;
	s2 =	sshrl.u32 @!p1 s22, $0x2  }
0xc6: {  	s0 =	sadd.s32 @!p1 $0x10238, s0;
	s20 =	simm.s32 @!p1 $0xF0;
	s2 =	sor.u32 @!p1 $0x106E8, s2  }
0xc7: {  	[tilespmem:s2], [sflag:$0x7] =	stream.indirect.gather @!p1 [hbm4b:s4+s20], $0x80, s0, s20, $0xb8;
	[tilespmem:$0x1F6E8] =	vst v63  }
0xc8: {  	p1 =	slt.u32 s18, $0x2  }
.Ltmp11:
0xc9: {  	_ = 	snop;
	(pc) =	sbr.rel @p1 .LBB3_21-.Ltmp11, $1  }
0xca: {  	_ =	sdelay $0x3  }
0xcb: {  	p1 =	sgt.s32 s19, $0x50820;
	s0 =	smov.u32 s19;
	s2 =	sshra.s32 s19, $0x1F  }
0xcc: {  	s0 =	simm.s32 @!p1 $0x50820;
	s2 =	sand.u32 s2, s19  }
0xcd: {  	s0 =	ssub.s32 s0, s2  }
0xce: {  	s0 =	sadd.s32 $0xFFFAF7E0, s0  }
0xcf: {  	s30 =	sshll.u32 s0, $0x2  }
0xd0: {  	_ =	swait.ge [sflag:s9], $0x7800;
	s2 =	ssub.s32 $0x3C0, s30  }
0xd1: {  	[sflag:s9] =	ssyncset.done $0x0;
	p1 =	sgt.s32 s0, $0xEF;
	s0 =	sshrl.u32 s2, $0x2  }
0xd2: {  	[sflag:s9] =	ssyncadd.s32 $0xFFFF8800;
	s0 =	simm.s32 @p1 $0x0  }
0xd3: {  	_ =	swait.ge [sflag:s10], s0  }
0xd4: {  	s0 =	ssub.s32 $0x0, s0;
	[sflag:s10] =	ssyncset.done $0x0  }
0xd5: {  	[sflag:s10] =	ssyncadd.s32 s0  }
0xd6: {  	v1 =	vld [tilespmem:$0xF208];
	_ =	sdelay $0x4  }
0xd7: {  	(v2sf) =	vpush v1, $0x0  }
0xd8: {  	(v2sf) =	vpush v1, $0x1  }
0xd9: {  	(v2sf) =	vpush v1, $0x2;
	_ =	sdelay $0x3  }
0xda: {  	s0 =	sadd.s32 $0xF0, s19  }
0xdb: {  	s2 =	ssub.s32 $0x50910, s19;
	p1 =	slt.s32 s7, s0  }
0xdc: {  	s0 =	smov.u32 @p1 s7;
	p1 =	sgt.s32 s2, $0x0  }
0xdd: {  	s23 =	ssub.s32 s0, s19;
	s2 =	simm.s32 @!p1 $0x0  }
0xde: {  	p1 =	slt.s32 s2, s23  }
0xdf: {  	s23 =	smov.u32 @p1 s2  }
0xe0: {  	s22 =	simm.s32 $0x1;
	p1 =	slt.s32 s23, $0x1  }
.Ltmp12:
0xe1: {  	s22 =	simm.s32 @!p0 $0x0;
	(pc) =	sbr.rel @p1 .LBB3_8-.Ltmp12, $4  }
0xe2: {  	s31 =	smul.u32 $0x3C0, s22  }
0xe3: {  	s24 =	spop (v2sf)  }
0xe4: {  	s0 =	sshrl.u32 s31, $0x2;
	s26 =	spop (v2sf)  }
0xe5: {  	s20 =	sor.u32 $0x10508, s0;
	s19 =	spop (v2sf)  }
0xe6: {  	s0 =	smin.u32 s23, $0x10  }
0xe7: {  	v1 =	vmov s0  }
0xe8: {  	p2 =	sgt.s32 s23, $0x10;
	vm1 =	vgt.u32 v1, v0  }
.Ltmp13:
0xe9: {  	_ = 	snop;
	(pc) =	sbr.rel @!p2 .LBB3_7-.Ltmp13, $2  }
0xea: {  	_ =	sdelay $0x2  }
0xeb: {  	s25 =	simm.s32 $0x10;
	s28 =	sadd.s32 $0xFFFFFFF0, s23;
	s21 =	smov.u32 s20;
	vm0 =	vmmov vm1  }
.LBB3_6:
0xec: {  	s0 =	smin.u32 s28, $0x10;
	s25 =	sadd.s32 $0x10, s25;
	v1 =	vld.msk [tilespmem:s21+$0x0 ss:$0x1], vm1  }
0xed: {  	v2 =	vmov s0;
	p2 =	slt.s32 s25, s23  }
0xee: {  	vm1 =	vgt.u32 v2, v0  }
.Ltmp14:
0xef: {  	(pc) =	sbr.rel @p2 .LBB3_6-.Ltmp14, $3  }
0xf0: {  	_ =	sdelay $0x1  }
0xf1: {  	v1 =	vshll.u32 v1, $0x4  }
0xf2: {  	s28 =	sadd.s32 $0xFFFFFFF0, s28;
	[tilespmem:s21+$0x0] =	vst.msk vm0, v1;
	s21 =	sadd.s32 $0x10, s21;
	vm0 =	vmmov vm1  }
.LBB3_7:
0xf3: {  	_ =	sdelay $0x4  }
0xf4: {  	v1 =	vld.msk [tilespmem:s21+$0x0 ss:$0x1], vm1;
	_ =	sdelay $0x4  }
0xf5: {  	v1 =	vshll.u32 v1, $0x4  }
0xf6: {  	[tilespmem:s21+$0x0] =	vst.msk vm0, v1  }
.LBB3_8:
0xf7: {  	s0 =	sand.u32 $0x1, s18  }
0xf8: {  	s0 =	smul.u32 $0xF0, s0  }
0xf9: {  	p2 =	sne.s32 s26, $0xFFFFFFFF  }
0xfa: {  	v1 =	vld.msk @!p2 [tilespmem:s0+$0x10508], $0x1;
	_ =	sdelay $0x4  }
0xfb: {  	(v2sf) =	vpush @!p2 v1, $0x0;
	_ =	sdelay $0xc  }
.Ltmp15:
0xfc: {  	_ = 	snop;
	(pc) =	sbr.rel @p1 .LBB3_19-.Ltmp15, $4  }
0xfd: {  	_ = 	snop  }
0xfe: {  	s25 =	spop @!p2 (v2sf)  }
0xff: {  	s19 =	simm.s32 @!p2 $0x0;
	s21 =	smov.u32 s25  }
0x100: {  	[sflag:s15] =	ssyncpa.u1 $0x0;
	s25 =	smov.u32 @p2 s24;
	s21 =	smov.u32 @p2 s26  }
0x101: {  	v1 =	vld.msk [tilespmem:s20+$0x0], $0x1;
	_ =	sdelay $0x4  }
0x102: {  	(v2sf) =	vpush v1, $0x0;
	_ =	sdelay $0xe  }
0x103: {  	s0 =	smul.u32 $0x1E000, s22;
	s29 =	spop (v2sf)  }
0x104: {  	s23 =	ssub.s32 $0x0, s23;
	p1 =	seq.s32 s25, s29  }
0x105: {  	s26 =	sadd.s32 $0x1, s23;
	s0 =	sshrl.u32 s0, $0x2;
	p2 =	sgt.s32 @!p1 s25, $0x0  }
0x106: {  	s22 =	sor.u32 $0x10728, s0;
	s0 =	smov.u32 s25;
	p2 =	por !p2, p1  }
0x107: {  	s0 =	simm.s32 @p2 $0x0;
	p2 =	seq.s32 s26, $0x0  }
.Ltmp16:
0x108: {  	_ = 	snop;
	(pc) =	sbr.rel @p2 .LBB3_11-.Ltmp16, $4  }
0x109: {  	_ = 	snop  }
0x10a: {  	s24 =	simm.s32 $0x0;
	s28 =	sadd.s32 $0x1, s20;
	s0 =	smin.u32 @!p1 s0, $0x270F0  }
0x10b: {  	s30 =	simm.s32 @!p1 $0x1;
	s31 =	simm.s32 @!p1 $0x7988;
	s2 =	sand.u32 @!p1 $0x3FFF8, s0  }
0x10c: {  	s30 =	smov.u32 @p1 s24;
	s0 =	sand.u32 @!p1 $0x7, s0;
	s2 =	sadd.s32 @!p1 s1, s2  }
.LBB3_10:
0x10d: {  	s8 =	smov.u32 s30  }
0x10e: {  	[tilespmem:s31], [sflag:$0x2] =	stream.linear.gather @!p1 [hbm4b:s2+s0], $0x80, $0x38;
	[tilespmem:$0x1F6E8] =	vst v63  }
0x10f: {  	s26 =	sadd.s32 $0x1, s26;
	s0 =	smov.u32 s29;
	v1 =	vld.msk [tilespmem:s28+$0x0], $0x1  }
0x110: {  	p2 =	seq.s32 s26, $0x0;
	_ =	sdelay $0x3  }
0x111: {  	(v2sf) =	vpush v1, $0x0;
	_ =	sdelay $0xe  }
0x112: {  	s29 =	spop (v2sf)  }
0x113: {  	p1 =	seq.s32 s0, s29  }
0x114: {  	p3 =	sgt.s32 @!p1 s0, $0x0;
	s2 =	sshll.u32 @!p1 s30, $0x9;
	s30 =	sadd.s32 @!p1 $0x1, s30  }
.Ltmp17:
0x115: {  	p3 =	por !p3, p1;
	s2 =	sshra.s32 @!p1 s2, $0x2;
	(pc) =	sbr.rel @!p2 .LBB3_10-.Ltmp17, $4  }
0x116: {  	s30 =	smov.u32 @p1 s8;
	s0 =	simm.s32 @p3 $0x0;
	s31 =	sadd.s32 @!p1 $0x7988, s2  }
0x117: {  	s0 =	smin.u32 @!p1 s0, $0x270F0  }
0x118: {  	s2 =	sand.u32 @!p1 $0x3FFF8, s0;
	s0 =	sand.u32 @!p1 $0x7, s0  }
0x119: {  	s28 =	sadd.s32 $0x1, s28;
	s2 =	sadd.s32 @!p1 s1, s2  }
.LBB3_11:
0x11a: {  	[tilespmem:s31], [sflag:$0x2] =	stream.linear.gather @!p1 [hbm4b:s2+s0], $0x80, $0x38;
	[tilespmem:$0x1F6E8] =	vst v63  }
.Ltmp18:
0x11b: {  	s30 =	sshll.u32 s30, $0x7;
	(pc) =	sbr.rel .LBB3_12-.Ltmp18, $4  }
0x11c: {  	s31 =	simm.s32 $0x2;
	s0 =	sand.u32 $0x3FFFFF80, s30  }
0x11d: {  	_ =	swait.ge [sflag:s31], s0  }
0x11e: {  	s0 =	ssub.s32 $0x0, s0;
	[sflag:s31] =	ssyncset.done $0x0  }
0x11f: {  	s28 =	simm.s32 $0x0;
	[sflag:s31] =	ssyncadd.s32 s0  }
.LBB3_13:
0x120: {  	v1 =	vld [tilespmem:s22+$0xFFFFFFC0];
	_ =	sdelay $0x3  }
0x121: {  	s0 =	sshra.s32 s0, $0x2  }
0x122: {  	[tilespmem:s0+$0x108] =	vst.add.f32.msk $0xffff, v1  }
0x123: {  	v1 =	vld [tilespmem:s22+$0xFFFFFFD0];
	_ =	sdelay $0x4  }
0x124: {  	[tilespmem:s0+$0x118] =	vst.add.f32.msk $0xffff, v1  }
0x125: {  	v1 =	vld [tilespmem:s22+$0xFFFFFFE0];
	_ =	sdelay $0x4  }
0x126: {  	[tilespmem:s0+$0x128] =	vst.add.f32.msk $0xffff, v1  }
0x127: {  	v1 =	vld [tilespmem:s22+$0xFFFFFFF0];
	_ =	sdelay $0x4  }
0x128: {  	[tilespmem:s0+$0x138] =	vst.add.f32.msk $0xffff, v1  }
0x129: {  	v1 =	vld [tilespmem:s22+$0x0];
	_ =	sdelay $0x4  }
0x12a: {  	[tilespmem:s0+$0x148] =	vst.add.f32.msk $0xffff, v1  }
0x12b: {  	v1 =	vld [tilespmem:s22+$0x10];
	_ =	sdelay $0x4  }
0x12c: {  	[tilespmem:s0+$0x158] =	vst.add.f32.msk $0xffff, v1  }
0x12d: {  	v1 =	vld [tilespmem:s22+$0x20];
	_ =	sdelay $0x4  }
0x12e: {  	[tilespmem:s0+$0x168] =	vst.add.f32.msk $0xffff, v1  }
0x12f: {  	v1 =	vld [tilespmem:s22+$0x30];
	_ =	sdelay $0x4  }
0x130: {  	[tilespmem:s0+$0x178] =	vst.add.f32.msk $0xffff, v1  }
.LBB3_17:
0x131: {  	s23 =	sadd.s32 $0x1, s23  }
0x132: {  	p1 =	seq.s32 s23, $0x0  }
.Ltmp19:
0x133: {  	_ = 	snop;
	(pc) =	sbr.rel @p1 .LBB3_18-.Ltmp19, $2  }
0x134: {  	_ =	sdelay $0x2  }
0x135: {  	s20 =	sadd.s32 $0x1, s20;
	s22 =	sadd.s32 $0x80, s22;
	s25 =	smov.u32 s26  }
.LBB3_12:
0x136: {  	v1 =	vld.msk [tilespmem:s20+$0x0], $0x1;
	_ =	sdelay $0x4  }
0x137: {  	(v2sf) =	vpush v1, $0x0;
	_ =	sdelay $0xe  }
0x138: {  	s26 =	spop (v2sf)  }
0x139: {  	p1 =	sne.s32 s25, s26  }
.Ltmp20:
0x13a: {  	_ = 	snop;
	(pc) =	sbr.rel @!p1 .LBB3_13-.Ltmp20, $2  }
0x13b: {  	_ =	sdelay $0x2  }
0x13c: {  	s0 =	sshll.u32 s19, $0x9  }
0x13d: {  	p1 =	seq.s32 s25, s21  }
.Ltmp21:
0x13e: {  	_ = 	snop;
	(pc) =	sbr.rel @!p1 .LBB3_15-.Ltmp21, $1  }
0x13f: {  	_ =	sdelay $0x3  }
0x140: {  	s0 =	sshra.s32 s0, $0x2  }
.Ltmp22:
0x141: {  	s0 =	sadd.s32 $0x108, s0;
	(pc) =	sbr.rel .LBB3_16-.Ltmp22, $4  }
0x142: {  	[spmem:s13] =	stream.linear.scatter [tilespmem:s0], [sflag:$0x1], $0x80, $0x38;
	[tilespmem:$0x1F6E8] =	vst v63  }
0x143: {  	_ =	swait.ge [sflag:s11], $0x80  }
0x144: {  	[sflag:s11] =	ssyncset.done $0x0  }
0x145: {  	[sflag:s11] =	ssyncadd.s32 $0xFFFFFF80  }
.LBB3_15:
0x146: {  	s2 =	sshll.u32 s24, $0x9  }
0x147: {  	s2 =	sshra.s32 s2, $0x2  }
0x148: {  	v1 =	vld [tilespmem:s2+$0x7988];
	_ =	sdelay $0x3  }
0x149: {  	s0 =	sshra.s32 s0, $0x2  }
0x14a: {  	[tilespmem:s0+$0x108] =	vst.add.f32.msk $0xffff, v1  }
0x14b: {  	v1 =	vld [tilespmem:s2+$0x7998];
	_ =	sdelay $0x4  }
0x14c: {  	[tilespmem:s0+$0x118] =	vst.add.f32.msk $0xffff, v1  }
0x14d: {  	v1 =	vld [tilespmem:s2+$0x79A8];
	_ =	sdelay $0x4  }
0x14e: {  	[tilespmem:s0+$0x128] =	vst.add.f32.msk $0xffff, v1  }
0x14f: {  	v1 =	vld [tilespmem:s2+$0x79B8];
	_ =	sdelay $0x4  }
0x150: {  	[tilespmem:s0+$0x138] =	vst.add.f32.msk $0xffff, v1  }
0x151: {  	v1 =	vld [tilespmem:s2+$0x79C8];
	_ =	sdelay $0x4  }
0x152: {  	[tilespmem:s0+$0x148] =	vst.add.f32.msk $0xffff, v1  }
0x153: {  	v1 =	vld [tilespmem:s2+$0x79D8];
	_ =	sdelay $0x4  }
0x154: {  	[tilespmem:s0+$0x158] =	vst.add.f32.msk $0xffff, v1  }
0x155: {  	v1 =	vld [tilespmem:s2+$0x79E8];
	_ =	sdelay $0x4  }
0x156: {  	[tilespmem:s0+$0x168] =	vst.add.f32.msk $0xffff, v1  }
0x157: {  	v1 =	vld [tilespmem:s2+$0x79F8];
	_ =	sdelay $0x2  }
0x158: {  	p1 =	sgt.u32 s25, $0x270F0  }
0x159: {  	s2 =	sand.u32 @!p1 $0x3FFF8, s25  }
0x15a: {  	s8 =	sadd.s32 $0x108, s0;
	[tilespmem:s0+$0x178] =	vst.add.f32.msk $0xffff, v1;
	s0 =	sadd.s32 @!p1 s1, s2;
	s2 =	sand.u32 @!p1 $0x7, s25  }
0x15b: {  	[hbm4b:s0+s2] =	stream.linear.scatter @!p1 [tilespmem:s8], [sflag:$0xA], $0x80, $0x38;
	[tilespmem:$0x1F6E8] =	vst v63  }
0x15c: {  	s0 =	simm.s32 $0x0  }
0x15d: {  	s0 =	simm.s32 @!p1 $0x200  }
0x15e: {  	s28 =	sadd.s32 s0, s28  }
.LBB3_16:
0x15f: {  	s0 =	sadd.s32 $0x1, s19  }
0x160: {  	s2 =	smulhi.u32 $0x88888889, s0;
	_ =	sdelay $0x1  }
0x161: {  	v1 =	vld [tilespmem:s22+$0xFFFFFFC0];
	s2 =	sshrl.u32 s2, $0x7  }
0x162: {  	s2 =	smul.u32 $0xF0, s2;
	_ =	sdelay $0x1  }
0x163: {  	s19 =	ssub.s32 s0, s2  }
0x164: {  	s0 =	sshll.u32 s19, $0x7  }
0x165: {  	[tilespmem:s0+$0x108] =	vst v1  }
0x166: {  	v1 =	vld [tilespmem:s22+$0xFFFFFFD0];
	_ =	sdelay $0x4  }
0x167: {  	[tilespmem:s0+$0x118] =	vst v1  }
0x168: {  	v1 =	vld [tilespmem:s22+$0xFFFFFFE0];
	_ =	sdelay $0x4  }
0x169: {  	[tilespmem:s0+$0x128] =	vst v1  }
0x16a: {  	v1 =	vld [tilespmem:s22+$0xFFFFFFF0];
	_ =	sdelay $0x4  }
0x16b: {  	[tilespmem:s0+$0x138] =	vst v1  }
0x16c: {  	v1 =	vld [tilespmem:s22+$0x0];
	_ =	sdelay $0x4  }
0x16d: {  	[tilespmem:s0+$0x148] =	vst v1  }
0x16e: {  	v1 =	vld [tilespmem:s22+$0x10];
	_ =	sdelay $0x4  }
0x16f: {  	[tilespmem:s0+$0x158] =	vst v1  }
0x170: {  	v1 =	vld [tilespmem:s22+$0x20];
	_ =	sdelay $0x4  }
0x171: {  	[tilespmem:s0+$0x168] =	vst v1  }
0x172: {  	v1 =	vld [tilespmem:s22+$0x30]  }
.Ltmp23:
0x173: {  	_ = 	snop;
	(pc) =	sbr.rel .LBB3_17-.Ltmp23, $2  }
0x174: {  	_ =	sdelay $0x2  }
0x175: {  	s24 =	sadd.s32 $0x1, s24;
	[tilespmem:s0+$0x178] =	vst v1  }
.LBB3_19:
.Ltmp24:
0x176: {  	(pc) =	sbr.rel .LBB3_20-.Ltmp24, $4  }
0x177: {  	_ = 	snop  }
0x178: {  	s0 =	simm.s32 $0x2  }
0x179: {  	_ =	swait.ge [sflag:s0], $0x0  }
0x17a: {  	s26 =	smov.u32 s25;
	[sflag:s0] =	ssyncset.done $0x0;
	s0 =	simm.s32 $0x0  }
.LBB3_22:
0x17b: {  	_ =	sfence.sel $0x180000  }
0x17c: {  	s0 =	simm.s32 $0x7;
	[bflag:$0x0] =	sbarrier.arrive $0xFFFF  }
0x17d: {  	s25 =	simm.s32 $0x8;
	[sflag:s0] =	ssyncpa.u1 $0x1  }
0x17e: {  	s26 =	simm.s32 $0x9;
	[sflag:s25] =	ssyncpa.u1 $0x1  }
0x17f: {  	s28 =	simm.s32 $0x2;
	[sflag:s26] =	ssyncpa.u1 $0x1  }
0x180: {  	[sflag:s28] =	ssyncpa.u1 $0x1  }
0x181: {  	v0 =	vld [tilespmem:$0xF208];
	_ =	sdelay $0x4  }
0x182: {  	(v2sf) =	vpush v0, $0x0  }
0x183: {  	(v2sf) =	vpush v0, $0x1;
	_ =	sdelay $0x1  }
0x184: {  	(v2sf) =	vpush v0, $0x2;
	_ =	sdelay $0xb  }
0x185: {  	s0 =	spop (v2sf)  }
0x186: {  	s2 =	spop (v2sf)  }
0x187: {  	s3 =	smov.u32 s0;
	p0 =	sne.s32 s0, s2  }
0x188: {  	s4 =	spop (v2sf);
	s3 =	simm.s32 @!p0 $0xFFFFFFFF  }
0x189: {  	v2 =	vimm.s32 $0x1;
	v3 =	vlaneseq.u32;
	p0 =	seq.s32 s4, $0xFFFFFFFF;
	v1 =	vmov s3  }
0x18a: {  	s7 =	stileid.u32;
	v0 =	vperm.xlane v0, v2;
	p1 =	sne.s32 @!p0 s0, s2;
	v1 =	vperm.xlane v1, v3  }
0x18b: {  	vm0 =	vcmask $0x3F04;
	s6 =	simm.s32 $0xF208;
	s0 =	simm.s32 @!p0 $0x1;
	p1 =	por !p1, p0  }
0x18c: {  	s3 =	sshll.u32 s7, $0x1;
	s2 =	sshll.u32 @!p0 s4, $0x9;
	s0 =	simm.s32 @p1 $0x0;
	v0 =	vsel vm0, v1, v0  }
0x18d: {  	s5 =	sor.u32 $0x1000, s3;
	s2 =	sshra.s32 @!p0 s2, $0x2;
	s0 =	sor.u32 @!p0 s0, s3;
	[tilespmem:$0xF208] =	vst v0  }
0x18e: {  	[spmem:s5] =	stream.linear.scatter [tilespmem:s6], [sflag:$0x1], $0x2, $0x38;
	[tilespmem:$0x1F6E8] =	vst v63  }
0x18f: {  	s2 =	sadd.s32 @!p0 $0x108, s2;
	s0 =	sshll.u32 @!p0 s0, $0x7  }
0x190: {  	[spmem:s0] =	stream.linear.scatter @!p0 [tilespmem:s2], [sflag:$0x1], $0x80, $0x38;
	[tilespmem:$0x1F6E8] =	vst v63  }
0x191: {  	s0 =	simm.s32 @!p0 $0x82  }
0x192: {  	s3 =	simm.s32 $0x1;
	s0 =	simm.s32 @p0 $0x2  }
0x193: {  	_ =	swait.ge [sflag:s3], s0  }
0x194: {  	s0 =	ssub.s32 $0x0, s0;
	[sflag:s3] =	ssyncset.done $0x0  }
0x195: {  	[sflag:s3] =	ssyncadd.s32 s0  }
0x196: {  	_ =	sfence.stream.spmem  }
0x197: {  	s29 =	simm.s32 $0x3;
	[bflag:$0x0] =	sbarrier.arrive $0xFFFF  }
0x198: {  	s30 =	simm.s32 $0x4;
	[sflag:s29] =	ssyncpa.u1 $0x1  }
0x199: {  	s31 =	simm.s32 $0x3C;
	[sflag:s30] =	ssyncpa.u1 $0x1  }
0x19a: {  	p0 =	sne.s32 s7, $0x0;
	[sflag:s31] =	ssyncpa.u1 $0x1  }
0x19b: {  	_ =	sfence @p0  }
0x19c: {  	[sflag:s3] =	ssyncpa.u1 @p0 $0x1  }
0x19d: {  	_ =	strace @p0 $0x90000068  }
0x19e: {  	[bflag:$0x2] =	sbarrier.arrive @p0 $0xFFFF  }
0x19f: {  	_ =	shalt @p0  }
.LBB3_23:
0x1a0: {  	_ =	sfence.stream.spmem;
	s0 =	simm.s32 $0x5  }
0x1a1: {  	s2 =	simm.s32 $0x1000;
	s3 =	simm.s32 $0xF218;
	[sflag:s0] =	ssyncpa.u1 $0x0  }
0x1a2: {  	[tilespmem:s3], [sflag:$0x5] =	stream.linear.gather [spmem:s2], $0x20, $0x38;
	[tilespmem:$0x1F6E8] =	vst v63  }
0x1a3: {  	s30 =	simm.s32 $0xF238;
	s2 =	simm.s32 $0x0  }
0x1a4: {  	[tilespmem:s30], [sflag:$0x5] =	stream.linear.gather [spmem:s2], $0x1000, $0x38;
	[tilespmem:$0x1F6E8] =	vst v63  }
.Ltmp25:
0x1a5: {  	_ = 	snop;
	(pc) =	sbr.rel .LBB3_24-.Ltmp25, $4  }
0x1a6: {  	_ =	swait.ge [sflag:s0], $0x1020  }
0x1a7: {  	[sflag:s0] =	ssyncset.done $0x0  }
0x1a8: {  	s31 =	simm.s32 $0x6;
	[sflag:s0] =	ssyncadd.s32 $0xFFFFEFE0  }
0x1a9: {  	s3 =	simm.s32 $0x0;
	[sflag:s31] =	ssyncpa.u1 $0x0  }
.LBB3_30:
0x1aa: {  	p0 =	slt.u32 s4, $0x270F1  }
0x1ab: {  	s0 =	sand.u32 @p0 $0x3FFF8, s4  }
0x1ac: {  	s4 =	sand.u32 @p0 $0x7, s4;
	s5 =	simm.s32 @p0 $0xF188;
	s0 =	sadd.s32 @p0 s1, s0  }
0x1ad: {  	[tilespmem:s5], [sflag:$0x6] =	stream.linear.gather @p0 [hbm4b:s0+s4], $0x80, $0x38;
	[tilespmem:$0x1F6E8] =	vst v63  }
0x1ae: {  	s0 =	simm.s32 @p0 $0x6  }
0x1af: {  	_ =	swait.ge @p0 [sflag:s0], $0x80  }
0x1b0: {  	[sflag:s0] =	ssyncset.done @p0 $0x0  }
0x1b1: {  	[sflag:s0] =	ssyncadd.s32 @p0 $0xFFFFFF80  }
0x1b2: {  	v1 =	vld @p0 [tilespmem:$0xF188];
	_ =	sdelay $0x2  }
0x1b3: {  	s0 =	sshll.u32 @p0 s3, $0x9  }
0x1b4: {  	s4 =	sshrl.u32 @p0 s0, $0x2  }
0x1b5: {  	[tilespmem:s4+$0xF238] =	vst.add.f32.msk @p0 $0xffff, v1  }
0x1b6: {  	v1 =	vld @p0 [tilespmem:$0xF198];
	_ =	sdelay $0x4  }
0x1b7: {  	[tilespmem:s4+$0xF248] =	vst.add.f32.msk @p0 $0xffff, v1  }
0x1b8: {  	v1 =	vld @p0 [tilespmem:$0xF1A8];
	_ =	sdelay $0x4  }
0x1b9: {  	[tilespmem:s4+$0xF258] =	vst.add.f32.msk @p0 $0xffff, v1  }
0x1ba: {  	v1 =	vld @p0 [tilespmem:$0xF1B8];
	_ =	sdelay $0x4  }
0x1bb: {  	[tilespmem:s4+$0xF268] =	vst.add.f32.msk @p0 $0xffff, v1  }
0x1bc: {  	v1 =	vld @p0 [tilespmem:$0xF1C8];
	_ =	sdelay $0x4  }
0x1bd: {  	[tilespmem:s4+$0xF278] =	vst.add.f32.msk @p0 $0xffff, v1  }
0x1be: {  	v1 =	vld @p0 [tilespmem:$0xF1D8];
	_ =	sdelay $0x4  }
0x1bf: {  	[tilespmem:s4+$0xF288] =	vst.add.f32.msk @p0 $0xffff, v1  }
0x1c0: {  	v1 =	vld @p0 [tilespmem:$0xF1E8];
	_ =	sdelay $0x4  }
0x1c1: {  	[tilespmem:s4+$0xF298] =	vst.add.f32.msk @p0 $0xffff, v1  }
0x1c2: {  	v1 =	vld @p0 [tilespmem:$0xF1F8];
	_ =	sdelay $0x3  }
0x1c3: {  	s5 =	sshll.u32 @!p0 s3, $0x9  }
0x1c4: {  	s5 =	smov.u32 @p0 s0;
	[tilespmem:s4+$0xF2A8] =	vst.add.f32.msk @p0 $0xffff, v1  }
0x1c5: {  	s0 =	sshrl.u32 s5, $0x2;
	[tilespmem:s2+$0xF218] =	vst.msk $0x1, v0  }
0x1c6: {  	v0 =	vld [tilespmem:s0+$0xF238];
	_ =	sdelay $0x2  }
0x1c7: {  	s31 =	sshll.u32 s2, $0x9  }
0x1c8: {  	s4 =	sshra.s32 s31, $0x2  }
0x1c9: {  	[tilespmem:s4+$0xF238] =	vst v0  }
0x1ca: {  	v0 =	vld [tilespmem:s0+$0xF248];
	_ =	sdelay $0x4  }
0x1cb: {  	[tilespmem:s4+$0xF248] =	vst v0  }
0x1cc: {  	v0 =	vld [tilespmem:s0+$0xF258];
	_ =	sdelay $0x4  }
0x1cd: {  	[tilespmem:s4+$0xF258] =	vst v0  }
0x1ce: {  	v0 =	vld [tilespmem:s0+$0xF268];
	_ =	sdelay $0x4  }
0x1cf: {  	[tilespmem:s4+$0xF268] =	vst v0  }
0x1d0: {  	v0 =	vld [tilespmem:s0+$0xF278];
	_ =	sdelay $0x4  }
0x1d1: {  	[tilespmem:s4+$0xF278] =	vst v0  }
0x1d2: {  	v0 =	vld [tilespmem:s0+$0xF288];
	_ =	sdelay $0x4  }
0x1d3: {  	[tilespmem:s4+$0xF288] =	vst v0  }
0x1d4: {  	v0 =	vld [tilespmem:s0+$0xF298];
	_ =	sdelay $0x4  }
0x1d5: {  	[tilespmem:s4+$0xF298] =	vst v0  }
0x1d6: {  	v0 =	vld [tilespmem:s0+$0xF2A8];
	_ =	sdelay $0x4  }
0x1d7: {  	s2 =	sadd.s32 $0x1, s2;
	[tilespmem:s4+$0xF2A8] =	vst v0  }
.LBB3_31:
0x1d8: {  	s3 =	sadd.s32 $0x1, s3  }
0x1d9: {  	p0 =	sne.s32 s3, $0x20  }
.Ltmp26:
0x1da: {  	_ = 	snop;
	(pc) =	sbr.rel @!p0 .LBB3_32-.Ltmp26, $1  }
0x1db: {  	_ =	sdelay $0x3  }
.LBB3_24:
0x1dc: {  	v0 =	vld.msk [tilespmem:s3+$0xF218], $0x1;
	_ =	sdelay $0x4  }
0x1dd: {  	(v2sf) =	vpush v0, $0x0;
	_ =	sdelay $0xe  }
0x1de: {  	s4 =	spop (v2sf)  }
0x1df: {  	p0 =	seq.s32 s4, $0xFFFFFFFF  }
.Ltmp27:
0x1e0: {  	_ = 	snop;
	(pc) =	sbr.rel @p0 .LBB3_31-.Ltmp27, $1  }
0x1e1: {  	_ =	sdelay $0x3  }
0x1e2: {  	p0 =	slt.s32 s2, $0x1  }
.Ltmp28:
0x1e3: {  	_ = 	snop;
	(pc) =	sbr.rel @p0 .LBB3_30-.Ltmp28, $1  }
0x1e4: {  	_ =	sdelay $0x3  }
0x1e5: {  	s5 =	simm.s32 $0xF218;
	p0 =	por $0x0, $0x0  }
0x1e6: {  	v1 =	vld.msk @!p0 [tilespmem:s5+$0x0], $0x1;
	_ =	sdelay $0x4  }
0x1e7: {  	(v2sf) =	vpush @!p0 v1, $0x0;
	_ =	sdelay $0xd  }
0x1e8: {  	p2 =	sne.s32 s2, $0x1  }
.Ltmp29:
0x1e9: {  	s0 =	spop @!p0 (v2sf);
	(pc) =	sbr.rel @!p2 .LBB3_28-.Ltmp29, $4  }
0x1ea: {  	p1 =	seq.s32 @!p0 s4, s0  }
0x1eb: {  	s6 =	simm.s32 $0x0;
	p1 =	por !p1, p0  }
0x1ec: {  	s0 =	simm.s32 $0xFFFFFFFF;
	s6 =	simm.s32 @p1 $0xFFFFFFFF  }
0x1ed: {  	s7 =	simm.s32 $0x1;
	s6 =	smov.u32 @p0 s0  }
.LBB3_27:
0x1ee: {  	s0 =	smov.u32 s6;
	p0 =	sne.s32 s6, $0xFFFFFFFF  }
0x1ef: {  	s5 =	sadd.s32 $0x1, s5;
	s6 =	smov.u32 s7;
	s7 =	sadd.s32 $0x1, s7  }
0x1f0: {  	p1 =	sne.s32 s2, s7;
	v1 =	vld.msk @!p0 [tilespmem:s5+$0x0], $0x1;
	_ =	sdelay $0x4  }
0x1f1: {  	(v2sf) =	vpush @!p0 v1, $0x0;
	_ =	sdelay $0xe  }
.Ltmp30:
0x1f2: {  	s8 =	spop @!p0 (v2sf);
	(pc) =	sbr.rel @p1 .LBB3_27-.Ltmp30, $4  }
0x1f3: {  	p2 =	seq.s32 @!p0 s4, s8  }
0x1f4: {  	p2 =	por !p2, p0  }
0x1f5: {  	s6 =	simm.s32 @p2 $0xFFFFFFFF  }
0x1f6: {  	s6 =	smov.u32 @p0 s0  }
.LBB3_28:
0x1f7: {  	p0 =	seq.s32 s6, $0xFFFFFFFF  }
.Ltmp31:
0x1f8: {  	_ = 	snop;
	(pc) =	sbr.rel @p0 .LBB3_30-.Ltmp31, $1  }
0x1f9: {  	_ =	sdelay $0x3  }
0x1fa: {  	s0 =	sshll.u32 s3, $0x7  }
0x1fb: {  	s0 =	sand.u32 $0x3FFFFF80, s0  }
0x1fc: {  	v0 =	vld [tilespmem:s0+$0xF238];
	_ =	sdelay $0x2  }
0x1fd: {  	s4 =	sshll.u32 s6, $0x9  }
0x1fe: {  	s4 =	sshra.s32 s4, $0x2  }
0x1ff: {  	[tilespmem:s4+$0xF238] =	vst.add.f32.msk $0xffff, v0  }
0x200: {  	v0 =	vld [tilespmem:s0+$0xF248];
	_ =	sdelay $0x4  }
0x201: {  	[tilespmem:s4+$0xF248] =	vst.add.f32.msk $0xffff, v0  }
0x202: {  	v0 =	vld [tilespmem:s0+$0xF258];
	_ =	sdelay $0x4  }
0x203: {  	[tilespmem:s4+$0xF258] =	vst.add.f32.msk $0xffff, v0  }
0x204: {  	v0 =	vld [tilespmem:s0+$0xF268];
	_ =	sdelay $0x4  }
0x205: {  	[tilespmem:s4+$0xF268] =	vst.add.f32.msk $0xffff, v0  }
0x206: {  	v0 =	vld [tilespmem:s0+$0xF278];
	_ =	sdelay $0x4  }
0x207: {  	[tilespmem:s4+$0xF278] =	vst.add.f32.msk $0xffff, v0  }
0x208: {  	v0 =	vld [tilespmem:s0+$0xF288];
	_ =	sdelay $0x4  }
0x209: {  	[tilespmem:s4+$0xF288] =	vst.add.f32.msk $0xffff, v0  }
0x20a: {  	v0 =	vld [tilespmem:s0+$0xF298];
	_ =	sdelay $0x4  }
0x20b: {  	[tilespmem:s4+$0xF298] =	vst.add.f32.msk $0xffff, v0  }
0x20c: {  	v0 =	vld [tilespmem:s0+$0xF2A8]  }
.Ltmp32:
0x20d: {  	_ = 	snop;
	(pc) =	sbr.rel .LBB3_31-.Ltmp32, $2  }
0x20e: {  	_ =	sdelay $0x2  }
0x20f: {  	[tilespmem:s4+$0xF2A8] =	vst.add.f32.msk $0xffff, v0  }
.LBB3_32:
0x210: {  	p0 =	slt.s32 s2, $0x1  }
.Ltmp33:
0x211: {  	_ = 	snop;
	(pc) =	sbr.rel @p0 .LBB3_36-.Ltmp33, $3  }
0x212: {  	_ =	sdelay $0x1  }
0x213: {  	s0 =	simm.s32 $0x6  }
0x214: {  	s3 =	simm.s32 $0x0;
	[sflag:s0] =	ssyncpa.u1 $0x1  }
0x215: {  	s0 =	simm.s32 $0xF218  }
0x216: {  	v0 =	vld.msk [tilespmem:s0+$0x0], $0x1;
	_ =	sdelay $0x4  }
0x217: {  	(v2sf) =	vpush v0, $0x0;
	_ =	sdelay $0xd  }
0x218: {  	s2 =	sadd.s32 $0xFFFFFFFF, s2  }
0x219: {  	p1 =	sne.s32 s2, $0x0;
	s0 =	spop (v2sf)  }
.Ltmp34:
0x21a: {  	p0 =	sgt.u32 s0, $0x270F0;
	(pc) =	sbr.rel @!p1 .LBB3_35-.Ltmp34, $4  }
0x21b: {  	s4 =	simm.s32 $0xF238;
	s5 =	sand.u32 @!p0 $0x3FFF8, s0  }
0x21c: {  	s6 =	simm.s32 $0x0;
	s0 =	sand.u32 @!p0 $0x7, s0;
	s5 =	sadd.s32 @!p0 s1, s5  }
0x21d: {  	[hbm4b:s5+s0] =	stream.linear.scatter @!p0 [tilespmem:s4], [sflag:$0x5], $0x80, $0x38;
	[tilespmem:$0x1F6E8] =	vst v63  }
0x21e: {  	s6 =	simm.s32 @!p0 $0x200;
	s5 =	simm.s32 $0xF219  }
.LBB3_34:
0x21f: {  	v0 =	vld.msk [tilespmem:s5+$0x0], $0x1;
	s2 =	sadd.s32 $0xFFFFFFFF, s2;
	s3 =	sadd.s32 s3, s6  }
0x220: {  	p0 =	sne.s32 s2, $0x0;
	_ =	sdelay $0x3  }
0x221: {  	(v2sf) =	vpush v0, $0x0;
	_ =	sdelay $0xe  }
.Ltmp35:
0x222: {  	s0 =	spop (v2sf);
	(pc) =	sbr.rel @p0 .LBB3_34-.Ltmp35, $4  }
0x223: {  	s6 =	simm.s32 $0x0;
	p1 =	sgt.u32 s0, $0x270F0  }
0x224: {  	s4 =	sadd.s32 $0x80, s4;
	s6 =	simm.s32 @!p1 $0x200;
	s7 =	sand.u32 @!p1 $0x3FFF8, s0  }
0x225: {  	s5 =	sadd.s32 $0x1, s5;
	s0 =	sand.u32 @!p1 $0x7, s0;
	s7 =	sadd.s32 @!p1 s1, s7  }
0x226: {  	[hbm4b:s7+s0] =	stream.linear.scatter @!p1 [tilespmem:s4], [sflag:$0x5], $0x80, $0x38;
	[tilespmem:$0x1F6E8] =	vst v63  }
.LBB3_35:
0x227: {  	s0 =	sadd.s32 s3, s6  }
0x228: {  	s3 =	sshrl.u32 s0, $0x2  }
.LBB3_36:
0x229: {  	s0 =	simm.s32 $0x5  }
0x22a: {  	_ =	swait.ge [sflag:s0], s3  }
0x22b: {  	s1 =	ssub.s32 $0x0, s3;
	[sflag:s0] =	ssyncset.done $0x0  }
0x22c: {  	[sflag:s0] =	ssyncadd.s32 s1  }
0x22d: {  	[sflag:s0] =	ssyncpa.u1 $0x1  }
0x22e: {  	s30 =	simm.s32 $0x1;
	_ =	sfence  }
0x22f: {  	[sflag:s30] =	ssyncpa.u1 $0x1  }
0x230: {  	_ =	strace $0x90000068  }
0x231: {  	[bflag:$0x2] =	sbarrier.arrive $0xFFFF  }
0x232: {  	s31 =	rddreg [dreg:$0x1]  }
0x233: {  	s0 =	sadd.s32 $0x100000, s31  }
0x234: {  	[sflag:s0] =	ssyncadd.tile.s32 $0x1;
	_ =	shalt  }
.Lfunc_end3:
_tile_overlayer_lowered:
.L_overlay_start_3:
0x235: {  	(tag) =	ssettag $0x3  }
0x236: {  	s0 =	rddreg [dreg:$0x0];
	s2 =	stileid.u32  }
0x237: {  	s1 =	rddreg [dreg:$0x1];
	p0 =	sne.s32 s2, $0x0  }
0x238: {  	s3 =	rddreg [dreg:$0x2];
	[bflag:$0x3] =	sbarrier.arrive $0xFFFF;
	s2 =	simm.s32 @!p0 $0x1C01  }
0x239: {  	[timem:s3], [sflag:s2] =	dma.local @!p0 [hbm:s0], s1  }
0x23a: {  	s0 =	simm.s32 @!p0 $0x1  }
0x23b: {  	_ =	swait.ge @!p0 [sflag:s0], s1  }
0x23c: {  	s1 =	ssub.s32 @!p0 $0x0, s1;
	[sflag:s0] =	ssyncset.done @!p0 $0x0  }
0x23d: {  	[sflag:s0] =	ssyncadd.s32 @!p0 s1  }
0x23e: {  	[bflag:$0x3] =	sbarrier.arrive $0xFFFF  }
0x23f: {  	_ =	shalt  }

// kernel: scatter_offload_async_start
scs
__scs_entry_jumppad:
0x0: {  	(pc) =	sbr.rel $0x88, $3  }
0x1: {  	(tag) =	ssettag $0x0;
	lr =	simm.s32 $0x1  }
0x2: {  	[smem:$0x3F9B] =	sst lr;
	_ =	strace $0xD0000000  }
0x3: {  	_ = 	snop  }
0x4: {  	_ = 	snop  }
0x5: {  	_ = 	snop  }
0x6: {  	_ = 	snop  }
0x7: {  	_ = 	snop  }
__scs_overlays_trampoline_lowered:
0x8: {  	[smem:$0x3FAA] =	sst s0  }
0x9: {  	[smem:$0x3FAB] =	sst s1  }
0xa: {  	[smem:$0x3FAC] =	sst s2  }
0xb: {  	[smem:$0x3FAD] =	sst s3  }
0xc: {  	[smem:$0x3FAE] =	sst s4  }
0xd: {  	[smem:$0x3FAF] =	sst s5  }
0xe: {  	[smem:$0x3FB0] =	sst s6  }
0xf: {  	[smem:$0x3FB1] =	sst s7  }
0x10: {  	[smem:$0x3FB2] =	sst s8  }
0x11: {  	[smem:$0x3FB3] =	sst s9;
	s0 =	simm.s32 @!p0 $0x0  }
0x12: {  	s1 =	sld [smem:$0x3F99];
	s0 =	simm.s32 @p0 $0x1  }
0x13: {  	[smem:$0x3FB4] =	sst s0;
	s0 =	simm.s32 @!p1 $0x0  }
0x14: {  	s2 =	sld [smem:$0x3F98];
	s0 =	simm.s32 @p1 $0x1  }
0x15: {  	[smem:$0x3FB5] =	sst s0;
	s0 =	simm.s32 @!p2 $0x0  }
0x16: {  	s3 =	sld [smem:$0x3FDB];
	s0 =	simm.s32 @p2 $0x1  }
0x17: {  	s4 =	simm.s32 $0x1BF5;
	[smem:$0x3FB7] =	sst s0  }
0x18: {  	s0 =	sld [smem:$0x3F9A];
	_ =	swait.ge [sflag:s4], $0x0  }
0x19: {  	s7 =	sld [smem:$0x3F9B]  }
0x1a: {  	s8 =	sadd.s32 $0xFFFFE003, lr  }
0x1b: {  	s9 =	sadd.s32 $0xFFFFFEF7, lr;
	s5 =	simm.s32 $0xFFFFFFFF;
	p2 =	slt.u32 s8, $0xFFFFF086  }
0x1c: {  	p1 =	slt.u32 s9, $0xF7A;
	s5 =	simm.s32 @!p2 $0x0  }
0x1d: {  	s5 =	simm.s32 @p1 $0x1;
	p0 =	seq.s32 s7, s2  }
0x1e: {  	s7 =	smul.u32 @!p0 $0xF7A, s2;
	p2 =	seq.s32 @!p0 s5, $0x0  }
0x1f: {  	s9 =	smul.u32 $0xF7A, s1;
	s8 =	simm.s32 @!p0 $0x1BF5;
	p2 =	por !p2, p0  }
0x20: {  	[sflag:s8] =	ssyncset.s32 @!p0 $0xFFFFF086;
	s6 =	sadd.s32 @!p0 s3, s7;
	s7 =	simm.s32 @!p0 $0x108  }
0x21: {  	s3 =	sadd.s32 s3, s9;
	s6 =	sadd.s32 @!p0 $0x88, s6;
	s7 =	simm.s32 @p2 $0x1082  }
0x22: {  	[simem:s7], [sflag:s8] =	dma.local @!p0 [hbm:s6], $0xF7A  }
0x23: {  	s9 =	sor.u32 $0xD0000000, s2;
	s6 =	simm.s32 $0x108;
	_ =	swait.ge @!p0 [sflag:s8], $0x0  }
0x24: {  	s3 =	sadd.s32 $0x88, s3;
	s6 =	simm.s32 @!p1 $0x1082;
	[sflag:s4] =	ssyncset.s32 $0xFFFFF086  }
0x25: {  	[simem:s6], [sflag:s4] =	dma.local [hbm:s3], $0xF7A  }
0x26: {  	[smem:$0x3F9B] =	sst s1;
	(tag) =	ssettag s2;
	_ =	strace s9  }
0x27: {  	s1 =	sld [smem:$0x3FAB]  }
0x28: {  	s2 =	sld [smem:$0x3FAC]  }
0x29: {  	s4 =	sld [smem:$0x3FAE]  }
0x2a: {  	p0 =	seq.s32 s5, $0x0;
	s5 =	sld [smem:$0x3FAF]  }
0x2b: {  	s6 =	sld [smem:$0x3FB0]  }
0x2c: {  	s7 =	sld [smem:$0x3FB1]  }
0x2d: {  	s3 =	simm.s32 $0x108;
	s8 =	sld [smem:$0x3FB2]  }
0x2e: {  	s3 =	simm.s32 @!p0 $0x1082;
	s9 =	sld [smem:$0x3FB3]  }
0x2f: {  	lr =	sadd.s32 s0, s3;
	s0 =	sld [smem:$0x3FAA]  }
0x30: {  	s3 =	sld [smem:$0x3FAD]  }
0x31: {  	[smem:$0x3FB6] =	sst s10  }
0x32: {  	s10 =	sld [smem:$0x3FB4];
	_ =	sdelay $0x3  }
0x33: {  	p0 =	seq.s32 s10, $0x1;
	s10 =	sld [smem:$0x3FB6];
	_ =	sdelay $0x3  }
0x34: {  	[smem:$0x3FB6] =	sst s10  }
0x35: {  	s10 =	sld [smem:$0x3FB5];
	_ =	sdelay $0x3  }
0x36: {  	p1 =	seq.s32 s10, $0x1;
	s10 =	sld [smem:$0x3FB6];
	_ =	sdelay $0x3  }
0x37: {  	[smem:$0x3FB6] =	sst s10  }
0x38: {  	s10 =	sld [smem:$0x3FB7]  }
0x39: {  	_ = 	snop;
	(pc) =	sbr.ind lr, $3  }
0x3a: {  	_ = 	snop  }
0x3b: {  	_ = 	snop  }
0x3c: {  	p2 =	seq.s32 s10, $0x1;
	s10 =	sld [smem:$0x3FB6]  }
0x3d: {  	_ =	shalt  }
0x3e: {  	_ =	shalt  }
0x3f: {  	_ =	shalt  }
0x40: {  	_ =	shalt  }
0x41: {  	_ =	shalt  }
0x42: {  	_ =	shalt  }
0x43: {  	_ =	shalt  }
0x44: {  	_ =	shalt  }
0x45: {  	_ =	shalt  }
0x46: {  	_ =	shalt  }
0x47: {  	_ =	shalt  }
0x48: {  	_ =	shalt  }
0x49: {  	_ =	shalt  }
0x4a: {  	_ =	shalt  }
0x4b: {  	_ =	shalt  }
0x4c: {  	_ =	shalt  }
0x4d: {  	_ =	shalt  }
0x4e: {  	_ =	shalt  }
0x4f: {  	_ =	shalt  }
0x50: {  	_ =	shalt  }
0x51: {  	_ =	shalt  }
0x52: {  	_ =	shalt  }
0x53: {  	_ =	shalt  }
0x54: {  	_ =	shalt  }
0x55: {  	_ =	shalt  }
0x56: {  	_ =	shalt  }
0x57: {  	_ =	shalt  }
0x58: {  	_ =	shalt  }
0x59: {  	_ =	shalt  }
0x5a: {  	_ =	shalt  }
0x5b: {  	_ =	shalt  }
0x5c: {  	_ =	shalt  }
0x5d: {  	_ =	shalt  }
0x5e: {  	_ =	shalt  }
0x5f: {  	_ =	shalt  }
0x60: {  	_ =	shalt  }
0x61: {  	_ =	shalt  }
0x62: {  	_ =	shalt  }
0x63: {  	_ =	shalt  }
0x64: {  	_ =	shalt  }
0x65: {  	_ =	shalt  }
0x66: {  	_ =	shalt  }
0x67: {  	_ =	shalt  }
0x68: {  	_ =	shalt  }
0x69: {  	_ =	shalt  }
0x6a: {  	_ =	shalt  }
0x6b: {  	_ =	shalt  }
0x6c: {  	_ =	shalt  }
0x6d: {  	_ =	shalt  }
0x6e: {  	_ =	shalt  }
0x6f: {  	_ =	shalt  }
0x70: {  	_ =	shalt  }
0x71: {  	_ =	shalt  }
0x72: {  	_ =	shalt  }
0x73: {  	_ =	shalt  }
0x74: {  	_ =	shalt  }
0x75: {  	_ =	shalt  }
0x76: {  	_ =	shalt  }
0x77: {  	_ =	shalt  }
0x78: {  	_ =	shalt  }
0x79: {  	_ =	shalt  }
0x7a: {  	_ =	shalt  }
0x7b: {  	_ =	shalt  }
0x7c: {  	_ =	shalt  }
0x7d: {  	_ =	shalt  }
0x7e: {  	_ =	shalt  }
0x7f: {  	_ =	shalt  }
0x80: {  	_ =	shalt  }
0x81: {  	_ =	shalt  }
0x82: {  	_ =	shalt  }
0x83: {  	_ =	shalt  }
0x84: {  	_ =	shalt  }
0x85: {  	_ =	shalt  }
0x86: {  	_ =	shalt  }
0x87: {  	_ =	shalt  }
.Lfunc_end0:
.L_simem_size_0:
called_computation_lowered:
.L_overlay_start_0:
0x88: {  	s0 =	sld [smem:$0x3FD9]  }
0x89: {  	s1 =	sld [smem:$0x3FFE];
	_ =	sdelay $0x3  }
0x8a: {  	s0 =	sadd.s32 s1, s0  }
0x8b: {  	[smem:$0x3FC2] =	sst s0  }
0x8c: {  	_ = 	snop  }
0x8d: {  	(tm) =	ssettm $0x1  }
0x8e: {  	s14 =	sld [smem:$0x3FFB];
	_ =	sdelay $0x3  }
0x8f: {  	_ =	strace s14  }
0x90: {  	s0 =	sld [smem:$0x3FFC];
	_ =	sdelay $0x3  }
0x91: {  	_ =	strace s0  }
0x92: {  	s0 =	sld [smem:$0x3FFD];
	_ =	sdelay $0x3  }
0x93: {  	_ =	strace s0  }
0x94: {  	_ =	strace $0x8FFFFFFF  }
0x95: {  	s15 =	sld [smem:$0x3FDB];
	_ =	sdelay $0x1  }
0x96: {  	s16 =	simm.s32 $_scs_section_size  }
0x97: {  	s2 =	simm.s32 $_size__tile_overlayer_lowered;
	s3 =	simm.s32 $_tile_overlayer_lowered  }
0x98: {  	s4 =	simm.s32 $0x1BFF;
	s17 =	sshll.u32 s3, $0x1;
	s1 =	sadd.s32 s16, s15  }
0x99: {  	s18 =	simm.s32 $0x0;
	s2 =	sshll.u32 s2, $0x1;
	s3 =	sadd.s32 s17, s1  }
0x9a: {  	[timem:s18], [sflag:s4] =	dma.local [hbm:s3], s2  }
0x9b: {  	_ =	swait.ge [sflag:s4], s2  }
0x9c: {  	s2 =	ssub.s32 $0x0, s2;
	[sflag:s4] =	ssyncset.done $0x0  }
0x9d: {  	[sflag:s4] =	ssyncadd.s32 s2;
	_ =	sdelay $0x1  }
0x9e: {  	s19 =	simm.s32 $0x1B8B  }
0x9f: {  	_ =	swait.ge [sflag:s19], $0x1  }
0xa0: {  	[sflag:s19] =	ssyncset.done $0x0  }
0xa1: {  	s21 =	simm.s32 $0x1B8E;
	s20 =	sld [smem:$0x3FFE];
	[sflag:s19] =	ssyncadd.s32 $0xFFFFFFFF  }
0xa2: {  	s22 =	simm.s32 $execute0_lowered;
	[smem:$0x3FD2] =	sst s21  }
0xa3: {  	s3 =	sshll.u32 s22, $0x1;
	_ =	strace $0x8000004C;
	[dreg:$0x1] =	wrdreg $0xFFFFFFFF  }
0xa4: {  	s23 =	simm.s32 $_size_execute0_lowered;
	s3 =	sadd.s32 s1, s3;
	[dreg:$0x0] =	wrdreg $0x0  }
0xa5: {  	s4 =	sshll.u32 s23, $0x1;
	[dreg:$0x2] =	wrdreg s3  }
0xa6: {  	[dreg:$0x3] =	wrdreg s4  }
0xa7: {  	[dreg:$0x4] =	wrdreg $0xC0  }
0xa8: {  	s24 =	simm.s32 $execute1_lowered;
	_ =	task [dreg:s18], $0x5FFFF  }
0xa9: {  	s3 =	sshll.u32 s24, $0x1;
	[dreg:$0x1] =	wrdreg $0xFFFFFFFF  }
0xaa: {  	s1 =	sadd.s32 s1, s3;
	[dreg:$0x0] =	wrdreg $0x60  }
0xab: {  	[dreg:$0x2] =	wrdreg s1  }
0xac: {  	[dreg:$0x3] =	wrdreg s20  }
0xad: {  	[dreg:$0x4] =	wrdreg $0x9  }
0xae: {  	_ =	task.clear_ibuf [dreg:s18], $0x5FFFF;
	_ =	strace $0x9000004C  }
0xaf: {  	s25 =	simm.s32 $0x9;
	_ =	strace $0x8000004E  }
0xb0: {  	_ =	swait.ge [sflag:s25], $0x1  }
0xb1: {  	[sflag:s25] =	ssyncadd.s32 $0xFFFFFFFF  }
0xb2: {  	_ =	strace $0x9000004E  }
0xb3: {  	_ =	strace $0x8000004F;
	[dreg:$0x1] =	wrdreg $0xFFFFFFFF  }
0xb4: {  	[dreg:$0x0] =	wrdreg $0x2030  }
0xb5: {  	[dreg:$0x2] =	wrdreg s20  }
0xb6: {  	[dreg:$0x3] =	wrdreg $0xA  }
0xb7: {  	_ =	task.clear_ibuf [dreg:s18], $0x4FFFF;
	_ =	strace $0x9000004F  }
0xb8: {  	s26 =	simm.s32 $0xA;
	_ =	strace $0x80000051  }
0xb9: {  	_ =	swait.ge [sflag:s26], $0x1  }
0xba: {  	[sflag:s26] =	ssyncadd.s32 $0xFFFFFFFF  }
0xbb: {  	_ =	strace $0x90000051  }
0xbc: {  	_ =	sfence  }
0xbd: {  	s28 =	sld [smem:$0x0];
	_ =	sdelay $0x1  }
0xbe: {  	s29 =	srdreg.scid  }
0xbf: {  	s30 =	sshll.u32 s29, $0xD;
	s31 =	sshrl.u32 s29, $0x2  }
0xc0: {  	s2 =	sand.u32 $0x1, s29;
	s3 =	sand.u32 $0x4000, s30;
	s1 =	sadd.s32 s31, s28  }
0xc1: {  	s2 =	sor.u32 s3, s2;
	s1 =	sshll.u32 s1, $0x11  }
0xc2: {  	s1 =	sor.u32 s1, s2  }
0xc3: {  	s1 =	sadd.s32 $0x8F2B, s1  }
0xc4: {  	[sflag:s1] =	ssyncadd.remote.s32 $0x1  }
0xc5: {  	_ =	sfence.sel $0xFFFF  }
0xc6: {  	[dreg:$0x0] =	wrdreg $0xFFFFFFFF;
	(pc) =	sbr.abs _section_cstart, $3  }
0xc7: {  	[dreg:$0x1] =	wrdreg $0xFFFFFFFF  }
0xc8: {  	_ =	task.clear_ibuf [dreg:s18], $0x2FFFF;
	_ =	strace $0x9FFFFFFF  }
0xc9: {  	(tm) =	ssettm $0x7FFFFFFF  }
tec
execute0_lowered:
.L_overlay_start_1:
0x0: {  	(tag) =	ssettag $0x1  }
0x1: {  	s2 =	rddreg [dreg:$0x0]  }
0x2: {  	s4 =	rddreg [dreg:$0x1]  }
0x3: {  	s0 =	rddreg [dreg:$0x2];
	s3 =	stileid.u32  }
0x4: {  	[bflag:$0x3] =	sbarrier.arrive $0xFFFF;
	s1 =	simm.s32 $_size_execute1_lowered;
	p0 =	sne.s32 s3, $0x0  }
0x5: {  	s1 =	sshll.u32 s1, $0x1;
	s5 =	simm.s32 @!p0 $0x1C3F;
	s6 =	simm.s32 @!p0 $0x4060  }
0x6: {  	[timem:s6], [sflag:s5] =	dma.local @!p0 [hbm:s2], s1  }
0x7: {  	s2 =	smul.u32 $0x280, s3  }
.Ltmp0:
0x8: {  	s31 =	simm.s32 $0x2;
	s7 =	simm.s32 $0x280;
	(pc) =	sbr.rel .LBB2_1-.Ltmp0, $4  }
0x9: {  	s8 =	simm.s32 $0x780;
	s10 =	simm.s32 $0x0;
	s9 =	simm.s32 $0x0  }
0xa: {  	s3 =	simm.s32 $0x1;
	_ =	strace $0x8000004D;
	s30 =	sshrl.u32 s2, $0x3  }
0xb: {  	s6 =	simm.s32 $0x0;
	[sflag:s3] =	ssyncpa.u1 $0x0;
	s5 =	sadd.s32 s30, s4  }
0xc: {  	s4 =	sadd.s32 $0x56F400, s4;
	[sflag:s31] =	ssyncpa.u1 $0x0;
	s5 =	sadd.s32 $0x32C00, s5  }
.LBB2_8:
0xd: {  	p1 =	seq.s32 s9, $0x2  }
.Ltmp1:
0xe: {  	_ = 	snop;
	(pc) =	sbr.rel @p1 .LBB2_10-.Ltmp1, $1  }
0xf: {  	_ =	sdelay $0x3  }
.LBB2_9:
0x10: {  	s9 =	sadd.s32 $0x1, s9;
	s10 =	smov.u32 s2  }
.LBB2_1:
0x11: {  	p1 =	sne.s32 s9, $0x0  }
.Ltmp2:
0x12: {  	_ = 	snop;
	(pc) =	sbr.rel @!p1 .LBB2_2-.Ltmp2, $1  }
0x13: {  	_ =	sdelay $0x3  }
0x14: {  	s11 =	sand.u32 $0x1, s9  }
0x15: {  	p1 =	seq.s32 s11, $0x0  }
.Ltmp3:
0x16: {  	_ = 	snop;
	(pc) =	sbr.rel @p1 .LBB2_8-.Ltmp3, $1  }
0x17: {  	_ =	sdelay $0x3  }
0x18: {  	_ =	swait.ge [sflag:s3], $0x280  }
0x19: {  	[sflag:s3] =	ssyncset.done $0x0  }
0x1a: {  	s11 =	simm.s32 $0x0;
	p1 =	por $0x1, $0x1;
	[sflag:s3] =	ssyncadd.s32 $0xFFFFFD80  }
.LBB2_5:
0x1b: {  	v0 =	vld [tilespmem:s11+$0x280]  }
0x1c: {  	v1 =	vld [tilespmem:s11+$0x290]  }
0x1d: {  	v2 =	vld [tilespmem:s11+$0x2A0]  }
0x1e: {  	v3 =	vld [tilespmem:s11+$0x2B0]  }
0x1f: {  	v4 =	vld [tilespmem:s11+$0x2C0]  }
0x20: {  	v53 =	vld [tilespmem:s11+$0x2D0];
	[tilespmem:s11+$0x780] =	vst v0  }
0x21: {  	v54 =	vld [tilespmem:s11+$0x2E0];
	[tilespmem:s11+$0x790] =	vst v1  }
0x22: {  	v55 =	vld [tilespmem:s11+$0x2F0];
	[tilespmem:s11+$0x7A0] =	vst v2  }
0x23: {  	v56 =	vld [tilespmem:s11+$0x300];
	[tilespmem:s11+$0x7B0] =	vst v3  }
0x24: {  	v57 =	vld [tilespmem:s11+$0x310];
	[tilespmem:s11+$0x7C0] =	vst v4  }
0x25: {  	v58 =	vld [tilespmem:s11+$0x320];
	[tilespmem:s11+$0x7D0] =	vst v53  }
0x26: {  	v59 =	vld [tilespmem:s11+$0x330];
	[tilespmem:s11+$0x7E0] =	vst v54  }
0x27: {  	v60 =	vld [tilespmem:s11+$0x340];
	[tilespmem:s11+$0x7F0] =	vst v55  }
0x28: {  	v61 =	vld [tilespmem:s11+$0x350];
	[tilespmem:s11+$0x800] =	vst v56  }
0x29: {  	v62 =	vld [tilespmem:s11+$0x360];
	[tilespmem:s11+$0x810] =	vst v57  }
0x2a: {  	v63 =	vld [tilespmem:s11+$0x370];
	p2 =	por p1, p1;
	[tilespmem:s11+$0x820] =	vst v58  }
.Ltmp4:
0x2b: {  	[tilespmem:s11+$0x830] =	vst v59;
	(pc) =	sbr.rel @p2 .LBB2_5-.Ltmp4, $4  }
0x2c: {  	[tilespmem:s11+$0x840] =	vst v60  }
0x2d: {  	[tilespmem:s11+$0x850] =	vst v61  }
0x2e: {  	s12 =	simm.s32 $0x1F0;
	s13 =	simm.s32 $0x980;
	[tilespmem:s11+$0x860] =	vst v62  }
0x2f: {  	s14 =	simm.s32 $0x480;
	p1 =	por $0x0, $0x0;
	[tilespmem:s11+$0x870] =	vst v63;
	s11 =	simm.s32 $0x100  }
.LBB2_6:
0x30: {  	s12 =	sadd.s32 $0x10, s12  }
0x31: {  	v0 =	vld [tilespmem:s14+$0x0];
	p1 =	slt.u32 s12, $0x270  }
.Ltmp5:
0x32: {  	_ = 	snop;
	(pc) =	sbr.rel @p1 .LBB2_6-.Ltmp5, $2  }
0x33: {  	_ =	sdelay $0x2  }
0x34: {  	s14 =	sadd.s32 $0x10, s14;
	[tilespmem:s13+$0x0] =	vst v0;
	s13 =	sadd.s32 $0x10, s13  }
.Ltmp6:
0x35: {  	(pc) =	sbr.rel .LBB2_8-.Ltmp6, $4  }
0x36: {  	_ = 	snop  }
0x37: {  	s10 =	sshrl.u32 s10, $0x3  }
0x38: {  	s10 =	sadd.s32 s4, s10  }
0x39: {  	[hbm4b:s10+s6] =	stream.linear.scatter [tilespmem:s8], [sflag:$0x2], $0x280, $0x38;
	[tilespmem:$0xA00] =	vst v63  }
.LBB2_2:
.Ltmp7:
0x3a: {  	(pc) =	sbr.rel .LBB2_9-.Ltmp7, $2  }
0x3b: {  	_ =	sdelay $0x2  }
0x3c: {  	[tilespmem:s7], [sflag:$0x1] =	stream.linear.gather [hbm4b:s5+s6], $0x280, $0x38;
	[tilespmem:$0xA00] =	vst v63  }
.LBB2_10:
0x3d: {  	s2 =	simm.s32 $0x2  }
0x3e: {  	_ =	swait.ge [sflag:s2], $0x280  }
0x3f: {  	[sflag:s2] =	ssyncset.done $0x0  }
0x40: {  	[sflag:s2] =	ssyncadd.s32 $0xFFFFFD80  }
0x41: {  	_ =	sfence.sel $0x180000  }
0x42: {  	s3 =	simm.s32 $0x1;
	[bflag:$0x0] =	sbarrier.arrive $0xFFFF  }
0x43: {  	[sflag:s3] =	ssyncpa.u1 $0x1  }
0x44: {  	[sflag:s2] =	ssyncpa.u1 $0x1  }
0x45: {  	_ =	strace $0x9000004D  }
0x46: {  	s0 =	sadd.s32 @!p0 $0x100000, s0;
	[bflag:$0x2] =	sbarrier.arrive $0xFFFF  }
0x47: {  	[sflag:s0] =	ssyncadd.tile.s32 @!p0 $0x1;
	s0 =	simm.s32 @!p0 $0x3F  }
0x48: {  	_ =	swait.ge @!p0 [sflag:s0], s1  }
0x49: {  	s1 =	ssub.s32 @!p0 $0x0, s1;
	[sflag:s0] =	ssyncset.done @!p0 $0x0  }
0x4a: {  	[sflag:s0] =	ssyncadd.s32 @!p0 s1  }
0x4b: {  	[bflag:$0x3] =	sbarrier.arrive $0xFFFF  }
0x4c: {  	_ =	shalt  }
.Lfunc_end2:
execute1_lowered:
.L_overlay_start_2:
0x4d: {  	(tag) =	ssettag $0x2  }
0x4e: {  	s0 =	rddreg [dreg:$0x0]  }
0x4f: {  	s6 =	stileid.u32;
	_ =	strace $0x80000050;
	s2 =	simm.s32 $0x1  }
0x50: {  	v1 =	vimm.s32 $0xFFFFFFFF;
	s1 =	smul.u32 $0x3, s6;
	[sflag:s2] =	ssyncpa.u1 $0x0  }
0x51: {  	s3 =	smin.u32 s6, $0x7;
	[tilespmem:$0x10] =	vst v1  }
0x52: {  	v0 =	vimm.f32 $0.0e+00;
	[tilespmem:$0x20] =	vst v1;
	s1 =	sadd.s32 s3, s1  }
0x53: {  	p0 =	slt.u32 s6, $0x7;
	[tilespmem:$0x30] =	vst v0;
	s3 =	smul.u32 $0x1770, s1;
	s1 =	simm.s32 $0x5DC0  }
0x54: {  	[tilespmem:$0x40] =	vst v0;
	s1 =	simm.s32 @!p0 $0x4650  }
0x55: {  	[tilespmem:$0x50] =	vst v0;
	s1 =	sadd.s32 s1, s3  }
0x56: {  	[tilespmem:$0x60] =	vst v1;
	s4 =	smin.u32 s1, $0x50910  }
0x57: {  	s7 =	simm.s32 $0x2;
	[tilespmem:$0x70] =	vst v1;
	s9 =	ssub.s32 s4, s3  }
0x58: {  	s8 =	simm.s32 $0x8;
	s31 =	simm.s32 $0x9;
	[tilespmem:$0x80] =	vst v1;
	p0 =	sgt.s32 s9, $0x0  }
0x59: {  	s16 =	simm.s32 $0x0;
	s17 =	simm.s32 $0xF0;
	v1 =	vimm.s32 $0x0;
	[tilespmem:$0xB0] =	vst v0;
	s9 =	simm.s32 @!p0 $0x0  }
0x5a: {  	s18 =	simm.s32 $0xFFFFFFFF;
	s19 =	simm.s32 $0xFFFFD220;
	[tilespmem:$0x90] =	vst v1;
	s5 =	smulhi.u32 $0x57619F1, s9  }
0x5b: {  	s20 =	simm.s32 $0xFFFFFFFE;
	[tilespmem:$0xA0] =	vst v1;
	[sflag:s7] =	ssyncpa.u1 $0x0;
	s7 =	simm.s32 $0x7  }
0x5c: {  	s21 =	simm.s32 $0xF;
	[sflag:s7] =	ssyncpa.u1 $0x0;
	s10 =	sshrl.u32 s5, $0x7  }
0x5d: {  	s25 =	simm.s32 $0x0;
	[sflag:s8] =	ssyncpa.u1 $0x0;
	s11 =	smul.u32 $0x1770, s10  }
0x5e: {  	s24 =	simm.s32 $0x0;
	s14 =	sshllo.u32 s6, $0x1;
	[sflag:s31] =	ssyncpa.u1 $0x0  }
.Ltmp8:
0x5f: {  	s1 =	sadd.s32 $0x56F400, s0;
	p0 =	sne.s32 s9, s11;
	(pc) =	sbr.rel .LBB3_1-.Ltmp8, $4  }
0x60: {  	s5 =	sadd.s32 $0x3DA00, s0;
	s0 =	sadd.s32 $0x47C00, s0;
	s2 =	simm.s32 @!p0 $0x0  }
0x61: {  	s23 =	smov.u32 s3;
	[dreg:$0x2] =	wrdreg s0;
	s9 =	sadd.s32 s2, s10  }
0x62: {  	vm0 =	vmmov $0xffff;
	v2 =	vlaneseq.u32;
	p0 =	por $0x0, $0x0;
	s10 =	sshll.u32 s6, $0x1;
	s11 =	sadd.s32 $0x1, s9  }
0x63: {  	vm1 =	vmxor vm1, vm1;
	vm2 =	vmmov $0x1;
	vm3 =	vcmask $0x3F3C;
	s12 =	sadd.s32 $0x2, s9;
	s13 =	sor.u32 $0x81, s10;
	s15 =	sor.u32 $0x80, s10  }
.LBB3_9:
0x64: {  	p1 =	slt.u32 s24, $0x3  }
0x65: {  	s0 =	simm.s32 @!p1 $0x2  }
0x66: {  	_ =	swait.ge @!p1 [sflag:s0], $0x1770  }
0x67: {  	[sflag:s0] =	ssyncset.done @!p1 $0x0  }
0x68: {  	[sflag:s0] =	ssyncadd.s32 @!p1 $0xFFFFE890;
	s0 =	simm.s32 @!p1 $0x9  }
0x69: {  	_ =	swait.ge @!p1 [sflag:s0], $0x10  }
0x6a: {  	[sflag:s0] =	ssyncset.done @!p1 $0x0  }
0x6b: {  	[sflag:s0] =	ssyncadd.s32 @!p1 $0xFFFFFFF0;
	p1 =	sne.s32 s24, s12  }
.Ltmp9:
0x6c: {  	s2 =	sadd.s32 $0x1770, s23;
	(pc) =	sbr.rel @!p1 .LBB3_10-.Ltmp9, $4  }
0x6d: {  	s6 =	smov.u32 s3;
	s31 =	sadd.s32 $0x1, s24;
	s17 =	sadd.s32 $0x1770, s17  }
0x6e: {  	s18 =	sadd.s32 $0x1, s18;
	s25 =	smov.u32 s23;
	p2 =	slt.s32 s2, s4  }
0x6f: {  	p0 =	por !p0, !p0;
	s19 =	sadd.s32 $0x1770, s19;
	s6 =	smov.u32 @p2 s2  }
0x70: {  	s20 =	sadd.s32 $0x1, s20;
	s23 =	smov.u32 s6;
	s24 =	smov.u32 s31  }
.LBB3_1:
0x71: {  	p1 =	sge.u32 s24, s9  }
0x72: {  	s0 =	smulhi.u32 @!p1 $0xAAAAAAAB, s24;
	_ =	sdelay $0x1  }
0x73: {  	s0 =	sshrl.u32 @!p1 s0, $0x1  }
0x74: {  	s0 =	smul.u32 @!p1 $0x3, s0;
	_ =	sdelay $0x1  }
0x75: {  	s0 =	ssub.s32 @!p1 s24, s0  }
0x76: {  	s0 =	smul.u32 @!p1 $0x5DC0, s0;
	_ =	sdelay $0x1  }
0x77: {  	s2 =	sshrl.u32 @!p1 s23, $0x3;
	s0 =	sshrl.u32 @!p1 s0, $0x2  }
0x78: {  	s22 =	sand.u32 @!p1 $0x7, s23;
	s2 =	sadd.s32 @!p1 s5, s2;
	s0 =	sadd.s32 @!p1 $0x100, s0  }
0x79: {  	[tilespmem:s0], [sflag:$0x7] =	stream.linear.gather @!p1 [hbm4b:s2+s22], $0x1770, $0x38;
	[tilespmem:$0xD410] =	vst v63  }
0x7a: {  	s0 =	sadd.s32 $0xFFFFFFFF, s24  }
0x7b: {  	p1 =	sge.u32 s0, s9  }
.Ltmp10:
0x7c: {  	_ = 	snop;
	(pc) =	sbr.rel @p1 .LBB3_5-.Ltmp10, $1  }
0x7d: {  	_ =	sdelay $0x3  }
0x7e: {  	s2 =	smulhi.u32 $0xAAAAAAAB, s0;
	_ =	sdelay $0x1  }
0x7f: {  	s2 =	sshrl.u32 s2, $0x1  }
0x80: {  	s2 =	smul.u32 $0x3, s2;
	_ =	sdelay $0x1  }
0x81: {  	s2 =	ssub.s32 s0, s2  }
0x82: {  	s2 =	smul.u32 $0x5DC0, s2  }
0x83: {  	_ =	swait.ge [sflag:s7], $0x1770  }
0x84: {  	[sflag:s7] =	ssyncset.done $0x0;
	s2 =	sshrl.u32 s2, $0x2  }
0x85: {  	[sflag:s7] =	ssyncadd.s32 $0xFFFFE890;
	(ifvalue) =	ssetifvalue $0xFFFFFFFF;
	v3 =	vld.msk [tilespmem:s2+$0x100 ss:$0x1], $0xffff;
	_ =	sdelay $0x2  }
0x86: {  	s30 =	smulhi.u32 $0xAAAAAAAB, s18;
	p1 =	sne.s32 s24, $0x1  }
0x87: {  	v4 =	vimm.s32 @!p1 $0x0  }
0x88: {  	s2 =	sshrl.u32 s30, $0x1;
	v4 =	vperm.xlane @!p1 v3, v4  }
0x89: {  	s22 =	sshll.u32 s24, $0x4;
	s2 =	smul.u32 $0xFFFEE6C0, s2;
	vm4 =	vlt.u32 v3, $0x2800  }
0x8a: {  	s22 =	sand.u32 $0x10, s22;
	v3 =	vnsel vm4, $0xFFFFFFFE, v3;
	vm4 =	vlt.u32 @!p1 v4, $0x2800  }
0x8b: {  	s2 =	sshra.s32 s2, $0x2;
	[tilespmem:s22+$0x60] =	vst v3;
	v3 =	vnsel @!p1 vm4, $0xFFFFFFFE, v4  }
0x8c: {  	s28 =	sadd.s32 s2, s17;
	[tilespmem:$0x80] =	vst @!p1 v3  }
0x8d: {  	v3 =	vld.msk [tilespmem:s28+$0x0 ss:$0x1], $0xffff;
	_ =	sdelay $0x4  }
0x8e: {  	(xrf1) =	vunique.msk.u32 $0xffff, v3;
	_ =	sdelay $0xd  }
0x8f: {  	v4 =	vimm.s32 $0xFFFFFFFF;
	v5, _, _ =	vpop (xrf1)  }
0x90: {  	vm5 =	vne.s32 v3, v4;
	vm4 =	veq.s32 v5, v2  }
0x91: {  	vm6 =	vlt.u32 v3, $0x2800;
	vm4 =	vmand vm5, vm4  }
0x92: {  	vm4 =	vmand vm6, vm4  }
0x93: {  	v4 =	vnsel vm4, $0xFFFFFFFF, v3  }
0x94: {  	s31 =	sand.u32 $0x1, s0  }
0x95: {  	s0 =	simm.s32 $0x1770;
	p1 =	seq.s32 s31, $0x1  }
0x96: {  	s0 =	simm.s32 @!p1 $0x0  }
0x97: {  	s26 =	sadd.s32 $0x5EB0, s0;
	(ifvalue) =	ssetifvalue $0xFFFFFFFF  }
0x98: {  	v3 =	vperm.xlane v3, v1;
	[tilespmem:s26], [sflag:$0x8] =	stream.indirect_vreg.gather [hbm4b:s1+s16], $0x1, v4, vm0, $0x4038;
	v4 =	vnsel vm6, $0xFFFFFFFE, v4;
	[tilespmem:$0xD410] =	vst v63  }
0x99: {  	s2 =	simm.s32 $0x0;
	s22 =	sadd.s32 $0xFFFFFFF0, s28;
	[tilespmem:s28+$0x0] =	vst v4  }
.LBB3_3:
0x9a: {  	v4 =	vld.msk [tilespmem:s22+$0x0 ss:$0x1], $0xffff;
	s2 =	sadd.s32 $0x10, s2;
	v5 =	vmov v3;
	s28 =	smov.u32 s22  }
0x9b: {  	p1 =	slt.u32 s2, $0x1760;
	_ =	sdelay $0x4  }
0x9c: {  	v3 =	vperm.xlane v4, v1;
	(xrf1) =	vunique.msk.u32 $0xffff, v4;
	_ =	sdelay $0xd  }
0x9d: {  	v6, _, _ =	vpop (xrf1)  }
0x9e: {  	vm5 =	vne.s32 v4, v5;
	vm4 =	veq.s32 v6, v2  }
0x9f: {  	vm6 =	vlt.u32 v4, $0x2800;
	vm4 =	vmand vm5, vm4  }
0xa0: {  	vm4 =	vmand vm6, vm4  }
0xa1: {  	v4 =	vnsel vm4, $0xFFFFFFFF, v4  }
.Ltmp11:
0xa2: {  	v5 =	vnsel vm6, $0xFFFFFFFE, v4;
	(pc) =	sbr.rel @p1 .LBB3_3-.Ltmp11, $3  }
0xa3: {  	_ =	sdelay $0x1  }
0xa4: {  	s22 =	sadd.s32 $0xFFFFFFF0, s22;
	s26 =	sadd.s32 $0xFFFFFFF0, s26;
	(ifvalue) =	ssetifvalue $0xFFFFFFFF  }
0xa5: {  	[tilespmem:s26], [sflag:$0x8] =	stream.indirect_vreg.gather [hbm4b:s1+s16], $0x1, v4, vm0, $0x4038;
	[tilespmem:s28+$0x0] =	vst v5  }
0xa6: {  	s2 =	sshrl.u32 s25, $0x3;
	s6 =	rddreg [dreg:$0x2]  }
0xa7: {  	s0 =	sadd.s32 $0x7630, s0;
	s2 =	sadd.s32 s6, s2  }
0xa8: {  	[tilespmem:s0], [sflag:$0x8] =	stream.linear.gather [hbm:s2], $0x1770, $0x38;
	[tilespmem:$0xD410] =	vst v63  }
.LBB3_5:
0xa9: {  	p1 =	slt.u32 s24, $0x2  }
0xaa: {  	p2 =	sge.u32 @!p1 s24, s12  }
0xab: {  	p1 =	por p1, p2  }
.Ltmp12:
0xac: {  	_ = 	snop;
	(pc) =	sbr.rel @p1 .LBB3_9-.Ltmp12, $1  }
0xad: {  	_ =	sdelay $0x3  }
0xae: {  	s0 =	sadd.s32 $0xFFFFFFFE, s24  }
0xaf: {  	s2 =	smulhi.u32 $0xAAAAAAAB, s0;
	_ =	sdelay $0x1  }
0xb0: {  	s2 =	sshrl.u32 s2, $0x1  }
0xb1: {  	s2 =	smul.u32 $0x3, s2;
	_ =	sdelay $0x1  }
0xb2: {  	s0 =	ssub.s32 s0, s2  }
0xb3: {  	_ =	swait.ge [sflag:s8], $0x2EE0;
	s0 =	smul.u32 $0x1770, s0  }
0xb4: {  	p1 =	sne.s32 s24, s11;
	[sflag:s8] =	ssyncset.done $0x0  }
0xb5: {  	[sflag:s8] =	ssyncadd.s32 $0xFFFFD120;
	s2 =	sadd.s32 @!p1 $0x186F, s0  }
0xb6: {  	[spmem:s13] =	stream.linear.scatter @!p1 [tilespmem:s2], [sflag:$0x1], $0x1, $0x38;
	[tilespmem:$0xD410] =	vst v63  }
0xb7: {  	s2 =	simm.s32 @!p1 $0x1  }
0xb8: {  	_ =	swait.ge @!p1 [sflag:s2], $0x1  }
0xb9: {  	s22 =	sshll.u32 s24, $0x4;
	[sflag:s2] =	ssyncset.done @!p1 $0x0  }
0xba: {  	s25 =	sand.u32 $0x10, s22;
	[sflag:s2] =	ssyncadd.s32 @!p1 $0xFFFFFFFF  }
0xbb: {  	s2 =	sxor.u32 $0x10, s25;
	v4 =	vld [tilespmem:s25+$0x10]  }
0xbc: {  	v5 =	vld [tilespmem:s2+$0x60]  }
0xbd: {  	v3 =	vld [tilespmem:$0x80];
	_ =	sdelay $0x2  }
0xbe: {  	(v2sf) =	vpush v4, $0x0  }
0xbf: {  	(v2sf) =	vpush v5, $0x0  }
0xc0: {  	(v2sf) =	vpush v3, $0x0;
	_ =	sdelay $0xc  }
0xc1: {  	s6 =	spop (v2sf)  }
0xc2: {  	s28 =	spop (v2sf)  }
0xc3: {  	s26 =	spop (v2sf)  }
0xc4: {  	p2 =	seq.s32 s6, s28;
	p3 =	seq.s32 s26, s6  }
0xc5: {  	p3 =	por p2, p3  }
0xc6: {  	s6 =	sand.u32 $0x1, s24;
	v4 =	vpsel p3, $0xFFFFFFFF, v4  }
0xc7: {  	s28 =	smul.u32 $0x1770, s6;
	[tilespmem:s25+$0x10] =	vst.msk $0x1, v4  }
0xc8: {  	v4 =	vld [tilespmem:$0x30]  }
0xc9: {  	v5 =	vld [tilespmem:s28+$0x7630]  }
0xca: {  	v6 =	vld [tilespmem:s25+$0x40];
	_ =	sdelay $0x3  }
0xcb: {  	vm4 =	vmmov vm1;
	v5 =	vadd.f32 v5, v4  }
0xcc: {  	vm5 =	vmmov vm2;
	vm4 =	vmmov @p2 vm2;
	v4 =	vadd.f32 v6, v4  }
0xcd: {  	s22 =	sshll.u32 s6, $0x4;
	vm5 =	vmmov @p3 vm1;
	[tilespmem:s28+$0x7630] =	vst.msk vm4, v5  }
0xce: {  	[tilespmem:s22+$0xD3F0] =	vst.msk vm5, v4  }
0xcf: {  	v4 =	vld [tilespmem:s28+$0x5EB0];
	_ =	sdelay $0x3  }
0xd0: {  	v5 =	vimm.f32 $0.0e+00  }
0xd1: {  	v4 =	vshift.insert v4, v5, s21  }
0xd2: {  	s29 =	sor.u32 $0x40, s2  }
0xd3: {  	[tilespmem:s29+$0x0] =	vst.msk $0x1, v4  }
0xd4: {  	[tilespmem:s28+$0x5EBF] =	vst.msk $0x1, v5  }
0xd5: {  	v4 =	vld [tilespmem:s0+$0x1860];
	_ =	sdelay $0x1  }
0xd6: {  	s29 =	smulhi.u32 $0xAAAAAAAB, s20;
	s0 =	simm.s32 $0x1  }
0xd7: {  	s0 =	simm.s32 @!p0 $0x0  }
0xd8: {  	s29 =	sshrl.u32 s29, $0x1;
	s0 =	smul.u32 $0x5DC0, s0  }
0xd9: {  	s29 =	smul.u32 $0xFFFEE6C0, s29;
	v4 =	vshift.insert v4, v1, s21  }
0xda: {  	s0 =	sshrl.u32 s0, $0x2  }
0xdb: {  	s29 =	sshra.s32 s29, $0x2;
	s30 =	sadd.s32 $0x7630, s0;
	[tilespmem:s2+$0x10] =	vst.msk $0x1, v4  }
0xdc: {  	s6 =	sadd.s32 s29, s19;
	v6 =	vld [tilespmem:s30+$0x0]  }
0xdd: {  	v7 =	vld [tilespmem:s6+$0x0];
	_ =	sdelay $0x3  }
0xde: {  	v5 =	vadd.f32 v6, v5  }
0xdf: {  	vm4 =	vne.s32 v7, $0xFFFFFFFF  }
0xe0: {  	(xrf2) =	vadd.seg.scan.f32 vm4, v5;
	_ =	sdelay $0x3  }
0xe1: {  	s31 =	sadd.s32 $0x4750, s0;
	v5 =	vperm.xlane v4, v1  }
0xe2: {  	v6 =	vld [tilespmem:s31+$0x0]  }
0xe3: {  	vm5 =	veq.s32 v7, v3;
	vm6 =	veq.s32 v7, v5  }
0xe4: {  	vm7 =	vgt.u32 v7, $0xFFFFFFFD;
	vm6 =	vmor vm6, vm5  }
0xe5: {  	vm6 =	vmor vm6, vm7  }
0xe6: {  	v9 =	vld [tilespmem:$0xA0];
	v7 =	vsel vm6, $0xFFFFFFFF, v7  }
0xe7: {  	v10 =	vld [tilespmem:$0x90];
	v6 =	vsel vm5, $0x0, v6;
	v8, _, _ =	vpop (xrf2)  }
0xe8: {  	v6 =	vadd.f32 v8, v6  }
0xe9: {  	s0 =	sadd.s32 $0xA510, s0  }
0xea: {  	vm4 =	vmand vm4, vm3;
	[tilespmem:s0+$0x0] =	vst v6;
	(ifvalue) =	ssetifvalue $0xFFFFFFFF  }
0xeb: {  	vm6 =	veq.s32 v9, $0x1;
	[hbm4b:s1+s16] =	stream.indirect_vreg.scatter [tilespmem:s0], [sflag:$0x2], $0x1, v7, vm0, $0x4038;
	v7 =	vsel vm4, $0x0, v8;
	[tilespmem:$0xD410] =	vst v63  }
0xec: {  	s29 =	sadd.s32 $0xD3F0, s22;
	s22 =	sadd.s32 $0x10, s6;
	s2 =	simm.s32 $0x0;
	vm4 =	vmor vm6, vm5;
	v6 =	vsel vm5, v8, v10;
	v7 =	vshift.insert v7, v0, s21  }
.LBB3_7:
0xed: {  	v8 =	vld [tilespmem:s22+$0x0];
	s30 =	sadd.s32 $0x10, s30  }
0xee: {  	s31 =	sadd.s32 $0x10, s31;
	v9 =	vld [tilespmem:s30+$0x0]  }
0xef: {  	s2 =	sadd.s32 $0x10, s2;
	v10 =	vld [tilespmem:s31+$0x0]  }
0xf0: {  	p2 =	slt.u32 s2, $0x1760;
	_ =	sdelay $0x2  }
0xf1: {  	v7 =	vadd.f32 v9, v7  }
0xf2: {  	vm5 =	vne.s32 v8, $0xFFFFFFFF  }
0xf3: {  	vm6 =	vmand vm5, vm3;
	(xrf2) =	vadd.seg.scan.f32 vm5, v7;
	_ =	sdelay $0x5  }
0xf4: {  	vm7 =	veq.s32 v8, v5;
	vm5 =	veq.s32 v8, v3  }
0xf5: {  	vm8 =	vgt.u32 v8, $0xFFFFFFFD;
	vm4 =	vmor vm4, vm5;
	vm7 =	vmor vm7, vm5  }
0xf6: {  	vm7 =	vmor vm7, vm8  }
0xf7: {  	v8 =	vsel vm7, $0xFFFFFFFF, v8  }
.Ltmp13:
0xf8: {  	v7 =	vsel vm5, $0x0, v10;
	v9, _, _ =	vpop (xrf2);
	(pc) =	sbr.rel @p2 .LBB3_7-.Ltmp13, $4  }
0xf9: {  	v6 =	vsel vm5, v9, v6;
	v10 =	vadd.f32 v9, v7;
	v7 =	vsel vm6, $0x0, v9  }
0xfa: {  	s0 =	sadd.s32 $0x10, s0;
	v7 =	vshift.insert v7, v0, s21  }
0xfb: {  	s22 =	sadd.s32 $0x10, s22;
	[tilespmem:s0+$0x0] =	vst v10;
	(ifvalue) =	ssetifvalue $0xFFFFFFFF  }
0xfc: {  	[hbm4b:s1+s16] =	stream.indirect_vreg.scatter [tilespmem:s0], [sflag:$0x2], $0x1, v8, vm0, $0x4038;
	[tilespmem:$0xD410] =	vst v63  }
0xfd: {  	v3 =	vld [tilespmem:s28+$0xBC70];
	_ =	sdelay $0x4  }
0xfe: {  	v3 =	vshift.insert v3, v0, s21  }
0xff: {  	s0 =	simm.s32 $0x30  }
0x100: {  	[tilespmem:s0+$0x0] =	vst.msk $0x1, v3  }
0x101: {  	v3 =	vsel vm4, $0x1, v1;
	[tilespmem:$0x90] =	vst v6  }
0x102: {  	s0 =	sadd.s32 @!p1 $0xBC7F, s28;
	[tilespmem:$0xA0] =	vst v3  }
0x103: {  	[spmem:s14] =	stream.linear.scatter @!p1 [tilespmem:s0], [sflag:$0x1], $0x1, $0x38;
	[tilespmem:$0xD410] =	vst v63  }
0x104: {  	s0 =	simm.s32 @!p1 $0x1  }
0x105: {  	v3 =	vmctz.xlane @!p1 vm4;
	_ =	swait.ge @!p1 [sflag:s0], $0x1  }
0x106: {  	(v2sf) =	vpush @!p1 v4, $0x0  }
0x107: {  	(v2sf) =	vpush @!p1 v3, $0x0;
	_ =	sdelay $0xd  }
0x108: {  	s2 =	spop @!p1 (v2sf)  }
0x109: {  	s6 =	spop @!p1 (v2sf)  }
0x10a: {  	p2 =	sne.s32 @!p1 s26, s2;
	p3 =	slt.s32 @!p1 s6, $0xF  }
0x10b: {  	[sflag:s0] =	ssyncset.done @!p1 $0x0;
	p2 =	por p2, p1;
	p3 =	por !p3, p1  }
0x10c: {  	[sflag:s0] =	ssyncadd.s32 @!p1 $0xFFFFFFFF;
	v3 =	vimm.s32 @!p2 $0xFFFFFFFF;
	s6 =	simm.s32 @p3 $0xF  }
0x10d: {  	[tilespmem:$0x80] =	vst @!p2 v3;
	s2 =	sadd.s32 @!p1 $0x90, s6  }
0x10e: {  	[spmem:s10] =	stream.linear.scatter @!p1 [tilespmem:s2], [sflag:$0x1], $0x1, $0x38;
	[tilespmem:$0xD410] =	vst v63  }
0x10f: {  	_ =	swait.ge @!p1 [sflag:s0], $0x1  }
0x110: {  	[sflag:s0] =	ssyncset.done @!p1 $0x0  }
0x111: {  	s2 =	simm.s32 @!p1 $0x80;
	[sflag:s0] =	ssyncadd.s32 @!p1 $0xFFFFFFFF  }
0x112: {  	[spmem:s15] =	stream.linear.scatter @!p1 [tilespmem:s2], [sflag:$0x1], $0x1, $0x38;
	[tilespmem:$0xD410] =	vst v63  }
0x113: {  	_ =	swait.ge @!p1 [sflag:s0], $0x1  }
0x114: {  	[sflag:s0] =	ssyncset.done @!p1 $0x0  }
0x115: {  	[sflag:s0] =	ssyncadd.s32 @!p1 $0xFFFFFFFF;
	(ifvalue) =	ssetifvalue $0xFFFFFFFF;
	v3 =	vld [tilespmem:s25+$0x10];
	_ =	sdelay $0x3  }
.Ltmp14:
0x116: {  	_ = 	snop;
	(pc) =	sbr.rel .LBB3_9-.Ltmp14, $3  }
0x117: {  	_ =	sdelay $0x1  }
0x118: {  	(ifvalue) =	ssetifvalue $0xFFFFFFFF  }
0x119: {  	[hbm4b:s1+s16] =	stream.indirect_vreg.scatter [tilespmem:s29], [sflag:$0x9], $0x1, v3, vm0, $0x4038;
	[tilespmem:$0xD410] =	vst v63  }
.LBB3_10:
0x11a: {  	_ =	sfence.sel $0x180000  }
0x11b: {  	s0 =	simm.s32 $0x7;
	[bflag:$0x0] =	sbarrier.arrive $0xFFFF  }
0x11c: {  	s26 =	simm.s32 $0x8;
	[sflag:s0] =	ssyncpa.u1 $0x1  }
0x11d: {  	s28 =	simm.s32 $0x9;
	[sflag:s26] =	ssyncpa.u1 $0x1  }
0x11e: {  	[sflag:s28] =	ssyncpa.u1 $0x1  }
0x11f: {  	_ =	sfence.stream.spmem  }
0x120: {  	s29 =	simm.s32 $0x3;
	[bflag:$0x0] =	sbarrier.arrive $0xFFFF  }
0x121: {  	s30 =	simm.s32 $0x4;
	[sflag:s29] =	ssyncpa.u1 $0x1  }
0x122: {  	s31 =	simm.s32 $0x3C;
	s2 =	stileid.u32;
	[sflag:s30] =	ssyncpa.u1 $0x1  }
0x123: {  	p0 =	sne.s32 s2, $0x0;
	[sflag:s31] =	ssyncpa.u1 $0x1  }
0x124: {  	s0 =	simm.s32 @p0 $0x1;
	_ =	sfence @p0  }
0x125: {  	[sflag:s0] =	ssyncpa.u1 @p0 $0x1;
	s0 =	simm.s32 @p0 $0x2  }
0x126: {  	[sflag:s0] =	ssyncpa.u1 @p0 $0x1  }
0x127: {  	_ =	strace @p0 $0x90000050  }
0x128: {  	[bflag:$0x2] =	sbarrier.arrive @p0 $0xFFFF  }
0x129: {  	_ =	shalt @p0  }
.LBB3_11:
0x12a: {  	_ =	sfence.stream.spmem;
	s0 =	simm.s32 $0x5  }
0x12b: {  	s2 =	simm.s32 $0x80;
	s3 =	simm.s32 $0xC0;
	[sflag:s0] =	ssyncpa.u1 $0x0  }
0x12c: {  	[tilespmem:s3], [sflag:$0x5] =	stream.linear.gather [spmem:s2], $0x20, $0x38;
	[tilespmem:$0xD410] =	vst v63  }
0x12d: {  	s2 =	simm.s32 $0x0;
	s3 =	simm.s32 $0xE0  }
0x12e: {  	[tilespmem:s3], [sflag:$0x5] =	stream.linear.gather [spmem:s2], $0x20, $0x38;
	[tilespmem:$0xD410] =	vst v63  }
.Ltmp15:
0x12f: {  	_ = 	snop;
	(pc) =	sbr.rel .LBB3_12-.Ltmp15, $4  }
0x130: {  	_ =	swait.ge [sflag:s0], $0x40  }
0x131: {  	[sflag:s0] =	ssyncset.done $0x0  }
0x132: {  	s31 =	simm.s32 $0x6;
	[sflag:s0] =	ssyncadd.s32 $0xFFFFFFC0  }
0x133: {  	s4 =	simm.s32 $0x0;
	[sflag:s31] =	ssyncpa.u1 $0x0  }
.LBB3_17:
0x134: {  	p0 =	sgt.u32 s5, $0x27FF  }
0x135: {  	s0 =	sshrl.u32 @!p0 s5, $0x3  }
0x136: {  	s5 =	sand.u32 @!p0 $0x7, s5;
	s6 =	simm.s32 @!p0 $0xB0;
	s0 =	sadd.s32 @!p0 s1, s0  }
0x137: {  	[tilespmem:s6], [sflag:$0x6] =	stream.linear.gather @!p0 [hbm4b:s0+s5], $0x1, $0x38;
	[tilespmem:$0xD410] =	vst v63  }
0x138: {  	s0 =	simm.s32 @!p0 $0x6  }
0x139: {  	_ =	swait.ge @!p0 [sflag:s0], $0x1  }
0x13a: {  	[sflag:s0] =	ssyncset.done @!p0 $0x0  }
0x13b: {  	[sflag:s0] =	ssyncadd.s32 @!p0 $0xFFFFFFFF  }
0x13c: {  	v2 =	vmov @!p0 s4;
	v1 =	vld.msk @!p0 [tilespmem:$0xB0], $0x1;
	_ =	sdelay $0x3  }
0x13d: {  	s0 =	simm.s32 @!p0 $0xE0  }
0x13e: {  	[tilespmem:v2+s0+$0x0], v1 =	vst.idx.ret.add.f32.msk @!p0 $0x1, v1  }
0x13f: {  	[tilespmem:s2+$0xC0] =	vst.msk $0x1, v0  }
0x140: {  	v0 =	vld.msk [tilespmem:s4+$0xE0], $0x1;
	_ =	sdelay $0x4  }
0x141: {  	[tilespmem:s2+$0xE0] =	vst.msk $0x1, v0;
	s2 =	sadd.s32 $0x1, s2  }
.LBB3_19:
0x142: {  	s4 =	sadd.s32 $0x1, s4  }
0x143: {  	p0 =	sne.s32 s4, $0x20  }
.Ltmp16:
0x144: {  	_ = 	snop;
	(pc) =	sbr.rel @!p0 .LBB3_20-.Ltmp16, $1  }
0x145: {  	_ =	sdelay $0x3  }
.LBB3_12:
0x146: {  	v0 =	vld.msk [tilespmem:s4+$0xC0], $0x1;
	_ =	sdelay $0x4  }
0x147: {  	(v2sf) =	vpush v0, $0x0;
	_ =	sdelay $0xe  }
0x148: {  	s5 =	spop (v2sf)  }
0x149: {  	p0 =	seq.s32 s5, $0xFFFFFFFF  }
.Ltmp17:
0x14a: {  	_ = 	snop;
	(pc) =	sbr.rel @p0 .LBB3_19-.Ltmp17, $1  }
0x14b: {  	_ =	sdelay $0x3  }
0x14c: {  	p0 =	slt.s32 s2, $0x1  }
.Ltmp18:
0x14d: {  	_ = 	snop;
	(pc) =	sbr.rel @p0 .LBB3_17-.Ltmp18, $1  }
0x14e: {  	_ =	sdelay $0x3  }
0x14f: {  	s0 =	simm.s32 $0xC0;
	p0 =	por $0x0, $0x0  }
0x150: {  	v1 =	vld.msk @!p0 [tilespmem:s0+$0x0], $0x1;
	_ =	sdelay $0x4  }
0x151: {  	(v2sf) =	vpush @!p0 v1, $0x0;
	_ =	sdelay $0xd  }
0x152: {  	p2 =	sne.s32 s2, $0x1  }
.Ltmp19:
0x153: {  	s6 =	spop @!p0 (v2sf);
	(pc) =	sbr.rel @!p2 .LBB3_16-.Ltmp19, $4  }
0x154: {  	p1 =	seq.s32 @!p0 s5, s6  }
0x155: {  	s6 =	simm.s32 $0x0;
	p1 =	por !p1, p0  }
0x156: {  	s8 =	simm.s32 $0xFFFFFFFF;
	s6 =	simm.s32 @p1 $0xFFFFFFFF  }
0x157: {  	s7 =	simm.s32 $0x1;
	s6 =	smov.u32 @p0 s8  }
.LBB3_15:
0x158: {  	s8 =	smov.u32 s6;
	p0 =	sne.s32 s6, $0xFFFFFFFF  }
0x159: {  	s0 =	sadd.s32 $0x1, s0;
	s6 =	smov.u32 s7;
	s7 =	sadd.s32 $0x1, s7  }
0x15a: {  	p1 =	sne.s32 s2, s7;
	v1 =	vld.msk @!p0 [tilespmem:s0+$0x0], $0x1;
	_ =	sdelay $0x4  }
0x15b: {  	(v2sf) =	vpush @!p0 v1, $0x0;
	_ =	sdelay $0xe  }
.Ltmp20:
0x15c: {  	s9 =	spop @!p0 (v2sf);
	(pc) =	sbr.rel @p1 .LBB3_15-.Ltmp20, $4  }
0x15d: {  	p2 =	seq.s32 @!p0 s5, s9  }
0x15e: {  	p2 =	por !p2, p0  }
0x15f: {  	s6 =	simm.s32 @p2 $0xFFFFFFFF  }
0x160: {  	s6 =	smov.u32 @p0 s8  }
.LBB3_16:
0x161: {  	p0 =	sne.s32 s6, $0xFFFFFFFF  }
.Ltmp21:
0x162: {  	_ = 	snop;
	(pc) =	sbr.rel @!p0 .LBB3_17-.Ltmp21, $1  }
0x163: {  	_ =	sdelay $0x3  }
0x164: {  	v0 =	vld.msk [tilespmem:s4+$0xE0], $0x1;
	v1 =	vmov s6  }
.Ltmp22:
0x165: {  	_ = 	snop;
	(pc) =	sbr.rel .LBB3_19-.Ltmp22, $2  }
0x166: {  	_ =	sdelay $0x2  }
0x167: {  	[tilespmem:v1+s3+$0x0], v0 =	vst.idx.ret.add.f32.msk $0x1, v0  }
.LBB3_20:
0x168: {  	p0 =	slt.s32 s2, $0x1  }
.Ltmp23:
0x169: {  	_ = 	snop;
	(pc) =	sbr.rel @p0 .LBB3_24-.Ltmp23, $3  }
0x16a: {  	_ =	sdelay $0x1  }
0x16b: {  	s0 =	simm.s32 $0x6  }
0x16c: {  	s3 =	simm.s32 $0x0;
	[sflag:s0] =	ssyncpa.u1 $0x1  }
0x16d: {  	s0 =	simm.s32 $0xC0  }
0x16e: {  	v0 =	vld.msk [tilespmem:s0+$0x0], $0x1;
	_ =	sdelay $0x4  }
0x16f: {  	(v2sf) =	vpush v0, $0x0;
	_ =	sdelay $0xe  }
0x170: {  	s2 =	sadd.s32 $0xFFFFFFFF, s2;
	s4 =	spop (v2sf)  }
0x171: {  	p1 =	sne.s32 s2, $0x0;
	p0 =	sgt.u32 s4, $0x27FF  }
.Ltmp24:
0x172: {  	s5 =	sshrl.u32 @!p0 s4, $0x3;
	(pc) =	sbr.rel @!p1 .LBB3_23-.Ltmp24, $4  }
0x173: {  	s0 =	simm.s32 $0xE0;
	s4 =	sand.u32 @!p0 $0x7, s4;
	s5 =	sadd.s32 @!p0 s1, s5  }
0x174: {  	[hbm4b:s5+s4] =	stream.linear.scatter @!p0 [tilespmem:s0], [sflag:$0x5], $0x1, $0x38;
	[tilespmem:$0xD410] =	vst v63  }
0x175: {  	s5 =	simm.s32 $0x0  }
0x176: {  	s4 =	simm.s32 $0xC1;
	s5 =	simm.s32 @!p0 $0x4  }
.LBB3_22:
0x177: {  	v0 =	vld.msk [tilespmem:s4+$0x0], $0x1;
	s2 =	sadd.s32 $0xFFFFFFFF, s2;
	s3 =	sadd.s32 s3, s5  }
0x178: {  	p0 =	sne.s32 s2, $0x0;
	_ =	sdelay $0x3  }
0x179: {  	(v2sf) =	vpush v0, $0x0;
	_ =	sdelay $0xe  }
.Ltmp25:
0x17a: {  	s6 =	spop (v2sf);
	(pc) =	sbr.rel @p0 .LBB3_22-.Ltmp25, $4  }
0x17b: {  	s5 =	simm.s32 $0x0;
	p1 =	sgt.u32 s6, $0x27FF  }
0x17c: {  	s0 =	sadd.s32 $0x1, s0;
	s5 =	simm.s32 @!p1 $0x4;
	s7 =	sshrl.u32 @!p1 s6, $0x3  }
0x17d: {  	s4 =	sadd.s32 $0x1, s4;
	s6 =	sand.u32 @!p1 $0x7, s6;
	s7 =	sadd.s32 @!p1 s1, s7  }
0x17e: {  	[hbm4b:s7+s6] =	stream.linear.scatter @!p1 [tilespmem:s0], [sflag:$0x5], $0x1, $0x38;
	[tilespmem:$0xD410] =	vst v63  }
.LBB3_23:
0x17f: {  	s0 =	sadd.s32 s3, s5  }
0x180: {  	s3 =	sshrl.u32 s0, $0x2  }
.LBB3_24:
0x181: {  	s0 =	simm.s32 $0x5  }
0x182: {  	_ =	swait.ge [sflag:s0], s3  }
0x183: {  	s1 =	ssub.s32 $0x0, s3;
	[sflag:s0] =	ssyncset.done $0x0  }
0x184: {  	[sflag:s0] =	ssyncadd.s32 s1  }
0x185: {  	[sflag:s0] =	ssyncpa.u1 $0x1  }
0x186: {  	s29 =	simm.s32 $0x1;
	_ =	sfence  }
0x187: {  	s30 =	simm.s32 $0x2;
	[sflag:s29] =	ssyncpa.u1 $0x1  }
0x188: {  	[sflag:s30] =	ssyncpa.u1 $0x1  }
0x189: {  	_ =	strace $0x90000050  }
0x18a: {  	[bflag:$0x2] =	sbarrier.arrive $0xFFFF  }
0x18b: {  	s31 =	rddreg [dreg:$0x1]  }
0x18c: {  	s0 =	sadd.s32 $0x100000, s31  }
0x18d: {  	[sflag:s0] =	ssyncadd.tile.s32 $0x1;
	_ =	shalt  }
.Lfunc_end3:
_tile_overlayer_lowered:
.L_overlay_start_3:
0x18e: {  	(tag) =	ssettag $0x3  }
0x18f: {  	s0 =	rddreg [dreg:$0x0];
	s2 =	stileid.u32  }
0x190: {  	s1 =	rddreg [dreg:$0x1];
	p0 =	sne.s32 s2, $0x0  }
0x191: {  	s3 =	rddreg [dreg:$0x2];
	[bflag:$0x3] =	sbarrier.arrive $0xFFFF;
	s2 =	simm.s32 @!p0 $0x1C01  }
0x192: {  	[timem:s3], [sflag:s2] =	dma.local @!p0 [hbm:s0], s1  }
0x193: {  	s0 =	simm.s32 @!p0 $0x1  }
0x194: {  	_ =	swait.ge @!p0 [sflag:s0], s1  }
0x195: {  	s1 =	ssub.s32 @!p0 $0x0, s1;
	[sflag:s0] =	ssyncset.done @!p0 $0x0  }
0x196: {  	[sflag:s0] =	ssyncadd.s32 @!p0 s1  }
0x197: {  	[bflag:$0x3] =	sbarrier.arrive $0xFFFF  }
0x198: {  	_ =	shalt  }

</sc_bundles>
